<compile_context>
chip_gen: v7x
topology: tpu7x:2x2x1
jax: 0.10.2.dev20260603
libtpu: 0.0.44.dev20260713+nightly
codegen_flags: <defaults>
</compile_context>

<pallas_src>
import functools

import jax
import jax.numpy as jnp
from jax import lax
from jax.experimental import pallas as pl
from jax.experimental.pallas import tpu as pltpu
from jax.experimental.pallas import tpu_sc as plsc

F32 = jnp.float32
D = 64
EP = 819200
NACC = 50016
_NC, _NS = 2, 16



def _acc_stats(st_ref, z, valid):
    ncol = z.shape[1]

    @pl.when(pl.program_id(0) == 0)
    def _():
        k0 = jnp.sum(z, axis=0) / z.shape[0]
        st_ref[...] = jnp.concatenate(
            [jnp.zeros((2, ncol), F32), k0[None, :],
             jnp.zeros((5, ncol), F32)], axis=0)

    k = st_ref[...][2][None, :]
    zc = z - k
    if valid is not None:
        bm = z.shape[0]
        row = (pl.program_id(0) * bm
               + lax.broadcasted_iota(jnp.int32, (bm, 1), 0))
        zc = jnp.where(row < valid, zc, 0.0)
    upd = jnp.concatenate(
        [jnp.sum(zc, axis=0)[None, :], jnp.sum(zc * zc, axis=0)[None, :],
         jnp.zeros((6, ncol), F32)], axis=0)
    st_ref[...] += upd


def _proj3_body(x_ref, w_ref, b_ref, wi_ref, wj_ref, h_ref, ha_ref, hb_ref):
    h = jnp.dot(x_ref[...], w_ref[...],
                preferred_element_type=F32) + b_ref[...][0][None, :]
    h_ref[...] = h
    ha_ref[...] = jnp.dot(h, wi_ref[...], preferred_element_type=F32)
    hb_ref[...] = jnp.dot(h, wj_ref[...], preferred_element_type=F32)


def _passA_body(valid, ga_ref, gb_ref, e_ref, w_ref, z_ref, st_ref):
    z = ga_ref[...] + gb_ref[...] + jnp.dot(e_ref[...], w_ref[...],
                                            preferred_element_type=F32)
    z_ref[...] = z
    _acc_stats(st_ref, z, valid)


def _passA0_body(valid, ga_ref, gb_ref, ea_ref, v_ref, z_ref, st_ref):
    z = ga_ref[...] + gb_ref[...] + ea_ref[...] * v_ref[...]
    z_ref[...] = z
    _acc_stats(st_ref, z, valid)


def _armm_body(valid, z_ref, a_ref, c_ref, w_ref, o_ref, st_ref):
    m = jnp.maximum(z_ref[...] * a_ref[...][0][None, :] + c_ref[...][0][None, :], 0.0)
    z2 = jnp.dot(m, w_ref[...], preferred_element_type=F32)
    o_ref[...] = z2
    _acc_stats(st_ref, z2, valid)


def _armm_split_body(valid, z_ref, a_ref, c_ref, w_ref, oh_ref, st_ref):
    m = jnp.maximum(z_ref[...] * a_ref[...][0][None, :] + c_ref[...][0][None, :], 0.0)
    z2 = jnp.dot(m, w_ref[...], preferred_element_type=F32)
    oh_ref[0, :, :] = z2[:, :32]
    oh_ref[1, :, :] = z2[:, 32:]
    _acc_stats(st_ref, z2, valid)


def _passCh_body(zh_ref, a_ref, c_ref, p_ref, enew_ref):
    z = jnp.concatenate([zh_ref[0], zh_ref[1]], axis=1)
    m2 = jnp.maximum(z * a_ref[...][0][None, :] + c_ref[...][0][None, :], 0.0)
    enew_ref[...] = p_ref[...] + m2


def _passCh0_body(zh_ref, a_ref, c_ref, ea_ref, wv_ref, bv_ref, enew_ref):
    z = jnp.concatenate([zh_ref[0], zh_ref[1]], axis=1)
    m2 = jnp.maximum(z * a_ref[...][0][None, :] + c_ref[...][0][None, :], 0.0)
    enew_ref[...] = ea_ref[...] * wv_ref[...] + bv_ref[...] + m2


def _passCP_body(z_ref, a_ref, c_ref, p_ref, w_ref, b_ref, o_ref):
    m2 = jnp.maximum(z_ref[...] * a_ref[...][0][None, :] + c_ref[...][0][None, :], 0.0)
    s = jnp.sum((p_ref[...] + m2) * w_ref[...][0][None, :], axis=1) + b_ref[...][0, 0]
    o_ref[...] = s.reshape(o_ref.shape)


def _nodeP1_body(h_ref, agg_ref, uh_ref, ua0_ref, ua1_ref, z_ref, st_ref):
    z = (jnp.dot(h_ref[...], uh_ref[...], preferred_element_type=F32)
         + jnp.dot(agg_ref[0], ua0_ref[...], preferred_element_type=F32)
         + jnp.dot(agg_ref[1], ua1_ref[...], preferred_element_type=F32))
    z_ref[...] = z
    _acc_stats(st_ref, z, None)


def _resid3_body(z_ref, a_ref, c_ref, h_ref, wi_ref, wj_ref,
                 o_ref, ha_ref, hb_ref):
    hn = h_ref[...] + jnp.maximum(
        z_ref[...] * a_ref[...][0][None, :] + c_ref[...][0][None, :], 0.0)
    o_ref[...] = hn
    ha_ref[...] = jnp.dot(hn, wi_ref[...], preferred_element_type=F32)
    hb_ref[...] = jnp.dot(hn, wj_ref[...], preferred_element_type=F32)



def _rows_block(rows):
    for bm in (4096, 5000):
        if rows % bm == 0:
            return bm
    return rows


def _mat_spec(bm, ncols):
    return pl.BlockSpec((bm, ncols), lambda i: (i, 0))


def _fix_spec(shape):
    nd = len(shape)
    return pl.BlockSpec(shape, lambda i: (0,) * nd)


def _half_spec(bm):
    return pl.BlockSpec((2, bm, 32), lambda i: (0, i, 0))


_ST_SPEC = pl.BlockSpec((8, D), lambda i: (0, 0))
_ST_SHAPE = jax.ShapeDtypeStruct((8, D), F32)


def _proj3(x, w, b, wi, wj):
    rows, k = x.shape
    bm = _rows_block(rows)
    return pl.pallas_call(
        _proj3_body,
        grid=(rows // bm,),
        in_specs=[_mat_spec(bm, k), _fix_spec((k, D)), _fix_spec((1, D)),
                  _fix_spec((D, D)), _fix_spec((D, D))],
        out_specs=[_mat_spec(bm, D)] * 3,
        out_shape=[jax.ShapeDtypeStruct((rows, D), F32)] * 3,
    )(x, w, b.reshape(1, D), wi, wj)


def _passA(ga, gb, e, w, rows, valid):
    bm = _rows_block(rows)
    return pl.pallas_call(
        functools.partial(_passA_body, valid),
        grid=(rows // bm,),
        in_specs=[_mat_spec(bm, D)] * 3 + [_fix_spec((D, D))],
        out_specs=[_mat_spec(bm, D), _ST_SPEC],
        out_shape=[jax.ShapeDtypeStruct((rows, D), F32), _ST_SHAPE],
    )(ga, gb, e, w)


def _passA0(ga, gb, ea2d, v, rows, valid):
    bm = _rows_block(rows)
    return pl.pallas_call(
        functools.partial(_passA0_body, valid),
        grid=(rows // bm,),
        in_specs=[_mat_spec(bm, D), _mat_spec(bm, D),
                  _mat_spec(bm, 1), _fix_spec((1, D))],
        out_specs=[_mat_spec(bm, D), _ST_SPEC],
        out_shape=[jax.ShapeDtypeStruct((rows, D), F32), _ST_SHAPE],
    )(ga, gb, ea2d, v)


def _armm(z, a, c, w, valid=None):
    rows = z.shape[0]
    bm = _rows_block(rows)
    return pl.pallas_call(
        functools.partial(_armm_body, valid),
        grid=(rows // bm,),
        in_specs=[_mat_spec(bm, D), _fix_spec((1, D)), _fix_spec((1, D)),
                  _fix_spec((D, D))],
        out_specs=[_mat_spec(bm, D), _ST_SPEC],
        out_shape=[jax.ShapeDtypeStruct((rows, D), F32), _ST_SHAPE],
    )(z, a, c, w)


def _armm_split(z, a, c, w, valid):
    rows = z.shape[0]
    bm = _rows_block(rows)
    return pl.pallas_call(
        functools.partial(_armm_split_body, valid),
        grid=(rows // bm,),
        in_specs=[_mat_spec(bm, D), _fix_spec((1, D)), _fix_spec((1, D)),
                  _fix_spec((D, D))],
        out_specs=[_half_spec(bm), _ST_SPEC],
        out_shape=[jax.ShapeDtypeStruct((2, rows, 32), F32), _ST_SHAPE],
    )(z, a, c, w)


def _passCh(zh, a, c, prev):
    rows = prev.shape[0]
    bm = _rows_block(rows)
    return pl.pallas_call(
        _passCh_body,
        grid=(rows // bm,),
        in_specs=[_half_spec(bm), _fix_spec((1, D)), _fix_spec((1, D)),
                  _mat_spec(bm, D)],
        out_specs=_mat_spec(bm, D),
        out_shape=jax.ShapeDtypeStruct((rows, D), F32),
    )(zh, a, c, prev)


def _passCh0(zh, a, c, ea2d, wv, bv):
    rows = zh.shape[1]
    bm = _rows_block(rows)
    return pl.pallas_call(
        _passCh0_body,
        grid=(rows // bm,),
        in_specs=[_half_spec(bm), _fix_spec((1, D)), _fix_spec((1, D)),
                  _mat_spec(bm, 1), _fix_spec((1, D)), _fix_spec((1, D))],
        out_specs=_mat_spec(bm, D),
        out_shape=jax.ShapeDtypeStruct((rows, D), F32),
    )(zh, a, c, ea2d, wv, bv)


def _passCP(z, a, c, prev, wt, b):
    rows = z.shape[0]
    bm = _rows_block(rows)
    return pl.pallas_call(
        _passCP_body,
        grid=(rows // bm,),
        in_specs=[_mat_spec(bm, D), _fix_spec((1, D)), _fix_spec((1, D)),
                  _mat_spec(bm, D), _fix_spec((1, D)), _fix_spec((1, 1))],
        out_specs=_mat_spec(bm // 128, 128),
        out_shape=jax.ShapeDtypeStruct((rows // 128, 128), F32),
    )(z, a, c, prev, wt, b.reshape(1, 1))


def _nodeP1(h, aggh, uh, ua0, ua1):
    rows = h.shape[0]
    bm = _rows_block(rows)
    return pl.pallas_call(
        _nodeP1_body,
        grid=(rows // bm,),
        in_specs=[_mat_spec(bm, D), _half_spec(bm),
                  _fix_spec((D, D)), _fix_spec((32, D)), _fix_spec((32, D))],
        out_specs=[_mat_spec(bm, D), _ST_SPEC],
        out_shape=[jax.ShapeDtypeStruct((rows, D), F32), _ST_SHAPE],
    )(h, aggh, uh, ua0, ua1)


def _resid3(z, a, c, h, wi, wj):
    rows = h.shape[0]
    bm = _rows_block(rows)
    return pl.pallas_call(
        _resid3_body,
        grid=(rows // bm,),
        in_specs=[_mat_spec(bm, D), _fix_spec((1, D)), _fix_spec((1, D)),
                  _mat_spec(bm, D), _fix_spec((D, D)), _fix_spec((D, D))],
        out_specs=[_mat_spec(bm, D)] * 3,
        out_shape=[jax.ShapeDtypeStruct((rows, D), F32)] * 3,
    )(z, a, c, h, wi, wj)


def _affine(st, count, g, bb):
    d1 = st[0] / count
    mu = d1 + st[2]
    var = st[1] / count - d1 * d1
    a = g * lax.rsqrt(var + 1e-5)
    c = bb - mu * a
    return a.reshape(1, D), c.reshape(1, D)



def _sc_gather2_body(nchunks, taba_hbm, tabb_hbm, idxa_hbm, idxb_hbm,
                     outa_hbm, outb_hbm, idxa_v, idxb_v, bufa, bufb, gsa, gsb):
    wid = lax.axis_index("s") * _NC + lax.axis_index("c")
    nrows = 8 * nchunks
    row0 = wid * nrows
    pltpu.sync_copy(idxa_hbm.at[pl.ds(row0, nrows)], idxa_v)
    pltpu.sync_copy(idxb_hbm.at[pl.ds(row0, nrows)], idxb_v)

    def body(g, carry):
        ra = g * 4
        cpa = [pltpu.async_copy(taba_hbm.at[idxa_v.at[ra + j]],
                                bufa.at[pl.ds(j * 128, 128)], gsa)
               for j in range(4)]
        cpb = [pltpu.async_copy(tabb_hbm.at[idxb_v.at[ra + j]],
                                bufb.at[pl.ds(j * 128, 128)], gsb)
               for j in range(4)]
        for cp in cpa:
            cp.wait()
        pltpu.sync_copy(bufa, outa_hbm.at[pl.ds((row0 + ra) * 128, 512)])
        for cp in cpb:
            cp.wait()
        pltpu.sync_copy(bufb, outb_hbm.at[pl.ds((row0 + ra) * 128, 512)])
        return carry

    lax.fori_loop(0, 2 * nchunks, body, 0)


def _sc_gather2(taba, tabb, idxa2d, idxb2d, ep):
    nchunks = ep // (1024 * _NC * _NS)
    mesh = plsc.VectorSubcoreMesh(core_axis_name="c", subcore_axis_name="s")
    return pl.kernel(
        functools.partial(_sc_gather2_body, nchunks),
        mesh=mesh,
        out_type=[jax.ShapeDtypeStruct((ep, D), F32)] * 2,
        scratch_types=[pltpu.VMEM((8 * nchunks, 128), jnp.int32),
                       pltpu.VMEM((8 * nchunks, 128), jnp.int32),
                       pltpu.VMEM((512, D), F32),
                       pltpu.VMEM((512, D), F32),
                       pltpu.SemaphoreType.DMA,
                       pltpu.SemaphoreType.DMA],
        compiler_params=pltpu.CompilerParams(use_tc_tiling_on_sc=False),
    )(taba, tabb, idxa2d, idxb2d)


def _sc_scatter_body(nchunks, n_out, zh_hbm, idxs_hbm, zeros_hbm, ac_hbm,
                     out_hbm, idx_v, vals_v, ac_v, acc_sh, asem):
    c = lax.axis_index("c")
    t = lax.axis_index("s")
    zrows = NACC // _NS
    pltpu.sync_copy(zeros_hbm.at[pl.ds(t * zrows, zrows)],
                    acc_sh.at[pl.ds(t * zrows, zrows)])
    pltpu.sync_copy(ac_hbm.at[0, c], ac_v.at[0])
    pltpu.sync_copy(ac_hbm.at[1, c], ac_v.at[1])
    a0 = ac_v[0, pl.ds(0, 16)]
    a1 = ac_v[0, pl.ds(16, 16)]
    c0 = ac_v[1, pl.ds(0, 16)]
    c1 = ac_v[1, pl.ds(16, 16)]
    plsc.subcore_barrier()
    row0 = t * (4 * nchunks)

    def body(s, carry):
        r0 = row0 + s * 4
        pltpu.sync_copy(idxs_hbm.at[pl.ds(r0, 4)], idx_v)
        pltpu.sync_copy(zh_hbm.at[c, pl.ds(r0 * 128, 512)], vals_v)

        def inner(r, cy):
            vals_v[r, pl.ds(0, 16)] = jnp.maximum(
                vals_v[r, pl.ds(0, 16)] * a0 + c0, 0.0)
            vals_v[r, pl.ds(16, 16)] = jnp.maximum(
                vals_v[r, pl.ds(16, 16)] * a1 + c1, 0.0)
            return cy

        lax.fori_loop(0, 512, inner, 0)
        cps = [pltpu.async_copy(vals_v.at[pl.ds(j * 128, 128)],
                                acc_sh.at[idx_v.at[j]], asem, add=True)
               for j in range(4)]
        for cp in cps:
            cp.wait()
        return carry

    lax.fori_loop(0, nchunks, body, 0)
    plsc.subcore_barrier()
    orow = n_out // _NS
    pltpu.sync_copy(acc_sh.at[pl.ds(t * orow, orow)],
                    out_hbm.at[c, pl.ds(t * orow, orow)])


def _sc_scatter(zh, idxs2d, zeros_acc, ac, n_out):
    ep = zh.shape[1]
    nchunks = ep // (512 * _NS)
    mesh = plsc.VectorSubcoreMesh(core_axis_name="c", subcore_axis_name="s")
    return pl.kernel(
        functools.partial(_sc_scatter_body, nchunks, n_out),
        mesh=mesh,
        out_type=jax.ShapeDtypeStruct((2, n_out, 32), F32),
        scratch_types=[pltpu.VMEM((4, 128), jnp.int32),
                       pltpu.VMEM((512, 32), F32),
                       pltpu.VMEM((2, 32), F32),
                       pltpu.VMEM_SHARED((NACC, 32), F32),
                       pltpu.SemaphoreType.DMA],
        compiler_params=pltpu.CompilerParams(use_tc_tiling_on_sc=False),
    )(zh, idxs2d, zeros_acc, ac)



def kernel(x, edge_attr, edge_index, w_in, b_in, w_e, b_e,
           msg_w1, msg_b1, msg_g1, msg_bb1, msg_w2, msg_b2, msg_g2, msg_bb2,
           upd_w1, upd_b1, upd_g1, upd_bb1, upd_w2, upd_b2, upd_g2, upd_bb2,
           w_pred, b_pred):
    src = edge_index[0]
    dst = edge_index[1]
    n = x.shape[0]
    e_cnt = src.shape[0]
    pad = EP - e_cnt

    dst_g = jnp.concatenate([dst, jnp.zeros((pad,), jnp.int32)]).reshape(EP // 128, 128)
    src_g = jnp.concatenate([src, jnp.zeros((pad,), jnp.int32)]).reshape(EP // 128, 128)
    dst_s = jnp.concatenate([dst, jnp.full((pad,), n, jnp.int32)]).reshape(EP // 128, 128)
    zeros_acc = jnp.zeros((NACC, 32), F32)
    ea2d = jnp.concatenate([edge_attr,
                            jnp.zeros((pad,), F32)]).reshape(EP, 1)

    h, ha, hb = _proj3(x, w_in, b_in, msg_w1[0, :D], msg_w1[0, D:2 * D])
    e = None
    out = None
    pend = None
    for l in range(3):
        we = msg_w1[l, 2 * D:]
        ga, gb = _sc_gather2(ha, hb, dst_g, src_g, EP)
        if pend is not None:
            zp, ap, cp = pend
            if l == 1:
                e = _passCh0(zp, ap, cp, ea2d, w_e, b_e.reshape(1, D))
            else:
                e = _passCh(zp, ap, cp, e)
            pend = None
        if l == 0:
            v = w_e @ we
            z1, st1 = _passA0(ga, gb, ea2d, v, EP, e_cnt)
        else:
            z1, st1 = _passA(ga, gb, e, we, EP, e_cnt)
        a1, c1 = _affine(st1, e_cnt, msg_g1[l], msg_bb1[l])
        if l == 2:
            z2, st2 = _armm(z1, a1, c1, msg_w2[l], e_cnt)
            a2, c2 = _affine(st2, e_cnt, msg_g2[l], msg_bb2[l])
            out = _passCP(z2, a2, c2, e, w_pred.reshape(1, D), b_pred)
            break
        z2h, st2 = _armm_split(z1, a1, c1, msg_w2[l], e_cnt)
        a2, c2 = _affine(st2, e_cnt, msg_g2[l], msg_bb2[l])
        ac = jnp.concatenate([a2.reshape(1, 2, 32), c2.reshape(1, 2, 32)],
                             axis=0)
        aggh = _sc_scatter(z2h, dst_s, zeros_acc, ac, n)
        pend = (z2h, a2, c2)
        zu1, su1 = _nodeP1(h, aggh, upd_w1[l, :D], upd_w1[l, D:D + 32],
                           upd_w1[l, D + 32:])
        au1, cu1 = _affine(su1, n, upd_g1[l], upd_bb1[l])
        zu2, su2 = _armm(zu1, au1, cu1, upd_w2[l])
        au2, cu2 = _affine(su2, n, upd_g2[l], upd_bb2[l])
        h, ha, hb = _resid3(zu2, au2, cu2, h, msg_w1[l + 1, :D],
                            msg_w1[l + 1, D:2 * D])
    return out.reshape(-1)[:e_cnt, None]

# --- scband reference (transcript-rebuilt; emitter-appended) ---
"""Pipeline reference for scband-edge-regression-model-14508399526310 (READ-ONLY COPY).

The authoritative reference and input builder live on the scoring server;
editing this copy changes nothing except your own understanding.
"""

import jax, jax.numpy as jnp
import numpy as np

N = 50000
E = 800000
IN_DIM = 128
D = 64
L = 3

def _bn(x, g, b):
    mu = jnp.mean(x, axis=0)
    var = jnp.var(x, axis=0)
    return g * (x - mu) / jnp.sqrt(var + 1e-5) + b

def setup_inputs(seed: int = 0):
    key = jax.random.key(seed)
    ks = jax.random.split(key, 16)
    def p(i, shape, fan):
        return jax.random.normal(ks[i], shape, jnp.float32) / np.sqrt(fan)
    inp = {}
    inp['x'] = jax.random.normal(ks[0], (N, IN_DIM), jnp.float32)
    inp['edge_attr'] = jax.random.normal(ks[1], (E,), jnp.float32)
    inp['edge_index'] = jax.random.randint(ks[2], (2, E), 0, N, dtype=jnp.int32)
    inp['w_in'] = p(3, (IN_DIM, D), IN_DIM)
    inp['b_in'] = jnp.zeros((D,), jnp.float32)
    inp['w_e'] = p(4, (1, D), 1)
    inp['b_e'] = jnp.zeros((D,), jnp.float32)
    inp['msg_w1'] = p(5, (L, 3 * D, D), 3 * D)
    inp['msg_b1'] = jnp.zeros((L, D), jnp.float32)
    inp['msg_g1'] = jnp.ones((L, D), jnp.float32)
    inp['msg_bb1'] = jnp.zeros((L, D), jnp.float32)
    inp['msg_w2'] = p(6, (L, D, D), D)
    inp['msg_b2'] = jnp.zeros((L, D), jnp.float32)
    inp['msg_g2'] = jnp.ones((L, D), jnp.float32)
    inp['msg_bb2'] = jnp.zeros((L, D), jnp.float32)
    inp['upd_w1'] = p(7, (L, 2 * D, D), 2 * D)
    inp['upd_b1'] = jnp.zeros((L, D), jnp.float32)
    inp['upd_g1'] = jnp.ones((L, D), jnp.float32)
    inp['upd_bb1'] = jnp.zeros((L, D), jnp.float32)
    inp['upd_w2'] = p(8, (L, D, D), D)
    inp['upd_b2'] = jnp.zeros((L, D), jnp.float32)
    inp['upd_g2'] = jnp.ones((L, D), jnp.float32)
    inp['upd_bb2'] = jnp.zeros((L, D), jnp.float32)
    inp['w_pred'] = p(9, (D, 1), D)
    inp['b_pred'] = jnp.zeros((1,), jnp.float32)
    return inp

def reference(x, edge_attr, edge_index, w_in, b_in, w_e, b_e, msg_w1, msg_b1, msg_g1, msg_bb1, msg_w2, msg_b2, msg_g2, msg_bb2, upd_w1, upd_b1, upd_g1, upd_bb1, upd_w2, upd_b2, upd_g2, upd_bb2, w_pred, b_pred):
    src = edge_index[0]
    dst = edge_index[1]
    h = x @ w_in + b_in
    e = edge_attr[:, None] @ w_e + b_e
    for l in range(L):
        h_i = h[dst]
        h_j = h[src]
        m = jnp.concatenate([h_i, h_j, e], axis=-1)
        m = jax.nn.relu(_bn(m @ msg_w1[l] + msg_b1[l], msg_g1[l], msg_bb1[l]))
        m = jax.nn.relu(_bn(m @ msg_w2[l] + msg_b2[l], msg_g2[l], msg_bb2[l]))
        agg = jax.ops.segment_sum(m, dst, num_segments=N)
        u = jnp.concatenate([h, agg], axis=-1)
        u = jax.nn.relu(_bn(u @ upd_w1[l] + upd_b1[l], upd_g1[l], upd_bb1[l]))
        u = jax.nn.relu(_bn(u @ upd_w2[l] + upd_b2[l], upd_g2[l], upd_bb2[l]))
        h = h + u
        e = e + m
    return e @ w_pred + b_pred

if __name__ == "__main__":
    import jax
    _d = setup_inputs()
    print(jax.jit(kernel)(*tuple(_d.values())))

</pallas_src>

<mosaic_0001>
#map = affine_map<(d0, d1) -> (0, 0, 0)>
#map1 = affine_map<(d0, d1) -> (0, 0)>
module attributes {stable_mosaic.version = 14 : i64} {
  func.func @_sc_scatter_body(%arg0: i32, %arg1: i32, %arg2: memref<2x819200x32xf32, #tpu.memory_space<hbm>>, %arg3: memref<6400x128xi32, #tpu.memory_space<hbm>>, %arg4: memref<50016x32xf32, #tpu.memory_space<hbm>>, %arg5: memref<2x2x32xf32, #tpu.memory_space<hbm>>, %arg6: memref<2x50000x32xf32, #tpu.memory_space<hbm>>, %arg7: memref<4x128xi32, #tpu.memory_space<vmem>>, %arg8: memref<512x32xf32, #tpu.memory_space<vmem>>, %arg9: memref<2x32xf32, #tpu.memory_space<vmem>>, %arg10: memref<50016x32xf32, #tpu.memory_space<vmem_shared>>, %arg11: memref<!tpu.dma_semaphore, #tpu.memory_space<semaphore_mem>>) attributes {dimension_semantics = [#tpu.dimension_semantics<core_parallel>, #tpu.dimension_semantics<subcore_parallel>], iteration_bounds = array<i64: 2, 16>, scalar_prefetch = 0 : i64, scratch_operands = 5 : i64, tpu.core_type = #tpu.core_type<sc_vector_subcore>, window_params = [{transform_indices = #map}, {transform_indices = #map1}, {transform_indices = #map1}, {transform_indices = #map}, {transform_indices = #map}]} {
    %mul3A = arith.constant 3126 : i32
    %mul3A_0 = arith.muli %arg1, %mul3A : i32
    %mul3A_1 = arith.constant 3126 : i32
    %mul3A_2 = arith.muli %arg1, %mul3A_1 : i32
    "tpu.region"() ({
      %run_scoped3A_37 = tpu.sem_alloc : memref<!tpu.dma_semaphore, #tpu.memory_space<semaphore_mem>>
      %dma_start3A = arith.constant 0 : i32
      %dma_start3A_38 = tpu.memref_slice %arg10[%mul3A_2, %dma_start3A] : memref<50016x32xf32, #tpu.memory_space<vmem_shared>> -> memref<3126x32xf32, #tpu.memory_space<vmem_shared>>
      %dma_start3A_39 = arith.constant 0 : i32
      %dma_start3A_40 = tpu.memref_slice %arg4[%mul3A_0, %dma_start3A_39] : memref<50016x32xf32, #tpu.memory_space<hbm>> -> memref<3126x32xf32, #tpu.memory_space<hbm>>
      tpu.enqueue_dma source(%dma_start3A_40 : memref<3126x32xf32, #tpu.memory_space<hbm>>) target(%dma_start3A_38 : memref<3126x32xf32, #tpu.memory_space<vmem_shared>>) target_semaphore(%run_scoped3A_37 : memref<!tpu.dma_semaphore, #tpu.memory_space<semaphore_mem>>)
      %dma_wait3A = arith.constant 0 : i32
      %dma_wait3A_41 = tpu.memref_slice %arg10[%mul3A_2, %dma_wait3A] : memref<50016x32xf32, #tpu.memory_space<vmem_shared>> -> memref<3126x32xf32, #tpu.memory_space<vmem_shared>>
      %dma_wait3A_42 = arith.constant 0 : i32
      %dma_wait3A_43 = tpu.memref_slice %arg4[%mul3A_0, %dma_wait3A_42] : memref<50016x32xf32, #tpu.memory_space<hbm>> -> memref<3126x32xf32, #tpu.memory_space<hbm>>
      tpu.wait_dma2 semaphore(%run_scoped3A_37 : memref<!tpu.dma_semaphore, #tpu.memory_space<semaphore_mem>>) src(%dma_wait3A_43 : memref<3126x32xf32, #tpu.memory_space<hbm>>) dst(%dma_wait3A_41 : memref<3126x32xf32, #tpu.memory_space<vmem_shared>>)
      tpu.yield
    }) : () -> ()
    %run_scoped3A = arith.constant 0 : i32
    %run_scoped3A_3 = arith.constant 0 : i32
    "tpu.region"() ({
      %run_scoped3A_37 = tpu.sem_alloc : memref<!tpu.dma_semaphore, #tpu.memory_space<semaphore_mem>>
      %dma_start3A = arith.constant 0 : i32
      %dma_start3A_38 = tpu.memref_slice %arg9[%run_scoped3A_3, %dma_start3A] : memref<2x32xf32, #tpu.memory_space<vmem>> -> memref<1x32xf32, #tpu.memory_space<vmem>>
      %dma_start3A_39 = tpu.memref_squeeze %dma_start3A_38 : memref<1x32xf32, #tpu.memory_space<vmem>> -> memref<32xf32, #tpu.memory_space<vmem>>
      %dma_start3A_40 = arith.constant 0 : i32
      %dma_start3A_41 = tpu.memref_slice %arg5[%run_scoped3A, %arg0, %dma_start3A_40] : memref<2x2x32xf32, #tpu.memory_space<hbm>> -> memref<1x1x32xf32, #tpu.memory_space<hbm>>
      %dma_start3A_42 = tpu.memref_squeeze %dma_start3A_41 : memref<1x1x32xf32, #tpu.memory_space<hbm>> -> memref<32xf32, #tpu.memory_space<hbm>>
      %dma_start3A_43 = arith.constant 0 : i32
      %dma_start3A_44 = tpu.memref_slice %arg9[%run_scoped3A_3, %dma_start3A_43] : memref<2x32xf32, #tpu.memory_space<vmem>> -> memref<1x32xf32, #tpu.memory_space<vmem>>
      %dma_start3A_45 = tpu.memref_squeeze %dma_start3A_44 : memref<1x32xf32, #tpu.memory_space<vmem>> -> memref<32xf32, #tpu.memory_space<vmem>>
      %dma_start3A_46 = arith.constant 0 : i32
      %dma_start3A_47 = tpu.memref_slice %arg5[%run_scoped3A, %arg0, %dma_start3A_46] : memref<2x2x32xf32, #tpu.memory_space<hbm>> -> memref<1x1x32xf32, #tpu.memory_space<hbm>>
      %dma_start3A_48 = tpu.memref_squeeze %dma_start3A_47 : memref<1x1x32xf32, #tpu.memory_space<hbm>> -> memref<32xf32, #tpu.memory_space<hbm>>
      tpu.enqueue_dma source(%dma_start3A_48 : memref<32xf32, #tpu.memory_space<hbm>>) target(%dma_start3A_45 : memref<32xf32, #tpu.memory_space<vmem>>) target_semaphore(%run_scoped3A_37 : memref<!tpu.dma_semaphore, #tpu.memory_space<semaphore_mem>>)
      %dma_wait3A = arith.constant 0 : i32
      %dma_wait3A_49 = tpu.memref_slice %arg9[%run_scoped3A_3, %dma_wait3A] : memref<2x32xf32, #tpu.memory_space<vmem>> -> memref<1x32xf32, #tpu.memory_space<vmem>>
      %dma_wait3A_50 = tpu.memref_squeeze %dma_wait3A_49 : memref<1x32xf32, #tpu.memory_space<vmem>> -> memref<32xf32, #tpu.memory_space<vmem>>
      %dma_wait3A_51 = arith.constant 0 : i32
      %dma_wait3A_52 = tpu.memref_slice %arg5[%run_scoped3A, %arg0, %dma_wait3A_51] : memref<2x2x32xf32, #tpu.memory_space<hbm>> -> memref<1x1x32xf32, #tpu.memory_space<hbm>>
      %dma_wait3A_53 = tpu.memref_squeeze %dma_wait3A_52 : memref<1x1x32xf32, #tpu.memory_space<hbm>> -> memref<32xf32, #tpu.memory_space<hbm>>
      %dma_wait3A_54 = arith.constant 0 : i32
      %dma_wait3A_55 = tpu.memref_slice %arg9[%run_scoped3A_3, %dma_wait3A_54] : memref<2x32xf32, #tpu.memory_space<vmem>> -> memref<1x32xf32, #tpu.memory_space<vmem>>
      %dma_wait3A_56 = tpu.memref_squeeze %dma_wait3A_55 : memref<1x32xf32, #tpu.memory_space<vmem>> -> memref<32xf32, #tpu.memory_space<vmem>>
      %dma_wait3A_57 = arith.constant 0 : i32
      %dma_wait3A_58 = tpu.memref_slice %arg5[%run_scoped3A, %arg0, %dma_wait3A_57] : memref<2x2x32xf32, #tpu.memory_space<hbm>> -> memref<1x1x32xf32, #tpu.memory_space<hbm>>
      %dma_wait3A_59 = tpu.memref_squeeze %dma_wait3A_58 : memref<1x1x32xf32, #tpu.memory_space<hbm>> -> memref<32xf32, #tpu.memory_space<hbm>>
      tpu.wait_dma2 semaphore(%run_scoped3A_37 : memref<!tpu.dma_semaphore, #tpu.memory_space<semaphore_mem>>) src(%dma_wait3A_59 : memref<32xf32, #tpu.memory_space<hbm>>) dst(%dma_wait3A_56 : memref<32xf32, #tpu.memory_space<vmem>>)
      tpu.yield
    }) : () -> ()
    %run_scoped3A_4 = arith.constant 1 : i32
    %run_scoped3A_5 = arith.constant 1 : i32
    "tpu.region"() ({
      %run_scoped3A_37 = tpu.sem_alloc : memref<!tpu.dma_semaphore, #tpu.memory_space<semaphore_mem>>
      %dma_start3A = arith.constant 0 : i32
      %dma_start3A_38 = tpu.memref_slice %arg9[%run_scoped3A_5, %dma_start3A] : memref<2x32xf32, #tpu.memory_space<vmem>> -> memref<1x32xf32, #tpu.memory_space<vmem>>
      %dma_start3A_39 = tpu.memref_squeeze %dma_start3A_38 : memref<1x32xf32, #tpu.memory_space<vmem>> -> memref<32xf32, #tpu.memory_space<vmem>>
      %dma_start3A_40 = arith.constant 0 : i32
      %dma_start3A_41 = tpu.memref_slice %arg5[%run_scoped3A_4, %arg0, %dma_start3A_40] : memref<2x2x32xf32, #tpu.memory_space<hbm>> -> memref<1x1x32xf32, #tpu.memory_space<hbm>>
      %dma_start3A_42 = tpu.memref_squeeze %dma_start3A_41 : memref<1x1x32xf32, #tpu.memory_space<hbm>> -> memref<32xf32, #tpu.memory_space<hbm>>
      %dma_start3A_43 = arith.constant 0 : i32
      %dma_start3A_44 = tpu.memref_slice %arg9[%run_scoped3A_5, %dma_start3A_43] : memref<2x32xf32, #tpu.memory_space<vmem>> -> memref<1x32xf32, #tpu.memory_space<vmem>>
      %dma_start3A_45 = tpu.memref_squeeze %dma_start3A_44 : memref<1x32xf32, #tpu.memory_space<vmem>> -> memref<32xf32, #tpu.memory_space<vmem>>
      %dma_start3A_46 = arith.constant 0 : i32
      %dma_start3A_47 = tpu.memref_slice %arg5[%run_scoped3A_4, %arg0, %dma_start3A_46] : memref<2x2x32xf32, #tpu.memory_space<hbm>> -> memref<1x1x32xf32, #tpu.memory_space<hbm>>
      %dma_start3A_48 = tpu.memref_squeeze %dma_start3A_47 : memref<1x1x32xf32, #tpu.memory_space<hbm>> -> memref<32xf32, #tpu.memory_space<hbm>>
      tpu.enqueue_dma source(%dma_start3A_48 : memref<32xf32, #tpu.memory_space<hbm>>) target(%dma_start3A_45 : memref<32xf32, #tpu.memory_space<vmem>>) target_semaphore(%run_scoped3A_37 : memref<!tpu.dma_semaphore, #tpu.memory_space<semaphore_mem>>)
      %dma_wait3A = arith.constant 0 : i32
      %dma_wait3A_49 = tpu.memref_slice %arg9[%run_scoped3A_5, %dma_wait3A] : memref<2x32xf32, #tpu.memory_space<vmem>> -> memref<1x32xf32, #tpu.memory_space<vmem>>
      %dma_wait3A_50 = tpu.memref_squeeze %dma_wait3A_49 : memref<1x32xf32, #tpu.memory_space<vmem>> -> memref<32xf32, #tpu.memory_space<vmem>>
      %dma_wait3A_51 = arith.constant 0 : i32
      %dma_wait3A_52 = tpu.memref_slice %arg5[%run_scoped3A_4, %arg0, %dma_wait3A_51] : memref<2x2x32xf32, #tpu.memory_space<hbm>> -> memref<1x1x32xf32, #tpu.memory_space<hbm>>
      %dma_wait3A_53 = tpu.memref_squeeze %dma_wait3A_52 : memref<1x1x32xf32, #tpu.memory_space<hbm>> -> memref<32xf32, #tpu.memory_space<hbm>>
      %dma_wait3A_54 = arith.constant 0 : i32
      %dma_wait3A_55 = tpu.memref_slice %arg9[%run_scoped3A_5, %dma_wait3A_54] : memref<2x32xf32, #tpu.memory_space<vmem>> -> memref<1x32xf32, #tpu.memory_space<vmem>>
      %dma_wait3A_56 = tpu.memref_squeeze %dma_wait3A_55 : memref<1x32xf32, #tpu.memory_space<vmem>> -> memref<32xf32, #tpu.memory_space<vmem>>
      %dma_wait3A_57 = arith.constant 0 : i32
      %dma_wait3A_58 = tpu.memref_slice %arg5[%run_scoped3A_4, %arg0, %dma_wait3A_57] : memref<2x2x32xf32, #tpu.memory_space<hbm>> -> memref<1x1x32xf32, #tpu.memory_space<hbm>>
      %dma_wait3A_59 = tpu.memref_squeeze %dma_wait3A_58 : memref<1x1x32xf32, #tpu.memory_space<hbm>> -> memref<32xf32, #tpu.memory_space<hbm>>
      tpu.wait_dma2 semaphore(%run_scoped3A_37 : memref<!tpu.dma_semaphore, #tpu.memory_space<semaphore_mem>>) src(%dma_wait3A_59 : memref<32xf32, #tpu.memory_space<hbm>>) dst(%dma_wait3A_56 : memref<32xf32, #tpu.memory_space<vmem>>)
      tpu.yield
    }) : () -> ()
    %get3A = arith.constant 0 : i32
    %get3A_6 = arith.index_cast %get3A : i32 to index
    %get3A_7 = arith.constant 0 : index
    %get3A_8 = tpu.vector_load %arg9[%get3A_6, %get3A_7] {strides = array<i32>} : memref<2x32xf32, #tpu.memory_space<vmem>>, vector<1x16xf32>,
    %get3A_9 = vector.shape_cast %get3A_8 : vector<1x16xf32> to vector<16xf32>
    %get3A_10 = arith.constant 0 : i32
    %get3A_11 = arith.index_cast %get3A_10 : i32 to index
    %get3A_12 = arith.constant 16 : index
    %get3A_13 = tpu.vector_load %arg9[%get3A_11, %get3A_12] {strides = array<i32>} : memref<2x32xf32, #tpu.memory_space<vmem>>, vector<1x16xf32>,
    %get3A_14 = vector.shape_cast %get3A_13 : vector<1x16xf32> to vector<16xf32>
    %get3A_15 = arith.constant 1 : i32
    %get3A_16 = arith.index_cast %get3A_15 : i32 to index
    %get3A_17 = arith.constant 0 : index
    %get3A_18 = tpu.vector_load %arg9[%get3A_16, %get3A_17] {strides = array<i32>} : memref<2x32xf32, #tpu.memory_space<vmem>>, vector<1x16xf32>,
    %get3A_19 = vector.shape_cast %get3A_18 : vector<1x16xf32> to vector<16xf32>
    %get3A_20 = arith.constant 1 : i32
    %get3A_21 = arith.index_cast %get3A_20 : i32 to index
    %get3A_22 = arith.constant 16 : index
    %get3A_23 = tpu.vector_load %arg9[%get3A_21, %get3A_22] {strides = array<i32>} : memref<2x32xf32, #tpu.memory_space<vmem>>, vector<1x16xf32>,
    %get3A_24 = vector.shape_cast %get3A_23 : vector<1x16xf32> to vector<16xf32>
    %barrier3A = arith.constant 0 : index
    tpu.barrier barrier_id(%barrier3A)
    %mul3A_25 = arith.constant 400 : i32
    %mul3A_26 = arith.muli %arg1, %mul3A_25 : i32
    %scan3A = arith.constant 0 : i32
    %scan3A_27 = arith.constant 0 : i32
    %scan3A_28 = arith.constant 100 : i32
    %scan3A_29 = arith.addi %scan3A_27, %scan3A_28 : i32
    %scan3A_30 = arith.constant 1 : i32
    scf.for %scan3A_37 = %scan3A_27 to %scan3A_29 step %scan3A_30  : i32 {
      %mul3A_38 = arith.constant 4 : i32
      %mul3A_39 = arith.muli %scan3A_37, %mul3A_38 : i32
      %add3A = arith.addi %mul3A_26, %mul3A_39 : i32
      "tpu.region"() ({
        %run_scoped3A_126 = tpu.sem_alloc : memref<!tpu.dma_semaphore, #tpu.memory_space<semaphore_mem>>
        %dma_start3A_127 = arith.constant 0 : i32
        %dma_start3A_128 = tpu.memref_slice %arg3[%add3A, %dma_start3A_127] : memref<6400x128xi32, #tpu.memory_space<hbm>> -> memref<4x128xi32, #tpu.memory_space<hbm>>
        %dma_start3A_129 = arith.constant 0 : i32
        %dma_start3A_130 = tpu.memref_slice %arg3[%add3A, %dma_start3A_129] : memref<6400x128xi32, #tpu.memory_space<hbm>> -> memref<4x128xi32, #tpu.memory_space<hbm>>
        tpu.enqueue_dma source(%dma_start3A_130 : memref<4x128xi32, #tpu.memory_space<hbm>>) target(%arg7 : memref<4x128xi32, #tpu.memory_space<vmem>>) target_semaphore(%run_scoped3A_126 : memref<!tpu.dma_semaphore, #tpu.memory_space<semaphore_mem>>)
        %dma_wait3A_131 = arith.constant 0 : i32
        %dma_wait3A_132 = tpu.memref_slice %arg3[%add3A, %dma_wait3A_131] : memref<6400x128xi32, #tpu.memory_space<hbm>> -> memref<4x128xi32, #tpu.memory_space<hbm>>
        %dma_wait3A_133 = arith.constant 0 : i32
        %dma_wait3A_134 = tpu.memref_slice %arg3[%add3A, %dma_wait3A_133] : memref<6400x128xi32, #tpu.memory_space<hbm>> -> memref<4x128xi32, #tpu.memory_space<hbm>>
        tpu.wait_dma2 semaphore(%run_scoped3A_126 : memref<!tpu.dma_semaphore, #tpu.memory_space<semaphore_mem>>) src(%dma_wait3A_134 : memref<4x128xi32, #tpu.memory_space<hbm>>) dst(%arg7 : memref<4x128xi32, #tpu.memory_space<vmem>>)
        tpu.yield
      }) : () -> ()
      %mul3A_40 = arith.constant 128 : i32
      %mul3A_41 = arith.muli %add3A, %mul3A_40 : i32
      "tpu.region"() ({
        %run_scoped3A_126 = tpu.sem_alloc : memref<!tpu.dma_semaphore, #tpu.memory_space<semaphore_mem>>
        %dma_start3A_127 = arith.constant 0 : i32
        %dma_start3A_128 = tpu.memref_slice %arg2[%arg0, %mul3A_41, %dma_start3A_127] : memref<2x819200x32xf32, #tpu.memory_space<hbm>> -> memref<1x512x32xf32, #tpu.memory_space<hbm>>
        %dma_start3A_129 = tpu.memref_squeeze %dma_start3A_128 : memref<1x512x32xf32, #tpu.memory_space<hbm>> -> memref<512x32xf32, #tpu.memory_space<hbm>>
        %dma_start3A_130 = arith.constant 0 : i32
        %dma_start3A_131 = tpu.memref_slice %arg2[%arg0, %mul3A_41, %dma_start3A_130] : memref<2x819200x32xf32, #tpu.memory_space<hbm>> -> memref<1x512x32xf32, #tpu.memory_space<hbm>>
        %dma_start3A_132 = tpu.memref_squeeze %dma_start3A_131 : memref<1x512x32xf32, #tpu.memory_space<hbm>> -> memref<512x32xf32, #tpu.memory_space<hbm>>
        tpu.enqueue_dma source(%dma_start3A_132 : memref<512x32xf32, #tpu.memory_space<hbm>>) target(%arg8 : memref<512x32xf32, #tpu.memory_space<vmem>>) target_semaphore(%run_scoped3A_126 : memref<!tpu.dma_semaphore, #tpu.memory_space<semaphore_mem>>)
        %dma_wait3A_133 = arith.constant 0 : i32
        %dma_wait3A_134 = tpu.memref_slice %arg2[%arg0, %mul3A_41, %dma_wait3A_133] : memref<2x819200x32xf32, #tpu.memory_space<hbm>> -> memref<1x512x32xf32, #tpu.memory_space<hbm>>
        %dma_wait3A_135 = tpu.memref_squeeze %dma_wait3A_134 : memref<1x512x32xf32, #tpu.memory_space<hbm>> -> memref<512x32xf32, #tpu.memory_space<hbm>>
        %dma_wait3A_136 = arith.constant 0 : i32
        %dma_wait3A_137 = tpu.memref_slice %arg2[%arg0, %mul3A_41, %dma_wait3A_136] : memref<2x819200x32xf32, #tpu.memory_space<hbm>> -> memref<1x512x32xf32, #tpu.memory_space<hbm>>
        %dma_wait3A_138 = tpu.memref_squeeze %dma_wait3A_137 : memref<1x512x32xf32, #tpu.memory_space<hbm>> -> memref<512x32xf32, #tpu.memory_space<hbm>>
        tpu.wait_dma2 semaphore(%run_scoped3A_126 : memref<!tpu.dma_semaphore, #tpu.memory_space<semaphore_mem>>) src(%dma_wait3A_138 : memref<512x32xf32, #tpu.memory_space<hbm>>) dst(%arg8 : memref<512x32xf32, #tpu.memory_space<vmem>>)
        tpu.yield
      }) : () -> ()
      %scan3A_42 = arith.constant 0 : i32
      %scan3A_43 = arith.constant 0 : i32
      %scan3A_44 = arith.constant 512 : i32
      %scan3A_45 = arith.addi %scan3A_43, %scan3A_44 : i32
      %scan3A_46 = arith.constant 1 : i32
      scf.for %scan3A_126 = %scan3A_43 to %scan3A_45 step %scan3A_46  : i32 {
        %get3A_127 = arith.index_cast %scan3A_126 : i32 to index
        %get3A_128 = arith.constant 0 : index
        %get3A_129 = tpu.vector_load %arg8[%get3A_127, %get3A_128] {strides = array<i32>} : memref<512x32xf32, #tpu.memory_space<vmem>>, vector<1x16xf32>,
        %get3A_130 = vector.shape_cast %get3A_129 : vector<1x16xf32> to vector<16xf32>
        %mul3A_131 = arith.mulf %get3A_130, %get3A_9 : vector<16xf32>
        %add3A_132 = arith.addf %mul3A_131, %get3A_19 : vector<16xf32>
        %max3A = arith.constant 0.000000e+00 : f32
        %max3A_133 = vector.broadcast %max3A : f32 to vector<16xf32>
        %max3A_134 = arith.maximumf %add3A_132, %max3A_133 : vector<16xf32>
        %swap3A = arith.index_cast %scan3A_126 : i32 to index
        %swap3A_135 = arith.constant 0 : index
        %swap3A_136 = tpu.vector_load %arg8[%swap3A, %swap3A_135] {strides = array<i32>} : memref<512x32xf32, #tpu.memory_space<vmem>>, vector<1x16xf32>,
        %swap3A_137 = vector.shape_cast %swap3A_136 : vector<1x16xf32> to vector<16xf32>
        %swap3A_138 = vector.shape_cast %max3A_134 : vector<16xf32> to vector<1x16xf32>
        tpu.vector_store %arg8[%swap3A, %swap3A_135], %swap3A_138 {strides = array<i32>} : memref<512x32xf32, #tpu.memory_space<vmem>>, vector<1x16xf32>,
        %get3A_139 = arith.index_cast %scan3A_126 : i32 to index
        %get3A_140 = arith.constant 16 : index
        %get3A_141 = tpu.vector_load %arg8[%get3A_139, %get3A_140] {strides = array<i32>} : memref<512x32xf32, #tpu.memory_space<vmem>>, vector<1x16xf32>,
        %get3A_142 = vector.shape_cast %get3A_141 : vector<1x16xf32> to vector<16xf32>
        %mul3A_143 = arith.mulf %get3A_142, %get3A_14 : vector<16xf32>
        %add3A_144 = arith.addf %mul3A_143, %get3A_24 : vector<16xf32>
        %max3A_145 = arith.constant 0.000000e+00 : f32
        %max3A_146 = vector.broadcast %max3A_145 : f32 to vector<16xf32>
        %max3A_147 = arith.maximumf %add3A_144, %max3A_146 : vector<16xf32>
        %swap3A_148 = arith.index_cast %scan3A_126 : i32 to index
        %swap3A_149 = arith.constant 16 : index
        %swap3A_150 = tpu.vector_load %arg8[%swap3A_148, %swap3A_149] {strides = array<i32>} : memref<512x32xf32, #tpu.memory_space<vmem>>, vector<1x16xf32>,
        %swap3A_151 = vector.shape_cast %swap3A_150 : vector<1x16xf32> to vector<16xf32>
        %swap3A_152 = vector.shape_cast %max3A_147 : vector<16xf32> to vector<1x16xf32>
        tpu.vector_store %arg8[%swap3A_148, %swap3A_149], %swap3A_152 {strides = array<i32>} : memref<512x32xf32, #tpu.memory_space<vmem>>, vector<1x16xf32>,
      }
      %scan3A_47 = arith.constant 512 : i32
      %dma_start3A = arith.constant 0 : i32
      %dma_start3A_48 = arith.constant 0 : i32
      %dma_start3A_49 = arith.constant 0 : i32
      %dma_start3A_50 = tpu.memref_slice %arg8[%dma_start3A_48, %dma_start3A_49] : memref<512x32xf32, #tpu.memory_space<vmem>> -> memref<128x32xf32, #tpu.memory_space<vmem>>
      %dma_start3A_51 = arith.constant 0 : i32
      %dma_start3A_52 = tpu.memref_slice %arg7[%dma_start3A, %dma_start3A_51] : memref<4x128xi32, #tpu.memory_space<vmem>> -> memref<1x128xi32, #tpu.memory_space<vmem>>
      %dma_start3A_53 = tpu.memref_squeeze %dma_start3A_52 : memref<1x128xi32, #tpu.memory_space<vmem>> -> memref<128xi32, #tpu.memory_space<vmem>>
      %dma_start3A_54 = arith.constant 0 : i32
      %dma_start3A_55 = arith.constant 0 : i32
      %dma_start3A_56 = tpu.memref_slice %arg10[%dma_start3A_54, %dma_start3A_55] : memref<50016x32xf32, #tpu.memory_space<vmem_shared>> -> memref<50016x32xf32, #tpu.memory_space<vmem_shared>>
      tpu.enqueue_indirect_dma source(%dma_start3A_50 : memref<128x32xf32, #tpu.memory_space<vmem>>) target(%dma_start3A_56 : memref<50016x32xf32, #tpu.memory_space<vmem_shared>>) offsets(%dma_start3A_53 : memref<128xi32, #tpu.memory_space<vmem>>) semaphore(%arg11 : memref<!tpu.dma_semaphore, #tpu.memory_space<semaphore_mem>>) {add = true}
      %dma_start3A_57 = arith.constant 1 : i32
      %dma_start3A_58 = arith.constant 128 : i32
      %dma_start3A_59 = arith.constant 0 : i32
      %dma_start3A_60 = tpu.memref_slice %arg8[%dma_start3A_58, %dma_start3A_59] : memref<512x32xf32, #tpu.memory_space<vmem>> -> memref<128x32xf32, #tpu.memory_space<vmem>>
      %dma_start3A_61 = arith.constant 0 : i32
      %dma_start3A_62 = tpu.memref_slice %arg7[%dma_start3A_57, %dma_start3A_61] : memref<4x128xi32, #tpu.memory_space<vmem>> -> memref<1x128xi32, #tpu.memory_space<vmem>>
      %dma_start3A_63 = tpu.memref_squeeze %dma_start3A_62 : memref<1x128xi32, #tpu.memory_space<vmem>> -> memref<128xi32, #tpu.memory_space<vmem>>
      %dma_start3A_64 = arith.constant 0 : i32
      %dma_start3A_65 = arith.constant 0 : i32
      %dma_start3A_66 = tpu.memref_slice %arg10[%dma_start3A_64, %dma_start3A_65] : memref<50016x32xf32, #tpu.memory_space<vmem_shared>> -> memref<50016x32xf32, #tpu.memory_space<vmem_shared>>
      tpu.enqueue_indirect_dma source(%dma_start3A_60 : memref<128x32xf32, #tpu.memory_space<vmem>>) target(%dma_start3A_66 : memref<50016x32xf32, #tpu.memory_space<vmem_shared>>) offsets(%dma_start3A_63 : memref<128xi32, #tpu.memory_space<vmem>>) semaphore(%arg11 : memref<!tpu.dma_semaphore, #tpu.memory_space<semaphore_mem>>) {add = true}
      %dma_start3A_67 = arith.constant 2 : i32
      %dma_start3A_68 = arith.constant 256 : i32
      %dma_start3A_69 = arith.constant 0 : i32
      %dma_start3A_70 = tpu.memref_slice %arg8[%dma_start3A_68, %dma_start3A_69] : memref<512x32xf32, #tpu.memory_space<vmem>> -> memref<128x32xf32, #tpu.memory_space<vmem>>
      %dma_start3A_71 = arith.constant 0 : i32
      %dma_start3A_72 = tpu.memref_slice %arg7[%dma_start3A_67, %dma_start3A_71] : memref<4x128xi32, #tpu.memory_space<vmem>> -> memref<1x128xi32, #tpu.memory_space<vmem>>
      %dma_start3A_73 = tpu.memref_squeeze %dma_start3A_72 : memref<1x128xi32, #tpu.memory_space<vmem>> -> memref<128xi32, #tpu.memory_space<vmem>>
      %dma_start3A_74 = arith.constant 0 : i32
      %dma_start3A_75 = arith.constant 0 : i32
      %dma_start3A_76 = tpu.memref_slice %arg10[%dma_start3A_74, %dma_start3A_75] : memref<50016x32xf32, #tpu.memory_space<vmem_shared>> -> memref<50016x32xf32, #tpu.memory_space<vmem_shared>>
      tpu.enqueue_indirect_dma source(%dma_start3A_70 : memref<128x32xf32, #tpu.memory_space<vmem>>) target(%dma_start3A_76 : memref<50016x32xf32, #tpu.memory_space<vmem_shared>>) offsets(%dma_start3A_73 : memref<128xi32, #tpu.memory_space<vmem>>) semaphore(%arg11 : memref<!tpu.dma_semaphore, #tpu.memory_space<semaphore_mem>>) {add = true}
      %dma_start3A_77 = arith.constant 3 : i32
      %dma_start3A_78 = arith.constant 384 : i32
      %dma_start3A_79 = arith.constant 0 : i32
      %dma_start3A_80 = tpu.memref_slice %arg8[%dma_start3A_78, %dma_start3A_79] : memref<512x32xf32, #tpu.memory_space<vmem>> -> memref<128x32xf32, #tpu.memory_space<vmem>>
      %dma_start3A_81 = arith.constant 0 : i32
      %dma_start3A_82 = tpu.memref_slice %arg7[%dma_start3A_77, %dma_start3A_81] : memref<4x128xi32, #tpu.memory_space<vmem>> -> memref<1x128xi32, #tpu.memory_space<vmem>>
      %dma_start3A_83 = tpu.memref_squeeze %dma_start3A_82 : memref<1x128xi32, #tpu.memory_space<vmem>> -> memref<128xi32, #tpu.memory_space<vmem>>
      %dma_start3A_84 = arith.constant 0 : i32
      %dma_start3A_85 = arith.constant 0 : i32
      %dma_start3A_86 = tpu.memref_slice %arg10[%dma_start3A_84, %dma_start3A_85] : memref<50016x32xf32, #tpu.memory_space<vmem_shared>> -> memref<50016x32xf32, #tpu.memory_space<vmem_shared>>
      tpu.enqueue_indirect_dma source(%dma_start3A_80 : memref<128x32xf32, #tpu.memory_space<vmem>>) target(%dma_start3A_86 : memref<50016x32xf32, #tpu.memory_space<vmem_shared>>) offsets(%dma_start3A_83 : memref<128xi32, #tpu.memory_space<vmem>>) semaphore(%arg11 : memref<!tpu.dma_semaphore, #tpu.memory_space<semaphore_mem>>) {add = true}
      %dma_wait3A = arith.constant 0 : i32
      %dma_wait3A_87 = arith.constant 0 : i32
      %dma_wait3A_88 = arith.constant 0 : i32
      %dma_wait3A_89 = tpu.memref_slice %arg8[%dma_wait3A_87, %dma_wait3A_88] : memref<512x32xf32, #tpu.memory_space<vmem>> -> memref<128x32xf32, #tpu.memory_space<vmem>>
      %dma_wait3A_90 = arith.constant 0 : i32
      %dma_wait3A_91 = tpu.memref_slice %arg7[%dma_wait3A, %dma_wait3A_90] : memref<4x128xi32, #tpu.memory_space<vmem>> -> memref<1x128xi32, #tpu.memory_space<vmem>>
      %dma_wait3A_92 = tpu.memref_squeeze %dma_wait3A_91 : memref<1x128xi32, #tpu.memory_space<vmem>> -> memref<128xi32, #tpu.memory_space<vmem>>
      %dma_wait3A_93 = arith.constant 0 : i32
      %dma_wait3A_94 = arith.constant 0 : i32
      %dma_wait3A_95 = tpu.memref_slice %arg10[%dma_wait3A_93, %dma_wait3A_94] : memref<50016x32xf32, #tpu.memory_space<vmem_shared>> -> memref<50016x32xf32, #tpu.memory_space<vmem_shared>>
      tpu.wait_indirect_dma semaphore(%arg11 : memref<!tpu.dma_semaphore, #tpu.memory_space<semaphore_mem>>) src(%dma_wait3A_89 : memref<128x32xf32, #tpu.memory_space<vmem>>) dst(%dma_wait3A_95 : memref<50016x32xf32, #tpu.memory_space<vmem_shared>>)
      %dma_wait3A_96 = arith.constant 1 : i32
      %dma_wait3A_97 = arith.constant 128 : i32
      %dma_wait3A_98 = arith.constant 0 : i32
      %dma_wait3A_99 = tpu.memref_slice %arg8[%dma_wait3A_97, %dma_wait3A_98] : memref<512x32xf32, #tpu.memory_space<vmem>> -> memref<128x32xf32, #tpu.memory_space<vmem>>
      %dma_wait3A_100 = arith.constant 0 : i32
      %dma_wait3A_101 = tpu.memref_slice %arg7[%dma_wait3A_96, %dma_wait3A_100] : memref<4x128xi32, #tpu.memory_space<vmem>> -> memref<1x128xi32, #tpu.memory_space<vmem>>
      %dma_wait3A_102 = tpu.memref_squeeze %dma_wait3A_101 : memref<1x128xi32, #tpu.memory_space<vmem>> -> memref<128xi32, #tpu.memory_space<vmem>>
      %dma_wait3A_103 = arith.constant 0 : i32
      %dma_wait3A_104 = arith.constant 0 : i32
      %dma_wait3A_105 = tpu.memref_slice %arg10[%dma_wait3A_103, %dma_wait3A_104] : memref<50016x32xf32, #tpu.memory_space<vmem_shared>> -> memref<50016x32xf32, #tpu.memory_space<vmem_shared>>
      tpu.wait_indirect_dma semaphore(%arg11 : memref<!tpu.dma_semaphore, #tpu.memory_space<semaphore_mem>>) src(%dma_wait3A_99 : memref<128x32xf32, #tpu.memory_space<vmem>>) dst(%dma_wait3A_105 : memref<50016x32xf32, #tpu.memory_space<vmem_shared>>)
      %dma_wait3A_106 = arith.constant 2 : i32
      %dma_wait3A_107 = arith.constant 256 : i32
      %dma_wait3A_108 = arith.constant 0 : i32
      %dma_wait3A_109 = tpu.memref_slice %arg8[%dma_wait3A_107, %dma_wait3A_108] : memref<512x32xf32, #tpu.memory_space<vmem>> -> memref<128x32xf32, #tpu.memory_space<vmem>>
      %dma_wait3A_110 = arith.constant 0 : i32
      %dma_wait3A_111 = tpu.memref_slice %arg7[%dma_wait3A_106, %dma_wait3A_110] : memref<4x128xi32, #tpu.memory_space<vmem>> -> memref<1x128xi32, #tpu.memory_space<vmem>>
      %dma_wait3A_112 = tpu.memref_squeeze %dma_wait3A_111 : memref<1x128xi32, #tpu.memory_space<vmem>> -> memref<128xi32, #tpu.memory_space<vmem>>
      %dma_wait3A_113 = arith.constant 0 : i32
      %dma_wait3A_114 = arith.constant 0 : i32
      %dma_wait3A_115 = tpu.memref_slice %arg10[%dma_wait3A_113, %dma_wait3A_114] : memref<50016x32xf32, #tpu.memory_space<vmem_shared>> -> memref<50016x32xf32, #tpu.memory_space<vmem_shared>>
      tpu.wait_indirect_dma semaphore(%arg11 : memref<!tpu.dma_semaphore, #tpu.memory_space<semaphore_mem>>) src(%dma_wait3A_109 : memref<128x32xf32, #tpu.memory_space<vmem>>) dst(%dma_wait3A_115 : memref<50016x32xf32, #tpu.memory_space<vmem_shared>>)
      %dma_wait3A_116 = arith.constant 3 : i32
      %dma_wait3A_117 = arith.constant 384 : i32
      %dma_wait3A_118 = arith.constant 0 : i32
      %dma_wait3A_119 = tpu.memref_slice %arg8[%dma_wait3A_117, %dma_wait3A_118] : memref<512x32xf32, #tpu.memory_space<vmem>> -> memref<128x32xf32, #tpu.memory_space<vmem>>
      %dma_wait3A_120 = arith.constant 0 : i32
      %dma_wait3A_121 = tpu.memref_slice %arg7[%dma_wait3A_116, %dma_wait3A_120] : memref<4x128xi32, #tpu.memory_space<vmem>> -> memref<1x128xi32, #tpu.memory_space<vmem>>
      %dma_wait3A_122 = tpu.memref_squeeze %dma_wait3A_121 : memref<1x128xi32, #tpu.memory_space<vmem>> -> memref<128xi32, #tpu.memory_space<vmem>>
      %dma_wait3A_123 = arith.constant 0 : i32
      %dma_wait3A_124 = arith.constant 0 : i32
      %dma_wait3A_125 = tpu.memref_slice %arg10[%dma_wait3A_123, %dma_wait3A_124] : memref<50016x32xf32, #tpu.memory_space<vmem_shared>> -> memref<50016x32xf32, #tpu.memory_space<vmem_shared>>
      tpu.wait_indirect_dma semaphore(%arg11 : memref<!tpu.dma_semaphore, #tpu.memory_space<semaphore_mem>>) src(%dma_wait3A_119 : memref<128x32xf32, #tpu.memory_space<vmem>>) dst(%dma_wait3A_125 : memref<50016x32xf32, #tpu.memory_space<vmem_shared>>)
    }
    %scan3A_31 = arith.constant 100 : i32
    %barrier3A_32 = arith.constant 0 : index
    tpu.barrier barrier_id(%barrier3A_32)
    %mul3A_33 = arith.constant 3125 : i32
    %mul3A_34 = arith.muli %arg1, %mul3A_33 : i32
    %mul3A_35 = arith.constant 3125 : i32
    %mul3A_36 = arith.muli %arg1, %mul3A_35 : i32
    "tpu.region"() ({
      %run_scoped3A_37 = tpu.sem_alloc : memref<!tpu.dma_semaphore, #tpu.memory_space<semaphore_mem>>
      %dma_start3A = arith.constant 0 : i32
      %dma_start3A_38 = tpu.memref_slice %arg6[%arg0, %mul3A_36, %dma_start3A] : memref<2x50000x32xf32, #tpu.memory_space<hbm>> -> memref<1x3125x32xf32, #tpu.memory_space<hbm>>
      %dma_start3A_39 = tpu.memref_squeeze %dma_start3A_38 : memref<1x3125x32xf32, #tpu.memory_space<hbm>> -> memref<3125x32xf32, #tpu.memory_space<hbm>>
      %dma_start3A_40 = arith.constant 0 : i32
      %dma_start3A_41 = tpu.memref_slice %arg10[%mul3A_34, %dma_start3A_40] : memref<50016x32xf32, #tpu.memory_space<vmem_shared>> -> memref<3125x32xf32, #tpu.memory_space<vmem_shared>>
      tpu.enqueue_dma source(%dma_start3A_41 : memref<3125x32xf32, #tpu.memory_space<vmem_shared>>) target(%dma_start3A_39 : memref<3125x32xf32, #tpu.memory_space<hbm>>) target_semaphore(%run_scoped3A_37 : memref<!tpu.dma_semaphore, #tpu.memory_space<semaphore_mem>>)
      %dma_wait3A = arith.constant 0 : i32
      %dma_wait3A_42 = tpu.memref_slice %arg6[%arg0, %mul3A_36, %dma_wait3A] : memref<2x50000x32xf32, #tpu.memory_space<hbm>> -> memref<1x3125x32xf32, #tpu.memory_space<hbm>>
      %dma_wait3A_43 = tpu.memref_squeeze %dma_wait3A_42 : memref<1x3125x32xf32, #tpu.memory_space<hbm>> -> memref<3125x32xf32, #tpu.memory_space<hbm>>
      %dma_wait3A_44 = arith.constant 0 : i32
      %dma_wait3A_45 = tpu.memref_slice %arg10[%mul3A_34, %dma_wait3A_44] : memref<50016x32xf32, #tpu.memory_space<vmem_shared>> -> memref<3125x32xf32, #tpu.memory_space<vmem_shared>>
      tpu.wait_dma2 semaphore(%run_scoped3A_37 : memref<!tpu.dma_semaphore, #tpu.memory_space<semaphore_mem>>) src(%dma_wait3A_45 : memref<3125x32xf32, #tpu.memory_space<vmem_shared>>) dst(%dma_wait3A_43 : memref<3125x32xf32, #tpu.memory_space<hbm>>)
      tpu.yield
    }) : () -> ()
    return
  }
}

#map = affine_map<(d0, d1) -> (0, 0)>
module attributes {stable_mosaic.version = 14 : i64} {
  func.func @_sc_gather2_body(%arg0: i32, %arg1: i32, %arg2: memref<50000x64xf32, #tpu.memory_space<hbm>>, %arg3: memref<50000x64xf32, #tpu.memory_space<hbm>>, %arg4: memref<6400x128xi32, #tpu.memory_space<hbm>>, %arg5: memref<6400x128xi32, #tpu.memory_space<hbm>>, %arg6: memref<819200x64xf32, #tpu.memory_space<hbm>>, %arg7: memref<819200x64xf32, #tpu.memory_space<hbm>>, %arg8: memref<200x128xi32, #tpu.memory_space<vmem>>, %arg9: memref<200x128xi32, #tpu.memory_space<vmem>>, %arg10: memref<512x64xf32, #tpu.memory_space<vmem>>, %arg11: memref<512x64xf32, #tpu.memory_space<vmem>>, %arg12: memref<!tpu.dma_semaphore, #tpu.memory_space<semaphore_mem>>, %arg13: memref<!tpu.dma_semaphore, #tpu.memory_space<semaphore_mem>>) attributes {dimension_semantics = [#tpu.dimension_semantics<core_parallel>, #tpu.dimension_semantics<subcore_parallel>], iteration_bounds = array<i64: 2, 16>, scalar_prefetch = 0 : i64, scratch_operands = 6 : i64, tpu.core_type = #tpu.core_type<sc_vector_subcore>, window_params = [{transform_indices = #map}, {transform_indices = #map}, {transform_indices = #map}, {transform_indices = #map}, {transform_indices = #map}, {transform_indices = #map}]} {
    %mul3A = arith.constant 2 : i32
    %mul3A_0 = arith.muli %arg1, %mul3A : i32
    %add3A = arith.addi %mul3A_0, %arg0 : i32
    %mul3A_1 = arith.constant 200 : i32
    %mul3A_2 = arith.muli %add3A, %mul3A_1 : i32
    "tpu.region"() ({
      %run_scoped3A = tpu.sem_alloc : memref<!tpu.dma_semaphore, #tpu.memory_space<semaphore_mem>>
      %dma_start3A = arith.constant 0 : i32
      %dma_start3A_8 = tpu.memref_slice %arg4[%mul3A_2, %dma_start3A] : memref<6400x128xi32, #tpu.memory_space<hbm>> -> memref<200x128xi32, #tpu.memory_space<hbm>>
      %dma_start3A_9 = arith.constant 0 : i32
      %dma_start3A_10 = tpu.memref_slice %arg4[%mul3A_2, %dma_start3A_9] : memref<6400x128xi32, #tpu.memory_space<hbm>> -> memref<200x128xi32, #tpu.memory_space<hbm>>
      tpu.enqueue_dma source(%dma_start3A_10 : memref<200x128xi32, #tpu.memory_space<hbm>>) target(%arg8 : memref<200x128xi32, #tpu.memory_space<vmem>>) target_semaphore(%run_scoped3A : memref<!tpu.dma_semaphore, #tpu.memory_space<semaphore_mem>>)
      %dma_wait3A = arith.constant 0 : i32
      %dma_wait3A_11 = tpu.memref_slice %arg4[%mul3A_2, %dma_wait3A] : memref<6400x128xi32, #tpu.memory_space<hbm>> -> memref<200x128xi32, #tpu.memory_space<hbm>>
      %dma_wait3A_12 = arith.constant 0 : i32
      %dma_wait3A_13 = tpu.memref_slice %arg4[%mul3A_2, %dma_wait3A_12] : memref<6400x128xi32, #tpu.memory_space<hbm>> -> memref<200x128xi32, #tpu.memory_space<hbm>>
      tpu.wait_dma2 semaphore(%run_scoped3A : memref<!tpu.dma_semaphore, #tpu.memory_space<semaphore_mem>>) src(%dma_wait3A_13 : memref<200x128xi32, #tpu.memory_space<hbm>>) dst(%arg8 : memref<200x128xi32, #tpu.memory_space<vmem>>)
      tpu.yield
    }) : () -> ()
    "tpu.region"() ({
      %run_scoped3A = tpu.sem_alloc : memref<!tpu.dma_semaphore, #tpu.memory_space<semaphore_mem>>
      %dma_start3A = arith.constant 0 : i32
      %dma_start3A_8 = tpu.memref_slice %arg5[%mul3A_2, %dma_start3A] : memref<6400x128xi32, #tpu.memory_space<hbm>> -> memref<200x128xi32, #tpu.memory_space<hbm>>
      %dma_start3A_9 = arith.constant 0 : i32
      %dma_start3A_10 = tpu.memref_slice %arg5[%mul3A_2, %dma_start3A_9] : memref<6400x128xi32, #tpu.memory_space<hbm>> -> memref<200x128xi32, #tpu.memory_space<hbm>>
      tpu.enqueue_dma source(%dma_start3A_10 : memref<200x128xi32, #tpu.memory_space<hbm>>) target(%arg9 : memref<200x128xi32, #tpu.memory_space<vmem>>) target_semaphore(%run_scoped3A : memref<!tpu.dma_semaphore, #tpu.memory_space<semaphore_mem>>)
      %dma_wait3A = arith.constant 0 : i32
      %dma_wait3A_11 = tpu.memref_slice %arg5[%mul3A_2, %dma_wait3A] : memref<6400x128xi32, #tpu.memory_space<hbm>> -> memref<200x128xi32, #tpu.memory_space<hbm>>
      %dma_wait3A_12 = arith.constant 0 : i32
      %dma_wait3A_13 = tpu.memref_slice %arg5[%mul3A_2, %dma_wait3A_12] : memref<6400x128xi32, #tpu.memory_space<hbm>> -> memref<200x128xi32, #tpu.memory_space<hbm>>
      tpu.wait_dma2 semaphore(%run_scoped3A : memref<!tpu.dma_semaphore, #tpu.memory_space<semaphore_mem>>) src(%dma_wait3A_13 : memref<200x128xi32, #tpu.memory_space<hbm>>) dst(%arg9 : memref<200x128xi32, #tpu.memory_space<vmem>>)
      tpu.yield
    }) : () -> ()
    %scan3A = arith.constant 0 : i32
    %scan3A_3 = arith.constant 0 : i32
    %scan3A_4 = arith.constant 50 : i32
    %scan3A_5 = arith.addi %scan3A_3, %scan3A_4 : i32
    %scan3A_6 = arith.constant 1 : i32
    scf.for %scan3A_8 = %scan3A_3 to %scan3A_5 step %scan3A_6  : i32 {
      %mul3A_9 = arith.constant 4 : i32
      %mul3A_10 = arith.muli %scan3A_8, %mul3A_9 : i32
      %add3A_11 = arith.constant 0 : i32
      %add3A_12 = arith.addi %mul3A_10, %add3A_11 : i32
      %dma_start3A = arith.constant 0 : i32
      %dma_start3A_13 = arith.constant 0 : i32
      %dma_start3A_14 = tpu.memref_slice %arg10[%dma_start3A, %dma_start3A_13] : memref<512x64xf32, #tpu.memory_space<vmem>> -> memref<128x64xf32, #tpu.memory_space<vmem>>
      %dma_start3A_15 = arith.constant 0 : i32
      %dma_start3A_16 = tpu.memref_slice %arg8[%add3A_12, %dma_start3A_15] : memref<200x128xi32, #tpu.memory_space<vmem>> -> memref<1x128xi32, #tpu.memory_space<vmem>>
      %dma_start3A_17 = tpu.memref_squeeze %dma_start3A_16 : memref<1x128xi32, #tpu.memory_space<vmem>> -> memref<128xi32, #tpu.memory_space<vmem>>
      %dma_start3A_18 = arith.constant 0 : i32
      %dma_start3A_19 = arith.constant 0 : i32
      %dma_start3A_20 = tpu.memref_slice %arg2[%dma_start3A_18, %dma_start3A_19] : memref<50000x64xf32, #tpu.memory_space<hbm>> -> memref<50000x64xf32, #tpu.memory_space<hbm>>
      tpu.enqueue_indirect_dma source(%dma_start3A_20 : memref<50000x64xf32, #tpu.memory_space<hbm>>) target(%dma_start3A_14 : memref<128x64xf32, #tpu.memory_space<vmem>>) offsets(%dma_start3A_17 : memref<128xi32, #tpu.memory_space<vmem>>) semaphore(%arg12 : memref<!tpu.dma_semaphore, #tpu.memory_space<semaphore_mem>>)
      %add3A_21 = arith.constant 1 : i32
      %add3A_22 = arith.addi %mul3A_10, %add3A_21 : i32
      %dma_start3A_23 = arith.constant 128 : i32
      %dma_start3A_24 = arith.constant 0 : i32
      %dma_start3A_25 = tpu.memref_slice %arg10[%dma_start3A_23, %dma_start3A_24] : memref<512x64xf32, #tpu.memory_space<vmem>> -> memref<128x64xf32, #tpu.memory_space<vmem>>
      %dma_start3A_26 = arith.constant 0 : i32
      %dma_start3A_27 = tpu.memref_slice %arg8[%add3A_22, %dma_start3A_26] : memref<200x128xi32, #tpu.memory_space<vmem>> -> memref<1x128xi32, #tpu.memory_space<vmem>>
      %dma_start3A_28 = tpu.memref_squeeze %dma_start3A_27 : memref<1x128xi32, #tpu.memory_space<vmem>> -> memref<128xi32, #tpu.memory_space<vmem>>
      %dma_start3A_29 = arith.constant 0 : i32
      %dma_start3A_30 = arith.constant 0 : i32
      %dma_start3A_31 = tpu.memref_slice %arg2[%dma_start3A_29, %dma_start3A_30] : memref<50000x64xf32, #tpu.memory_space<hbm>> -> memref<50000x64xf32, #tpu.memory_space<hbm>>
      tpu.enqueue_indirect_dma source(%dma_start3A_31 : memref<50000x64xf32, #tpu.memory_space<hbm>>) target(%dma_start3A_25 : memref<128x64xf32, #tpu.memory_space<vmem>>) offsets(%dma_start3A_28 : memref<128xi32, #tpu.memory_space<vmem>>) semaphore(%arg12 : memref<!tpu.dma_semaphore, #tpu.memory_space<semaphore_mem>>)
      %add3A_32 = arith.constant 2 : i32
      %add3A_33 = arith.addi %mul3A_10, %add3A_32 : i32
      %dma_start3A_34 = arith.constant 256 : i32
      %dma_start3A_35 = arith.constant 0 : i32
      %dma_start3A_36 = tpu.memref_slice %arg10[%dma_start3A_34, %dma_start3A_35] : memref<512x64xf32, #tpu.memory_space<vmem>> -> memref<128x64xf32, #tpu.memory_space<vmem>>
      %dma_start3A_37 = arith.constant 0 : i32
      %dma_start3A_38 = tpu.memref_slice %arg8[%add3A_33, %dma_start3A_37] : memref<200x128xi32, #tpu.memory_space<vmem>> -> memref<1x128xi32, #tpu.memory_space<vmem>>
      %dma_start3A_39 = tpu.memref_squeeze %dma_start3A_38 : memref<1x128xi32, #tpu.memory_space<vmem>> -> memref<128xi32, #tpu.memory_space<vmem>>
      %dma_start3A_40 = arith.constant 0 : i32
      %dma_start3A_41 = arith.constant 0 : i32
      %dma_start3A_42 = tpu.memref_slice %arg2[%dma_start3A_40, %dma_start3A_41] : memref<50000x64xf32, #tpu.memory_space<hbm>> -> memref<50000x64xf32, #tpu.memory_space<hbm>>
      tpu.enqueue_indirect_dma source(%dma_start3A_42 : memref<50000x64xf32, #tpu.memory_space<hbm>>) target(%dma_start3A_36 : memref<128x64xf32, #tpu.memory_space<vmem>>) offsets(%dma_start3A_39 : memref<128xi32, #tpu.memory_space<vmem>>) semaphore(%arg12 : memref<!tpu.dma_semaphore, #tpu.memory_space<semaphore_mem>>)
      %add3A_43 = arith.constant 3 : i32
      %add3A_44 = arith.addi %mul3A_10, %add3A_43 : i32
      %dma_start3A_45 = arith.constant 384 : i32
      %dma_start3A_46 = arith.constant 0 : i32
      %dma_start3A_47 = tpu.memref_slice %arg10[%dma_start3A_45, %dma_start3A_46] : memref<512x64xf32, #tpu.memory_space<vmem>> -> memref<128x64xf32, #tpu.memory_space<vmem>>
      %dma_start3A_48 = arith.constant 0 : i32
      %dma_start3A_49 = tpu.memref_slice %arg8[%add3A_44, %dma_start3A_48] : memref<200x128xi32, #tpu.memory_space<vmem>> -> memref<1x128xi32, #tpu.memory_space<vmem>>
      %dma_start3A_50 = tpu.memref_squeeze %dma_start3A_49 : memref<1x128xi32, #tpu.memory_space<vmem>> -> memref<128xi32, #tpu.memory_space<vmem>>
      %dma_start3A_51 = arith.constant 0 : i32
      %dma_start3A_52 = arith.constant 0 : i32
      %dma_start3A_53 = tpu.memref_slice %arg2[%dma_start3A_51, %dma_start3A_52] : memref<50000x64xf32, #tpu.memory_space<hbm>> -> memref<50000x64xf32, #tpu.memory_space<hbm>>
      tpu.enqueue_indirect_dma source(%dma_start3A_53 : memref<50000x64xf32, #tpu.memory_space<hbm>>) target(%dma_start3A_47 : memref<128x64xf32, #tpu.memory_space<vmem>>) offsets(%dma_start3A_50 : memref<128xi32, #tpu.memory_space<vmem>>) semaphore(%arg12 : memref<!tpu.dma_semaphore, #tpu.memory_space<semaphore_mem>>)
      %add3A_54 = arith.constant 0 : i32
      %add3A_55 = arith.addi %mul3A_10, %add3A_54 : i32
      %dma_start3A_56 = arith.constant 0 : i32
      %dma_start3A_57 = arith.constant 0 : i32
      %dma_start3A_58 = tpu.memref_slice %arg11[%dma_start3A_56, %dma_start3A_57] : memref<512x64xf32, #tpu.memory_space<vmem>> -> memref<128x64xf32, #tpu.memory_space<vmem>>
      %dma_start3A_59 = arith.constant 0 : i32
      %dma_start3A_60 = tpu.memref_slice %arg9[%add3A_55, %dma_start3A_59] : memref<200x128xi32, #tpu.memory_space<vmem>> -> memref<1x128xi32, #tpu.memory_space<vmem>>
      %dma_start3A_61 = tpu.memref_squeeze %dma_start3A_60 : memref<1x128xi32, #tpu.memory_space<vmem>> -> memref<128xi32, #tpu.memory_space<vmem>>
      %dma_start3A_62 = arith.constant 0 : i32
      %dma_start3A_63 = arith.constant 0 : i32
      %dma_start3A_64 = tpu.memref_slice %arg3[%dma_start3A_62, %dma_start3A_63] : memref<50000x64xf32, #tpu.memory_space<hbm>> -> memref<50000x64xf32, #tpu.memory_space<hbm>>
      tpu.enqueue_indirect_dma source(%dma_start3A_64 : memref<50000x64xf32, #tpu.memory_space<hbm>>) target(%dma_start3A_58 : memref<128x64xf32, #tpu.memory_space<vmem>>) offsets(%dma_start3A_61 : memref<128xi32, #tpu.memory_space<vmem>>) semaphore(%arg13 : memref<!tpu.dma_semaphore, #tpu.memory_space<semaphore_mem>>)
      %add3A_65 = arith.constant 1 : i32
      %add3A_66 = arith.addi %mul3A_10, %add3A_65 : i32
      %dma_start3A_67 = arith.constant 128 : i32
      %dma_start3A_68 = arith.constant 0 : i32
      %dma_start3A_69 = tpu.memref_slice %arg11[%dma_start3A_67, %dma_start3A_68] : memref<512x64xf32, #tpu.memory_space<vmem>> -> memref<128x64xf32, #tpu.memory_space<vmem>>
      %dma_start3A_70 = arith.constant 0 : i32
      %dma_start3A_71 = tpu.memref_slice %arg9[%add3A_66, %dma_start3A_70] : memref<200x128xi32, #tpu.memory_space<vmem>> -> memref<1x128xi32, #tpu.memory_space<vmem>>
      %dma_start3A_72 = tpu.memref_squeeze %dma_start3A_71 : memref<1x128xi32, #tpu.memory_space<vmem>> -> memref<128xi32, #tpu.memory_space<vmem>>
      %dma_start3A_73 = arith.constant 0 : i32
      %dma_start3A_74 = arith.constant 0 : i32
      %dma_start3A_75 = tpu.memref_slice %arg3[%dma_start3A_73, %dma_start3A_74] : memref<50000x64xf32, #tpu.memory_space<hbm>> -> memref<50000x64xf32, #tpu.memory_space<hbm>>
      tpu.enqueue_indirect_dma source(%dma_start3A_75 : memref<50000x64xf32, #tpu.memory_space<hbm>>) target(%dma_start3A_69 : memref<128x64xf32, #tpu.memory_space<vmem>>) offsets(%dma_start3A_72 : memref<128xi32, #tpu.memory_space<vmem>>) semaphore(%arg13 : memref<!tpu.dma_semaphore, #tpu.memory_space<semaphore_mem>>)
      %add3A_76 = arith.constant 2 : i32
      %add3A_77 = arith.addi %mul3A_10, %add3A_76 : i32
      %dma_start3A_78 = arith.constant 256 : i32
      %dma_start3A_79 = arith.constant 0 : i32
      %dma_start3A_80 = tpu.memref_slice %arg11[%dma_start3A_78, %dma_start3A_79] : memref<512x64xf32, #tpu.memory_space<vmem>> -> memref<128x64xf32, #tpu.memory_space<vmem>>
      %dma_start3A_81 = arith.constant 0 : i32
      %dma_start3A_82 = tpu.memref_slice %arg9[%add3A_77, %dma_start3A_81] : memref<200x128xi32, #tpu.memory_space<vmem>> -> memref<1x128xi32, #tpu.memory_space<vmem>>
      %dma_start3A_83 = tpu.memref_squeeze %dma_start3A_82 : memref<1x128xi32, #tpu.memory_space<vmem>> -> memref<128xi32, #tpu.memory_space<vmem>>
      %dma_start3A_84 = arith.constant 0 : i32
      %dma_start3A_85 = arith.constant 0 : i32
      %dma_start3A_86 = tpu.memref_slice %arg3[%dma_start3A_84, %dma_start3A_85] : memref<50000x64xf32, #tpu.memory_space<hbm>> -> memref<50000x64xf32, #tpu.memory_space<hbm>>
      tpu.enqueue_indirect_dma source(%dma_start3A_86 : memref<50000x64xf32, #tpu.memory_space<hbm>>) target(%dma_start3A_80 : memref<128x64xf32, #tpu.memory_space<vmem>>) offsets(%dma_start3A_83 : memref<128xi32, #tpu.memory_space<vmem>>) semaphore(%arg13 : memref<!tpu.dma_semaphore, #tpu.memory_space<semaphore_mem>>)
      %add3A_87 = arith.constant 3 : i32
      %add3A_88 = arith.addi %mul3A_10, %add3A_87 : i32
      %dma_start3A_89 = arith.constant 384 : i32
      %dma_start3A_90 = arith.constant 0 : i32
      %dma_start3A_91 = tpu.memref_slice %arg11[%dma_start3A_89, %dma_start3A_90] : memref<512x64xf32, #tpu.memory_space<vmem>> -> memref<128x64xf32, #tpu.memory_space<vmem>>
      %dma_start3A_92 = arith.constant 0 : i32
      %dma_start3A_93 = tpu.memref_slice %arg9[%add3A_88, %dma_start3A_92] : memref<200x128xi32, #tpu.memory_space<vmem>> -> memref<1x128xi32, #tpu.memory_space<vmem>>
      %dma_start3A_94 = tpu.memref_squeeze %dma_start3A_93 : memref<1x128xi32, #tpu.memory_space<vmem>> -> memref<128xi32, #tpu.memory_space<vmem>>
      %dma_start3A_95 = arith.constant 0 : i32
      %dma_start3A_96 = arith.constant 0 : i32
      %dma_start3A_97 = tpu.memref_slice %arg3[%dma_start3A_95, %dma_start3A_96] : memref<50000x64xf32, #tpu.memory_space<hbm>> -> memref<50000x64xf32, #tpu.memory_space<hbm>>
      tpu.enqueue_indirect_dma source(%dma_start3A_97 : memref<50000x64xf32, #tpu.memory_space<hbm>>) target(%dma_start3A_91 : memref<128x64xf32, #tpu.memory_space<vmem>>) offsets(%dma_start3A_94 : memref<128xi32, #tpu.memory_space<vmem>>) semaphore(%arg13 : memref<!tpu.dma_semaphore, #tpu.memory_space<semaphore_mem>>)
      %dma_wait3A = arith.constant 0 : i32
      %dma_wait3A_98 = arith.constant 0 : i32
      %dma_wait3A_99 = tpu.memref_slice %arg10[%dma_wait3A, %dma_wait3A_98] : memref<512x64xf32, #tpu.memory_space<vmem>> -> memref<128x64xf32, #tpu.memory_space<vmem>>
      %dma_wait3A_100 = arith.constant 0 : i32
      %dma_wait3A_101 = tpu.memref_slice %arg8[%add3A_12, %dma_wait3A_100] : memref<200x128xi32, #tpu.memory_space<vmem>> -> memref<1x128xi32, #tpu.memory_space<vmem>>
      %dma_wait3A_102 = tpu.memref_squeeze %dma_wait3A_101 : memref<1x128xi32, #tpu.memory_space<vmem>> -> memref<128xi32, #tpu.memory_space<vmem>>
      %dma_wait3A_103 = arith.constant 0 : i32
      %dma_wait3A_104 = arith.constant 0 : i32
      %dma_wait3A_105 = tpu.memref_slice %arg2[%dma_wait3A_103, %dma_wait3A_104] : memref<50000x64xf32, #tpu.memory_space<hbm>> -> memref<50000x64xf32, #tpu.memory_space<hbm>>
      tpu.wait_indirect_dma semaphore(%arg12 : memref<!tpu.dma_semaphore, #tpu.memory_space<semaphore_mem>>) src(%dma_wait3A_105 : memref<50000x64xf32, #tpu.memory_space<hbm>>) dst(%dma_wait3A_99 : memref<128x64xf32, #tpu.memory_space<vmem>>)
      %dma_wait3A_106 = arith.constant 128 : i32
      %dma_wait3A_107 = arith.constant 0 : i32
      %dma_wait3A_108 = tpu.memref_slice %arg10[%dma_wait3A_106, %dma_wait3A_107] : memref<512x64xf32, #tpu.memory_space<vmem>> -> memref<128x64xf32, #tpu.memory_space<vmem>>
      %dma_wait3A_109 = arith.constant 0 : i32
      %dma_wait3A_110 = tpu.memref_slice %arg8[%add3A_22, %dma_wait3A_109] : memref<200x128xi32, #tpu.memory_space<vmem>> -> memref<1x128xi32, #tpu.memory_space<vmem>>
      %dma_wait3A_111 = tpu.memref_squeeze %dma_wait3A_110 : memref<1x128xi32, #tpu.memory_space<vmem>> -> memref<128xi32, #tpu.memory_space<vmem>>
      %dma_wait3A_112 = arith.constant 0 : i32
      %dma_wait3A_113 = arith.constant 0 : i32
      %dma_wait3A_114 = tpu.memref_slice %arg2[%dma_wait3A_112, %dma_wait3A_113] : memref<50000x64xf32, #tpu.memory_space<hbm>> -> memref<50000x64xf32, #tpu.memory_space<hbm>>
      tpu.wait_indirect_dma semaphore(%arg12 : memref<!tpu.dma_semaphore, #tpu.memory_space<semaphore_mem>>) src(%dma_wait3A_114 : memref<50000x64xf32, #tpu.memory_space<hbm>>) dst(%dma_wait3A_108 : memref<128x64xf32, #tpu.memory_space<vmem>>)
      %dma_wait3A_115 = arith.constant 256 : i32
      %dma_wait3A_116 = arith.constant 0 : i32
      %dma_wait3A_117 = tpu.memref_slice %arg10[%dma_wait3A_115, %dma_wait3A_116] : memref<512x64xf32, #tpu.memory_space<vmem>> -> memref<128x64xf32, #tpu.memory_space<vmem>>
      %dma_wait3A_118 = arith.constant 0 : i32
      %dma_wait3A_119 = tpu.memref_slice %arg8[%add3A_33, %dma_wait3A_118] : memref<200x128xi32, #tpu.memory_space<vmem>> -> memref<1x128xi32, #tpu.memory_space<vmem>>
      %dma_wait3A_120 = tpu.memref_squeeze %dma_wait3A_119 : memref<1x128xi32, #tpu.memory_space<vmem>> -> memref<128xi32, #tpu.memory_space<vmem>>
      %dma_wait3A_121 = arith.constant 0 : i32
      %dma_wait3A_122 = arith.constant 0 : i32
      %dma_wait3A_123 = tpu.memref_slice %arg2[%dma_wait3A_121, %dma_wait3A_122] : memref<50000x64xf32, #tpu.memory_space<hbm>> -> memref<50000x64xf32, #tpu.memory_space<hbm>>
      tpu.wait_indirect_dma semaphore(%arg12 : memref<!tpu.dma_semaphore, #tpu.memory_space<semaphore_mem>>) src(%dma_wait3A_123 : memref<50000x64xf32, #tpu.memory_space<hbm>>) dst(%dma_wait3A_117 : memref<128x64xf32, #tpu.memory_space<vmem>>)
      %dma_wait3A_124 = arith.constant 384 : i32
      %dma_wait3A_125 = arith.constant 0 : i32
      %dma_wait3A_126 = tpu.memref_slice %arg10[%dma_wait3A_124, %dma_wait3A_125] : memref<512x64xf32, #tpu.memory_space<vmem>> -> memref<128x64xf32, #tpu.memory_space<vmem>>
      %dma_wait3A_127 = arith.constant 0 : i32
      %dma_wait3A_128 = tpu.memref_slice %arg8[%add3A_44, %dma_wait3A_127] : memref<200x128xi32, #tpu.memory_space<vmem>> -> memref<1x128xi32, #tpu.memory_space<vmem>>
      %dma_wait3A_129 = tpu.memref_squeeze %dma_wait3A_128 : memref<1x128xi32, #tpu.memory_space<vmem>> -> memref<128xi32, #tpu.memory_space<vmem>>
      %dma_wait3A_130 = arith.constant 0 : i32
      %dma_wait3A_131 = arith.constant 0 : i32
      %dma_wait3A_132 = tpu.memref_slice %arg2[%dma_wait3A_130, %dma_wait3A_131] : memref<50000x64xf32, #tpu.memory_space<hbm>> -> memref<50000x64xf32, #tpu.memory_space<hbm>>
      tpu.wait_indirect_dma semaphore(%arg12 : memref<!tpu.dma_semaphore, #tpu.memory_space<semaphore_mem>>) src(%dma_wait3A_132 : memref<50000x64xf32, #tpu.memory_space<hbm>>) dst(%dma_wait3A_126 : memref<128x64xf32, #tpu.memory_space<vmem>>)
      %add3A_133 = arith.addi %mul3A_2, %mul3A_10 : i32
      %mul3A_134 = arith.constant 128 : i32
      %mul3A_135 = arith.muli %add3A_133, %mul3A_134 : i32
      "tpu.region"() ({
        %run_scoped3A = tpu.sem_alloc : memref<!tpu.dma_semaphore, #tpu.memory_space<semaphore_mem>>
        %dma_start3A_175 = arith.constant 0 : i32
        %dma_start3A_176 = tpu.memref_slice %arg6[%mul3A_135, %dma_start3A_175] : memref<819200x64xf32, #tpu.memory_space<hbm>> -> memref<512x64xf32, #tpu.memory_space<hbm>>
        %dma_start3A_177 = arith.constant 0 : i32
        %dma_start3A_178 = tpu.memref_slice %arg6[%mul3A_135, %dma_start3A_177] : memref<819200x64xf32, #tpu.memory_space<hbm>> -> memref<512x64xf32, #tpu.memory_space<hbm>>
        tpu.enqueue_dma source(%arg10 : memref<512x64xf32, #tpu.memory_space<vmem>>) target(%dma_start3A_178 : memref<512x64xf32, #tpu.memory_space<hbm>>) target_semaphore(%run_scoped3A : memref<!tpu.dma_semaphore, #tpu.memory_space<semaphore_mem>>)
        %dma_wait3A_179 = arith.constant 0 : i32
        %dma_wait3A_180 = tpu.memref_slice %arg6[%mul3A_135, %dma_wait3A_179] : memref<819200x64xf32, #tpu.memory_space<hbm>> -> memref<512x64xf32, #tpu.memory_space<hbm>>
        %dma_wait3A_181 = arith.constant 0 : i32
        %dma_wait3A_182 = tpu.memref_slice %arg6[%mul3A_135, %dma_wait3A_181] : memref<819200x64xf32, #tpu.memory_space<hbm>> -> memref<512x64xf32, #tpu.memory_space<hbm>>
        tpu.wait_dma2 semaphore(%run_scoped3A : memref<!tpu.dma_semaphore, #tpu.memory_space<semaphore_mem>>) src(%arg10 : memref<512x64xf32, #tpu.memory_space<vmem>>) dst(%dma_wait3A_182 : memref<512x64xf32, #tpu.memory_space<hbm>>)
        tpu.yield
      }) : () -> ()
      %dma_wait3A_136 = arith.constant 0 : i32
      %dma_wait3A_137 = arith.constant 0 : i32
      %dma_wait3A_138 = tpu.memref_slice %arg11[%dma_wait3A_136, %dma_wait3A_137] : memref<512x64xf32, #tpu.memory_space<vmem>> -> memref<128x64xf32, #tpu.memory_space<vmem>>
      %dma_wait3A_139 = arith.constant 0 : i32
      %dma_wait3A_140 = tpu.memref_slice %arg9[%add3A_55, %dma_wait3A_139] : memref<200x128xi32, #tpu.memory_space<vmem>> -> memref<1x128xi32, #tpu.memory_space<vmem>>
      %dma_wait3A_141 = tpu.memref_squeeze %dma_wait3A_140 : memref<1x128xi32, #tpu.memory_space<vmem>> -> memref<128xi32, #tpu.memory_space<vmem>>
      %dma_wait3A_142 = arith.constant 0 : i32
      %dma_wait3A_143 = arith.constant 0 : i32
      %dma_wait3A_144 = tpu.memref_slice %arg3[%dma_wait3A_142, %dma_wait3A_143] : memref<50000x64xf32, #tpu.memory_space<hbm>> -> memref<50000x64xf32, #tpu.memory_space<hbm>>
      tpu.wait_indirect_dma semaphore(%arg13 : memref<!tpu.dma_semaphore, #tpu.memory_space<semaphore_mem>>) src(%dma_wait3A_144 : memref<50000x64xf32, #tpu.memory_space<hbm>>) dst(%dma_wait3A_138 : memref<128x64xf32, #tpu.memory_space<vmem>>)
      %dma_wait3A_145 = arith.constant 128 : i32
      %dma_wait3A_146 = arith.constant 0 : i32
      %dma_wait3A_147 = tpu.memref_slice %arg11[%dma_wait3A_145, %dma_wait3A_146] : memref<512x64xf32, #tpu.memory_space<vmem>> -> memref<128x64xf32, #tpu.memory_space<vmem>>
      %dma_wait3A_148 = arith.constant 0 : i32
      %dma_wait3A_149 = tpu.memref_slice %arg9[%add3A_66, %dma_wait3A_148] : memref<200x128xi32, #tpu.memory_space<vmem>> -> memref<1x128xi32, #tpu.memory_space<vmem>>
      %dma_wait3A_150 = tpu.memref_squeeze %dma_wait3A_149 : memref<1x128xi32, #tpu.memory_space<vmem>> -> memref<128xi32, #tpu.memory_space<vmem>>
      %dma_wait3A_151 = arith.constant 0 : i32
      %dma_wait3A_152 = arith.constant 0 : i32
      %dma_wait3A_153 = tpu.memref_slice %arg3[%dma_wait3A_151, %dma_wait3A_152] : memref<50000x64xf32, #tpu.memory_space<hbm>> -> memref<50000x64xf32, #tpu.memory_space<hbm>>
      tpu.wait_indirect_dma semaphore(%arg13 : memref<!tpu.dma_semaphore, #tpu.memory_space<semaphore_mem>>) src(%dma_wait3A_153 : memref<50000x64xf32, #tpu.memory_space<hbm>>) dst(%dma_wait3A_147 : memref<128x64xf32, #tpu.memory_space<vmem>>)
      %dma_wait3A_154 = arith.constant 256 : i32
      %dma_wait3A_155 = arith.constant 0 : i32
      %dma_wait3A_156 = tpu.memref_slice %arg11[%dma_wait3A_154, %dma_wait3A_155] : memref<512x64xf32, #tpu.memory_space<vmem>> -> memref<128x64xf32, #tpu.memory_space<vmem>>
      %dma_wait3A_157 = arith.constant 0 : i32
      %dma_wait3A_158 = tpu.memref_slice %arg9[%add3A_77, %dma_wait3A_157] : memref<200x128xi32, #tpu.memory_space<vmem>> -> memref<1x128xi32, #tpu.memory_space<vmem>>
      %dma_wait3A_159 = tpu.memref_squeeze %dma_wait3A_158 : memref<1x128xi32, #tpu.memory_space<vmem>> -> memref<128xi32, #tpu.memory_space<vmem>>
      %dma_wait3A_160 = arith.constant 0 : i32
      %dma_wait3A_161 = arith.constant 0 : i32
      %dma_wait3A_162 = tpu.memref_slice %arg3[%dma_wait3A_160, %dma_wait3A_161] : memref<50000x64xf32, #tpu.memory_space<hbm>> -> memref<50000x64xf32, #tpu.memory_space<hbm>>
      tpu.wait_indirect_dma semaphore(%arg13 : memref<!tpu.dma_semaphore, #tpu.memory_space<semaphore_mem>>) src(%dma_wait3A_162 : memref<50000x64xf32, #tpu.memory_space<hbm>>) dst(%dma_wait3A_156 : memref<128x64xf32, #tpu.memory_space<vmem>>)
      %dma_wait3A_163 = arith.constant 384 : i32
      %dma_wait3A_164 = arith.constant 0 : i32
      %dma_wait3A_165 = tpu.memref_slice %arg11[%dma_wait3A_163, %dma_wait3A_164] : memref<512x64xf32, #tpu.memory_space<vmem>> -> memref<128x64xf32, #tpu.memory_space<vmem>>
      %dma_wait3A_166 = arith.constant 0 : i32
      %dma_wait3A_167 = tpu.memref_slice %arg9[%add3A_88, %dma_wait3A_166] : memref<200x128xi32, #tpu.memory_space<vmem>> -> memref<1x128xi32, #tpu.memory_space<vmem>>
      %dma_wait3A_168 = tpu.memref_squeeze %dma_wait3A_167 : memref<1x128xi32, #tpu.memory_space<vmem>> -> memref<128xi32, #tpu.memory_space<vmem>>
      %dma_wait3A_169 = arith.constant 0 : i32
      %dma_wait3A_170 = arith.constant 0 : i32
      %dma_wait3A_171 = tpu.memref_slice %arg3[%dma_wait3A_169, %dma_wait3A_170] : memref<50000x64xf32, #tpu.memory_space<hbm>> -> memref<50000x64xf32, #tpu.memory_space<hbm>>
      tpu.wait_indirect_dma semaphore(%arg13 : memref<!tpu.dma_semaphore, #tpu.memory_space<semaphore_mem>>) src(%dma_wait3A_171 : memref<50000x64xf32, #tpu.memory_space<hbm>>) dst(%dma_wait3A_165 : memref<128x64xf32, #tpu.memory_space<vmem>>)
      %add3A_172 = arith.addi %mul3A_2, %mul3A_10 : i32
      %mul3A_173 = arith.constant 128 : i32
      %mul3A_174 = arith.muli %add3A_172, %mul3A_173 : i32
      "tpu.region"() ({
        %run_scoped3A = tpu.sem_alloc : memref<!tpu.dma_semaphore, #tpu.memory_space<semaphore_mem>>
        %dma_start3A_175 = arith.constant 0 : i32
        %dma_start3A_176 = tpu.memref_slice %arg7[%mul3A_174, %dma_start3A_175] : memref<819200x64xf32, #tpu.memory_space<hbm>> -> memref<512x64xf32, #tpu.memory_space<hbm>>
        %dma_start3A_177 = arith.constant 0 : i32
        %dma_start3A_178 = tpu.memref_slice %arg7[%mul3A_174, %dma_start3A_177] : memref<819200x64xf32, #tpu.memory_space<hbm>> -> memref<512x64xf32, #tpu.memory_space<hbm>>
        tpu.enqueue_dma source(%arg11 : memref<512x64xf32, #tpu.memory_space<vmem>>) target(%dma_start3A_178 : memref<512x64xf32, #tpu.memory_space<hbm>>) target_semaphore(%run_scoped3A : memref<!tpu.dma_semaphore, #tpu.memory_space<semaphore_mem>>)
        %dma_wait3A_179 = arith.constant 0 : i32
        %dma_wait3A_180 = tpu.memref_slice %arg7[%mul3A_174, %dma_wait3A_179] : memref<819200x64xf32, #tpu.memory_space<hbm>> -> memref<512x64xf32, #tpu.memory_space<hbm>>
        %dma_wait3A_181 = arith.constant 0 : i32
        %dma_wait3A_182 = tpu.memref_slice %arg7[%mul3A_174, %dma_wait3A_181] : memref<819200x64xf32, #tpu.memory_space<hbm>> -> memref<512x64xf32, #tpu.memory_space<hbm>>
        tpu.wait_dma2 semaphore(%run_scoped3A : memref<!tpu.dma_semaphore, #tpu.memory_space<semaphore_mem>>) src(%arg11 : memref<512x64xf32, #tpu.memory_space<vmem>>) dst(%dma_wait3A_182 : memref<512x64xf32, #tpu.memory_space<hbm>>)
        tpu.yield
      }) : () -> ()
    }
    %scan3A_7 = arith.constant 50 : i32
    return
  }
}

#map = affine_map<(d0, d1) -> (0, 0)>
module attributes {stable_mosaic.version = 14 : i64} {
  func.func @_sc_gather2_body(%arg0: i32, %arg1: i32, %arg2: memref<50000x64xf32, #tpu.memory_space<hbm>>, %arg3: memref<50000x64xf32, #tpu.memory_space<hbm>>, %arg4: memref<6400x128xi32, #tpu.memory_space<hbm>>, %arg5: memref<6400x128xi32, #tpu.memory_space<hbm>>, %arg6: memref<819200x64xf32, #tpu.memory_space<hbm>>, %arg7: memref<819200x64xf32, #tpu.memory_space<hbm>>, %arg8: memref<200x128xi32, #tpu.memory_space<vmem>>, %arg9: memref<200x128xi32, #tpu.memory_space<vmem>>, %arg10: memref<512x64xf32, #tpu.memory_space<vmem>>, %arg11: memref<512x64xf32, #tpu.memory_space<vmem>>, %arg12: memref<!tpu.dma_semaphore, #tpu.memory_space<semaphore_mem>>, %arg13: memref<!tpu.dma_semaphore, #tpu.memory_space<semaphore_mem>>) attributes {dimension_semantics = [#tpu.dimension_semantics<core_parallel>, #tpu.dimension_semantics<subcore_parallel>], iteration_bounds = array<i64: 2, 16>, scalar_prefetch = 0 : i64, scratch_operands = 6 : i64, tpu.core_type = #tpu.core_type<sc_vector_subcore>, window_params = [{transform_indices = #map}, {transform_indices = #map}, {transform_indices = #map}, {transform_indices = #map}, {transform_indices = #map}, {transform_indices = #map}]} {
    %mul3A = arith.constant 2 : i32
    %mul3A_0 = arith.muli %arg1, %mul3A : i32
    %add3A = arith.addi %mul3A_0, %arg0 : i32
    %mul3A_1 = arith.constant 200 : i32
    %mul3A_2 = arith.muli %add3A, %mul3A_1 : i32
    "tpu.region"() ({
      %run_scoped3A = tpu.sem_alloc : memref<!tpu.dma_semaphore, #tpu.memory_space<semaphore_mem>>
      %dma_start3A = arith.constant 0 : i32
      %dma_start3A_8 = tpu.memref_slice %arg4[%mul3A_2, %dma_start3A] : memref<6400x128xi32, #tpu.memory_space<hbm>> -> memref<200x128xi32, #tpu.memory_space<hbm>>
      %dma_start3A_9 = arith.constant 0 : i32
      %dma_start3A_10 = tpu.memref_slice %arg4[%mul3A_2, %dma_start3A_9] : memref<6400x128xi32, #tpu.memory_space<hbm>> -> memref<200x128xi32, #tpu.memory_space<hbm>>
      tpu.enqueue_dma source(%dma_start3A_10 : memref<200x128xi32, #tpu.memory_space<hbm>>) target(%arg8 : memref<200x128xi32, #tpu.memory_space<vmem>>) target_semaphore(%run_scoped3A : memref<!tpu.dma_semaphore, #tpu.memory_space<semaphore_mem>>)
      %dma_wait3A = arith.constant 0 : i32
      %dma_wait3A_11 = tpu.memref_slice %arg4[%mul3A_2, %dma_wait3A] : memref<6400x128xi32, #tpu.memory_space<hbm>> -> memref<200x128xi32, #tpu.memory_space<hbm>>
      %dma_wait3A_12 = arith.constant 0 : i32
      %dma_wait3A_13 = tpu.memref_slice %arg4[%mul3A_2, %dma_wait3A_12] : memref<6400x128xi32, #tpu.memory_space<hbm>> -> memref<200x128xi32, #tpu.memory_space<hbm>>
      tpu.wait_dma2 semaphore(%run_scoped3A : memref<!tpu.dma_semaphore, #tpu.memory_space<semaphore_mem>>) src(%dma_wait3A_13 : memref<200x128xi32, #tpu.memory_space<hbm>>) dst(%arg8 : memref<200x128xi32, #tpu.memory_space<vmem>>)
      tpu.yield
    }) : () -> ()
    "tpu.region"() ({
      %run_scoped3A = tpu.sem_alloc : memref<!tpu.dma_semaphore, #tpu.memory_space<semaphore_mem>>
      %dma_start3A = arith.constant 0 : i32
      %dma_start3A_8 = tpu.memref_slice %arg5[%mul3A_2, %dma_start3A] : memref<6400x128xi32, #tpu.memory_space<hbm>> -> memref<200x128xi32, #tpu.memory_space<hbm>>
      %dma_start3A_9 = arith.constant 0 : i32
      %dma_start3A_10 = tpu.memref_slice %arg5[%mul3A_2, %dma_start3A_9] : memref<6400x128xi32, #tpu.memory_space<hbm>> -> memref<200x128xi32, #tpu.memory_space<hbm>>
      tpu.enqueue_dma source(%dma_start3A_10 : memref<200x128xi32, #tpu.memory_space<hbm>>) target(%arg9 : memref<200x128xi32, #tpu.memory_space<vmem>>) target_semaphore(%run_scoped3A : memref<!tpu.dma_semaphore, #tpu.memory_space<semaphore_mem>>)
      %dma_wait3A = arith.constant 0 : i32
      %dma_wait3A_11 = tpu.memref_slice %arg5[%mul3A_2, %dma_wait3A] : memref<6400x128xi32, #tpu.memory_space<hbm>> -> memref<200x128xi32, #tpu.memory_space<hbm>>
      %dma_wait3A_12 = arith.constant 0 : i32
      %dma_wait3A_13 = tpu.memref_slice %arg5[%mul3A_2, %dma_wait3A_12] : memref<6400x128xi32, #tpu.memory_space<hbm>> -> memref<200x128xi32, #tpu.memory_space<hbm>>
      tpu.wait_dma2 semaphore(%run_scoped3A : memref<!tpu.dma_semaphore, #tpu.memory_space<semaphore_mem>>) src(%dma_wait3A_13 : memref<200x128xi32, #tpu.memory_space<hbm>>) dst(%arg9 : memref<200x128xi32, #tpu.memory_space<vmem>>)
      tpu.yield
    }) : () -> ()
    %scan3A = arith.constant 0 : i32
    %scan3A_3 = arith.constant 0 : i32
    %scan3A_4 = arith.constant 50 : i32
    %scan3A_5 = arith.addi %scan3A_3, %scan3A_4 : i32
    %scan3A_6 = arith.constant 1 : i32
    scf.for %scan3A_8 = %scan3A_3 to %scan3A_5 step %scan3A_6  : i32 {
      %mul3A_9 = arith.constant 4 : i32
      %mul3A_10 = arith.muli %scan3A_8, %mul3A_9 : i32
      %add3A_11 = arith.constant 0 : i32
      %add3A_12 = arith.addi %mul3A_10, %add3A_11 : i32
      %dma_start3A = arith.constant 0 : i32
      %dma_start3A_13 = arith.constant 0 : i32
      %dma_start3A_14 = tpu.memref_slice %arg10[%dma_start3A, %dma_start3A_13] : memref<512x64xf32, #tpu.memory_space<vmem>> -> memref<128x64xf32, #tpu.memory_space<vmem>>
      %dma_start3A_15 = arith.constant 0 : i32
      %dma_start3A_16 = tpu.memref_slice %arg8[%add3A_12, %dma_start3A_15] : memref<200x128xi32, #tpu.memory_space<vmem>> -> memref<1x128xi32, #tpu.memory_space<vmem>>
      %dma_start3A_17 = tpu.memref_squeeze %dma_start3A_16 : memref<1x128xi32, #tpu.memory_space<vmem>> -> memref<128xi32, #tpu.memory_space<vmem>>
      %dma_start3A_18 = arith.constant 0 : i32
      %dma_start3A_19 = arith.constant 0 : i32
      %dma_start3A_20 = tpu.memref_slice %arg2[%dma_start3A_18, %dma_start3A_19] : memref<50000x64xf32, #tpu.memory_space<hbm>> -> memref<50000x64xf32, #tpu.memory_space<hbm>>
      tpu.enqueue_indirect_dma source(%dma_start3A_20 : memref<50000x64xf32, #tpu.memory_space<hbm>>) target(%dma_start3A_14 : memref<128x64xf32, #tpu.memory_space<vmem>>) offsets(%dma_start3A_17 : memref<128xi32, #tpu.memory_space<vmem>>) semaphore(%arg12 : memref<!tpu.dma_semaphore, #tpu.memory_space<semaphore_mem>>)
      %add3A_21 = arith.constant 1 : i32
      %add3A_22 = arith.addi %mul3A_10, %add3A_21 : i32
      %dma_start3A_23 = arith.constant 128 : i32
      %dma_start3A_24 = arith.constant 0 : i32
      %dma_start3A_25 = tpu.memref_slice %arg10[%dma_start3A_23, %dma_start3A_24] : memref<512x64xf32, #tpu.memory_space<vmem>> -> memref<128x64xf32, #tpu.memory_space<vmem>>
      %dma_start3A_26 = arith.constant 0 : i32
      %dma_start3A_27 = tpu.memref_slice %arg8[%add3A_22, %dma_start3A_26] : memref<200x128xi32, #tpu.memory_space<vmem>> -> memref<1x128xi32, #tpu.memory_space<vmem>>
      %dma_start3A_28 = tpu.memref_squeeze %dma_start3A_27 : memref<1x128xi32, #tpu.memory_space<vmem>> -> memref<128xi32, #tpu.memory_space<vmem>>
      %dma_start3A_29 = arith.constant 0 : i32
      %dma_start3A_30 = arith.constant 0 : i32
      %dma_start3A_31 = tpu.memref_slice %arg2[%dma_start3A_29, %dma_start3A_30] : memref<50000x64xf32, #tpu.memory_space<hbm>> -> memref<50000x64xf32, #tpu.memory_space<hbm>>
      tpu.enqueue_indirect_dma source(%dma_start3A_31 : memref<50000x64xf32, #tpu.memory_space<hbm>>) target(%dma_start3A_25 : memref<128x64xf32, #tpu.memory_space<vmem>>) offsets(%dma_start3A_28 : memref<128xi32, #tpu.memory_space<vmem>>) semaphore(%arg12 : memref<!tpu.dma_semaphore, #tpu.memory_space<semaphore_mem>>)
      %add3A_32 = arith.constant 2 : i32
      %add3A_33 = arith.addi %mul3A_10, %add3A_32 : i32
      %dma_start3A_34 = arith.constant 256 : i32
      %dma_start3A_35 = arith.constant 0 : i32
      %dma_start3A_36 = tpu.memref_slice %arg10[%dma_start3A_34, %dma_start3A_35] : memref<512x64xf32, #tpu.memory_space<vmem>> -> memref<128x64xf32, #tpu.memory_space<vmem>>
      %dma_start3A_37 = arith.constant 0 : i32
      %dma_start3A_38 = tpu.memref_slice %arg8[%add3A_33, %dma_start3A_37] : memref<200x128xi32, #tpu.memory_space<vmem>> -> memref<1x128xi32, #tpu.memory_space<vmem>>
      %dma_start3A_39 = tpu.memref_squeeze %dma_start3A_38 : memref<1x128xi32, #tpu.memory_space<vmem>> -> memref<128xi32, #tpu.memory_space<vmem>>
      %dma_start3A_40 = arith.constant 0 : i32
      %dma_start3A_41 = arith.constant 0 : i32
      %dma_start3A_42 = tpu.memref_slice %arg2[%dma_start3A_40, %dma_start3A_41] : memref<50000x64xf32, #tpu.memory_space<hbm>> -> memref<50000x64xf32, #tpu.memory_space<hbm>>
      tpu.enqueue_indirect_dma source(%dma_start3A_42 : memref<50000x64xf32, #tpu.memory_space<hbm>>) target(%dma_start3A_36 : memref<128x64xf32, #tpu.memory_space<vmem>>) offsets(%dma_start3A_39 : memref<128xi32, #tpu.memory_space<vmem>>) semaphore(%arg12 : memref<!tpu.dma_semaphore, #tpu.memory_space<semaphore_mem>>)
      %add3A_43 = arith.constant 3 : i32
      %add3A_44 = arith.addi %mul3A_10, %add3A_43 : i32
      %dma_start3A_45 = arith.constant 384 : i32
      %dma_start3A_46 = arith.constant 0 : i32
      %dma_start3A_47 = tpu.memref_slice %arg10[%dma_start3A_45, %dma_start3A_46] : memref<512x64xf32, #tpu.memory_space<vmem>> -> memref<128x64xf32, #tpu.memory_space<vmem>>
      %dma_start3A_48 = arith.constant 0 : i32
      %dma_start3A_49 = tpu.memref_slice %arg8[%add3A_44, %dma_start3A_48] : memref<200x128xi32, #tpu.memory_space<vmem>> -> memref<1x128xi32, #tpu.memory_space<vmem>>
      %dma_start3A_50 = tpu.memref_squeeze %dma_start3A_49 : memref<1x128xi32, #tpu.memory_space<vmem>> -> memref<128xi32, #tpu.memory_space<vmem>>
      %dma_start3A_51 = arith.constant 0 : i32
      %dma_start3A_52 = arith.constant 0 : i32
      %dma_start3A_53 = tpu.memref_slice %arg2[%dma_start3A_51, %dma_start3A_52] : memref<50000x64xf32, #tpu.memory_space<hbm>> -> memref<50000x64xf32, #tpu.memory_space<hbm>>
      tpu.enqueue_indirect_dma source(%dma_start3A_53 : memref<50000x64xf32, #tpu.memory_space<hbm>>) target(%dma_start3A_47 : memref<128x64xf32, #tpu.memory_space<vmem>>) offsets(%dma_start3A_50 : memref<128xi32, #tpu.memory_space<vmem>>) semaphore(%arg12 : memref<!tpu.dma_semaphore, #tpu.memory_space<semaphore_mem>>)
      %add3A_54 = arith.constant 0 : i32
      %add3A_55 = arith.addi %mul3A_10, %add3A_54 : i32
      %dma_start3A_56 = arith.constant 0 : i32
      %dma_start3A_57 = arith.constant 0 : i32
      %dma_start3A_58 = tpu.memref_slice %arg11[%dma_start3A_56, %dma_start3A_57] : memref<512x64xf32, #tpu.memory_space<vmem>> -> memref<128x64xf32, #tpu.memory_space<vmem>>
      %dma_start3A_59 = arith.constant 0 : i32
      %dma_start3A_60 = tpu.memref_slice %arg9[%add3A_55, %dma_start3A_59] : memref<200x128xi32, #tpu.memory_space<vmem>> -> memref<1x128xi32, #tpu.memory_space<vmem>>
      %dma_start3A_61 = tpu.memref_squeeze %dma_start3A_60 : memref<1x128xi32, #tpu.memory_space<vmem>> -> memref<128xi32, #tpu.memory_space<vmem>>
      %dma_start3A_62 = arith.constant 0 : i32
      %dma_start3A_63 = arith.constant 0 : i32
      %dma_start3A_64 = tpu.memref_slice %arg3[%dma_start3A_62, %dma_start3A_63] : memref<50000x64xf32, #tpu.memory_space<hbm>> -> memref<50000x64xf32, #tpu.memory_space<hbm>>
      tpu.enqueue_indirect_dma source(%dma_start3A_64 : memref<50000x64xf32, #tpu.memory_space<hbm>>) target(%dma_start3A_58 : memref<128x64xf32, #tpu.memory_space<vmem>>) offsets(%dma_start3A_61 : memref<128xi32, #tpu.memory_space<vmem>>) semaphore(%arg13 : memref<!tpu.dma_semaphore, #tpu.memory_space<semaphore_mem>>)
      %add3A_65 = arith.constant 1 : i32
      %add3A_66 = arith.addi %mul3A_10, %add3A_65 : i32
      %dma_start3A_67 = arith.constant 128 : i32
      %dma_start3A_68 = arith.constant 0 : i32
      %dma_start3A_69 = tpu.memref_slice %arg11[%dma_start3A_67, %dma_start3A_68] : memref<512x64xf32, #tpu.memory_space<vmem>> -> memref<128x64xf32, #tpu.memory_space<vmem>>
      %dma_start3A_70 = arith.constant 0 : i32
      %dma_start3A_71 = tpu.memref_slice %arg9[%add3A_66, %dma_start3A_70] : memref<200x128xi32, #tpu.memory_space<vmem>> -> memref<1x128xi32, #tpu.memory_space<vmem>>
      %dma_start3A_72 = tpu.memref_squeeze %dma_start3A_71 : memref<1x128xi32, #tpu.memory_space<vmem>> -> memref<128xi32, #tpu.memory_space<vmem>>
      %dma_start3A_73 = arith.constant 0 : i32
      %dma_start3A_74 = arith.constant 0 : i32
      %dma_start3A_75 = tpu.memref_slice %arg3[%dma_start3A_73, %dma_start3A_74] : memref<50000x64xf32, #tpu.memory_space<hbm>> -> memref<50000x64xf32, #tpu.memory_space<hbm>>
      tpu.enqueue_indirect_dma source(%dma_start3A_75 : memref<50000x64xf32, #tpu.memory_space<hbm>>) target(%dma_start3A_69 : memref<128x64xf32, #tpu.memory_space<vmem>>) offsets(%dma_start3A_72 : memref<128xi32, #tpu.memory_space<vmem>>) semaphore(%arg13 : memref<!tpu.dma_semaphore, #tpu.memory_space<semaphore_mem>>)
      %add3A_76 = arith.constant 2 : i32
      %add3A_77 = arith.addi %mul3A_10, %add3A_76 : i32
      %dma_start3A_78 = arith.constant 256 : i32
      %dma_start3A_79 = arith.constant 0 : i32
      %dma_start3A_80 = tpu.memref_slice %arg11[%dma_start3A_78, %dma_start3A_79] : memref<512x64xf32, #tpu.memory_space<vmem>> -> memref<128x64xf32, #tpu.memory_space<vmem>>
      %dma_start3A_81 = arith.constant 0 : i32
      %dma_start3A_82 = tpu.memref_slice %arg9[%add3A_77, %dma_start3A_81] : memref<200x128xi32, #tpu.memory_space<vmem>> -> memref<1x128xi32, #tpu.memory_space<vmem>>
      %dma_start3A_83 = tpu.memref_squeeze %dma_start3A_82 : memref<1x128xi32, #tpu.memory_space<vmem>> -> memref<128xi32, #tpu.memory_space<vmem>>
      %dma_start3A_84 = arith.constant 0 : i32
      %dma_start3A_85 = arith.constant 0 : i32
      %dma_start3A_86 = tpu.memref_slice %arg3[%dma_start3A_84, %dma_start3A_85] : memref<50000x64xf32, #tpu.memory_space<hbm>> -> memref<50000x64xf32, #tpu.memory_space<hbm>>
      tpu.enqueue_indirect_dma source(%dma_start3A_86 : memref<50000x64xf32, #tpu.memory_space<hbm>>) target(%dma_start3A_80 : memref<128x64xf32, #tpu.memory_space<vmem>>) offsets(%dma_start3A_83 : memref<128xi32, #tpu.memory_space<vmem>>) semaphore(%arg13 : memref<!tpu.dma_semaphore, #tpu.memory_space<semaphore_mem>>)
      %add3A_87 = arith.constant 3 : i32
      %add3A_88 = arith.addi %mul3A_10, %add3A_87 : i32
      %dma_start3A_89 = arith.constant 384 : i32
      %dma_start3A_90 = arith.constant 0 : i32
      %dma_start3A_91 = tpu.memref_slice %arg11[%dma_start3A_89, %dma_start3A_90] : memref<512x64xf32, #tpu.memory_space<vmem>> -> memref<128x64xf32, #tpu.memory_space<vmem>>
      %dma_start3A_92 = arith.constant 0 : i32
      %dma_start3A_93 = tpu.memref_slice %arg9[%add3A_88, %dma_start3A_92] : memref<200x128xi32, #tpu.memory_space<vmem>> -> memref<1x128xi32, #tpu.memory_space<vmem>>
      %dma_start3A_94 = tpu.memref_squeeze %dma_start3A_93 : memref<1x128xi32, #tpu.memory_space<vmem>> -> memref<128xi32, #tpu.memory_space<vmem>>
      %dma_start3A_95 = arith.constant 0 : i32
      %dma_start3A_96 = arith.constant 0 : i32
      %dma_start3A_97 = tpu.memref_slice %arg3[%dma_start3A_95, %dma_start3A_96] : memref<50000x64xf32, #tpu.memory_space<hbm>> -> memref<50000x64xf32, #tpu.memory_space<hbm>>
      tpu.enqueue_indirect_dma source(%dma_start3A_97 : memref<50000x64xf32, #tpu.memory_space<hbm>>) target(%dma_start3A_91 : memref<128x64xf32, #tpu.memory_space<vmem>>) offsets(%dma_start3A_94 : memref<128xi32, #tpu.memory_space<vmem>>) semaphore(%arg13 : memref<!tpu.dma_semaphore, #tpu.memory_space<semaphore_mem>>)
      %dma_wait3A = arith.constant 0 : i32
      %dma_wait3A_98 = arith.constant 0 : i32
      %dma_wait3A_99 = tpu.memref_slice %arg10[%dma_wait3A, %dma_wait3A_98] : memref<512x64xf32, #tpu.memory_space<vmem>> -> memref<128x64xf32, #tpu.memory_space<vmem>>
      %dma_wait3A_100 = arith.constant 0 : i32
      %dma_wait3A_101 = tpu.memref_slice %arg8[%add3A_12, %dma_wait3A_100] : memref<200x128xi32, #tpu.memory_space<vmem>> -> memref<1x128xi32, #tpu.memory_space<vmem>>
      %dma_wait3A_102 = tpu.memref_squeeze %dma_wait3A_101 : memref<1x128xi32, #tpu.memory_space<vmem>> -> memref<128xi32, #tpu.memory_space<vmem>>
      %dma_wait3A_103 = arith.constant 0 : i32
      %dma_wait3A_104 = arith.constant 0 : i32
      %dma_wait3A_105 = tpu.memref_slice %arg2[%dma_wait3A_103, %dma_wait3A_104] : memref<50000x64xf32, #tpu.memory_space<hbm>> -> memref<50000x64xf32, #tpu.memory_space<hbm>>
      tpu.wait_indirect_dma semaphore(%arg12 : memref<!tpu.dma_semaphore, #tpu.memory_space<semaphore_mem>>) src(%dma_wait3A_105 : memref<50000x64xf32, #tpu.memory_space<hbm>>) dst(%dma_wait3A_99 : memref<128x64xf32, #tpu.memory_space<vmem>>)
      %dma_wait3A_106 = arith.constant 128 : i32
      %dma_wait3A_107 = arith.constant 0 : i32
      %dma_wait3A_108 = tpu.memref_slice %arg10[%dma_wait3A_106, %dma_wait3A_107] : memref<512x64xf32, #tpu.memory_space<vmem>> -> memref<128x64xf32, #tpu.memory_space<vmem>>
      %dma_wait3A_109 = arith.constant 0 : i32
      %dma_wait3A_110 = tpu.memref_slice %arg8[%add3A_22, %dma_wait3A_109] : memref<200x128xi32, #tpu.memory_space<vmem>> -> memref<1x128xi32, #tpu.memory_space<vmem>>
      %dma_wait3A_111 = tpu.memref_squeeze %dma_wait3A_110 : memref<1x128xi32, #tpu.memory_space<vmem>> -> memref<128xi32, #tpu.memory_space<vmem>>
      %dma_wait3A_112 = arith.constant 0 : i32
      %dma_wait3A_113 = arith.constant 0 : i32
      %dma_wait3A_114 = tpu.memref_slice %arg2[%dma_wait3A_112, %dma_wait3A_113] : memref<50000x64xf32, #tpu.memory_space<hbm>> -> memref<50000x64xf32, #tpu.memory_space<hbm>>
      tpu.wait_indirect_dma semaphore(%arg12 : memref<!tpu.dma_semaphore, #tpu.memory_space<semaphore_mem>>) src(%dma_wait3A_114 : memref<50000x64xf32, #tpu.memory_space<hbm>>) dst(%dma_wait3A_108 : memref<128x64xf32, #tpu.memory_space<vmem>>)
      %dma_wait3A_115 = arith.constant 256 : i32
      %dma_wait3A_116 = arith.constant 0 : i32
      %dma_wait3A_117 = tpu.memref_slice %arg10[%dma_wait3A_115, %dma_wait3A_116] : memref<512x64xf32, #tpu.memory_space<vmem>> -> memref<128x64xf32, #tpu.memory_space<vmem>>
      %dma_wait3A_118 = arith.constant 0 : i32
      %dma_wait3A_119 = tpu.memref_slice %arg8[%add3A_33, %dma_wait3A_118] : memref<200x128xi32, #tpu.memory_space<vmem>> -> memref<1x128xi32, #tpu.memory_space<vmem>>
      %dma_wait3A_120 = tpu.memref_squeeze %dma_wait3A_119 : memref<1x128xi32, #tpu.memory_space<vmem>> -> memref<128xi32, #tpu.memory_space<vmem>>
      %dma_wait3A_121 = arith.constant 0 : i32
      %dma_wait3A_122 = arith.constant 0 : i32
      %dma_wait3A_123 = tpu.memref_slice %arg2[%dma_wait3A_121, %dma_wait3A_122] : memref<50000x64xf32, #tpu.memory_space<hbm>> -> memref<50000x64xf32, #tpu.memory_space<hbm>>
      tpu.wait_indirect_dma semaphore(%arg12 : memref<!tpu.dma_semaphore, #tpu.memory_space<semaphore_mem>>) src(%dma_wait3A_123 : memref<50000x64xf32, #tpu.memory_space<hbm>>) dst(%dma_wait3A_117 : memref<128x64xf32, #tpu.memory_space<vmem>>)
      %dma_wait3A_124 = arith.constant 384 : i32
      %dma_wait3A_125 = arith.constant 0 : i32
      %dma_wait3A_126 = tpu.memref_slice %arg10[%dma_wait3A_124, %dma_wait3A_125] : memref<512x64xf32, #tpu.memory_space<vmem>> -> memref<128x64xf32, #tpu.memory_space<vmem>>
      %dma_wait3A_127 = arith.constant 0 : i32
      %dma_wait3A_128 = tpu.memref_slice %arg8[%add3A_44, %dma_wait3A_127] : memref<200x128xi32, #tpu.memory_space<vmem>> -> memref<1x128xi32, #tpu.memory_space<vmem>>
      %dma_wait3A_129 = tpu.memref_squeeze %dma_wait3A_128 : memref<1x128xi32, #tpu.memory_space<vmem>> -> memref<128xi32, #tpu.memory_space<vmem>>
      %dma_wait3A_130 = arith.constant 0 : i32
      %dma_wait3A_131 = arith.constant 0 : i32
      %dma_wait3A_132 = tpu.memref_slice %arg2[%dma_wait3A_130, %dma_wait3A_131] : memref<50000x64xf32, #tpu.memory_space<hbm>> -> memref<50000x64xf32, #tpu.memory_space<hbm>>
      tpu.wait_indirect_dma semaphore(%arg12 : memref<!tpu.dma_semaphore, #tpu.memory_space<semaphore_mem>>) src(%dma_wait3A_132 : memref<50000x64xf32, #tpu.memory_space<hbm>>) dst(%dma_wait3A_126 : memref<128x64xf32, #tpu.memory_space<vmem>>)
      %add3A_133 = arith.addi %mul3A_2, %mul3A_10 : i32
      %mul3A_134 = arith.constant 128 : i32
      %mul3A_135 = arith.muli %add3A_133, %mul3A_134 : i32
      "tpu.region"() ({
        %run_scoped3A = tpu.sem_alloc : memref<!tpu.dma_semaphore, #tpu.memory_space<semaphore_mem>>
        %dma_start3A_175 = arith.constant 0 : i32
        %dma_start3A_176 = tpu.memref_slice %arg6[%mul3A_135, %dma_start3A_175] : memref<819200x64xf32, #tpu.memory_space<hbm>> -> memref<512x64xf32, #tpu.memory_space<hbm>>
        %dma_start3A_177 = arith.constant 0 : i32
        %dma_start3A_178 = tpu.memref_slice %arg6[%mul3A_135, %dma_start3A_177] : memref<819200x64xf32, #tpu.memory_space<hbm>> -> memref<512x64xf32, #tpu.memory_space<hbm>>
        tpu.enqueue_dma source(%arg10 : memref<512x64xf32, #tpu.memory_space<vmem>>) target(%dma_start3A_178 : memref<512x64xf32, #tpu.memory_space<hbm>>) target_semaphore(%run_scoped3A : memref<!tpu.dma_semaphore, #tpu.memory_space<semaphore_mem>>)
        %dma_wait3A_179 = arith.constant 0 : i32
        %dma_wait3A_180 = tpu.memref_slice %arg6[%mul3A_135, %dma_wait3A_179] : memref<819200x64xf32, #tpu.memory_space<hbm>> -> memref<512x64xf32, #tpu.memory_space<hbm>>
        %dma_wait3A_181 = arith.constant 0 : i32
        %dma_wait3A_182 = tpu.memref_slice %arg6[%mul3A_135, %dma_wait3A_181] : memref<819200x64xf32, #tpu.memory_space<hbm>> -> memref<512x64xf32, #tpu.memory_space<hbm>>
        tpu.wait_dma2 semaphore(%run_scoped3A : memref<!tpu.dma_semaphore, #tpu.memory_space<semaphore_mem>>) src(%arg10 : memref<512x64xf32, #tpu.memory_space<vmem>>) dst(%dma_wait3A_182 : memref<512x64xf32, #tpu.memory_space<hbm>>)
        tpu.yield
      }) : () -> ()
      %dma_wait3A_136 = arith.constant 0 : i32
      %dma_wait3A_137 = arith.constant 0 : i32
      %dma_wait3A_138 = tpu.memref_slice %arg11[%dma_wait3A_136, %dma_wait3A_137] : memref<512x64xf32, #tpu.memory_space<vmem>> -> memref<128x64xf32, #tpu.memory_space<vmem>>
      %dma_wait3A_139 = arith.constant 0 : i32
      %dma_wait3A_140 = tpu.memref_slice %arg9[%add3A_55, %dma_wait3A_139] : memref<200x128xi32, #tpu.memory_space<vmem>> -> memref<1x128xi32, #tpu.memory_space<vmem>>
      %dma_wait3A_141 = tpu.memref_squeeze %dma_wait3A_140 : memref<1x128xi32, #tpu.memory_space<vmem>> -> memref<128xi32, #tpu.memory_space<vmem>>
      %dma_wait3A_142 = arith.constant 0 : i32
      %dma_wait3A_143 = arith.constant 0 : i32
      %dma_wait3A_144 = tpu.memref_slice %arg3[%dma_wait3A_142, %dma_wait3A_143] : memref<50000x64xf32, #tpu.memory_space<hbm>> -> memref<50000x64xf32, #tpu.memory_space<hbm>>
      tpu.wait_indirect_dma semaphore(%arg13 : memref<!tpu.dma_semaphore, #tpu.memory_space<semaphore_mem>>) src(%dma_wait3A_144 : memref<50000x64xf32, #tpu.memory_space<hbm>>) dst(%dma_wait3A_138 : memref<128x64xf32, #tpu.memory_space<vmem>>)
      %dma_wait3A_145 = arith.constant 128 : i32
      %dma_wait3A_146 = arith.constant 0 : i32
      %dma_wait3A_147 = tpu.memref_slice %arg11[%dma_wait3A_145, %dma_wait3A_146] : memref<512x64xf32, #tpu.memory_space<vmem>> -> memref<128x64xf32, #tpu.memory_space<vmem>>
      %dma_wait3A_148 = arith.constant 0 : i32
      %dma_wait3A_149 = tpu.memref_slice %arg9[%add3A_66, %dma_wait3A_148] : memref<200x128xi32, #tpu.memory_space<vmem>> -> memref<1x128xi32, #tpu.memory_space<vmem>>
      %dma_wait3A_150 = tpu.memref_squeeze %dma_wait3A_149 : memref<1x128xi32, #tpu.memory_space<vmem>> -> memref<128xi32, #tpu.memory_space<vmem>>
      %dma_wait3A_151 = arith.constant 0 : i32
      %dma_wait3A_152 = arith.constant 0 : i32
      %dma_wait3A_153 = tpu.memref_slice %arg3[%dma_wait3A_151, %dma_wait3A_152] : memref<50000x64xf32, #tpu.memory_space<hbm>> -> memref<50000x64xf32, #tpu.memory_space<hbm>>
      tpu.wait_indirect_dma semaphore(%arg13 : memref<!tpu.dma_semaphore, #tpu.memory_space<semaphore_mem>>) src(%dma_wait3A_153 : memref<50000x64xf32, #tpu.memory_space<hbm>>) dst(%dma_wait3A_147 : memref<128x64xf32, #tpu.memory_space<vmem>>)
      %dma_wait3A_154 = arith.constant 256 : i32
      %dma_wait3A_155 = arith.constant 0 : i32
      %dma_wait3A_156 = tpu.memref_slice %arg11[%dma_wait3A_154, %dma_wait3A_155] : memref<512x64xf32, #tpu.memory_space<vmem>> -> memref<128x64xf32, #tpu.memory_space<vmem>>
      %dma_wait3A_157 = arith.constant 0 : i32
      %dma_wait3A_158 = tpu.memref_slice %arg9[%add3A_77, %dma_wait3A_157] : memref<200x128xi32, #tpu.memory_space<vmem>> -> memref<1x128xi32, #tpu.memory_space<vmem>>
      %dma_wait3A_159 = tpu.memref_squeeze %dma_wait3A_158 : memref<1x128xi32, #tpu.memory_space<vmem>> -> memref<128xi32, #tpu.memory_space<vmem>>
      %dma_wait3A_160 = arith.constant 0 : i32
      %dma_wait3A_161 = arith.constant 0 : i32
      %dma_wait3A_162 = tpu.memref_slice %arg3[%dma_wait3A_160, %dma_wait3A_161] : memref<50000x64xf32, #tpu.memory_space<hbm>> -> memref<50000x64xf32, #tpu.memory_space<hbm>>
      tpu.wait_indirect_dma semaphore(%arg13 : memref<!tpu.dma_semaphore, #tpu.memory_space<semaphore_mem>>) src(%dma_wait3A_162 : memref<50000x64xf32, #tpu.memory_space<hbm>>) dst(%dma_wait3A_156 : memref<128x64xf32, #tpu.memory_space<vmem>>)
      %dma_wait3A_163 = arith.constant 384 : i32
      %dma_wait3A_164 = arith.constant 0 : i32
      %dma_wait3A_165 = tpu.memref_slice %arg11[%dma_wait3A_163, %dma_wait3A_164] : memref<512x64xf32, #tpu.memory_space<vmem>> -> memref<128x64xf32, #tpu.memory_space<vmem>>
      %dma_wait3A_166 = arith.constant 0 : i32
      %dma_wait3A_167 = tpu.memref_slice %arg9[%add3A_88, %dma_wait3A_166] : memref<200x128xi32, #tpu.memory_space<vmem>> -> memref<1x128xi32, #tpu.memory_space<vmem>>
      %dma_wait3A_168 = tpu.memref_squeeze %dma_wait3A_167 : memref<1x128xi32, #tpu.memory_space<vmem>> -> memref<128xi32, #tpu.memory_space<vmem>>
      %dma_wait3A_169 = arith.constant 0 : i32
      %dma_wait3A_170 = arith.constant 0 : i32
      %dma_wait3A_171 = tpu.memref_slice %arg3[%dma_wait3A_169, %dma_wait3A_170] : memref<50000x64xf32, #tpu.memory_space<hbm>> -> memref<50000x64xf32, #tpu.memory_space<hbm>>
      tpu.wait_indirect_dma semaphore(%arg13 : memref<!tpu.dma_semaphore, #tpu.memory_space<semaphore_mem>>) src(%dma_wait3A_171 : memref<50000x64xf32, #tpu.memory_space<hbm>>) dst(%dma_wait3A_165 : memref<128x64xf32, #tpu.memory_space<vmem>>)
      %add3A_172 = arith.addi %mul3A_2, %mul3A_10 : i32
      %mul3A_173 = arith.constant 128 : i32
      %mul3A_174 = arith.muli %add3A_172, %mul3A_173 : i32
      "tpu.region"() ({
        %run_scoped3A = tpu.sem_alloc : memref<!tpu.dma_semaphore, #tpu.memory_space<semaphore_mem>>
        %dma_start3A_175 = arith.constant 0 : i32
        %dma_start3A_176 = tpu.memref_slice %arg7[%mul3A_174, %dma_start3A_175] : memref<819200x64xf32, #tpu.memory_space<hbm>> -> memref<512x64xf32, #tpu.memory_space<hbm>>
        %dma_start3A_177 = arith.constant 0 : i32
        %dma_start3A_178 = tpu.memref_slice %arg7[%mul3A_174, %dma_start3A_177] : memref<819200x64xf32, #tpu.memory_space<hbm>> -> memref<512x64xf32, #tpu.memory_space<hbm>>
        tpu.enqueue_dma source(%arg11 : memref<512x64xf32, #tpu.memory_space<vmem>>) target(%dma_start3A_178 : memref<512x64xf32, #tpu.memory_space<hbm>>) target_semaphore(%run_scoped3A : memref<!tpu.dma_semaphore, #tpu.memory_space<semaphore_mem>>)
        %dma_wait3A_179 = arith.constant 0 : i32
        %dma_wait3A_180 = tpu.memref_slice %arg7[%mul3A_174, %dma_wait3A_179] : memref<819200x64xf32, #tpu.memory_space<hbm>> -> memref<512x64xf32, #tpu.memory_space<hbm>>
        %dma_wait3A_181 = arith.constant 0 : i32
        %dma_wait3A_182 = tpu.memref_slice %arg7[%mul3A_174, %dma_wait3A_181] : memref<819200x64xf32, #tpu.memory_space<hbm>> -> memref<512x64xf32, #tpu.memory_space<hbm>>
        tpu.wait_dma2 semaphore(%run_scoped3A : memref<!tpu.dma_semaphore, #tpu.memory_space<semaphore_mem>>) src(%arg11 : memref<512x64xf32, #tpu.memory_space<vmem>>) dst(%dma_wait3A_182 : memref<512x64xf32, #tpu.memory_space<hbm>>)
        tpu.yield
      }) : () -> ()
    }
    %scan3A_7 = arith.constant 50 : i32
    return
  }
}

#map = affine_map<(d0, d1) -> (0, 0, 0)>
#map1 = affine_map<(d0, d1) -> (0, 0)>
module attributes {stable_mosaic.version = 14 : i64} {
  func.func @_sc_scatter_body(%arg0: i32, %arg1: i32, %arg2: memref<2x819200x32xf32, #tpu.memory_space<hbm>>, %arg3: memref<6400x128xi32, #tpu.memory_space<hbm>>, %arg4: memref<50016x32xf32, #tpu.memory_space<hbm>>, %arg5: memref<2x2x32xf32, #tpu.memory_space<hbm>>, %arg6: memref<2x50000x32xf32, #tpu.memory_space<hbm>>, %arg7: memref<4x128xi32, #tpu.memory_space<vmem>>, %arg8: memref<512x32xf32, #tpu.memory_space<vmem>>, %arg9: memref<2x32xf32, #tpu.memory_space<vmem>>, %arg10: memref<50016x32xf32, #tpu.memory_space<vmem_shared>>, %arg11: memref<!tpu.dma_semaphore, #tpu.memory_space<semaphore_mem>>) attributes {dimension_semantics = [#tpu.dimension_semantics<core_parallel>, #tpu.dimension_semantics<subcore_parallel>], iteration_bounds = array<i64: 2, 16>, scalar_prefetch = 0 : i64, scratch_operands = 5 : i64, tpu.core_type = #tpu.core_type<sc_vector_subcore>, window_params = [{transform_indices = #map}, {transform_indices = #map1}, {transform_indices = #map1}, {transform_indices = #map}, {transform_indices = #map}]} {
    %mul3A = arith.constant 3126 : i32
    %mul3A_0 = arith.muli %arg1, %mul3A : i32
    %mul3A_1 = arith.constant 3126 : i32
    %mul3A_2 = arith.muli %arg1, %mul3A_1 : i32
    "tpu.region"() ({
      %run_scoped3A_37 = tpu.sem_alloc : memref<!tpu.dma_semaphore, #tpu.memory_space<semaphore_mem>>
      %dma_start3A = arith.constant 0 : i32
      %dma_start3A_38 = tpu.memref_slice %arg10[%mul3A_2, %dma_start3A] : memref<50016x32xf32, #tpu.memory_space<vmem_shared>> -> memref<3126x32xf32, #tpu.memory_space<vmem_shared>>
      %dma_start3A_39 = arith.constant 0 : i32
      %dma_start3A_40 = tpu.memref_slice %arg4[%mul3A_0, %dma_start3A_39] : memref<50016x32xf32, #tpu.memory_space<hbm>> -> memref<3126x32xf32, #tpu.memory_space<hbm>>
      tpu.enqueue_dma source(%dma_start3A_40 : memref<3126x32xf32, #tpu.memory_space<hbm>>) target(%dma_start3A_38 : memref<3126x32xf32, #tpu.memory_space<vmem_shared>>) target_semaphore(%run_scoped3A_37 : memref<!tpu.dma_semaphore, #tpu.memory_space<semaphore_mem>>)
      %dma_wait3A = arith.constant 0 : i32
      %dma_wait3A_41 = tpu.memref_slice %arg10[%mul3A_2, %dma_wait3A] : memref<50016x32xf32, #tpu.memory_space<vmem_shared>> -> memref<3126x32xf32, #tpu.memory_space<vmem_shared>>
      %dma_wait3A_42 = arith.constant 0 : i32
      %dma_wait3A_43 = tpu.memref_slice %arg4[%mul3A_0, %dma_wait3A_42] : memref<50016x32xf32, #tpu.memory_space<hbm>> -> memref<3126x32xf32, #tpu.memory_space<hbm>>
      tpu.wait_dma2 semaphore(%run_scoped3A_37 : memref<!tpu.dma_semaphore, #tpu.memory_space<semaphore_mem>>) src(%dma_wait3A_43 : memref<3126x32xf32, #tpu.memory_space<hbm>>) dst(%dma_wait3A_41 : memref<3126x32xf32, #tpu.memory_space<vmem_shared>>)
      tpu.yield
    }) : () -> ()
    %run_scoped3A = arith.constant 0 : i32
    %run_scoped3A_3 = arith.constant 0 : i32
    "tpu.region"() ({
      %run_scoped3A_37 = tpu.sem_alloc : memref<!tpu.dma_semaphore, #tpu.memory_space<semaphore_mem>>
      %dma_start3A = arith.constant 0 : i32
      %dma_start3A_38 = tpu.memref_slice %arg9[%run_scoped3A_3, %dma_start3A] : memref<2x32xf32, #tpu.memory_space<vmem>> -> memref<1x32xf32, #tpu.memory_space<vmem>>
      %dma_start3A_39 = tpu.memref_squeeze %dma_start3A_38 : memref<1x32xf32, #tpu.memory_space<vmem>> -> memref<32xf32, #tpu.memory_space<vmem>>
      %dma_start3A_40 = arith.constant 0 : i32
      %dma_start3A_41 = tpu.memref_slice %arg5[%run_scoped3A, %arg0, %dma_start3A_40] : memref<2x2x32xf32, #tpu.memory_space<hbm>> -> memref<1x1x32xf32, #tpu.memory_space<hbm>>
      %dma_start3A_42 = tpu.memref_squeeze %dma_start3A_41 : memref<1x1x32xf32, #tpu.memory_space<hbm>> -> memref<32xf32, #tpu.memory_space<hbm>>
      %dma_start3A_43 = arith.constant 0 : i32
      %dma_start3A_44 = tpu.memref_slice %arg9[%run_scoped3A_3, %dma_start3A_43] : memref<2x32xf32, #tpu.memory_space<vmem>> -> memref<1x32xf32, #tpu.memory_space<vmem>>
      %dma_start3A_45 = tpu.memref_squeeze %dma_start3A_44 : memref<1x32xf32, #tpu.memory_space<vmem>> -> memref<32xf32, #tpu.memory_space<vmem>>
      %dma_start3A_46 = arith.constant 0 : i32
      %dma_start3A_47 = tpu.memref_slice %arg5[%run_scoped3A, %arg0, %dma_start3A_46] : memref<2x2x32xf32, #tpu.memory_space<hbm>> -> memref<1x1x32xf32, #tpu.memory_space<hbm>>
      %dma_start3A_48 = tpu.memref_squeeze %dma_start3A_47 : memref<1x1x32xf32, #tpu.memory_space<hbm>> -> memref<32xf32, #tpu.memory_space<hbm>>
      tpu.enqueue_dma source(%dma_start3A_48 : memref<32xf32, #tpu.memory_space<hbm>>) target(%dma_start3A_45 : memref<32xf32, #tpu.memory_space<vmem>>) target_semaphore(%run_scoped3A_37 : memref<!tpu.dma_semaphore, #tpu.memory_space<semaphore_mem>>)
      %dma_wait3A = arith.constant 0 : i32
      %dma_wait3A_49 = tpu.memref_slice %arg9[%run_scoped3A_3, %dma_wait3A] : memref<2x32xf32, #tpu.memory_space<vmem>> -> memref<1x32xf32, #tpu.memory_space<vmem>>
      %dma_wait3A_50 = tpu.memref_squeeze %dma_wait3A_49 : memref<1x32xf32, #tpu.memory_space<vmem>> -> memref<32xf32, #tpu.memory_space<vmem>>
      %dma_wait3A_51 = arith.constant 0 : i32
      %dma_wait3A_52 = tpu.memref_slice %arg5[%run_scoped3A, %arg0, %dma_wait3A_51] : memref<2x2x32xf32, #tpu.memory_space<hbm>> -> memref<1x1x32xf32, #tpu.memory_space<hbm>>
      %dma_wait3A_53 = tpu.memref_squeeze %dma_wait3A_52 : memref<1x1x32xf32, #tpu.memory_space<hbm>> -> memref<32xf32, #tpu.memory_space<hbm>>
      %dma_wait3A_54 = arith.constant 0 : i32
      %dma_wait3A_55 = tpu.memref_slice %arg9[%run_scoped3A_3, %dma_wait3A_54] : memref<2x32xf32, #tpu.memory_space<vmem>> -> memref<1x32xf32, #tpu.memory_space<vmem>>
      %dma_wait3A_56 = tpu.memref_squeeze %dma_wait3A_55 : memref<1x32xf32, #tpu.memory_space<vmem>> -> memref<32xf32, #tpu.memory_space<vmem>>
      %dma_wait3A_57 = arith.constant 0 : i32
      %dma_wait3A_58 = tpu.memref_slice %arg5[%run_scoped3A, %arg0, %dma_wait3A_57] : memref<2x2x32xf32, #tpu.memory_space<hbm>> -> memref<1x1x32xf32, #tpu.memory_space<hbm>>
      %dma_wait3A_59 = tpu.memref_squeeze %dma_wait3A_58 : memref<1x1x32xf32, #tpu.memory_space<hbm>> -> memref<32xf32, #tpu.memory_space<hbm>>
      tpu.wait_dma2 semaphore(%run_scoped3A_37 : memref<!tpu.dma_semaphore, #tpu.memory_space<semaphore_mem>>) src(%dma_wait3A_59 : memref<32xf32, #tpu.memory_space<hbm>>) dst(%dma_wait3A_56 : memref<32xf32, #tpu.memory_space<vmem>>)
      tpu.yield
    }) : () -> ()
    %run_scoped3A_4 = arith.constant 1 : i32
    %run_scoped3A_5 = arith.constant 1 : i32
    "tpu.region"() ({
      %run_scoped3A_37 = tpu.sem_alloc : memref<!tpu.dma_semaphore, #tpu.memory_space<semaphore_mem>>
      %dma_start3A = arith.constant 0 : i32
      %dma_start3A_38 = tpu.memref_slice %arg9[%run_scoped3A_5, %dma_start3A] : memref<2x32xf32, #tpu.memory_space<vmem>> -> memref<1x32xf32, #tpu.memory_space<vmem>>
      %dma_start3A_39 = tpu.memref_squeeze %dma_start3A_38 : memref<1x32xf32, #tpu.memory_space<vmem>> -> memref<32xf32, #tpu.memory_space<vmem>>
      %dma_start3A_40 = arith.constant 0 : i32
      %dma_start3A_41 = tpu.memref_slice %arg5[%run_scoped3A_4, %arg0, %dma_start3A_40] : memref<2x2x32xf32, #tpu.memory_space<hbm>> -> memref<1x1x32xf32, #tpu.memory_space<hbm>>
      %dma_start3A_42 = tpu.memref_squeeze %dma_start3A_41 : memref<1x1x32xf32, #tpu.memory_space<hbm>> -> memref<32xf32, #tpu.memory_space<hbm>>
      %dma_start3A_43 = arith.constant 0 : i32
      %dma_start3A_44 = tpu.memref_slice %arg9[%run_scoped3A_5, %dma_start3A_43] : memref<2x32xf32, #tpu.memory_space<vmem>> -> memref<1x32xf32, #tpu.memory_space<vmem>>
      %dma_start3A_45 = tpu.memref_squeeze %dma_start3A_44 : memref<1x32xf32, #tpu.memory_space<vmem>> -> memref<32xf32, #tpu.memory_space<vmem>>
      %dma_start3A_46 = arith.constant 0 : i32
      %dma_start3A_47 = tpu.memref_slice %arg5[%run_scoped3A_4, %arg0, %dma_start3A_46] : memref<2x2x32xf32, #tpu.memory_space<hbm>> -> memref<1x1x32xf32, #tpu.memory_space<hbm>>
      %dma_start3A_48 = tpu.memref_squeeze %dma_start3A_47 : memref<1x1x32xf32, #tpu.memory_space<hbm>> -> memref<32xf32, #tpu.memory_space<hbm>>
      tpu.enqueue_dma source(%dma_start3A_48 : memref<32xf32, #tpu.memory_space<hbm>>) target(%dma_start3A_45 : memref<32xf32, #tpu.memory_space<vmem>>) target_semaphore(%run_scoped3A_37 : memref<!tpu.dma_semaphore, #tpu.memory_space<semaphore_mem>>)
      %dma_wait3A = arith.constant 0 : i32
      %dma_wait3A_49 = tpu.memref_slice %arg9[%run_scoped3A_5, %dma_wait3A] : memref<2x32xf32, #tpu.memory_space<vmem>> -> memref<1x32xf32, #tpu.memory_space<vmem>>
      %dma_wait3A_50 = tpu.memref_squeeze %dma_wait3A_49 : memref<1x32xf32, #tpu.memory_space<vmem>> -> memref<32xf32, #tpu.memory_space<vmem>>
      %dma_wait3A_51 = arith.constant 0 : i32
      %dma_wait3A_52 = tpu.memref_slice %arg5[%run_scoped3A_4, %arg0, %dma_wait3A_51] : memref<2x2x32xf32, #tpu.memory_space<hbm>> -> memref<1x1x32xf32, #tpu.memory_space<hbm>>
      %dma_wait3A_53 = tpu.memref_squeeze %dma_wait3A_52 : memref<1x1x32xf32, #tpu.memory_space<hbm>> -> memref<32xf32, #tpu.memory_space<hbm>>
      %dma_wait3A_54 = arith.constant 0 : i32
      %dma_wait3A_55 = tpu.memref_slice %arg9[%run_scoped3A_5, %dma_wait3A_54] : memref<2x32xf32, #tpu.memory_space<vmem>> -> memref<1x32xf32, #tpu.memory_space<vmem>>
      %dma_wait3A_56 = tpu.memref_squeeze %dma_wait3A_55 : memref<1x32xf32, #tpu.memory_space<vmem>> -> memref<32xf32, #tpu.memory_space<vmem>>
      %dma_wait3A_57 = arith.constant 0 : i32
      %dma_wait3A_58 = tpu.memref_slice %arg5[%run_scoped3A_4, %arg0, %dma_wait3A_57] : memref<2x2x32xf32, #tpu.memory_space<hbm>> -> memref<1x1x32xf32, #tpu.memory_space<hbm>>
      %dma_wait3A_59 = tpu.memref_squeeze %dma_wait3A_58 : memref<1x1x32xf32, #tpu.memory_space<hbm>> -> memref<32xf32, #tpu.memory_space<hbm>>
      tpu.wait_dma2 semaphore(%run_scoped3A_37 : memref<!tpu.dma_semaphore, #tpu.memory_space<semaphore_mem>>) src(%dma_wait3A_59 : memref<32xf32, #tpu.memory_space<hbm>>) dst(%dma_wait3A_56 : memref<32xf32, #tpu.memory_space<vmem>>)
      tpu.yield
    }) : () -> ()
    %get3A = arith.constant 0 : i32
    %get3A_6 = arith.index_cast %get3A : i32 to index
    %get3A_7 = arith.constant 0 : index
    %get3A_8 = tpu.vector_load %arg9[%get3A_6, %get3A_7] {strides = array<i32>} : memref<2x32xf32, #tpu.memory_space<vmem>>, vector<1x16xf32>,
    %get3A_9 = vector.shape_cast %get3A_8 : vector<1x16xf32> to vector<16xf32>
    %get3A_10 = arith.constant 0 : i32
    %get3A_11 = arith.index_cast %get3A_10 : i32 to index
    %get3A_12 = arith.constant 16 : index
    %get3A_13 = tpu.vector_load %arg9[%get3A_11, %get3A_12] {strides = array<i32>} : memref<2x32xf32, #tpu.memory_space<vmem>>, vector<1x16xf32>,
    %get3A_14 = vector.shape_cast %get3A_13 : vector<1x16xf32> to vector<16xf32>
    %get3A_15 = arith.constant 1 : i32
    %get3A_16 = arith.index_cast %get3A_15 : i32 to index
    %get3A_17 = arith.constant 0 : index
    %get3A_18 = tpu.vector_load %arg9[%get3A_16, %get3A_17] {strides = array<i32>} : memref<2x32xf32, #tpu.memory_space<vmem>>, vector<1x16xf32>,
    %get3A_19 = vector.shape_cast %get3A_18 : vector<1x16xf32> to vector<16xf32>
    %get3A_20 = arith.constant 1 : i32
    %get3A_21 = arith.index_cast %get3A_20 : i32 to index
    %get3A_22 = arith.constant 16 : index
    %get3A_23 = tpu.vector_load %arg9[%get3A_21, %get3A_22] {strides = array<i32>} : memref<2x32xf32, #tpu.memory_space<vmem>>, vector<1x16xf32>,
    %get3A_24 = vector.shape_cast %get3A_23 : vector<1x16xf32> to vector<16xf32>
    %barrier3A = arith.constant 0 : index
    tpu.barrier barrier_id(%barrier3A)
    %mul3A_25 = arith.constant 400 : i32
    %mul3A_26 = arith.muli %arg1, %mul3A_25 : i32
    %scan3A = arith.constant 0 : i32
    %scan3A_27 = arith.constant 0 : i32
    %scan3A_28 = arith.constant 100 : i32
    %scan3A_29 = arith.addi %scan3A_27, %scan3A_28 : i32
    %scan3A_30 = arith.constant 1 : i32
    scf.for %scan3A_37 = %scan3A_27 to %scan3A_29 step %scan3A_30  : i32 {
      %mul3A_38 = arith.constant 4 : i32
      %mul3A_39 = arith.muli %scan3A_37, %mul3A_38 : i32
      %add3A = arith.addi %mul3A_26, %mul3A_39 : i32
      "tpu.region"() ({
        %run_scoped3A_126 = tpu.sem_alloc : memref<!tpu.dma_semaphore, #tpu.memory_space<semaphore_mem>>
        %dma_start3A_127 = arith.constant 0 : i32
        %dma_start3A_128 = tpu.memref_slice %arg3[%add3A, %dma_start3A_127] : memref<6400x128xi32, #tpu.memory_space<hbm>> -> memref<4x128xi32, #tpu.memory_space<hbm>>
        %dma_start3A_129 = arith.constant 0 : i32
        %dma_start3A_130 = tpu.memref_slice %arg3[%add3A, %dma_start3A_129] : memref<6400x128xi32, #tpu.memory_space<hbm>> -> memref<4x128xi32, #tpu.memory_space<hbm>>
        tpu.enqueue_dma source(%dma_start3A_130 : memref<4x128xi32, #tpu.memory_space<hbm>>) target(%arg7 : memref<4x128xi32, #tpu.memory_space<vmem>>) target_semaphore(%run_scoped3A_126 : memref<!tpu.dma_semaphore, #tpu.memory_space<semaphore_mem>>)
        %dma_wait3A_131 = arith.constant 0 : i32
        %dma_wait3A_132 = tpu.memref_slice %arg3[%add3A, %dma_wait3A_131] : memref<6400x128xi32, #tpu.memory_space<hbm>> -> memref<4x128xi32, #tpu.memory_space<hbm>>
        %dma_wait3A_133 = arith.constant 0 : i32
        %dma_wait3A_134 = tpu.memref_slice %arg3[%add3A, %dma_wait3A_133] : memref<6400x128xi32, #tpu.memory_space<hbm>> -> memref<4x128xi32, #tpu.memory_space<hbm>>
        tpu.wait_dma2 semaphore(%run_scoped3A_126 : memref<!tpu.dma_semaphore, #tpu.memory_space<semaphore_mem>>) src(%dma_wait3A_134 : memref<4x128xi32, #tpu.memory_space<hbm>>) dst(%arg7 : memref<4x128xi32, #tpu.memory_space<vmem>>)
        tpu.yield
      }) : () -> ()
      %mul3A_40 = arith.constant 128 : i32
      %mul3A_41 = arith.muli %add3A, %mul3A_40 : i32
      "tpu.region"() ({
        %run_scoped3A_126 = tpu.sem_alloc : memref<!tpu.dma_semaphore, #tpu.memory_space<semaphore_mem>>
        %dma_start3A_127 = arith.constant 0 : i32
        %dma_start3A_128 = tpu.memref_slice %arg2[%arg0, %mul3A_41, %dma_start3A_127] : memref<2x819200x32xf32, #tpu.memory_space<hbm>> -> memref<1x512x32xf32, #tpu.memory_space<hbm>>
        %dma_start3A_129 = tpu.memref_squeeze %dma_start3A_128 : memref<1x512x32xf32, #tpu.memory_space<hbm>> -> memref<512x32xf32, #tpu.memory_space<hbm>>
        %dma_start3A_130 = arith.constant 0 : i32
        %dma_start3A_131 = tpu.memref_slice %arg2[%arg0, %mul3A_41, %dma_start3A_130] : memref<2x819200x32xf32, #tpu.memory_space<hbm>> -> memref<1x512x32xf32, #tpu.memory_space<hbm>>
        %dma_start3A_132 = tpu.memref_squeeze %dma_start3A_131 : memref<1x512x32xf32, #tpu.memory_space<hbm>> -> memref<512x32xf32, #tpu.memory_space<hbm>>
        tpu.enqueue_dma source(%dma_start3A_132 : memref<512x32xf32, #tpu.memory_space<hbm>>) target(%arg8 : memref<512x32xf32, #tpu.memory_space<vmem>>) target_semaphore(%run_scoped3A_126 : memref<!tpu.dma_semaphore, #tpu.memory_space<semaphore_mem>>)
        %dma_wait3A_133 = arith.constant 0 : i32
        %dma_wait3A_134 = tpu.memref_slice %arg2[%arg0, %mul3A_41, %dma_wait3A_133] : memref<2x819200x32xf32, #tpu.memory_space<hbm>> -> memref<1x512x32xf32, #tpu.memory_space<hbm>>
        %dma_wait3A_135 = tpu.memref_squeeze %dma_wait3A_134 : memref<1x512x32xf32, #tpu.memory_space<hbm>> -> memref<512x32xf32, #tpu.memory_space<hbm>>
        %dma_wait3A_136 = arith.constant 0 : i32
        %dma_wait3A_137 = tpu.memref_slice %arg2[%arg0, %mul3A_41, %dma_wait3A_136] : memref<2x819200x32xf32, #tpu.memory_space<hbm>> -> memref<1x512x32xf32, #tpu.memory_space<hbm>>
        %dma_wait3A_138 = tpu.memref_squeeze %dma_wait3A_137 : memref<1x512x32xf32, #tpu.memory_space<hbm>> -> memref<512x32xf32, #tpu.memory_space<hbm>>
        tpu.wait_dma2 semaphore(%run_scoped3A_126 : memref<!tpu.dma_semaphore, #tpu.memory_space<semaphore_mem>>) src(%dma_wait3A_138 : memref<512x32xf32, #tpu.memory_space<hbm>>) dst(%arg8 : memref<512x32xf32, #tpu.memory_space<vmem>>)
        tpu.yield
      }) : () -> ()
      %scan3A_42 = arith.constant 0 : i32
      %scan3A_43 = arith.constant 0 : i32
      %scan3A_44 = arith.constant 512 : i32
      %scan3A_45 = arith.addi %scan3A_43, %scan3A_44 : i32
      %scan3A_46 = arith.constant 1 : i32
      scf.for %scan3A_126 = %scan3A_43 to %scan3A_45 step %scan3A_46  : i32 {
        %get3A_127 = arith.index_cast %scan3A_126 : i32 to index
        %get3A_128 = arith.constant 0 : index
        %get3A_129 = tpu.vector_load %arg8[%get3A_127, %get3A_128] {strides = array<i32>} : memref<512x32xf32, #tpu.memory_space<vmem>>, vector<1x16xf32>,
        %get3A_130 = vector.shape_cast %get3A_129 : vector<1x16xf32> to vector<16xf32>
        %mul3A_131 = arith.mulf %get3A_130, %get3A_9 : vector<16xf32>
        %add3A_132 = arith.addf %mul3A_131, %get3A_19 : vector<16xf32>
        %max3A = arith.constant 0.000000e+00 : f32
        %max3A_133 = vector.broadcast %max3A : f32 to vector<16xf32>
        %max3A_134 = arith.maximumf %add3A_132, %max3A_133 : vector<16xf32>
        %swap3A = arith.index_cast %scan3A_126 : i32 to index
        %swap3A_135 = arith.constant 0 : index
        %swap3A_136 = tpu.vector_load %arg8[%swap3A, %swap3A_135] {strides = array<i32>} : memref<512x32xf32, #tpu.memory_space<vmem>>, vector<1x16xf32>,
        %swap3A_137 = vector.shape_cast %swap3A_136 : vector<1x16xf32> to vector<16xf32>
        %swap3A_138 = vector.shape_cast %max3A_134 : vector<16xf32> to vector<1x16xf32>
        tpu.vector_store %arg8[%swap3A, %swap3A_135], %swap3A_138 {strides = array<i32>} : memref<512x32xf32, #tpu.memory_space<vmem>>, vector<1x16xf32>,
        %get3A_139 = arith.index_cast %scan3A_126 : i32 to index
        %get3A_140 = arith.constant 16 : index
        %get3A_141 = tpu.vector_load %arg8[%get3A_139, %get3A_140] {strides = array<i32>} : memref<512x32xf32, #tpu.memory_space<vmem>>, vector<1x16xf32>,
        %get3A_142 = vector.shape_cast %get3A_141 : vector<1x16xf32> to vector<16xf32>
        %mul3A_143 = arith.mulf %get3A_142, %get3A_14 : vector<16xf32>
        %add3A_144 = arith.addf %mul3A_143, %get3A_24 : vector<16xf32>
        %max3A_145 = arith.constant 0.000000e+00 : f32
        %max3A_146 = vector.broadcast %max3A_145 : f32 to vector<16xf32>
        %max3A_147 = arith.maximumf %add3A_144, %max3A_146 : vector<16xf32>
        %swap3A_148 = arith.index_cast %scan3A_126 : i32 to index
        %swap3A_149 = arith.constant 16 : index
        %swap3A_150 = tpu.vector_load %arg8[%swap3A_148, %swap3A_149] {strides = array<i32>} : memref<512x32xf32, #tpu.memory_space<vmem>>, vector<1x16xf32>,
        %swap3A_151 = vector.shape_cast %swap3A_150 : vector<1x16xf32> to vector<16xf32>
        %swap3A_152 = vector.shape_cast %max3A_147 : vector<16xf32> to vector<1x16xf32>
        tpu.vector_store %arg8[%swap3A_148, %swap3A_149], %swap3A_152 {strides = array<i32>} : memref<512x32xf32, #tpu.memory_space<vmem>>, vector<1x16xf32>,
      }
      %scan3A_47 = arith.constant 512 : i32
      %dma_start3A = arith.constant 0 : i32
      %dma_start3A_48 = arith.constant 0 : i32
      %dma_start3A_49 = arith.constant 0 : i32
      %dma_start3A_50 = tpu.memref_slice %arg8[%dma_start3A_48, %dma_start3A_49] : memref<512x32xf32, #tpu.memory_space<vmem>> -> memref<128x32xf32, #tpu.memory_space<vmem>>
      %dma_start3A_51 = arith.constant 0 : i32
      %dma_start3A_52 = tpu.memref_slice %arg7[%dma_start3A, %dma_start3A_51] : memref<4x128xi32, #tpu.memory_space<vmem>> -> memref<1x128xi32, #tpu.memory_space<vmem>>
      %dma_start3A_53 = tpu.memref_squeeze %dma_start3A_52 : memref<1x128xi32, #tpu.memory_space<vmem>> -> memref<128xi32, #tpu.memory_space<vmem>>
      %dma_start3A_54 = arith.constant 0 : i32
      %dma_start3A_55 = arith.constant 0 : i32
      %dma_start3A_56 = tpu.memref_slice %arg10[%dma_start3A_54, %dma_start3A_55] : memref<50016x32xf32, #tpu.memory_space<vmem_shared>> -> memref<50016x32xf32, #tpu.memory_space<vmem_shared>>
      tpu.enqueue_indirect_dma source(%dma_start3A_50 : memref<128x32xf32, #tpu.memory_space<vmem>>) target(%dma_start3A_56 : memref<50016x32xf32, #tpu.memory_space<vmem_shared>>) offsets(%dma_start3A_53 : memref<128xi32, #tpu.memory_space<vmem>>) semaphore(%arg11 : memref<!tpu.dma_semaphore, #tpu.memory_space<semaphore_mem>>) {add = true}
      %dma_start3A_57 = arith.constant 1 : i32
      %dma_start3A_58 = arith.constant 128 : i32
      %dma_start3A_59 = arith.constant 0 : i32
      %dma_start3A_60 = tpu.memref_slice %arg8[%dma_start3A_58, %dma_start3A_59] : memref<512x32xf32, #tpu.memory_space<vmem>> -> memref<128x32xf32, #tpu.memory_space<vmem>>
      %dma_start3A_61 = arith.constant 0 : i32
      %dma_start3A_62 = tpu.memref_slice %arg7[%dma_start3A_57, %dma_start3A_61] : memref<4x128xi32, #tpu.memory_space<vmem>> -> memref<1x128xi32, #tpu.memory_space<vmem>>
      %dma_start3A_63 = tpu.memref_squeeze %dma_start3A_62 : memref<1x128xi32, #tpu.memory_space<vmem>> -> memref<128xi32, #tpu.memory_space<vmem>>
      %dma_start3A_64 = arith.constant 0 : i32
      %dma_start3A_65 = arith.constant 0 : i32
      %dma_start3A_66 = tpu.memref_slice %arg10[%dma_start3A_64, %dma_start3A_65] : memref<50016x32xf32, #tpu.memory_space<vmem_shared>> -> memref<50016x32xf32, #tpu.memory_space<vmem_shared>>
      tpu.enqueue_indirect_dma source(%dma_start3A_60 : memref<128x32xf32, #tpu.memory_space<vmem>>) target(%dma_start3A_66 : memref<50016x32xf32, #tpu.memory_space<vmem_shared>>) offsets(%dma_start3A_63 : memref<128xi32, #tpu.memory_space<vmem>>) semaphore(%arg11 : memref<!tpu.dma_semaphore, #tpu.memory_space<semaphore_mem>>) {add = true}
      %dma_start3A_67 = arith.constant 2 : i32
      %dma_start3A_68 = arith.constant 256 : i32
      %dma_start3A_69 = arith.constant 0 : i32
      %dma_start3A_70 = tpu.memref_slice %arg8[%dma_start3A_68, %dma_start3A_69] : memref<512x32xf32, #tpu.memory_space<vmem>> -> memref<128x32xf32, #tpu.memory_space<vmem>>
      %dma_start3A_71 = arith.constant 0 : i32
      %dma_start3A_72 = tpu.memref_slice %arg7[%dma_start3A_67, %dma_start3A_71] : memref<4x128xi32, #tpu.memory_space<vmem>> -> memref<1x128xi32, #tpu.memory_space<vmem>>
      %dma_start3A_73 = tpu.memref_squeeze %dma_start3A_72 : memref<1x128xi32, #tpu.memory_space<vmem>> -> memref<128xi32, #tpu.memory_space<vmem>>
      %dma_start3A_74 = arith.constant 0 : i32
      %dma_start3A_75 = arith.constant 0 : i32
      %dma_start3A_76 = tpu.memref_slice %arg10[%dma_start3A_74, %dma_start3A_75] : memref<50016x32xf32, #tpu.memory_space<vmem_shared>> -> memref<50016x32xf32, #tpu.memory_space<vmem_shared>>
      tpu.enqueue_indirect_dma source(%dma_start3A_70 : memref<128x32xf32, #tpu.memory_space<vmem>>) target(%dma_start3A_76 : memref<50016x32xf32, #tpu.memory_space<vmem_shared>>) offsets(%dma_start3A_73 : memref<128xi32, #tpu.memory_space<vmem>>) semaphore(%arg11 : memref<!tpu.dma_semaphore, #tpu.memory_space<semaphore_mem>>) {add = true}
      %dma_start3A_77 = arith.constant 3 : i32
      %dma_start3A_78 = arith.constant 384 : i32
      %dma_start3A_79 = arith.constant 0 : i32
      %dma_start3A_80 = tpu.memref_slice %arg8[%dma_start3A_78, %dma_start3A_79] : memref<512x32xf32, #tpu.memory_space<vmem>> -> memref<128x32xf32, #tpu.memory_space<vmem>>
      %dma_start3A_81 = arith.constant 0 : i32
      %dma_start3A_82 = tpu.memref_slice %arg7[%dma_start3A_77, %dma_start3A_81] : memref<4x128xi32, #tpu.memory_space<vmem>> -> memref<1x128xi32, #tpu.memory_space<vmem>>
      %dma_start3A_83 = tpu.memref_squeeze %dma_start3A_82 : memref<1x128xi32, #tpu.memory_space<vmem>> -> memref<128xi32, #tpu.memory_space<vmem>>
      %dma_start3A_84 = arith.constant 0 : i32
      %dma_start3A_85 = arith.constant 0 : i32
      %dma_start3A_86 = tpu.memref_slice %arg10[%dma_start3A_84, %dma_start3A_85] : memref<50016x32xf32, #tpu.memory_space<vmem_shared>> -> memref<50016x32xf32, #tpu.memory_space<vmem_shared>>
      tpu.enqueue_indirect_dma source(%dma_start3A_80 : memref<128x32xf32, #tpu.memory_space<vmem>>) target(%dma_start3A_86 : memref<50016x32xf32, #tpu.memory_space<vmem_shared>>) offsets(%dma_start3A_83 : memref<128xi32, #tpu.memory_space<vmem>>) semaphore(%arg11 : memref<!tpu.dma_semaphore, #tpu.memory_space<semaphore_mem>>) {add = true}
      %dma_wait3A = arith.constant 0 : i32
      %dma_wait3A_87 = arith.constant 0 : i32
      %dma_wait3A_88 = arith.constant 0 : i32
      %dma_wait3A_89 = tpu.memref_slice %arg8[%dma_wait3A_87, %dma_wait3A_88] : memref<512x32xf32, #tpu.memory_space<vmem>> -> memref<128x32xf32, #tpu.memory_space<vmem>>
      %dma_wait3A_90 = arith.constant 0 : i32
      %dma_wait3A_91 = tpu.memref_slice %arg7[%dma_wait3A, %dma_wait3A_90] : memref<4x128xi32, #tpu.memory_space<vmem>> -> memref<1x128xi32, #tpu.memory_space<vmem>>
      %dma_wait3A_92 = tpu.memref_squeeze %dma_wait3A_91 : memref<1x128xi32, #tpu.memory_space<vmem>> -> memref<128xi32, #tpu.memory_space<vmem>>
      %dma_wait3A_93 = arith.constant 0 : i32
      %dma_wait3A_94 = arith.constant 0 : i32
      %dma_wait3A_95 = tpu.memref_slice %arg10[%dma_wait3A_93, %dma_wait3A_94] : memref<50016x32xf32, #tpu.memory_space<vmem_shared>> -> memref<50016x32xf32, #tpu.memory_space<vmem_shared>>
      tpu.wait_indirect_dma semaphore(%arg11 : memref<!tpu.dma_semaphore, #tpu.memory_space<semaphore_mem>>) src(%dma_wait3A_89 : memref<128x32xf32, #tpu.memory_space<vmem>>) dst(%dma_wait3A_95 : memref<50016x32xf32, #tpu.memory_space<vmem_shared>>)
      %dma_wait3A_96 = arith.constant 1 : i32
      %dma_wait3A_97 = arith.constant 128 : i32
      %dma_wait3A_98 = arith.constant 0 : i32
      %dma_wait3A_99 = tpu.memref_slice %arg8[%dma_wait3A_97, %dma_wait3A_98] : memref<512x32xf32, #tpu.memory_space<vmem>> -> memref<128x32xf32, #tpu.memory_space<vmem>>
      %dma_wait3A_100 = arith.constant 0 : i32
      %dma_wait3A_101 = tpu.memref_slice %arg7[%dma_wait3A_96, %dma_wait3A_100] : memref<4x128xi32, #tpu.memory_space<vmem>> -> memref<1x128xi32, #tpu.memory_space<vmem>>
      %dma_wait3A_102 = tpu.memref_squeeze %dma_wait3A_101 : memref<1x128xi32, #tpu.memory_space<vmem>> -> memref<128xi32, #tpu.memory_space<vmem>>
      %dma_wait3A_103 = arith.constant 0 : i32
      %dma_wait3A_104 = arith.constant 0 : i32
      %dma_wait3A_105 = tpu.memref_slice %arg10[%dma_wait3A_103, %dma_wait3A_104] : memref<50016x32xf32, #tpu.memory_space<vmem_shared>> -> memref<50016x32xf32, #tpu.memory_space<vmem_shared>>
      tpu.wait_indirect_dma semaphore(%arg11 : memref<!tpu.dma_semaphore, #tpu.memory_space<semaphore_mem>>) src(%dma_wait3A_99 : memref<128x32xf32, #tpu.memory_space<vmem>>) dst(%dma_wait3A_105 : memref<50016x32xf32, #tpu.memory_space<vmem_shared>>)
      %dma_wait3A_106 = arith.constant 2 : i32
      %dma_wait3A_107 = arith.constant 256 : i32
      %dma_wait3A_108 = arith.constant 0 : i32
      %dma_wait3A_109 = tpu.memref_slice %arg8[%dma_wait3A_107, %dma_wait3A_108] : memref<512x32xf32, #tpu.memory_space<vmem>> -> memref<128x32xf32, #tpu.memory_space<vmem>>
      %dma_wait3A_110 = arith.constant 0 : i32
      %dma_wait3A_111 = tpu.memref_slice %arg7[%dma_wait3A_106, %dma_wait3A_110] : memref<4x128xi32, #tpu.memory_space<vmem>> -> memref<1x128xi32, #tpu.memory_space<vmem>>
      %dma_wait3A_112 = tpu.memref_squeeze %dma_wait3A_111 : memref<1x128xi32, #tpu.memory_space<vmem>> -> memref<128xi32, #tpu.memory_space<vmem>>
      %dma_wait3A_113 = arith.constant 0 : i32
      %dma_wait3A_114 = arith.constant 0 : i32
      %dma_wait3A_115 = tpu.memref_slice %arg10[%dma_wait3A_113, %dma_wait3A_114] : memref<50016x32xf32, #tpu.memory_space<vmem_shared>> -> memref<50016x32xf32, #tpu.memory_space<vmem_shared>>
      tpu.wait_indirect_dma semaphore(%arg11 : memref<!tpu.dma_semaphore, #tpu.memory_space<semaphore_mem>>) src(%dma_wait3A_109 : memref<128x32xf32, #tpu.memory_space<vmem>>) dst(%dma_wait3A_115 : memref<50016x32xf32, #tpu.memory_space<vmem_shared>>)
      %dma_wait3A_116 = arith.constant 3 : i32
      %dma_wait3A_117 = arith.constant 384 : i32
      %dma_wait3A_118 = arith.constant 0 : i32
      %dma_wait3A_119 = tpu.memref_slice %arg8[%dma_wait3A_117, %dma_wait3A_118] : memref<512x32xf32, #tpu.memory_space<vmem>> -> memref<128x32xf32, #tpu.memory_space<vmem>>
      %dma_wait3A_120 = arith.constant 0 : i32
      %dma_wait3A_121 = tpu.memref_slice %arg7[%dma_wait3A_116, %dma_wait3A_120] : memref<4x128xi32, #tpu.memory_space<vmem>> -> memref<1x128xi32, #tpu.memory_space<vmem>>
      %dma_wait3A_122 = tpu.memref_squeeze %dma_wait3A_121 : memref<1x128xi32, #tpu.memory_space<vmem>> -> memref<128xi32, #tpu.memory_space<vmem>>
      %dma_wait3A_123 = arith.constant 0 : i32
      %dma_wait3A_124 = arith.constant 0 : i32
      %dma_wait3A_125 = tpu.memref_slice %arg10[%dma_wait3A_123, %dma_wait3A_124] : memref<50016x32xf32, #tpu.memory_space<vmem_shared>> -> memref<50016x32xf32, #tpu.memory_space<vmem_shared>>
      tpu.wait_indirect_dma semaphore(%arg11 : memref<!tpu.dma_semaphore, #tpu.memory_space<semaphore_mem>>) src(%dma_wait3A_119 : memref<128x32xf32, #tpu.memory_space<vmem>>) dst(%dma_wait3A_125 : memref<50016x32xf32, #tpu.memory_space<vmem_shared>>)
    }
    %scan3A_31 = arith.constant 100 : i32
    %barrier3A_32 = arith.constant 0 : index
    tpu.barrier barrier_id(%barrier3A_32)
    %mul3A_33 = arith.constant 3125 : i32
    %mul3A_34 = arith.muli %arg1, %mul3A_33 : i32
    %mul3A_35 = arith.constant 3125 : i32
    %mul3A_36 = arith.muli %arg1, %mul3A_35 : i32
    "tpu.region"() ({
      %run_scoped3A_37 = tpu.sem_alloc : memref<!tpu.dma_semaphore, #tpu.memory_space<semaphore_mem>>
      %dma_start3A = arith.constant 0 : i32
      %dma_start3A_38 = tpu.memref_slice %arg6[%arg0, %mul3A_36, %dma_start3A] : memref<2x50000x32xf32, #tpu.memory_space<hbm>> -> memref<1x3125x32xf32, #tpu.memory_space<hbm>>
      %dma_start3A_39 = tpu.memref_squeeze %dma_start3A_38 : memref<1x3125x32xf32, #tpu.memory_space<hbm>> -> memref<3125x32xf32, #tpu.memory_space<hbm>>
      %dma_start3A_40 = arith.constant 0 : i32
      %dma_start3A_41 = tpu.memref_slice %arg10[%mul3A_34, %dma_start3A_40] : memref<50016x32xf32, #tpu.memory_space<vmem_shared>> -> memref<3125x32xf32, #tpu.memory_space<vmem_shared>>
      tpu.enqueue_dma source(%dma_start3A_41 : memref<3125x32xf32, #tpu.memory_space<vmem_shared>>) target(%dma_start3A_39 : memref<3125x32xf32, #tpu.memory_space<hbm>>) target_semaphore(%run_scoped3A_37 : memref<!tpu.dma_semaphore, #tpu.memory_space<semaphore_mem>>)
      %dma_wait3A = arith.constant 0 : i32
      %dma_wait3A_42 = tpu.memref_slice %arg6[%arg0, %mul3A_36, %dma_wait3A] : memref<2x50000x32xf32, #tpu.memory_space<hbm>> -> memref<1x3125x32xf32, #tpu.memory_space<hbm>>
      %dma_wait3A_43 = tpu.memref_squeeze %dma_wait3A_42 : memref<1x3125x32xf32, #tpu.memory_space<hbm>> -> memref<3125x32xf32, #tpu.memory_space<hbm>>
      %dma_wait3A_44 = arith.constant 0 : i32
      %dma_wait3A_45 = tpu.memref_slice %arg10[%mul3A_34, %dma_wait3A_44] : memref<50016x32xf32, #tpu.memory_space<vmem_shared>> -> memref<3125x32xf32, #tpu.memory_space<vmem_shared>>
      tpu.wait_dma2 semaphore(%run_scoped3A_37 : memref<!tpu.dma_semaphore, #tpu.memory_space<semaphore_mem>>) src(%dma_wait3A_45 : memref<3125x32xf32, #tpu.memory_space<vmem_shared>>) dst(%dma_wait3A_43 : memref<3125x32xf32, #tpu.memory_space<hbm>>)
      tpu.yield
    }) : () -> ()
    return
  }
}

#map = affine_map<(d0, d1) -> (0, 0)>
module attributes {stable_mosaic.version = 14 : i64} {
  func.func @_sc_gather2_body(%arg0: i32, %arg1: i32, %arg2: memref<50000x64xf32, #tpu.memory_space<hbm>>, %arg3: memref<50000x64xf32, #tpu.memory_space<hbm>>, %arg4: memref<6400x128xi32, #tpu.memory_space<hbm>>, %arg5: memref<6400x128xi32, #tpu.memory_space<hbm>>, %arg6: memref<819200x64xf32, #tpu.memory_space<hbm>>, %arg7: memref<819200x64xf32, #tpu.memory_space<hbm>>, %arg8: memref<200x128xi32, #tpu.memory_space<vmem>>, %arg9: memref<200x128xi32, #tpu.memory_space<vmem>>, %arg10: memref<512x64xf32, #tpu.memory_space<vmem>>, %arg11: memref<512x64xf32, #tpu.memory_space<vmem>>, %arg12: memref<!tpu.dma_semaphore, #tpu.memory_space<semaphore_mem>>, %arg13: memref<!tpu.dma_semaphore, #tpu.memory_space<semaphore_mem>>) attributes {dimension_semantics = [#tpu.dimension_semantics<core_parallel>, #tpu.dimension_semantics<subcore_parallel>], iteration_bounds = array<i64: 2, 16>, scalar_prefetch = 0 : i64, scratch_operands = 6 : i64, tpu.core_type = #tpu.core_type<sc_vector_subcore>, window_params = [{transform_indices = #map}, {transform_indices = #map}, {transform_indices = #map}, {transform_indices = #map}, {transform_indices = #map}, {transform_indices = #map}]} {
    %mul3A = arith.constant 2 : i32
    %mul3A_0 = arith.muli %arg1, %mul3A : i32
    %add3A = arith.addi %mul3A_0, %arg0 : i32
    %mul3A_1 = arith.constant 200 : i32
    %mul3A_2 = arith.muli %add3A, %mul3A_1 : i32
    "tpu.region"() ({
      %run_scoped3A = tpu.sem_alloc : memref<!tpu.dma_semaphore, #tpu.memory_space<semaphore_mem>>
      %dma_start3A = arith.constant 0 : i32
      %dma_start3A_8 = tpu.memref_slice %arg4[%mul3A_2, %dma_start3A] : memref<6400x128xi32, #tpu.memory_space<hbm>> -> memref<200x128xi32, #tpu.memory_space<hbm>>
      %dma_start3A_9 = arith.constant 0 : i32
      %dma_start3A_10 = tpu.memref_slice %arg4[%mul3A_2, %dma_start3A_9] : memref<6400x128xi32, #tpu.memory_space<hbm>> -> memref<200x128xi32, #tpu.memory_space<hbm>>
      tpu.enqueue_dma source(%dma_start3A_10 : memref<200x128xi32, #tpu.memory_space<hbm>>) target(%arg8 : memref<200x128xi32, #tpu.memory_space<vmem>>) target_semaphore(%run_scoped3A : memref<!tpu.dma_semaphore, #tpu.memory_space<semaphore_mem>>)
      %dma_wait3A = arith.constant 0 : i32
      %dma_wait3A_11 = tpu.memref_slice %arg4[%mul3A_2, %dma_wait3A] : memref<6400x128xi32, #tpu.memory_space<hbm>> -> memref<200x128xi32, #tpu.memory_space<hbm>>
      %dma_wait3A_12 = arith.constant 0 : i32
      %dma_wait3A_13 = tpu.memref_slice %arg4[%mul3A_2, %dma_wait3A_12] : memref<6400x128xi32, #tpu.memory_space<hbm>> -> memref<200x128xi32, #tpu.memory_space<hbm>>
      tpu.wait_dma2 semaphore(%run_scoped3A : memref<!tpu.dma_semaphore, #tpu.memory_space<semaphore_mem>>) src(%dma_wait3A_13 : memref<200x128xi32, #tpu.memory_space<hbm>>) dst(%arg8 : memref<200x128xi32, #tpu.memory_space<vmem>>)
      tpu.yield
    }) : () -> ()
    "tpu.region"() ({
      %run_scoped3A = tpu.sem_alloc : memref<!tpu.dma_semaphore, #tpu.memory_space<semaphore_mem>>
      %dma_start3A = arith.constant 0 : i32
      %dma_start3A_8 = tpu.memref_slice %arg5[%mul3A_2, %dma_start3A] : memref<6400x128xi32, #tpu.memory_space<hbm>> -> memref<200x128xi32, #tpu.memory_space<hbm>>
      %dma_start3A_9 = arith.constant 0 : i32
      %dma_start3A_10 = tpu.memref_slice %arg5[%mul3A_2, %dma_start3A_9] : memref<6400x128xi32, #tpu.memory_space<hbm>> -> memref<200x128xi32, #tpu.memory_space<hbm>>
      tpu.enqueue_dma source(%dma_start3A_10 : memref<200x128xi32, #tpu.memory_space<hbm>>) target(%arg9 : memref<200x128xi32, #tpu.memory_space<vmem>>) target_semaphore(%run_scoped3A : memref<!tpu.dma_semaphore, #tpu.memory_space<semaphore_mem>>)
      %dma_wait3A = arith.constant 0 : i32
      %dma_wait3A_11 = tpu.memref_slice %arg5[%mul3A_2, %dma_wait3A] : memref<6400x128xi32, #tpu.memory_space<hbm>> -> memref<200x128xi32, #tpu.memory_space<hbm>>
      %dma_wait3A_12 = arith.constant 0 : i32
      %dma_wait3A_13 = tpu.memref_slice %arg5[%mul3A_2, %dma_wait3A_12] : memref<6400x128xi32, #tpu.memory_space<hbm>> -> memref<200x128xi32, #tpu.memory_space<hbm>>
      tpu.wait_dma2 semaphore(%run_scoped3A : memref<!tpu.dma_semaphore, #tpu.memory_space<semaphore_mem>>) src(%dma_wait3A_13 : memref<200x128xi32, #tpu.memory_space<hbm>>) dst(%arg9 : memref<200x128xi32, #tpu.memory_space<vmem>>)
      tpu.yield
    }) : () -> ()
    %scan3A = arith.constant 0 : i32
    %scan3A_3 = arith.constant 0 : i32
    %scan3A_4 = arith.constant 50 : i32
    %scan3A_5 = arith.addi %scan3A_3, %scan3A_4 : i32
    %scan3A_6 = arith.constant 1 : i32
    scf.for %scan3A_8 = %scan3A_3 to %scan3A_5 step %scan3A_6  : i32 {
      %mul3A_9 = arith.constant 4 : i32
      %mul3A_10 = arith.muli %scan3A_8, %mul3A_9 : i32
      %add3A_11 = arith.constant 0 : i32
      %add3A_12 = arith.addi %mul3A_10, %add3A_11 : i32
      %dma_start3A = arith.constant 0 : i32
      %dma_start3A_13 = arith.constant 0 : i32
      %dma_start3A_14 = tpu.memref_slice %arg10[%dma_start3A, %dma_start3A_13] : memref<512x64xf32, #tpu.memory_space<vmem>> -> memref<128x64xf32, #tpu.memory_space<vmem>>
      %dma_start3A_15 = arith.constant 0 : i32
      %dma_start3A_16 = tpu.memref_slice %arg8[%add3A_12, %dma_start3A_15] : memref<200x128xi32, #tpu.memory_space<vmem>> -> memref<1x128xi32, #tpu.memory_space<vmem>>
      %dma_start3A_17 = tpu.memref_squeeze %dma_start3A_16 : memref<1x128xi32, #tpu.memory_space<vmem>> -> memref<128xi32, #tpu.memory_space<vmem>>
      %dma_start3A_18 = arith.constant 0 : i32
      %dma_start3A_19 = arith.constant 0 : i32
      %dma_start3A_20 = tpu.memref_slice %arg2[%dma_start3A_18, %dma_start3A_19] : memref<50000x64xf32, #tpu.memory_space<hbm>> -> memref<50000x64xf32, #tpu.memory_space<hbm>>
      tpu.enqueue_indirect_dma source(%dma_start3A_20 : memref<50000x64xf32, #tpu.memory_space<hbm>>) target(%dma_start3A_14 : memref<128x64xf32, #tpu.memory_space<vmem>>) offsets(%dma_start3A_17 : memref<128xi32, #tpu.memory_space<vmem>>) semaphore(%arg12 : memref<!tpu.dma_semaphore, #tpu.memory_space<semaphore_mem>>)
      %add3A_21 = arith.constant 1 : i32
      %add3A_22 = arith.addi %mul3A_10, %add3A_21 : i32
      %dma_start3A_23 = arith.constant 128 : i32
      %dma_start3A_24 = arith.constant 0 : i32
      %dma_start3A_25 = tpu.memref_slice %arg10[%dma_start3A_23, %dma_start3A_24] : memref<512x64xf32, #tpu.memory_space<vmem>> -> memref<128x64xf32, #tpu.memory_space<vmem>>
      %dma_start3A_26 = arith.constant 0 : i32
      %dma_start3A_27 = tpu.memref_slice %arg8[%add3A_22, %dma_start3A_26] : memref<200x128xi32, #tpu.memory_space<vmem>> -> memref<1x128xi32, #tpu.memory_space<vmem>>
      %dma_start3A_28 = tpu.memref_squeeze %dma_start3A_27 : memref<1x128xi32, #tpu.memory_space<vmem>> -> memref<128xi32, #tpu.memory_space<vmem>>
      %dma_start3A_29 = arith.constant 0 : i32
      %dma_start3A_30 = arith.constant 0 : i32
      %dma_start3A_31 = tpu.memref_slice %arg2[%dma_start3A_29, %dma_start3A_30] : memref<50000x64xf32, #tpu.memory_space<hbm>> -> memref<50000x64xf32, #tpu.memory_space<hbm>>
      tpu.enqueue_indirect_dma source(%dma_start3A_31 : memref<50000x64xf32, #tpu.memory_space<hbm>>) target(%dma_start3A_25 : memref<128x64xf32, #tpu.memory_space<vmem>>) offsets(%dma_start3A_28 : memref<128xi32, #tpu.memory_space<vmem>>) semaphore(%arg12 : memref<!tpu.dma_semaphore, #tpu.memory_space<semaphore_mem>>)
      %add3A_32 = arith.constant 2 : i32
      %add3A_33 = arith.addi %mul3A_10, %add3A_32 : i32
      %dma_start3A_34 = arith.constant 256 : i32
      %dma_start3A_35 = arith.constant 0 : i32
      %dma_start3A_36 = tpu.memref_slice %arg10[%dma_start3A_34, %dma_start3A_35] : memref<512x64xf32, #tpu.memory_space<vmem>> -> memref<128x64xf32, #tpu.memory_space<vmem>>
      %dma_start3A_37 = arith.constant 0 : i32
      %dma_start3A_38 = tpu.memref_slice %arg8[%add3A_33, %dma_start3A_37] : memref<200x128xi32, #tpu.memory_space<vmem>> -> memref<1x128xi32, #tpu.memory_space<vmem>>
      %dma_start3A_39 = tpu.memref_squeeze %dma_start3A_38 : memref<1x128xi32, #tpu.memory_space<vmem>> -> memref<128xi32, #tpu.memory_space<vmem>>
      %dma_start3A_40 = arith.constant 0 : i32
      %dma_start3A_41 = arith.constant 0 : i32
      %dma_start3A_42 = tpu.memref_slice %arg2[%dma_start3A_40, %dma_start3A_41] : memref<50000x64xf32, #tpu.memory_space<hbm>> -> memref<50000x64xf32, #tpu.memory_space<hbm>>
      tpu.enqueue_indirect_dma source(%dma_start3A_42 : memref<50000x64xf32, #tpu.memory_space<hbm>>) target(%dma_start3A_36 : memref<128x64xf32, #tpu.memory_space<vmem>>) offsets(%dma_start3A_39 : memref<128xi32, #tpu.memory_space<vmem>>) semaphore(%arg12 : memref<!tpu.dma_semaphore, #tpu.memory_space<semaphore_mem>>)
      %add3A_43 = arith.constant 3 : i32
      %add3A_44 = arith.addi %mul3A_10, %add3A_43 : i32
      %dma_start3A_45 = arith.constant 384 : i32
      %dma_start3A_46 = arith.constant 0 : i32
      %dma_start3A_47 = tpu.memref_slice %arg10[%dma_start3A_45, %dma_start3A_46] : memref<512x64xf32, #tpu.memory_space<vmem>> -> memref<128x64xf32, #tpu.memory_space<vmem>>
      %dma_start3A_48 = arith.constant 0 : i32
      %dma_start3A_49 = tpu.memref_slice %arg8[%add3A_44, %dma_start3A_48] : memref<200x128xi32, #tpu.memory_space<vmem>> -> memref<1x128xi32, #tpu.memory_space<vmem>>
      %dma_start3A_50 = tpu.memref_squeeze %dma_start3A_49 : memref<1x128xi32, #tpu.memory_space<vmem>> -> memref<128xi32, #tpu.memory_space<vmem>>
      %dma_start3A_51 = arith.constant 0 : i32
      %dma_start3A_52 = arith.constant 0 : i32
      %dma_start3A_53 = tpu.memref_slice %arg2[%dma_start3A_51, %dma_start3A_52] : memref<50000x64xf32, #tpu.memory_space<hbm>> -> memref<50000x64xf32, #tpu.memory_space<hbm>>
      tpu.enqueue_indirect_dma source(%dma_start3A_53 : memref<50000x64xf32, #tpu.memory_space<hbm>>) target(%dma_start3A_47 : memref<128x64xf32, #tpu.memory_space<vmem>>) offsets(%dma_start3A_50 : memref<128xi32, #tpu.memory_space<vmem>>) semaphore(%arg12 : memref<!tpu.dma_semaphore, #tpu.memory_space<semaphore_mem>>)
      %add3A_54 = arith.constant 0 : i32
      %add3A_55 = arith.addi %mul3A_10, %add3A_54 : i32
      %dma_start3A_56 = arith.constant 0 : i32
      %dma_start3A_57 = arith.constant 0 : i32
      %dma_start3A_58 = tpu.memref_slice %arg11[%dma_start3A_56, %dma_start3A_57] : memref<512x64xf32, #tpu.memory_space<vmem>> -> memref<128x64xf32, #tpu.memory_space<vmem>>
      %dma_start3A_59 = arith.constant 0 : i32
      %dma_start3A_60 = tpu.memref_slice %arg9[%add3A_55, %dma_start3A_59] : memref<200x128xi32, #tpu.memory_space<vmem>> -> memref<1x128xi32, #tpu.memory_space<vmem>>
      %dma_start3A_61 = tpu.memref_squeeze %dma_start3A_60 : memref<1x128xi32, #tpu.memory_space<vmem>> -> memref<128xi32, #tpu.memory_space<vmem>>
      %dma_start3A_62 = arith.constant 0 : i32
      %dma_start3A_63 = arith.constant 0 : i32
      %dma_start3A_64 = tpu.memref_slice %arg3[%dma_start3A_62, %dma_start3A_63] : memref<50000x64xf32, #tpu.memory_space<hbm>> -> memref<50000x64xf32, #tpu.memory_space<hbm>>
      tpu.enqueue_indirect_dma source(%dma_start3A_64 : memref<50000x64xf32, #tpu.memory_space<hbm>>) target(%dma_start3A_58 : memref<128x64xf32, #tpu.memory_space<vmem>>) offsets(%dma_start3A_61 : memref<128xi32, #tpu.memory_space<vmem>>) semaphore(%arg13 : memref<!tpu.dma_semaphore, #tpu.memory_space<semaphore_mem>>)
      %add3A_65 = arith.constant 1 : i32
      %add3A_66 = arith.addi %mul3A_10, %add3A_65 : i32
      %dma_start3A_67 = arith.constant 128 : i32
      %dma_start3A_68 = arith.constant 0 : i32
      %dma_start3A_69 = tpu.memref_slice %arg11[%dma_start3A_67, %dma_start3A_68] : memref<512x64xf32, #tpu.memory_space<vmem>> -> memref<128x64xf32, #tpu.memory_space<vmem>>
      %dma_start3A_70 = arith.constant 0 : i32
      %dma_start3A_71 = tpu.memref_slice %arg9[%add3A_66, %dma_start3A_70] : memref<200x128xi32, #tpu.memory_space<vmem>> -> memref<1x128xi32, #tpu.memory_space<vmem>>
      %dma_start3A_72 = tpu.memref_squeeze %dma_start3A_71 : memref<1x128xi32, #tpu.memory_space<vmem>> -> memref<128xi32, #tpu.memory_space<vmem>>
      %dma_start3A_73 = arith.constant 0 : i32
      %dma_start3A_74 = arith.constant 0 : i32
      %dma_start3A_75 = tpu.memref_slice %arg3[%dma_start3A_73, %dma_start3A_74] : memref<50000x64xf32, #tpu.memory_space<hbm>> -> memref<50000x64xf32, #tpu.memory_space<hbm>>
      tpu.enqueue_indirect_dma source(%dma_start3A_75 : memref<50000x64xf32, #tpu.memory_space<hbm>>) target(%dma_start3A_69 : memref<128x64xf32, #tpu.memory_space<vmem>>) offsets(%dma_start3A_72 : memref<128xi32, #tpu.memory_space<vmem>>) semaphore(%arg13 : memref<!tpu.dma_semaphore, #tpu.memory_space<semaphore_mem>>)
      %add3A_76 = arith.constant 2 : i32
      %add3A_77 = arith.addi %mul3A_10, %add3A_76 : i32
      %dma_start3A_78 = arith.constant 256 : i32
      %dma_start3A_79 = arith.constant 0 : i32
      %dma_start3A_80 = tpu.memref_slice %arg11[%dma_start3A_78, %dma_start3A_79] : memref<512x64xf32, #tpu.memory_space<vmem>> -> memref<128x64xf32, #tpu.memory_space<vmem>>
      %dma_start3A_81 = arith.constant 0 : i32
      %dma_start3A_82 = tpu.memref_slice %arg9[%add3A_77, %dma_start3A_81] : memref<200x128xi32, #tpu.memory_space<vmem>> -> memref<1x128xi32, #tpu.memory_space<vmem>>
      %dma_start3A_83 = tpu.memref_squeeze %dma_start3A_82 : memref<1x128xi32, #tpu.memory_space<vmem>> -> memref<128xi32, #tpu.memory_space<vmem>>
      %dma_start3A_84 = arith.constant 0 : i32
      %dma_start3A_85 = arith.constant 0 : i32
      %dma_start3A_86 = tpu.memref_slice %arg3[%dma_start3A_84, %dma_start3A_85] : memref<50000x64xf32, #tpu.memory_space<hbm>> -> memref<50000x64xf32, #tpu.memory_space<hbm>>
      tpu.enqueue_indirect_dma source(%dma_start3A_86 : memref<50000x64xf32, #tpu.memory_space<hbm>>) target(%dma_start3A_80 : memref<128x64xf32, #tpu.memory_space<vmem>>) offsets(%dma_start3A_83 : memref<128xi32, #tpu.memory_space<vmem>>) semaphore(%arg13 : memref<!tpu.dma_semaphore, #tpu.memory_space<semaphore_mem>>)
      %add3A_87 = arith.constant 3 : i32
      %add3A_88 = arith.addi %mul3A_10, %add3A_87 : i32
      %dma_start3A_89 = arith.constant 384 : i32
      %dma_start3A_90 = arith.constant 0 : i32
      %dma_start3A_91 = tpu.memref_slice %arg11[%dma_start3A_89, %dma_start3A_90] : memref<512x64xf32, #tpu.memory_space<vmem>> -> memref<128x64xf32, #tpu.memory_space<vmem>>
      %dma_start3A_92 = arith.constant 0 : i32
      %dma_start3A_93 = tpu.memref_slice %arg9[%add3A_88, %dma_start3A_92] : memref<200x128xi32, #tpu.memory_space<vmem>> -> memref<1x128xi32, #tpu.memory_space<vmem>>
      %dma_start3A_94 = tpu.memref_squeeze %dma_start3A_93 : memref<1x128xi32, #tpu.memory_space<vmem>> -> memref<128xi32, #tpu.memory_space<vmem>>
      %dma_start3A_95 = arith.constant 0 : i32
      %dma_start3A_96 = arith.constant 0 : i32
      %dma_start3A_97 = tpu.memref_slice %arg3[%dma_start3A_95, %dma_start3A_96] : memref<50000x64xf32, #tpu.memory_space<hbm>> -> memref<50000x64xf32, #tpu.memory_space<hbm>>
      tpu.enqueue_indirect_dma source(%dma_start3A_97 : memref<50000x64xf32, #tpu.memory_space<hbm>>) target(%dma_start3A_91 : memref<128x64xf32, #tpu.memory_space<vmem>>) offsets(%dma_start3A_94 : memref<128xi32, #tpu.memory_space<vmem>>) semaphore(%arg13 : memref<!tpu.dma_semaphore, #tpu.memory_space<semaphore_mem>>)
      %dma_wait3A = arith.constant 0 : i32
      %dma_wait3A_98 = arith.constant 0 : i32
      %dma_wait3A_99 = tpu.memref_slice %arg10[%dma_wait3A, %dma_wait3A_98] : memref<512x64xf32, #tpu.memory_space<vmem>> -> memref<128x64xf32, #tpu.memory_space<vmem>>
      %dma_wait3A_100 = arith.constant 0 : i32
      %dma_wait3A_101 = tpu.memref_slice %arg8[%add3A_12, %dma_wait3A_100] : memref<200x128xi32, #tpu.memory_space<vmem>> -> memref<1x128xi32, #tpu.memory_space<vmem>>
      %dma_wait3A_102 = tpu.memref_squeeze %dma_wait3A_101 : memref<1x128xi32, #tpu.memory_space<vmem>> -> memref<128xi32, #tpu.memory_space<vmem>>
      %dma_wait3A_103 = arith.constant 0 : i32
      %dma_wait3A_104 = arith.constant 0 : i32
      %dma_wait3A_105 = tpu.memref_slice %arg2[%dma_wait3A_103, %dma_wait3A_104] : memref<50000x64xf32, #tpu.memory_space<hbm>> -> memref<50000x64xf32, #tpu.memory_space<hbm>>
      tpu.wait_indirect_dma semaphore(%arg12 : memref<!tpu.dma_semaphore, #tpu.memory_space<semaphore_mem>>) src(%dma_wait3A_105 : memref<50000x64xf32, #tpu.memory_space<hbm>>) dst(%dma_wait3A_99 : memref<128x64xf32, #tpu.memory_space<vmem>>)
      %dma_wait3A_106 = arith.constant 128 : i32
      %dma_wait3A_107 = arith.constant 0 : i32
      %dma_wait3A_108 = tpu.memref_slice %arg10[%dma_wait3A_106, %dma_wait3A_107] : memref<512x64xf32, #tpu.memory_space<vmem>> -> memref<128x64xf32, #tpu.memory_space<vmem>>
      %dma_wait3A_109 = arith.constant 0 : i32
      %dma_wait3A_110 = tpu.memref_slice %arg8[%add3A_22, %dma_wait3A_109] : memref<200x128xi32, #tpu.memory_space<vmem>> -> memref<1x128xi32, #tpu.memory_space<vmem>>
      %dma_wait3A_111 = tpu.memref_squeeze %dma_wait3A_110 : memref<1x128xi32, #tpu.memory_space<vmem>> -> memref<128xi32, #tpu.memory_space<vmem>>
      %dma_wait3A_112 = arith.constant 0 : i32
      %dma_wait3A_113 = arith.constant 0 : i32
      %dma_wait3A_114 = tpu.memref_slice %arg2[%dma_wait3A_112, %dma_wait3A_113] : memref<50000x64xf32, #tpu.memory_space<hbm>> -> memref<50000x64xf32, #tpu.memory_space<hbm>>
      tpu.wait_indirect_dma semaphore(%arg12 : memref<!tpu.dma_semaphore, #tpu.memory_space<semaphore_mem>>) src(%dma_wait3A_114 : memref<50000x64xf32, #tpu.memory_space<hbm>>) dst(%dma_wait3A_108 : memref<128x64xf32, #tpu.memory_space<vmem>>)
      %dma_wait3A_115 = arith.constant 256 : i32
      %dma_wait3A_116 = arith.constant 0 : i32
      %dma_wait3A_117 = tpu.memref_slice %arg10[%dma_wait3A_115, %dma_wait3A_116] : memref<512x64xf32, #tpu.memory_space<vmem>> -> memref<128x64xf32, #tpu.memory_space<vmem>>
      %dma_wait3A_118 = arith.constant 0 : i32
      %dma_wait3A_119 = tpu.memref_slice %arg8[%add3A_33, %dma_wait3A_118] : memref<200x128xi32, #tpu.memory_space<vmem>> -> memref<1x128xi32, #tpu.memory_space<vmem>>
      %dma_wait3A_120 = tpu.memref_squeeze %dma_wait3A_119 : memref<1x128xi32, #tpu.memory_space<vmem>> -> memref<128xi32, #tpu.memory_space<vmem>>
      %dma_wait3A_121 = arith.constant 0 : i32
      %dma_wait3A_122 = arith.constant 0 : i32
      %dma_wait3A_123 = tpu.memref_slice %arg2[%dma_wait3A_121, %dma_wait3A_122] : memref<50000x64xf32, #tpu.memory_space<hbm>> -> memref<50000x64xf32, #tpu.memory_space<hbm>>
      tpu.wait_indirect_dma semaphore(%arg12 : memref<!tpu.dma_semaphore, #tpu.memory_space<semaphore_mem>>) src(%dma_wait3A_123 : memref<50000x64xf32, #tpu.memory_space<hbm>>) dst(%dma_wait3A_117 : memref<128x64xf32, #tpu.memory_space<vmem>>)
      %dma_wait3A_124 = arith.constant 384 : i32
      %dma_wait3A_125 = arith.constant 0 : i32
      %dma_wait3A_126 = tpu.memref_slice %arg10[%dma_wait3A_124, %dma_wait3A_125] : memref<512x64xf32, #tpu.memory_space<vmem>> -> memref<128x64xf32, #tpu.memory_space<vmem>>
      %dma_wait3A_127 = arith.constant 0 : i32
      %dma_wait3A_128 = tpu.memref_slice %arg8[%add3A_44, %dma_wait3A_127] : memref<200x128xi32, #tpu.memory_space<vmem>> -> memref<1x128xi32, #tpu.memory_space<vmem>>
      %dma_wait3A_129 = tpu.memref_squeeze %dma_wait3A_128 : memref<1x128xi32, #tpu.memory_space<vmem>> -> memref<128xi32, #tpu.memory_space<vmem>>
      %dma_wait3A_130 = arith.constant 0 : i32
      %dma_wait3A_131 = arith.constant 0 : i32
      %dma_wait3A_132 = tpu.memref_slice %arg2[%dma_wait3A_130, %dma_wait3A_131] : memref<50000x64xf32, #tpu.memory_space<hbm>> -> memref<50000x64xf32, #tpu.memory_space<hbm>>
      tpu.wait_indirect_dma semaphore(%arg12 : memref<!tpu.dma_semaphore, #tpu.memory_space<semaphore_mem>>) src(%dma_wait3A_132 : memref<50000x64xf32, #tpu.memory_space<hbm>>) dst(%dma_wait3A_126 : memref<128x64xf32, #tpu.memory_space<vmem>>)
      %add3A_133 = arith.addi %mul3A_2, %mul3A_10 : i32
      %mul3A_134 = arith.constant 128 : i32
      %mul3A_135 = arith.muli %add3A_133, %mul3A_134 : i32
      "tpu.region"() ({
        %run_scoped3A = tpu.sem_alloc : memref<!tpu.dma_semaphore, #tpu.memory_space<semaphore_mem>>
        %dma_start3A_175 = arith.constant 0 : i32
        %dma_start3A_176 = tpu.memref_slice %arg6[%mul3A_135, %dma_start3A_175] : memref<819200x64xf32, #tpu.memory_space<hbm>> -> memref<512x64xf32, #tpu.memory_space<hbm>>
        %dma_start3A_177 = arith.constant 0 : i32
        %dma_start3A_178 = tpu.memref_slice %arg6[%mul3A_135, %dma_start3A_177] : memref<819200x64xf32, #tpu.memory_space<hbm>> -> memref<512x64xf32, #tpu.memory_space<hbm>>
        tpu.enqueue_dma source(%arg10 : memref<512x64xf32, #tpu.memory_space<vmem>>) target(%dma_start3A_178 : memref<512x64xf32, #tpu.memory_space<hbm>>) target_semaphore(%run_scoped3A : memref<!tpu.dma_semaphore, #tpu.memory_space<semaphore_mem>>)
        %dma_wait3A_179 = arith.constant 0 : i32
        %dma_wait3A_180 = tpu.memref_slice %arg6[%mul3A_135, %dma_wait3A_179] : memref<819200x64xf32, #tpu.memory_space<hbm>> -> memref<512x64xf32, #tpu.memory_space<hbm>>
        %dma_wait3A_181 = arith.constant 0 : i32
        %dma_wait3A_182 = tpu.memref_slice %arg6[%mul3A_135, %dma_wait3A_181] : memref<819200x64xf32, #tpu.memory_space<hbm>> -> memref<512x64xf32, #tpu.memory_space<hbm>>
        tpu.wait_dma2 semaphore(%run_scoped3A : memref<!tpu.dma_semaphore, #tpu.memory_space<semaphore_mem>>) src(%arg10 : memref<512x64xf32, #tpu.memory_space<vmem>>) dst(%dma_wait3A_182 : memref<512x64xf32, #tpu.memory_space<hbm>>)
        tpu.yield
      }) : () -> ()
      %dma_wait3A_136 = arith.constant 0 : i32
      %dma_wait3A_137 = arith.constant 0 : i32
      %dma_wait3A_138 = tpu.memref_slice %arg11[%dma_wait3A_136, %dma_wait3A_137] : memref<512x64xf32, #tpu.memory_space<vmem>> -> memref<128x64xf32, #tpu.memory_space<vmem>>
      %dma_wait3A_139 = arith.constant 0 : i32
      %dma_wait3A_140 = tpu.memref_slice %arg9[%add3A_55, %dma_wait3A_139] : memref<200x128xi32, #tpu.memory_space<vmem>> -> memref<1x128xi32, #tpu.memory_space<vmem>>
      %dma_wait3A_141 = tpu.memref_squeeze %dma_wait3A_140 : memref<1x128xi32, #tpu.memory_space<vmem>> -> memref<128xi32, #tpu.memory_space<vmem>>
      %dma_wait3A_142 = arith.constant 0 : i32
      %dma_wait3A_143 = arith.constant 0 : i32
      %dma_wait3A_144 = tpu.memref_slice %arg3[%dma_wait3A_142, %dma_wait3A_143] : memref<50000x64xf32, #tpu.memory_space<hbm>> -> memref<50000x64xf32, #tpu.memory_space<hbm>>
      tpu.wait_indirect_dma semaphore(%arg13 : memref<!tpu.dma_semaphore, #tpu.memory_space<semaphore_mem>>) src(%dma_wait3A_144 : memref<50000x64xf32, #tpu.memory_space<hbm>>) dst(%dma_wait3A_138 : memref<128x64xf32, #tpu.memory_space<vmem>>)
      %dma_wait3A_145 = arith.constant 128 : i32
      %dma_wait3A_146 = arith.constant 0 : i32
      %dma_wait3A_147 = tpu.memref_slice %arg11[%dma_wait3A_145, %dma_wait3A_146] : memref<512x64xf32, #tpu.memory_space<vmem>> -> memref<128x64xf32, #tpu.memory_space<vmem>>
      %dma_wait3A_148 = arith.constant 0 : i32
      %dma_wait3A_149 = tpu.memref_slice %arg9[%add3A_66, %dma_wait3A_148] : memref<200x128xi32, #tpu.memory_space<vmem>> -> memref<1x128xi32, #tpu.memory_space<vmem>>
      %dma_wait3A_150 = tpu.memref_squeeze %dma_wait3A_149 : memref<1x128xi32, #tpu.memory_space<vmem>> -> memref<128xi32, #tpu.memory_space<vmem>>
      %dma_wait3A_151 = arith.constant 0 : i32
      %dma_wait3A_152 = arith.constant 0 : i32
      %dma_wait3A_153 = tpu.memref_slice %arg3[%dma_wait3A_151, %dma_wait3A_152] : memref<50000x64xf32, #tpu.memory_space<hbm>> -> memref<50000x64xf32, #tpu.memory_space<hbm>>
      tpu.wait_indirect_dma semaphore(%arg13 : memref<!tpu.dma_semaphore, #tpu.memory_space<semaphore_mem>>) src(%dma_wait3A_153 : memref<50000x64xf32, #tpu.memory_space<hbm>>) dst(%dma_wait3A_147 : memref<128x64xf32, #tpu.memory_space<vmem>>)
      %dma_wait3A_154 = arith.constant 256 : i32
      %dma_wait3A_155 = arith.constant 0 : i32
      %dma_wait3A_156 = tpu.memref_slice %arg11[%dma_wait3A_154, %dma_wait3A_155] : memref<512x64xf32, #tpu.memory_space<vmem>> -> memref<128x64xf32, #tpu.memory_space<vmem>>
      %dma_wait3A_157 = arith.constant 0 : i32
      %dma_wait3A_158 = tpu.memref_slice %arg9[%add3A_77, %dma_wait3A_157] : memref<200x128xi32, #tpu.memory_space<vmem>> -> memref<1x128xi32, #tpu.memory_space<vmem>>
      %dma_wait3A_159 = tpu.memref_squeeze %dma_wait3A_158 : memref<1x128xi32, #tpu.memory_space<vmem>> -> memref<128xi32, #tpu.memory_space<vmem>>
      %dma_wait3A_160 = arith.constant 0 : i32
      %dma_wait3A_161 = arith.constant 0 : i32
      %dma_wait3A_162 = tpu.memref_slice %arg3[%dma_wait3A_160, %dma_wait3A_161] : memref<50000x64xf32, #tpu.memory_space<hbm>> -> memref<50000x64xf32, #tpu.memory_space<hbm>>
      tpu.wait_indirect_dma semaphore(%arg13 : memref<!tpu.dma_semaphore, #tpu.memory_space<semaphore_mem>>) src(%dma_wait3A_162 : memref<50000x64xf32, #tpu.memory_space<hbm>>) dst(%dma_wait3A_156 : memref<128x64xf32, #tpu.memory_space<vmem>>)
      %dma_wait3A_163 = arith.constant 384 : i32
      %dma_wait3A_164 = arith.constant 0 : i32
      %dma_wait3A_165 = tpu.memref_slice %arg11[%dma_wait3A_163, %dma_wait3A_164] : memref<512x64xf32, #tpu.memory_space<vmem>> -> memref<128x64xf32, #tpu.memory_space<vmem>>
      %dma_wait3A_166 = arith.constant 0 : i32
      %dma_wait3A_167 = tpu.memref_slice %arg9[%add3A_88, %dma_wait3A_166] : memref<200x128xi32, #tpu.memory_space<vmem>> -> memref<1x128xi32, #tpu.memory_space<vmem>>
      %dma_wait3A_168 = tpu.memref_squeeze %dma_wait3A_167 : memref<1x128xi32, #tpu.memory_space<vmem>> -> memref<128xi32, #tpu.memory_space<vmem>>
      %dma_wait3A_169 = arith.constant 0 : i32
      %dma_wait3A_170 = arith.constant 0 : i32
      %dma_wait3A_171 = tpu.memref_slice %arg3[%dma_wait3A_169, %dma_wait3A_170] : memref<50000x64xf32, #tpu.memory_space<hbm>> -> memref<50000x64xf32, #tpu.memory_space<hbm>>
      tpu.wait_indirect_dma semaphore(%arg13 : memref<!tpu.dma_semaphore, #tpu.memory_space<semaphore_mem>>) src(%dma_wait3A_171 : memref<50000x64xf32, #tpu.memory_space<hbm>>) dst(%dma_wait3A_165 : memref<128x64xf32, #tpu.memory_space<vmem>>)
      %add3A_172 = arith.addi %mul3A_2, %mul3A_10 : i32
      %mul3A_173 = arith.constant 128 : i32
      %mul3A_174 = arith.muli %add3A_172, %mul3A_173 : i32
      "tpu.region"() ({
        %run_scoped3A = tpu.sem_alloc : memref<!tpu.dma_semaphore, #tpu.memory_space<semaphore_mem>>
        %dma_start3A_175 = arith.constant 0 : i32
        %dma_start3A_176 = tpu.memref_slice %arg7[%mul3A_174, %dma_start3A_175] : memref<819200x64xf32, #tpu.memory_space<hbm>> -> memref<512x64xf32, #tpu.memory_space<hbm>>
        %dma_start3A_177 = arith.constant 0 : i32
        %dma_start3A_178 = tpu.memref_slice %arg7[%mul3A_174, %dma_start3A_177] : memref<819200x64xf32, #tpu.memory_space<hbm>> -> memref<512x64xf32, #tpu.memory_space<hbm>>
        tpu.enqueue_dma source(%arg11 : memref<512x64xf32, #tpu.memory_space<vmem>>) target(%dma_start3A_178 : memref<512x64xf32, #tpu.memory_space<hbm>>) target_semaphore(%run_scoped3A : memref<!tpu.dma_semaphore, #tpu.memory_space<semaphore_mem>>)
        %dma_wait3A_179 = arith.constant 0 : i32
        %dma_wait3A_180 = tpu.memref_slice %arg7[%mul3A_174, %dma_wait3A_179] : memref<819200x64xf32, #tpu.memory_space<hbm>> -> memref<512x64xf32, #tpu.memory_space<hbm>>
        %dma_wait3A_181 = arith.constant 0 : i32
        %dma_wait3A_182 = tpu.memref_slice %arg7[%mul3A_174, %dma_wait3A_181] : memref<819200x64xf32, #tpu.memory_space<hbm>> -> memref<512x64xf32, #tpu.memory_space<hbm>>
        tpu.wait_dma2 semaphore(%run_scoped3A : memref<!tpu.dma_semaphore, #tpu.memory_space<semaphore_mem>>) src(%arg11 : memref<512x64xf32, #tpu.memory_space<vmem>>) dst(%dma_wait3A_182 : memref<512x64xf32, #tpu.memory_space<hbm>>)
        tpu.yield
      }) : () -> ()
    }
    %scan3A_7 = arith.constant 50 : i32
    return
  }
}

module attributes {stable_mosaic.version = 14 : i64} {
  func.func @_proj3_body(%arg0: i32, %arg1: memref<5000x128xf32, #tpu.memory_space<vmem>>, %arg2: memref<128x64xf32, #tpu.memory_space<vmem>>, %arg3: memref<1x64xf32, #tpu.memory_space<vmem>>, %arg4: memref<64x64xf32, #tpu.memory_space<vmem>>, %arg5: memref<64x64xf32, #tpu.memory_space<vmem>>, %arg6: memref<5000x64xf32, #tpu.memory_space<vmem>>, %arg7: memref<5000x64xf32, #tpu.memory_space<vmem>>, %arg8: memref<5000x64xf32, #tpu.memory_space<vmem>>) attributes {dimension_semantics = [#tpu.dimension_semantics<arbitrary>], iteration_bounds = array<i64: 10>, scalar_prefetch = 0 : i64, scratch_operands = 0 : i64, tpu.core_type = #tpu.core_type<tc>, window_params = [{transform_indices = @transform_0, window_bounds = array<i64: 5000, 128>}, {pipeline_mode = #tpu.pipeline_mode<synchronous>, transform_indices = @transform_1, window_bounds = array<i64: 128, 64>}, {pipeline_mode = #tpu.pipeline_mode<synchronous>, transform_indices = @transform_2, window_bounds = array<i64: 1, 64>}, {pipeline_mode = #tpu.pipeline_mode<synchronous>, transform_indices = @transform_3, window_bounds = array<i64: 64, 64>}, {pipeline_mode = #tpu.pipeline_mode<synchronous>, transform_indices = @transform_4, window_bounds = array<i64: 64, 64>}, {transform_indices = @transform_5, window_bounds = array<i64: 5000, 64>}, {transform_indices = @transform_6, window_bounds = array<i64: 5000, 64>}, {transform_indices = @transform_7, window_bounds = array<i64: 5000, 64>}]} {
    %get3A = arith.constant 0 : index
    %get3A_0 = arith.constant 0 : index
    %get3A_1 = vector.load %arg1[%get3A, %get3A_0] : memref<5000x128xf32, #tpu.memory_space<vmem>>, vector<5000x128xf32>
    %get3A_2 = arith.constant 0 : index
    %get3A_3 = arith.constant 0 : index
    %get3A_4 = vector.load %arg2[%get3A_2, %get3A_3] : memref<128x64xf32, #tpu.memory_space<vmem>>, vector<128x64xf32>
    %dot_general3A = arith.constant dense<0.000000e+00> : vector<5000x64xf32>
    %dot_general3A_5 = tpu.matmul %get3A_1, %get3A_4, %dot_general3A {dimension_numbers = #tpu.dot_dimension_numbers<[1], [0], [0], [1], [0, 0, 1, 1], [], []>, transpose_lhs_hint = false} : vector<5000x128xf32>, vector<128x64xf32>, vector<5000x64xf32> -> vector<5000x64xf32>
    %get3A_6 = arith.constant 0 : index
    %get3A_7 = arith.constant 0 : index
    %get3A_8 = vector.load %arg3[%get3A_6, %get3A_7] : memref<1x64xf32, #tpu.memory_space<vmem>>, vector<1x64xf32>
    %squeeze3A = vector.shape_cast %get3A_8 : vector<1x64xf32> to vector<64xf32>
    %broadcast_in_dim3A = vector.shape_cast %squeeze3A : vector<64xf32> to vector<1x64xf32>
    %add3A = vector.broadcast %broadcast_in_dim3A : vector<1x64xf32> to vector<5000x64xf32>
    %add3A_9 = arith.addf %dot_general3A_5, %add3A : vector<5000x64xf32>
    %swap3A = arith.constant 0 : index
    %swap3A_10 = arith.constant 0 : index
    %swap3A_11 = vector.load %arg6[%swap3A, %swap3A_10] : memref<5000x64xf32, #tpu.memory_space<vmem>>, vector<5000x64xf32>
    tpu.vector_store %arg6[%swap3A, %swap3A_10], %add3A_9 {strides = array<i32>} : memref<5000x64xf32, #tpu.memory_space<vmem>>, vector<5000x64xf32>,
    %get3A_12 = arith.constant 0 : index
    %get3A_13 = arith.constant 0 : index
    %get3A_14 = vector.load %arg4[%get3A_12, %get3A_13] : memref<64x64xf32, #tpu.memory_space<vmem>>, vector<64x64xf32>
    %dot_general3A_15 = arith.constant dense<0.000000e+00> : vector<5000x64xf32>
    %dot_general3A_16 = tpu.matmul %add3A_9, %get3A_14, %dot_general3A_15 {dimension_numbers = #tpu.dot_dimension_numbers<[1], [0], [0], [1], [0, 0, 1, 1], [], []>, transpose_lhs_hint = false} : vector<5000x64xf32>, vector<64x64xf32>, vector<5000x64xf32> -> vector<5000x64xf32>
    %swap3A_17 = arith.constant 0 : index
    %swap3A_18 = arith.constant 0 : index
    %swap3A_19 = vector.load %arg7[%swap3A_17, %swap3A_18] : memref<5000x64xf32, #tpu.memory_space<vmem>>, vector<5000x64xf32>
    tpu.vector_store %arg7[%swap3A_17, %swap3A_18], %dot_general3A_16 {strides = array<i32>} : memref<5000x64xf32, #tpu.memory_space<vmem>>, vector<5000x64xf32>,
    %get3A_20 = arith.constant 0 : index
    %get3A_21 = arith.constant 0 : index
    %get3A_22 = vector.load %arg5[%get3A_20, %get3A_21] : memref<64x64xf32, #tpu.memory_space<vmem>>, vector<64x64xf32>
    %dot_general3A_23 = arith.constant dense<0.000000e+00> : vector<5000x64xf32>
    %dot_general3A_24 = tpu.matmul %add3A_9, %get3A_22, %dot_general3A_23 {dimension_numbers = #tpu.dot_dimension_numbers<[1], [0], [0], [1], [0, 0, 1, 1], [], []>, transpose_lhs_hint = false} : vector<5000x64xf32>, vector<64x64xf32>, vector<5000x64xf32> -> vector<5000x64xf32>
    %swap3A_25 = arith.constant 0 : index
    %swap3A_26 = arith.constant 0 : index
    %swap3A_27 = vector.load %arg8[%swap3A_25, %swap3A_26] : memref<5000x64xf32, #tpu.memory_space<vmem>>, vector<5000x64xf32>
    tpu.vector_store %arg8[%swap3A_25, %swap3A_26], %dot_general3A_24 {strides = array<i32>} : memref<5000x64xf32, #tpu.memory_space<vmem>>, vector<5000x64xf32>,
    return
  }
  func.func @transform_0(%arg0: i32) -> (i32, i32) {
    %c0_i32 = arith.constant 0 : i32
    %c0_i32_0 = arith.constant 0 : i32
    return %arg0, %c0_i32 : i32, i32
  }
  func.func @transform_1(%arg0: i32) -> (i32, i32) {
    %c0_i32 = arith.constant 0 : i32
    %c0_i32_0 = arith.constant 0 : i32
    %c0_i32_1 = arith.constant 0 : i32
    return %c0_i32, %c0_i32_0 : i32, i32
  }
  func.func @transform_2(%arg0: i32) -> (i32, i32) {
    %c0_i32 = arith.constant 0 : i32
    %c0_i32_0 = arith.constant 0 : i32
    %c0_i32_1 = arith.constant 0 : i32
    return %c0_i32, %c0_i32_0 : i32, i32
  }
  func.func @transform_3(%arg0: i32) -> (i32, i32) {
    %c0_i32 = arith.constant 0 : i32
    %c0_i32_0 = arith.constant 0 : i32
    %c0_i32_1 = arith.constant 0 : i32
    return %c0_i32, %c0_i32_0 : i32, i32
  }
  func.func @transform_4(%arg0: i32) -> (i32, i32) {
    %c0_i32 = arith.constant 0 : i32
    %c0_i32_0 = arith.constant 0 : i32
    %c0_i32_1 = arith.constant 0 : i32
    return %c0_i32, %c0_i32_0 : i32, i32
  }
  func.func @transform_5(%arg0: i32) -> (i32, i32) {
    %c0_i32 = arith.constant 0 : i32
    %c0_i32_0 = arith.constant 0 : i32
    return %arg0, %c0_i32 : i32, i32
  }
  func.func @transform_6(%arg0: i32) -> (i32, i32) {
    %c0_i32 = arith.constant 0 : i32
    %c0_i32_0 = arith.constant 0 : i32
    return %arg0, %c0_i32 : i32, i32
  }
  func.func @transform_7(%arg0: i32) -> (i32, i32) {
    %c0_i32 = arith.constant 0 : i32
    %c0_i32_0 = arith.constant 0 : i32
    return %arg0, %c0_i32 : i32, i32
  }
}

module attributes {stable_mosaic.version = 14 : i64} {
  func.func @_passA0_body(%arg0: i32, %arg1: memref<4096x64xf32, #tpu.memory_space<vmem>>, %arg2: memref<4096x64xf32, #tpu.memory_space<vmem>>, %arg3: memref<4096x1xf32, #tpu.memory_space<vmem>>, %arg4: memref<1x64xf32, #tpu.memory_space<vmem>>, %arg5: memref<4096x64xf32, #tpu.memory_space<vmem>>, %arg6: memref<8x64xf32, #tpu.memory_space<vmem>>) attributes {dimension_semantics = [#tpu.dimension_semantics<arbitrary>], iteration_bounds = array<i64: 200>, scalar_prefetch = 0 : i64, scratch_operands = 0 : i64, tpu.core_type = #tpu.core_type<tc>, window_params = [{transform_indices = @transform_0, window_bounds = array<i64: 4096, 64>}, {transform_indices = @transform_1, window_bounds = array<i64: 4096, 64>}, {transform_indices = @transform_2, window_bounds = array<i64: 4096, 1>}, {pipeline_mode = #tpu.pipeline_mode<synchronous>, transform_indices = @transform_3, window_bounds = array<i64: 1, 64>}, {transform_indices = @transform_4, window_bounds = array<i64: 4096, 64>}, {pipeline_mode = #tpu.pipeline_mode<synchronous>, transform_indices = @transform_5, window_bounds = array<i64: 8, 64>}]} {
    %get3A = arith.constant 0 : index
    %get3A_0 = arith.constant 0 : index
    %get3A_1 = vector.load %arg1[%get3A, %get3A_0] : memref<4096x64xf32, #tpu.memory_space<vmem>>, vector<4096x64xf32>
    %get3A_2 = arith.constant 0 : index
    %get3A_3 = arith.constant 0 : index
    %get3A_4 = vector.load %arg2[%get3A_2, %get3A_3] : memref<4096x64xf32, #tpu.memory_space<vmem>>, vector<4096x64xf32>
    %add3A = arith.addf %get3A_1, %get3A_4 : vector<4096x64xf32>
    %get3A_5 = arith.constant 0 : index
    %get3A_6 = arith.constant 0 : index
    %get3A_7 = vector.load %arg3[%get3A_5, %get3A_6] : memref<4096x1xf32, #tpu.memory_space<vmem>>, vector<4096x1xf32>
    %get3A_8 = arith.constant 0 : index
    %get3A_9 = arith.constant 0 : index
    %get3A_10 = vector.load %arg4[%get3A_8, %get3A_9] : memref<1x64xf32, #tpu.memory_space<vmem>>, vector<1x64xf32>
    %mul3A = vector.broadcast %get3A_7 : vector<4096x1xf32> to vector<4096x64xf32>
    %mul3A_11 = vector.broadcast %get3A_10 : vector<1x64xf32> to vector<4096x64xf32>
    %mul3A_12 = arith.mulf %mul3A, %mul3A_11 : vector<4096x64xf32>
    %add3A_13 = arith.addf %add3A, %mul3A_12 : vector<4096x64xf32>
    %swap3A = arith.constant 0 : index
    %swap3A_14 = arith.constant 0 : index
    %swap3A_15 = vector.load %arg5[%swap3A, %swap3A_14] : memref<4096x64xf32, #tpu.memory_space<vmem>>, vector<4096x64xf32>
    tpu.vector_store %arg5[%swap3A, %swap3A_14], %add3A_13 {strides = array<i32>} : memref<4096x64xf32, #tpu.memory_space<vmem>>, vector<4096x64xf32>,
    %eq3A = arith.constant 0 : i32
    %eq3A_16 = arith.cmpi eq, %arg0, %eq3A : i32
    %convert_element_type3A = arith.extui %eq3A_16 : i1 to i32
    %cond3A = arith.constant 0 : i32
    %cond3A_17 = arith.cmpi ne, %convert_element_type3A, %cond3A : i32
    scf.if %cond3A_17 {
      %reduce_sum3A_46 = arith.constant dense<0.000000e+00> : vector<64xf32>
      %reduce_sum3A_47 = vector.multi_reduction <add>, %add3A_13, %reduce_sum3A_46 [0] : vector<4096x64xf32> to vector<64xf32>
      %div3A = arith.constant 4.096000e+03 : f32
      %div3A_48 = vector.broadcast %div3A : f32 to vector<64xf32>
      %div3A_49 = arith.divf %reduce_sum3A_47, %div3A_48 : vector<64xf32>
      %broadcast_in_dim3A_50 = arith.constant 0.000000e+00 : f32
      %broadcast_in_dim3A_51 = vector.broadcast %broadcast_in_dim3A_50 : f32 to vector<2x64xf32>
      %broadcast_in_dim3A_52 = vector.shape_cast %div3A_49 : vector<64xf32> to vector<1x64xf32>
      %broadcast_in_dim3A_53 = arith.constant 0.000000e+00 : f32
      %broadcast_in_dim3A_54 = vector.broadcast %broadcast_in_dim3A_53 : f32 to vector<5x64xf32>
      %concatenate3A_55 = tpu.concatenate %broadcast_in_dim3A_51, %broadcast_in_dim3A_52, %broadcast_in_dim3A_54 in 0 : vector<2x64xf32>, vector<1x64xf32>, vector<5x64xf32> -> vector<8x64xf32>
      %swap3A_56 = arith.constant 0 : index
      %swap3A_57 = arith.constant 0 : index
      %swap3A_58 = vector.load %arg6[%swap3A_56, %swap3A_57] : memref<8x64xf32, #tpu.memory_space<vmem>>, vector<8x64xf32>
      tpu.vector_store %arg6[%swap3A_56, %swap3A_57], %concatenate3A_55 {strides = array<i32>} : memref<8x64xf32, #tpu.memory_space<vmem>>, vector<8x64xf32>,
    } else {
    }
    %get3A_18 = arith.constant 0 : index
    %get3A_19 = arith.constant 0 : index
    %get3A_20 = vector.load %arg6[%get3A_18, %get3A_19] : memref<8x64xf32, #tpu.memory_space<vmem>>, vector<8x64xf32>
    %slice3A = vector.extract_strided_slice %get3A_20 {offsets = [2, 0], sizes = [1, 64], strides = [1, 1]} : vector<8x64xf32> to vector<1x64xf32>
    %squeeze3A = vector.shape_cast %slice3A : vector<1x64xf32> to vector<64xf32>
    %broadcast_in_dim3A = vector.shape_cast %squeeze3A : vector<64xf32> to vector<1x64xf32>
    %sub3A = vector.broadcast %broadcast_in_dim3A : vector<1x64xf32> to vector<4096x64xf32>
    %sub3A_21 = arith.subf %add3A_13, %sub3A : vector<4096x64xf32>
    %mul3A_22 = arith.constant 4096 : i32
    %mul3A_23 = arith.muli %arg0, %mul3A_22 : i32
    %iota3A = tpu.iota {dimensions = array<i32: 0>} : vector<4096x1xi32>
    %add3A_24 = vector.broadcast %mul3A_23 : i32 to vector<4096x1xi32>
    %add3A_25 = arith.addi %add3A_24, %iota3A : vector<4096x1xi32>
    %lt3A = arith.constant 800000 : i32
    %lt3A_26 = vector.broadcast %lt3A : i32 to vector<4096x1xi32>
    %lt3A_27 = arith.cmpi slt, %add3A_25, %lt3A_26 : vector<4096x1xi32>
    %jit3A = arith.constant 0.000000e+00 : f32
    %broadcast_in_dim3A_28 = vector.shape_cast %lt3A_27 : vector<4096x1xi1> to vector<4096x1xi1>
    %broadcast_in_dim3A_29 = vector.broadcast %broadcast_in_dim3A_28 : vector<4096x1xi1> to vector<4096x64xi1>
    %broadcast_in_dim3A_30 = vector.broadcast %jit3A : f32 to vector<4096x64xf32>
    %select_n3A = arith.select %broadcast_in_dim3A_29, %sub3A_21, %broadcast_in_dim3A_30 : vector<4096x64xi1>, vector<4096x64xf32>
    %reduce_sum3A = arith.constant dense<0.000000e+00> : vector<64xf32>
    %reduce_sum3A_31 = vector.multi_reduction <add>, %select_n3A, %reduce_sum3A [0] : vector<4096x64xf32> to vector<64xf32>
    %broadcast_in_dim3A_32 = vector.shape_cast %reduce_sum3A_31 : vector<64xf32> to vector<1x64xf32>
    %mul3A_33 = arith.mulf %select_n3A, %select_n3A : vector<4096x64xf32>
    %reduce_sum3A_34 = arith.constant dense<0.000000e+00> : vector<64xf32>
    %reduce_sum3A_35 = vector.multi_reduction <add>, %mul3A_33, %reduce_sum3A_34 [0] : vector<4096x64xf32> to vector<64xf32>
    %broadcast_in_dim3A_36 = vector.shape_cast %reduce_sum3A_35 : vector<64xf32> to vector<1x64xf32>
    %broadcast_in_dim3A_37 = arith.constant 0.000000e+00 : f32
    %broadcast_in_dim3A_38 = vector.broadcast %broadcast_in_dim3A_37 : f32 to vector<6x64xf32>
    %concatenate3A = tpu.concatenate %broadcast_in_dim3A_32, %broadcast_in_dim3A_36, %broadcast_in_dim3A_38 in 0 : vector<1x64xf32>, vector<1x64xf32>, vector<6x64xf32> -> vector<8x64xf32>
    %get3A_39 = arith.constant 0 : index
    %get3A_40 = arith.constant 0 : index
    %get3A_41 = vector.load %arg6[%get3A_39, %get3A_40] : memref<8x64xf32, #tpu.memory_space<vmem>>, vector<8x64xf32>
    %add3A_42 = arith.addf %get3A_41, %concatenate3A : vector<8x64xf32>
    %swap3A_43 = arith.constant 0 : index
    %swap3A_44 = arith.constant 0 : index
    %swap3A_45 = vector.load %arg6[%swap3A_43, %swap3A_44] : memref<8x64xf32, #tpu.memory_space<vmem>>, vector<8x64xf32>
    tpu.vector_store %arg6[%swap3A_43, %swap3A_44], %add3A_42 {strides = array<i32>} : memref<8x64xf32, #tpu.memory_space<vmem>>, vector<8x64xf32>,
    return
  }
  func.func @transform_0(%arg0: i32) -> (i32, i32) {
    %c0_i32 = arith.constant 0 : i32
    %c0_i32_0 = arith.constant 0 : i32
    return %arg0, %c0_i32 : i32, i32
  }
  func.func @transform_1(%arg0: i32) -> (i32, i32) {
    %c0_i32 = arith.constant 0 : i32
    %c0_i32_0 = arith.constant 0 : i32
    return %arg0, %c0_i32 : i32, i32
  }
  func.func @transform_2(%arg0: i32) -> (i32, i32) {
    %c0_i32 = arith.constant 0 : i32
    %c0_i32_0 = arith.constant 0 : i32
    return %arg0, %c0_i32 : i32, i32
  }
  func.func @transform_3(%arg0: i32) -> (i32, i32) {
    %c0_i32 = arith.constant 0 : i32
    %c0_i32_0 = arith.constant 0 : i32
    %c0_i32_1 = arith.constant 0 : i32
    return %c0_i32, %c0_i32_0 : i32, i32
  }
  func.func @transform_4(%arg0: i32) -> (i32, i32) {
    %c0_i32 = arith.constant 0 : i32
    %c0_i32_0 = arith.constant 0 : i32
    return %arg0, %c0_i32 : i32, i32
  }
  func.func @transform_5(%arg0: i32) -> (i32, i32) {
    %c0_i32 = arith.constant 0 : i32
    %c0_i32_0 = arith.constant 0 : i32
    %c0_i32_1 = arith.constant 0 : i32
    return %c0_i32, %c0_i32_0 : i32, i32
  }
}

module attributes {stable_mosaic.version = 14 : i64} {
  func.func @_armm_split_body(%arg0: i32, %arg1: memref<4096x64xf32, #tpu.memory_space<vmem>>, %arg2: memref<1x64xf32, #tpu.memory_space<vmem>>, %arg3: memref<1x64xf32, #tpu.memory_space<vmem>>, %arg4: memref<64x64xf32, #tpu.memory_space<vmem>>, %arg5: memref<2x4096x32xf32, #tpu.memory_space<vmem>>, %arg6: memref<8x64xf32, #tpu.memory_space<vmem>>) attributes {dimension_semantics = [#tpu.dimension_semantics<arbitrary>], iteration_bounds = array<i64: 200>, scalar_prefetch = 0 : i64, scratch_operands = 0 : i64, tpu.core_type = #tpu.core_type<tc>, window_params = [{transform_indices = @transform_0, window_bounds = array<i64: 4096, 64>}, {pipeline_mode = #tpu.pipeline_mode<synchronous>, transform_indices = @transform_1, window_bounds = array<i64: 1, 64>}, {pipeline_mode = #tpu.pipeline_mode<synchronous>, transform_indices = @transform_2, window_bounds = array<i64: 1, 64>}, {pipeline_mode = #tpu.pipeline_mode<synchronous>, transform_indices = @transform_3, window_bounds = array<i64: 64, 64>}, {transform_indices = @transform_4, window_bounds = array<i64: 2, 4096, 32>}, {pipeline_mode = #tpu.pipeline_mode<synchronous>, transform_indices = @transform_5, window_bounds = array<i64: 8, 64>}]} {
    %get3A = arith.constant 0 : index
    %get3A_0 = arith.constant 0 : index
    %get3A_1 = vector.load %arg1[%get3A, %get3A_0] : memref<4096x64xf32, #tpu.memory_space<vmem>>, vector<4096x64xf32>
    %get3A_2 = arith.constant 0 : index
    %get3A_3 = arith.constant 0 : index
    %get3A_4 = vector.load %arg2[%get3A_2, %get3A_3] : memref<1x64xf32, #tpu.memory_space<vmem>>, vector<1x64xf32>
    %squeeze3A = vector.shape_cast %get3A_4 : vector<1x64xf32> to vector<64xf32>
    %broadcast_in_dim3A = vector.shape_cast %squeeze3A : vector<64xf32> to vector<1x64xf32>
    %mul3A = vector.broadcast %broadcast_in_dim3A : vector<1x64xf32> to vector<4096x64xf32>
    %mul3A_5 = arith.mulf %get3A_1, %mul3A : vector<4096x64xf32>
    %get3A_6 = arith.constant 0 : index
    %get3A_7 = arith.constant 0 : index
    %get3A_8 = vector.load %arg3[%get3A_6, %get3A_7] : memref<1x64xf32, #tpu.memory_space<vmem>>, vector<1x64xf32>
    %squeeze3A_9 = vector.shape_cast %get3A_8 : vector<1x64xf32> to vector<64xf32>
    %broadcast_in_dim3A_10 = vector.shape_cast %squeeze3A_9 : vector<64xf32> to vector<1x64xf32>
    %add3A = vector.broadcast %broadcast_in_dim3A_10 : vector<1x64xf32> to vector<4096x64xf32>
    %add3A_11 = arith.addf %mul3A_5, %add3A : vector<4096x64xf32>
    %max3A = arith.constant 0.000000e+00 : f32
    %max3A_12 = vector.broadcast %max3A : f32 to vector<4096x64xf32>
    %max3A_13 = arith.maximumf %add3A_11, %max3A_12 : vector<4096x64xf32>
    %get3A_14 = arith.constant 0 : index
    %get3A_15 = arith.constant 0 : index
    %get3A_16 = vector.load %arg4[%get3A_14, %get3A_15] : memref<64x64xf32, #tpu.memory_space<vmem>>, vector<64x64xf32>
    %dot_general3A = arith.constant dense<0.000000e+00> : vector<4096x64xf32>
    %dot_general3A_17 = tpu.matmul %max3A_13, %get3A_16, %dot_general3A {dimension_numbers = #tpu.dot_dimension_numbers<[1], [0], [0], [1], [0, 0, 1, 1], [], []>, transpose_lhs_hint = false} : vector<4096x64xf32>, vector<64x64xf32>, vector<4096x64xf32> -> vector<4096x64xf32>
    %slice3A = vector.extract_strided_slice %dot_general3A_17 {offsets = [0, 0], sizes = [4096, 32], strides = [1, 1]} : vector<4096x64xf32> to vector<4096x32xf32>
    %swap3A = arith.constant 0 : index
    %swap3A_18 = arith.constant 0 : index
    %swap3A_19 = arith.constant 0 : index
    %swap3A_20 = vector.load %arg5[%swap3A, %swap3A_18, %swap3A_19] : memref<2x4096x32xf32, #tpu.memory_space<vmem>>, vector<1x4096x32xf32>
    %swap3A_21 = vector.shape_cast %swap3A_20 : vector<1x4096x32xf32> to vector<4096x32xf32>
    %swap3A_22 = vector.shape_cast %slice3A : vector<4096x32xf32> to vector<1x4096x32xf32>
    tpu.vector_store %arg5[%swap3A, %swap3A_18, %swap3A_19], %swap3A_22 {strides = array<i32>} : memref<2x4096x32xf32, #tpu.memory_space<vmem>>, vector<1x4096x32xf32>,
    %slice3A_23 = vector.extract_strided_slice %dot_general3A_17 {offsets = [0, 32], sizes = [4096, 32], strides = [1, 1]} : vector<4096x64xf32> to vector<4096x32xf32>
    %swap3A_24 = arith.constant 1 : index
    %swap3A_25 = arith.constant 0 : index
    %swap3A_26 = arith.constant 0 : index
    %swap3A_27 = vector.load %arg5[%swap3A_24, %swap3A_25, %swap3A_26] : memref<2x4096x32xf32, #tpu.memory_space<vmem>>, vector<1x4096x32xf32>
    %swap3A_28 = vector.shape_cast %swap3A_27 : vector<1x4096x32xf32> to vector<4096x32xf32>
    %swap3A_29 = vector.shape_cast %slice3A_23 : vector<4096x32xf32> to vector<1x4096x32xf32>
    tpu.vector_store %arg5[%swap3A_24, %swap3A_25, %swap3A_26], %swap3A_29 {strides = array<i32>} : memref<2x4096x32xf32, #tpu.memory_space<vmem>>, vector<1x4096x32xf32>,
    %eq3A = arith.constant 0 : i32
    %eq3A_30 = arith.cmpi eq, %arg0, %eq3A : i32
    %convert_element_type3A = arith.extui %eq3A_30 : i1 to i32
    %cond3A = arith.constant 0 : i32
    %cond3A_31 = arith.cmpi ne, %convert_element_type3A, %cond3A : i32
    scf.if %cond3A_31 {
      %reduce_sum3A_63 = arith.constant dense<0.000000e+00> : vector<64xf32>
      %reduce_sum3A_64 = vector.multi_reduction <add>, %dot_general3A_17, %reduce_sum3A_63 [0] : vector<4096x64xf32> to vector<64xf32>
      %div3A = arith.constant 4.096000e+03 : f32
      %div3A_65 = vector.broadcast %div3A : f32 to vector<64xf32>
      %div3A_66 = arith.divf %reduce_sum3A_64, %div3A_65 : vector<64xf32>
      %broadcast_in_dim3A_67 = arith.constant 0.000000e+00 : f32
      %broadcast_in_dim3A_68 = vector.broadcast %broadcast_in_dim3A_67 : f32 to vector<2x64xf32>
      %broadcast_in_dim3A_69 = vector.shape_cast %div3A_66 : vector<64xf32> to vector<1x64xf32>
      %broadcast_in_dim3A_70 = arith.constant 0.000000e+00 : f32
      %broadcast_in_dim3A_71 = vector.broadcast %broadcast_in_dim3A_70 : f32 to vector<5x64xf32>
      %concatenate3A_72 = tpu.concatenate %broadcast_in_dim3A_68, %broadcast_in_dim3A_69, %broadcast_in_dim3A_71 in 0 : vector<2x64xf32>, vector<1x64xf32>, vector<5x64xf32> -> vector<8x64xf32>
      %swap3A_73 = arith.constant 0 : index
      %swap3A_74 = arith.constant 0 : index
      %swap3A_75 = vector.load %arg6[%swap3A_73, %swap3A_74] : memref<8x64xf32, #tpu.memory_space<vmem>>, vector<8x64xf32>
      tpu.vector_store %arg6[%swap3A_73, %swap3A_74], %concatenate3A_72 {strides = array<i32>} : memref<8x64xf32, #tpu.memory_space<vmem>>, vector<8x64xf32>,
    } else {
    }
    %get3A_32 = arith.constant 0 : index
    %get3A_33 = arith.constant 0 : index
    %get3A_34 = vector.load %arg6[%get3A_32, %get3A_33] : memref<8x64xf32, #tpu.memory_space<vmem>>, vector<8x64xf32>
    %slice3A_35 = vector.extract_strided_slice %get3A_34 {offsets = [2, 0], sizes = [1, 64], strides = [1, 1]} : vector<8x64xf32> to vector<1x64xf32>
    %squeeze3A_36 = vector.shape_cast %slice3A_35 : vector<1x64xf32> to vector<64xf32>
    %broadcast_in_dim3A_37 = vector.shape_cast %squeeze3A_36 : vector<64xf32> to vector<1x64xf32>
    %sub3A = vector.broadcast %broadcast_in_dim3A_37 : vector<1x64xf32> to vector<4096x64xf32>
    %sub3A_38 = arith.subf %dot_general3A_17, %sub3A : vector<4096x64xf32>
    %mul3A_39 = arith.constant 4096 : i32
    %mul3A_40 = arith.muli %arg0, %mul3A_39 : i32
    %iota3A = tpu.iota {dimensions = array<i32: 0>} : vector<4096x1xi32>
    %add3A_41 = vector.broadcast %mul3A_40 : i32 to vector<4096x1xi32>
    %add3A_42 = arith.addi %add3A_41, %iota3A : vector<4096x1xi32>
    %lt3A = arith.constant 800000 : i32
    %lt3A_43 = vector.broadcast %lt3A : i32 to vector<4096x1xi32>
    %lt3A_44 = arith.cmpi slt, %add3A_42, %lt3A_43 : vector<4096x1xi32>
    %jit3A = arith.constant 0.000000e+00 : f32
    %broadcast_in_dim3A_45 = vector.shape_cast %lt3A_44 : vector<4096x1xi1> to vector<4096x1xi1>
    %broadcast_in_dim3A_46 = vector.broadcast %broadcast_in_dim3A_45 : vector<4096x1xi1> to vector<4096x64xi1>
    %broadcast_in_dim3A_47 = vector.broadcast %jit3A : f32 to vector<4096x64xf32>
    %select_n3A = arith.select %broadcast_in_dim3A_46, %sub3A_38, %broadcast_in_dim3A_47 : vector<4096x64xi1>, vector<4096x64xf32>
    %reduce_sum3A = arith.constant dense<0.000000e+00> : vector<64xf32>
    %reduce_sum3A_48 = vector.multi_reduction <add>, %select_n3A, %reduce_sum3A [0] : vector<4096x64xf32> to vector<64xf32>
    %broadcast_in_dim3A_49 = vector.shape_cast %reduce_sum3A_48 : vector<64xf32> to vector<1x64xf32>
    %mul3A_50 = arith.mulf %select_n3A, %select_n3A : vector<4096x64xf32>
    %reduce_sum3A_51 = arith.constant dense<0.000000e+00> : vector<64xf32>
    %reduce_sum3A_52 = vector.multi_reduction <add>, %mul3A_50, %reduce_sum3A_51 [0] : vector<4096x64xf32> to vector<64xf32>
    %broadcast_in_dim3A_53 = vector.shape_cast %reduce_sum3A_52 : vector<64xf32> to vector<1x64xf32>
    %broadcast_in_dim3A_54 = arith.constant 0.000000e+00 : f32
    %broadcast_in_dim3A_55 = vector.broadcast %broadcast_in_dim3A_54 : f32 to vector<6x64xf32>
    %concatenate3A = tpu.concatenate %broadcast_in_dim3A_49, %broadcast_in_dim3A_53, %broadcast_in_dim3A_55 in 0 : vector<1x64xf32>, vector<1x64xf32>, vector<6x64xf32> -> vector<8x64xf32>
    %get3A_56 = arith.constant 0 : index
    %get3A_57 = arith.constant 0 : index
    %get3A_58 = vector.load %arg6[%get3A_56, %get3A_57] : memref<8x64xf32, #tpu.memory_space<vmem>>, vector<8x64xf32>
    %add3A_59 = arith.addf %get3A_58, %concatenate3A : vector<8x64xf32>
    %swap3A_60 = arith.constant 0 : index
    %swap3A_61 = arith.constant 0 : index
    %swap3A_62 = vector.load %arg6[%swap3A_60, %swap3A_61] : memref<8x64xf32, #tpu.memory_space<vmem>>, vector<8x64xf32>
    tpu.vector_store %arg6[%swap3A_60, %swap3A_61], %add3A_59 {strides = array<i32>} : memref<8x64xf32, #tpu.memory_space<vmem>>, vector<8x64xf32>,
    return
  }
  func.func @transform_0(%arg0: i32) -> (i32, i32) {
    %c0_i32 = arith.constant 0 : i32
    %c0_i32_0 = arith.constant 0 : i32
    return %arg0, %c0_i32 : i32, i32
  }
  func.func @transform_1(%arg0: i32) -> (i32, i32) {
    %c0_i32 = arith.constant 0 : i32
    %c0_i32_0 = arith.constant 0 : i32
    %c0_i32_1 = arith.constant 0 : i32
    return %c0_i32, %c0_i32_0 : i32, i32
  }
  func.func @transform_2(%arg0: i32) -> (i32, i32) {
    %c0_i32 = arith.constant 0 : i32
    %c0_i32_0 = arith.constant 0 : i32
    %c0_i32_1 = arith.constant 0 : i32
    return %c0_i32, %c0_i32_0 : i32, i32
  }
  func.func @transform_3(%arg0: i32) -> (i32, i32) {
    %c0_i32 = arith.constant 0 : i32
    %c0_i32_0 = arith.constant 0 : i32
    %c0_i32_1 = arith.constant 0 : i32
    return %c0_i32, %c0_i32_0 : i32, i32
  }
  func.func @transform_4(%arg0: i32) -> (i32, i32, i32) {
    %c0_i32 = arith.constant 0 : i32
    %c0_i32_0 = arith.constant 0 : i32
    %c0_i32_1 = arith.constant 0 : i32
    return %c0_i32, %arg0, %c0_i32_0 : i32, i32, i32
  }
  func.func @transform_5(%arg0: i32) -> (i32, i32) {
    %c0_i32 = arith.constant 0 : i32
    %c0_i32_0 = arith.constant 0 : i32
    %c0_i32_1 = arith.constant 0 : i32
    return %c0_i32, %c0_i32_0 : i32, i32
  }
}

module attributes {stable_mosaic.version = 14 : i64} {
  func.func @_nodeP1_body(%arg0: i32, %arg1: memref<5000x64xf32, #tpu.memory_space<vmem>>, %arg2: memref<2x5000x32xf32, #tpu.memory_space<vmem>>, %arg3: memref<64x64xf32, #tpu.memory_space<vmem>>, %arg4: memref<32x64xf32, #tpu.memory_space<vmem>>, %arg5: memref<32x64xf32, #tpu.memory_space<vmem>>, %arg6: memref<5000x64xf32, #tpu.memory_space<vmem>>, %arg7: memref<8x64xf32, #tpu.memory_space<vmem>>) attributes {dimension_semantics = [#tpu.dimension_semantics<arbitrary>], iteration_bounds = array<i64: 10>, scalar_prefetch = 0 : i64, scratch_operands = 0 : i64, tpu.core_type = #tpu.core_type<tc>, window_params = [{transform_indices = @transform_0, window_bounds = array<i64: 5000, 64>}, {transform_indices = @transform_1, window_bounds = array<i64: 2, 5000, 32>}, {pipeline_mode = #tpu.pipeline_mode<synchronous>, transform_indices = @transform_2, window_bounds = array<i64: 64, 64>}, {pipeline_mode = #tpu.pipeline_mode<synchronous>, transform_indices = @transform_3, window_bounds = array<i64: 32, 64>}, {pipeline_mode = #tpu.pipeline_mode<synchronous>, transform_indices = @transform_4, window_bounds = array<i64: 32, 64>}, {transform_indices = @transform_5, window_bounds = array<i64: 5000, 64>}, {pipeline_mode = #tpu.pipeline_mode<synchronous>, transform_indices = @transform_6, window_bounds = array<i64: 8, 64>}]} {
    %get3A = arith.constant 0 : index
    %get3A_0 = arith.constant 0 : index
    %get3A_1 = vector.load %arg1[%get3A, %get3A_0] : memref<5000x64xf32, #tpu.memory_space<vmem>>, vector<5000x64xf32>
    %get3A_2 = arith.constant 0 : index
    %get3A_3 = arith.constant 0 : index
    %get3A_4 = vector.load %arg3[%get3A_2, %get3A_3] : memref<64x64xf32, #tpu.memory_space<vmem>>, vector<64x64xf32>
    %dot_general3A = arith.constant dense<0.000000e+00> : vector<5000x64xf32>
    %dot_general3A_5 = tpu.matmul %get3A_1, %get3A_4, %dot_general3A {dimension_numbers = #tpu.dot_dimension_numbers<[1], [0], [0], [1], [0, 0, 1, 1], [], []>, transpose_lhs_hint = false} : vector<5000x64xf32>, vector<64x64xf32>, vector<5000x64xf32> -> vector<5000x64xf32>
    %get3A_6 = arith.constant 0 : index
    %get3A_7 = arith.constant 0 : index
    %get3A_8 = arith.constant 0 : index
    %get3A_9 = vector.load %arg2[%get3A_6, %get3A_7, %get3A_8] : memref<2x5000x32xf32, #tpu.memory_space<vmem>>, vector<1x5000x32xf32>
    %get3A_10 = vector.shape_cast %get3A_9 : vector<1x5000x32xf32> to vector<5000x32xf32>
    %get3A_11 = arith.constant 0 : index
    %get3A_12 = arith.constant 0 : index
    %get3A_13 = vector.load %arg4[%get3A_11, %get3A_12] : memref<32x64xf32, #tpu.memory_space<vmem>>, vector<32x64xf32>
    %dot_general3A_14 = arith.constant dense<0.000000e+00> : vector<5000x64xf32>
    %dot_general3A_15 = tpu.matmul %get3A_10, %get3A_13, %dot_general3A_14 {dimension_numbers = #tpu.dot_dimension_numbers<[1], [0], [0], [1], [0, 0, 1, 1], [], []>, transpose_lhs_hint = false} : vector<5000x32xf32>, vector<32x64xf32>, vector<5000x64xf32> -> vector<5000x64xf32>
    %add3A = arith.addf %dot_general3A_5, %dot_general3A_15 : vector<5000x64xf32>
    %get3A_16 = arith.constant 1 : index
    %get3A_17 = arith.constant 0 : index
    %get3A_18 = arith.constant 0 : index
    %get3A_19 = vector.load %arg2[%get3A_16, %get3A_17, %get3A_18] : memref<2x5000x32xf32, #tpu.memory_space<vmem>>, vector<1x5000x32xf32>
    %get3A_20 = vector.shape_cast %get3A_19 : vector<1x5000x32xf32> to vector<5000x32xf32>
    %get3A_21 = arith.constant 0 : index
    %get3A_22 = arith.constant 0 : index
    %get3A_23 = vector.load %arg5[%get3A_21, %get3A_22] : memref<32x64xf32, #tpu.memory_space<vmem>>, vector<32x64xf32>
    %dot_general3A_24 = arith.constant dense<0.000000e+00> : vector<5000x64xf32>
    %dot_general3A_25 = tpu.matmul %get3A_20, %get3A_23, %dot_general3A_24 {dimension_numbers = #tpu.dot_dimension_numbers<[1], [0], [0], [1], [0, 0, 1, 1], [], []>, transpose_lhs_hint = false} : vector<5000x32xf32>, vector<32x64xf32>, vector<5000x64xf32> -> vector<5000x64xf32>
    %add3A_26 = arith.addf %add3A, %dot_general3A_25 : vector<5000x64xf32>
    %swap3A = arith.constant 0 : index
    %swap3A_27 = arith.constant 0 : index
    %swap3A_28 = vector.load %arg6[%swap3A, %swap3A_27] : memref<5000x64xf32, #tpu.memory_space<vmem>>, vector<5000x64xf32>
    tpu.vector_store %arg6[%swap3A, %swap3A_27], %add3A_26 {strides = array<i32>} : memref<5000x64xf32, #tpu.memory_space<vmem>>, vector<5000x64xf32>,
    %eq3A = arith.constant 0 : i32
    %eq3A_29 = arith.cmpi eq, %arg0, %eq3A : i32
    %convert_element_type3A = arith.extui %eq3A_29 : i1 to i32
    %cond3A = arith.constant 0 : i32
    %cond3A_30 = arith.cmpi ne, %convert_element_type3A, %cond3A : i32
    scf.if %cond3A_30 {
      %reduce_sum3A_49 = arith.constant dense<0.000000e+00> : vector<64xf32>
      %reduce_sum3A_50 = vector.multi_reduction <add>, %add3A_26, %reduce_sum3A_49 [0] : vector<5000x64xf32> to vector<64xf32>
      %div3A = arith.constant 5.000000e+03 : f32
      %div3A_51 = vector.broadcast %div3A : f32 to vector<64xf32>
      %div3A_52 = arith.divf %reduce_sum3A_50, %div3A_51 : vector<64xf32>
      %broadcast_in_dim3A_53 = arith.constant 0.000000e+00 : f32
      %broadcast_in_dim3A_54 = vector.broadcast %broadcast_in_dim3A_53 : f32 to vector<2x64xf32>
      %broadcast_in_dim3A_55 = vector.shape_cast %div3A_52 : vector<64xf32> to vector<1x64xf32>
      %broadcast_in_dim3A_56 = arith.constant 0.000000e+00 : f32
      %broadcast_in_dim3A_57 = vector.broadcast %broadcast_in_dim3A_56 : f32 to vector<5x64xf32>
      %concatenate3A_58 = tpu.concatenate %broadcast_in_dim3A_54, %broadcast_in_dim3A_55, %broadcast_in_dim3A_57 in 0 : vector<2x64xf32>, vector<1x64xf32>, vector<5x64xf32> -> vector<8x64xf32>
      %swap3A_59 = arith.constant 0 : index
      %swap3A_60 = arith.constant 0 : index
      %swap3A_61 = vector.load %arg7[%swap3A_59, %swap3A_60] : memref<8x64xf32, #tpu.memory_space<vmem>>, vector<8x64xf32>
      tpu.vector_store %arg7[%swap3A_59, %swap3A_60], %concatenate3A_58 {strides = array<i32>} : memref<8x64xf32, #tpu.memory_space<vmem>>, vector<8x64xf32>,
    } else {
    }
    %get3A_31 = arith.constant 0 : index
    %get3A_32 = arith.constant 0 : index
    %get3A_33 = vector.load %arg7[%get3A_31, %get3A_32] : memref<8x64xf32, #tpu.memory_space<vmem>>, vector<8x64xf32>
    %slice3A = vector.extract_strided_slice %get3A_33 {offsets = [2, 0], sizes = [1, 64], strides = [1, 1]} : vector<8x64xf32> to vector<1x64xf32>
    %squeeze3A = vector.shape_cast %slice3A : vector<1x64xf32> to vector<64xf32>
    %broadcast_in_dim3A = vector.shape_cast %squeeze3A : vector<64xf32> to vector<1x64xf32>
    %sub3A = vector.broadcast %broadcast_in_dim3A : vector<1x64xf32> to vector<5000x64xf32>
    %sub3A_34 = arith.subf %add3A_26, %sub3A : vector<5000x64xf32>
    %reduce_sum3A = arith.constant dense<0.000000e+00> : vector<64xf32>
    %reduce_sum3A_35 = vector.multi_reduction <add>, %sub3A_34, %reduce_sum3A [0] : vector<5000x64xf32> to vector<64xf32>
    %broadcast_in_dim3A_36 = vector.shape_cast %reduce_sum3A_35 : vector<64xf32> to vector<1x64xf32>
    %mul3A = arith.mulf %sub3A_34, %sub3A_34 : vector<5000x64xf32>
    %reduce_sum3A_37 = arith.constant dense<0.000000e+00> : vector<64xf32>
    %reduce_sum3A_38 = vector.multi_reduction <add>, %mul3A, %reduce_sum3A_37 [0] : vector<5000x64xf32> to vector<64xf32>
    %broadcast_in_dim3A_39 = vector.shape_cast %reduce_sum3A_38 : vector<64xf32> to vector<1x64xf32>
    %broadcast_in_dim3A_40 = arith.constant 0.000000e+00 : f32
    %broadcast_in_dim3A_41 = vector.broadcast %broadcast_in_dim3A_40 : f32 to vector<6x64xf32>
    %concatenate3A = tpu.concatenate %broadcast_in_dim3A_36, %broadcast_in_dim3A_39, %broadcast_in_dim3A_41 in 0 : vector<1x64xf32>, vector<1x64xf32>, vector<6x64xf32> -> vector<8x64xf32>
    %get3A_42 = arith.constant 0 : index
    %get3A_43 = arith.constant 0 : index
    %get3A_44 = vector.load %arg7[%get3A_42, %get3A_43] : memref<8x64xf32, #tpu.memory_space<vmem>>, vector<8x64xf32>
    %add3A_45 = arith.addf %get3A_44, %concatenate3A : vector<8x64xf32>
    %swap3A_46 = arith.constant 0 : index
    %swap3A_47 = arith.constant 0 : index
    %swap3A_48 = vector.load %arg7[%swap3A_46, %swap3A_47] : memref<8x64xf32, #tpu.memory_space<vmem>>, vector<8x64xf32>
    tpu.vector_store %arg7[%swap3A_46, %swap3A_47], %add3A_45 {strides = array<i32>} : memref<8x64xf32, #tpu.memory_space<vmem>>, vector<8x64xf32>,
    return
  }
  func.func @transform_0(%arg0: i32) -> (i32, i32) {
    %c0_i32 = arith.constant 0 : i32
    %c0_i32_0 = arith.constant 0 : i32
    return %arg0, %c0_i32 : i32, i32
  }
  func.func @transform_1(%arg0: i32) -> (i32, i32, i32) {
    %c0_i32 = arith.constant 0 : i32
    %c0_i32_0 = arith.constant 0 : i32
    %c0_i32_1 = arith.constant 0 : i32
    return %c0_i32, %arg0, %c0_i32_0 : i32, i32, i32
  }
  func.func @transform_2(%arg0: i32) -> (i32, i32) {
    %c0_i32 = arith.constant 0 : i32
    %c0_i32_0 = arith.constant 0 : i32
    %c0_i32_1 = arith.constant 0 : i32
    return %c0_i32, %c0_i32_0 : i32, i32
  }
  func.func @transform_3(%arg0: i32) -> (i32, i32) {
    %c0_i32 = arith.constant 0 : i32
    %c0_i32_0 = arith.constant 0 : i32
    %c0_i32_1 = arith.constant 0 : i32
    return %c0_i32, %c0_i32_0 : i32, i32
  }
  func.func @transform_4(%arg0: i32) -> (i32, i32) {
    %c0_i32 = arith.constant 0 : i32
    %c0_i32_0 = arith.constant 0 : i32
    %c0_i32_1 = arith.constant 0 : i32
    return %c0_i32, %c0_i32_0 : i32, i32
  }
  func.func @transform_5(%arg0: i32) -> (i32, i32) {
    %c0_i32 = arith.constant 0 : i32
    %c0_i32_0 = arith.constant 0 : i32
    return %arg0, %c0_i32 : i32, i32
  }
  func.func @transform_6(%arg0: i32) -> (i32, i32) {
    %c0_i32 = arith.constant 0 : i32
    %c0_i32_0 = arith.constant 0 : i32
    %c0_i32_1 = arith.constant 0 : i32
    return %c0_i32, %c0_i32_0 : i32, i32
  }
}

module attributes {stable_mosaic.version = 14 : i64} {
  func.func @_armm_body(%arg0: i32, %arg1: memref<5000x64xf32, #tpu.memory_space<vmem>>, %arg2: memref<1x64xf32, #tpu.memory_space<vmem>>, %arg3: memref<1x64xf32, #tpu.memory_space<vmem>>, %arg4: memref<64x64xf32, #tpu.memory_space<vmem>>, %arg5: memref<5000x64xf32, #tpu.memory_space<vmem>>, %arg6: memref<8x64xf32, #tpu.memory_space<vmem>>) attributes {dimension_semantics = [#tpu.dimension_semantics<arbitrary>], iteration_bounds = array<i64: 10>, scalar_prefetch = 0 : i64, scratch_operands = 0 : i64, tpu.core_type = #tpu.core_type<tc>, window_params = [{transform_indices = @transform_0, window_bounds = array<i64: 5000, 64>}, {pipeline_mode = #tpu.pipeline_mode<synchronous>, transform_indices = @transform_1, window_bounds = array<i64: 1, 64>}, {pipeline_mode = #tpu.pipeline_mode<synchronous>, transform_indices = @transform_2, window_bounds = array<i64: 1, 64>}, {pipeline_mode = #tpu.pipeline_mode<synchronous>, transform_indices = @transform_3, window_bounds = array<i64: 64, 64>}, {transform_indices = @transform_4, window_bounds = array<i64: 5000, 64>}, {pipeline_mode = #tpu.pipeline_mode<synchronous>, transform_indices = @transform_5, window_bounds = array<i64: 8, 64>}]} {
    %get3A = arith.constant 0 : index
    %get3A_0 = arith.constant 0 : index
    %get3A_1 = vector.load %arg1[%get3A, %get3A_0] : memref<5000x64xf32, #tpu.memory_space<vmem>>, vector<5000x64xf32>
    %get3A_2 = arith.constant 0 : index
    %get3A_3 = arith.constant 0 : index
    %get3A_4 = vector.load %arg2[%get3A_2, %get3A_3] : memref<1x64xf32, #tpu.memory_space<vmem>>, vector<1x64xf32>
    %squeeze3A = vector.shape_cast %get3A_4 : vector<1x64xf32> to vector<64xf32>
    %broadcast_in_dim3A = vector.shape_cast %squeeze3A : vector<64xf32> to vector<1x64xf32>
    %mul3A = vector.broadcast %broadcast_in_dim3A : vector<1x64xf32> to vector<5000x64xf32>
    %mul3A_5 = arith.mulf %get3A_1, %mul3A : vector<5000x64xf32>
    %get3A_6 = arith.constant 0 : index
    %get3A_7 = arith.constant 0 : index
    %get3A_8 = vector.load %arg3[%get3A_6, %get3A_7] : memref<1x64xf32, #tpu.memory_space<vmem>>, vector<1x64xf32>
    %squeeze3A_9 = vector.shape_cast %get3A_8 : vector<1x64xf32> to vector<64xf32>
    %broadcast_in_dim3A_10 = vector.shape_cast %squeeze3A_9 : vector<64xf32> to vector<1x64xf32>
    %add3A = vector.broadcast %broadcast_in_dim3A_10 : vector<1x64xf32> to vector<5000x64xf32>
    %add3A_11 = arith.addf %mul3A_5, %add3A : vector<5000x64xf32>
    %max3A = arith.constant 0.000000e+00 : f32
    %max3A_12 = vector.broadcast %max3A : f32 to vector<5000x64xf32>
    %max3A_13 = arith.maximumf %add3A_11, %max3A_12 : vector<5000x64xf32>
    %get3A_14 = arith.constant 0 : index
    %get3A_15 = arith.constant 0 : index
    %get3A_16 = vector.load %arg4[%get3A_14, %get3A_15] : memref<64x64xf32, #tpu.memory_space<vmem>>, vector<64x64xf32>
    %dot_general3A = arith.constant dense<0.000000e+00> : vector<5000x64xf32>
    %dot_general3A_17 = tpu.matmul %max3A_13, %get3A_16, %dot_general3A {dimension_numbers = #tpu.dot_dimension_numbers<[1], [0], [0], [1], [0, 0, 1, 1], [], []>, transpose_lhs_hint = false} : vector<5000x64xf32>, vector<64x64xf32>, vector<5000x64xf32> -> vector<5000x64xf32>
    %swap3A = arith.constant 0 : index
    %swap3A_18 = arith.constant 0 : index
    %swap3A_19 = vector.load %arg5[%swap3A, %swap3A_18] : memref<5000x64xf32, #tpu.memory_space<vmem>>, vector<5000x64xf32>
    tpu.vector_store %arg5[%swap3A, %swap3A_18], %dot_general3A_17 {strides = array<i32>} : memref<5000x64xf32, #tpu.memory_space<vmem>>, vector<5000x64xf32>,
    %eq3A = arith.constant 0 : i32
    %eq3A_20 = arith.cmpi eq, %arg0, %eq3A : i32
    %convert_element_type3A = arith.extui %eq3A_20 : i1 to i32
    %cond3A = arith.constant 0 : i32
    %cond3A_21 = arith.cmpi ne, %convert_element_type3A, %cond3A : i32
    scf.if %cond3A_21 {
      %reduce_sum3A_43 = arith.constant dense<0.000000e+00> : vector<64xf32>
      %reduce_sum3A_44 = vector.multi_reduction <add>, %dot_general3A_17, %reduce_sum3A_43 [0] : vector<5000x64xf32> to vector<64xf32>
      %div3A = arith.constant 5.000000e+03 : f32
      %div3A_45 = vector.broadcast %div3A : f32 to vector<64xf32>
      %div3A_46 = arith.divf %reduce_sum3A_44, %div3A_45 : vector<64xf32>
      %broadcast_in_dim3A_47 = arith.constant 0.000000e+00 : f32
      %broadcast_in_dim3A_48 = vector.broadcast %broadcast_in_dim3A_47 : f32 to vector<2x64xf32>
      %broadcast_in_dim3A_49 = vector.shape_cast %div3A_46 : vector<64xf32> to vector<1x64xf32>
      %broadcast_in_dim3A_50 = arith.constant 0.000000e+00 : f32
      %broadcast_in_dim3A_51 = vector.broadcast %broadcast_in_dim3A_50 : f32 to vector<5x64xf32>
      %concatenate3A_52 = tpu.concatenate %broadcast_in_dim3A_48, %broadcast_in_dim3A_49, %broadcast_in_dim3A_51 in 0 : vector<2x64xf32>, vector<1x64xf32>, vector<5x64xf32> -> vector<8x64xf32>
      %swap3A_53 = arith.constant 0 : index
      %swap3A_54 = arith.constant 0 : index
      %swap3A_55 = vector.load %arg6[%swap3A_53, %swap3A_54] : memref<8x64xf32, #tpu.memory_space<vmem>>, vector<8x64xf32>
      tpu.vector_store %arg6[%swap3A_53, %swap3A_54], %concatenate3A_52 {strides = array<i32>} : memref<8x64xf32, #tpu.memory_space<vmem>>, vector<8x64xf32>,
    } else {
    }
    %get3A_22 = arith.constant 0 : index
    %get3A_23 = arith.constant 0 : index
    %get3A_24 = vector.load %arg6[%get3A_22, %get3A_23] : memref<8x64xf32, #tpu.memory_space<vmem>>, vector<8x64xf32>
    %slice3A = vector.extract_strided_slice %get3A_24 {offsets = [2, 0], sizes = [1, 64], strides = [1, 1]} : vector<8x64xf32> to vector<1x64xf32>
    %squeeze3A_25 = vector.shape_cast %slice3A : vector<1x64xf32> to vector<64xf32>
    %broadcast_in_dim3A_26 = vector.shape_cast %squeeze3A_25 : vector<64xf32> to vector<1x64xf32>
    %sub3A = vector.broadcast %broadcast_in_dim3A_26 : vector<1x64xf32> to vector<5000x64xf32>
    %sub3A_27 = arith.subf %dot_general3A_17, %sub3A : vector<5000x64xf32>
    %reduce_sum3A = arith.constant dense<0.000000e+00> : vector<64xf32>
    %reduce_sum3A_28 = vector.multi_reduction <add>, %sub3A_27, %reduce_sum3A [0] : vector<5000x64xf32> to vector<64xf32>
    %broadcast_in_dim3A_29 = vector.shape_cast %reduce_sum3A_28 : vector<64xf32> to vector<1x64xf32>
    %mul3A_30 = arith.mulf %sub3A_27, %sub3A_27 : vector<5000x64xf32>
    %reduce_sum3A_31 = arith.constant dense<0.000000e+00> : vector<64xf32>
    %reduce_sum3A_32 = vector.multi_reduction <add>, %mul3A_30, %reduce_sum3A_31 [0] : vector<5000x64xf32> to vector<64xf32>
    %broadcast_in_dim3A_33 = vector.shape_cast %reduce_sum3A_32 : vector<64xf32> to vector<1x64xf32>
    %broadcast_in_dim3A_34 = arith.constant 0.000000e+00 : f32
    %broadcast_in_dim3A_35 = vector.broadcast %broadcast_in_dim3A_34 : f32 to vector<6x64xf32>
    %concatenate3A = tpu.concatenate %broadcast_in_dim3A_29, %broadcast_in_dim3A_33, %broadcast_in_dim3A_35 in 0 : vector<1x64xf32>, vector<1x64xf32>, vector<6x64xf32> -> vector<8x64xf32>
    %get3A_36 = arith.constant 0 : index
    %get3A_37 = arith.constant 0 : index
    %get3A_38 = vector.load %arg6[%get3A_36, %get3A_37] : memref<8x64xf32, #tpu.memory_space<vmem>>, vector<8x64xf32>
    %add3A_39 = arith.addf %get3A_38, %concatenate3A : vector<8x64xf32>
    %swap3A_40 = arith.constant 0 : index
    %swap3A_41 = arith.constant 0 : index
    %swap3A_42 = vector.load %arg6[%swap3A_40, %swap3A_41] : memref<8x64xf32, #tpu.memory_space<vmem>>, vector<8x64xf32>
    tpu.vector_store %arg6[%swap3A_40, %swap3A_41], %add3A_39 {strides = array<i32>} : memref<8x64xf32, #tpu.memory_space<vmem>>, vector<8x64xf32>,
    return
  }
  func.func @transform_0(%arg0: i32) -> (i32, i32) {
    %c0_i32 = arith.constant 0 : i32
    %c0_i32_0 = arith.constant 0 : i32
    return %arg0, %c0_i32 : i32, i32
  }
  func.func @transform_1(%arg0: i32) -> (i32, i32) {
    %c0_i32 = arith.constant 0 : i32
    %c0_i32_0 = arith.constant 0 : i32
    %c0_i32_1 = arith.constant 0 : i32
    return %c0_i32, %c0_i32_0 : i32, i32
  }
  func.func @transform_2(%arg0: i32) -> (i32, i32) {
    %c0_i32 = arith.constant 0 : i32
    %c0_i32_0 = arith.constant 0 : i32
    %c0_i32_1 = arith.constant 0 : i32
    return %c0_i32, %c0_i32_0 : i32, i32
  }
  func.func @transform_3(%arg0: i32) -> (i32, i32) {
    %c0_i32 = arith.constant 0 : i32
    %c0_i32_0 = arith.constant 0 : i32
    %c0_i32_1 = arith.constant 0 : i32
    return %c0_i32, %c0_i32_0 : i32, i32
  }
  func.func @transform_4(%arg0: i32) -> (i32, i32) {
    %c0_i32 = arith.constant 0 : i32
    %c0_i32_0 = arith.constant 0 : i32
    return %arg0, %c0_i32 : i32, i32
  }
  func.func @transform_5(%arg0: i32) -> (i32, i32) {
    %c0_i32 = arith.constant 0 : i32
    %c0_i32_0 = arith.constant 0 : i32
    %c0_i32_1 = arith.constant 0 : i32
    return %c0_i32, %c0_i32_0 : i32, i32
  }
}

module attributes {stable_mosaic.version = 14 : i64} {
  func.func @_resid3_body(%arg0: i32, %arg1: memref<5000x64xf32, #tpu.memory_space<vmem>>, %arg2: memref<1x64xf32, #tpu.memory_space<vmem>>, %arg3: memref<1x64xf32, #tpu.memory_space<vmem>>, %arg4: memref<5000x64xf32, #tpu.memory_space<vmem>>, %arg5: memref<64x64xf32, #tpu.memory_space<vmem>>, %arg6: memref<64x64xf32, #tpu.memory_space<vmem>>, %arg7: memref<5000x64xf32, #tpu.memory_space<vmem>>, %arg8: memref<5000x64xf32, #tpu.memory_space<vmem>>, %arg9: memref<5000x64xf32, #tpu.memory_space<vmem>>) attributes {dimension_semantics = [#tpu.dimension_semantics<arbitrary>], iteration_bounds = array<i64: 10>, scalar_prefetch = 0 : i64, scratch_operands = 0 : i64, tpu.core_type = #tpu.core_type<tc>, window_params = [{transform_indices = @transform_0, window_bounds = array<i64: 5000, 64>}, {pipeline_mode = #tpu.pipeline_mode<synchronous>, transform_indices = @transform_1, window_bounds = array<i64: 1, 64>}, {pipeline_mode = #tpu.pipeline_mode<synchronous>, transform_indices = @transform_2, window_bounds = array<i64: 1, 64>}, {transform_indices = @transform_3, window_bounds = array<i64: 5000, 64>}, {pipeline_mode = #tpu.pipeline_mode<synchronous>, transform_indices = @transform_4, window_bounds = array<i64: 64, 64>}, {pipeline_mode = #tpu.pipeline_mode<synchronous>, transform_indices = @transform_5, window_bounds = array<i64: 64, 64>}, {transform_indices = @transform_6, window_bounds = array<i64: 5000, 64>}, {transform_indices = @transform_7, window_bounds = array<i64: 5000, 64>}, {transform_indices = @transform_8, window_bounds = array<i64: 5000, 64>}]} {
    %get3A = arith.constant 0 : index
    %get3A_0 = arith.constant 0 : index
    %get3A_1 = vector.load %arg4[%get3A, %get3A_0] : memref<5000x64xf32, #tpu.memory_space<vmem>>, vector<5000x64xf32>
    %get3A_2 = arith.constant 0 : index
    %get3A_3 = arith.constant 0 : index
    %get3A_4 = vector.load %arg1[%get3A_2, %get3A_3] : memref<5000x64xf32, #tpu.memory_space<vmem>>, vector<5000x64xf32>
    %get3A_5 = arith.constant 0 : index
    %get3A_6 = arith.constant 0 : index
    %get3A_7 = vector.load %arg2[%get3A_5, %get3A_6] : memref<1x64xf32, #tpu.memory_space<vmem>>, vector<1x64xf32>
    %squeeze3A = vector.shape_cast %get3A_7 : vector<1x64xf32> to vector<64xf32>
    %broadcast_in_dim3A = vector.shape_cast %squeeze3A : vector<64xf32> to vector<1x64xf32>
    %mul3A = vector.broadcast %broadcast_in_dim3A : vector<1x64xf32> to vector<5000x64xf32>
    %mul3A_8 = arith.mulf %get3A_4, %mul3A : vector<5000x64xf32>
    %get3A_9 = arith.constant 0 : index
    %get3A_10 = arith.constant 0 : index
    %get3A_11 = vector.load %arg3[%get3A_9, %get3A_10] : memref<1x64xf32, #tpu.memory_space<vmem>>, vector<1x64xf32>
    %squeeze3A_12 = vector.shape_cast %get3A_11 : vector<1x64xf32> to vector<64xf32>
    %broadcast_in_dim3A_13 = vector.shape_cast %squeeze3A_12 : vector<64xf32> to vector<1x64xf32>
    %add3A = vector.broadcast %broadcast_in_dim3A_13 : vector<1x64xf32> to vector<5000x64xf32>
    %add3A_14 = arith.addf %mul3A_8, %add3A : vector<5000x64xf32>
    %max3A = arith.constant 0.000000e+00 : f32
    %max3A_15 = vector.broadcast %max3A : f32 to vector<5000x64xf32>
    %max3A_16 = arith.maximumf %add3A_14, %max3A_15 : vector<5000x64xf32>
    %add3A_17 = arith.addf %get3A_1, %max3A_16 : vector<5000x64xf32>
    %swap3A = arith.constant 0 : index
    %swap3A_18 = arith.constant 0 : index
    %swap3A_19 = vector.load %arg7[%swap3A, %swap3A_18] : memref<5000x64xf32, #tpu.memory_space<vmem>>, vector<5000x64xf32>
    tpu.vector_store %arg7[%swap3A, %swap3A_18], %add3A_17 {strides = array<i32>} : memref<5000x64xf32, #tpu.memory_space<vmem>>, vector<5000x64xf32>,
    %get3A_20 = arith.constant 0 : index
    %get3A_21 = arith.constant 0 : index
    %get3A_22 = vector.load %arg5[%get3A_20, %get3A_21] : memref<64x64xf32, #tpu.memory_space<vmem>>, vector<64x64xf32>
    %dot_general3A = arith.constant dense<0.000000e+00> : vector<5000x64xf32>
    %dot_general3A_23 = tpu.matmul %add3A_17, %get3A_22, %dot_general3A {dimension_numbers = #tpu.dot_dimension_numbers<[1], [0], [0], [1], [0, 0, 1, 1], [], []>, transpose_lhs_hint = false} : vector<5000x64xf32>, vector<64x64xf32>, vector<5000x64xf32> -> vector<5000x64xf32>
    %swap3A_24 = arith.constant 0 : index
    %swap3A_25 = arith.constant 0 : index
    %swap3A_26 = vector.load %arg8[%swap3A_24, %swap3A_25] : memref<5000x64xf32, #tpu.memory_space<vmem>>, vector<5000x64xf32>
    tpu.vector_store %arg8[%swap3A_24, %swap3A_25], %dot_general3A_23 {strides = array<i32>} : memref<5000x64xf32, #tpu.memory_space<vmem>>, vector<5000x64xf32>,
    %get3A_27 = arith.constant 0 : index
    %get3A_28 = arith.constant 0 : index
    %get3A_29 = vector.load %arg6[%get3A_27, %get3A_28] : memref<64x64xf32, #tpu.memory_space<vmem>>, vector<64x64xf32>
    %dot_general3A_30 = arith.constant dense<0.000000e+00> : vector<5000x64xf32>
    %dot_general3A_31 = tpu.matmul %add3A_17, %get3A_29, %dot_general3A_30 {dimension_numbers = #tpu.dot_dimension_numbers<[1], [0], [0], [1], [0, 0, 1, 1], [], []>, transpose_lhs_hint = false} : vector<5000x64xf32>, vector<64x64xf32>, vector<5000x64xf32> -> vector<5000x64xf32>
    %swap3A_32 = arith.constant 0 : index
    %swap3A_33 = arith.constant 0 : index
    %swap3A_34 = vector.load %arg9[%swap3A_32, %swap3A_33] : memref<5000x64xf32, #tpu.memory_space<vmem>>, vector<5000x64xf32>
    tpu.vector_store %arg9[%swap3A_32, %swap3A_33], %dot_general3A_31 {strides = array<i32>} : memref<5000x64xf32, #tpu.memory_space<vmem>>, vector<5000x64xf32>,
    return
  }
  func.func @transform_0(%arg0: i32) -> (i32, i32) {
    %c0_i32 = arith.constant 0 : i32
    %c0_i32_0 = arith.constant 0 : i32
    return %arg0, %c0_i32 : i32, i32
  }
  func.func @transform_1(%arg0: i32) -> (i32, i32) {
    %c0_i32 = arith.constant 0 : i32
    %c0_i32_0 = arith.constant 0 : i32
    %c0_i32_1 = arith.constant 0 : i32
    return %c0_i32, %c0_i32_0 : i32, i32
  }
  func.func @transform_2(%arg0: i32) -> (i32, i32) {
    %c0_i32 = arith.constant 0 : i32
    %c0_i32_0 = arith.constant 0 : i32
    %c0_i32_1 = arith.constant 0 : i32
    return %c0_i32, %c0_i32_0 : i32, i32
  }
  func.func @transform_3(%arg0: i32) -> (i32, i32) {
    %c0_i32 = arith.constant 0 : i32
    %c0_i32_0 = arith.constant 0 : i32
    return %arg0, %c0_i32 : i32, i32
  }
  func.func @transform_4(%arg0: i32) -> (i32, i32) {
    %c0_i32 = arith.constant 0 : i32
    %c0_i32_0 = arith.constant 0 : i32
    %c0_i32_1 = arith.constant 0 : i32
    return %c0_i32, %c0_i32_0 : i32, i32
  }
  func.func @transform_5(%arg0: i32) -> (i32, i32) {
    %c0_i32 = arith.constant 0 : i32
    %c0_i32_0 = arith.constant 0 : i32
    %c0_i32_1 = arith.constant 0 : i32
    return %c0_i32, %c0_i32_0 : i32, i32
  }
  func.func @transform_6(%arg0: i32) -> (i32, i32) {
    %c0_i32 = arith.constant 0 : i32
    %c0_i32_0 = arith.constant 0 : i32
    return %arg0, %c0_i32 : i32, i32
  }
  func.func @transform_7(%arg0: i32) -> (i32, i32) {
    %c0_i32 = arith.constant 0 : i32
    %c0_i32_0 = arith.constant 0 : i32
    return %arg0, %c0_i32 : i32, i32
  }
  func.func @transform_8(%arg0: i32) -> (i32, i32) {
    %c0_i32 = arith.constant 0 : i32
    %c0_i32_0 = arith.constant 0 : i32
    return %arg0, %c0_i32 : i32, i32
  }
}

module attributes {stable_mosaic.version = 14 : i64} {
  func.func @_passCh0_body(%arg0: i32, %arg1: memref<2x4096x32xf32, #tpu.memory_space<vmem>>, %arg2: memref<1x64xf32, #tpu.memory_space<vmem>>, %arg3: memref<1x64xf32, #tpu.memory_space<vmem>>, %arg4: memref<4096x1xf32, #tpu.memory_space<vmem>>, %arg5: memref<1x64xf32, #tpu.memory_space<vmem>>, %arg6: memref<1x64xf32, #tpu.memory_space<vmem>>, %arg7: memref<4096x64xf32, #tpu.memory_space<vmem>>) attributes {dimension_semantics = [#tpu.dimension_semantics<arbitrary>], iteration_bounds = array<i64: 200>, scalar_prefetch = 0 : i64, scratch_operands = 0 : i64, tpu.core_type = #tpu.core_type<tc>, window_params = [{transform_indices = @transform_0, window_bounds = array<i64: 2, 4096, 32>}, {pipeline_mode = #tpu.pipeline_mode<synchronous>, transform_indices = @transform_1, window_bounds = array<i64: 1, 64>}, {pipeline_mode = #tpu.pipeline_mode<synchronous>, transform_indices = @transform_2, window_bounds = array<i64: 1, 64>}, {transform_indices = @transform_3, window_bounds = array<i64: 4096, 1>}, {pipeline_mode = #tpu.pipeline_mode<synchronous>, transform_indices = @transform_4, window_bounds = array<i64: 1, 64>}, {pipeline_mode = #tpu.pipeline_mode<synchronous>, transform_indices = @transform_5, window_bounds = array<i64: 1, 64>}, {transform_indices = @transform_6, window_bounds = array<i64: 4096, 64>}]} {
    %get3A = arith.constant 0 : index
    %get3A_0 = arith.constant 0 : index
    %get3A_1 = arith.constant 0 : index
    %get3A_2 = vector.load %arg1[%get3A, %get3A_0, %get3A_1] : memref<2x4096x32xf32, #tpu.memory_space<vmem>>, vector<1x4096x32xf32>
    %get3A_3 = vector.shape_cast %get3A_2 : vector<1x4096x32xf32> to vector<4096x32xf32>
    %get3A_4 = arith.constant 1 : index
    %get3A_5 = arith.constant 0 : index
    %get3A_6 = arith.constant 0 : index
    %get3A_7 = vector.load %arg1[%get3A_4, %get3A_5, %get3A_6] : memref<2x4096x32xf32, #tpu.memory_space<vmem>>, vector<1x4096x32xf32>
    %get3A_8 = vector.shape_cast %get3A_7 : vector<1x4096x32xf32> to vector<4096x32xf32>
    %concatenate3A = tpu.concatenate %get3A_3, %get3A_8 in 1 : vector<4096x32xf32>, vector<4096x32xf32> -> vector<4096x64xf32>
    %get3A_9 = arith.constant 0 : index
    %get3A_10 = arith.constant 0 : index
    %get3A_11 = vector.load %arg2[%get3A_9, %get3A_10] : memref<1x64xf32, #tpu.memory_space<vmem>>, vector<1x64xf32>
    %squeeze3A = vector.shape_cast %get3A_11 : vector<1x64xf32> to vector<64xf32>
    %broadcast_in_dim3A = vector.shape_cast %squeeze3A : vector<64xf32> to vector<1x64xf32>
    %mul3A = vector.broadcast %broadcast_in_dim3A : vector<1x64xf32> to vector<4096x64xf32>
    %mul3A_12 = arith.mulf %concatenate3A, %mul3A : vector<4096x64xf32>
    %get3A_13 = arith.constant 0 : index
    %get3A_14 = arith.constant 0 : index
    %get3A_15 = vector.load %arg3[%get3A_13, %get3A_14] : memref<1x64xf32, #tpu.memory_space<vmem>>, vector<1x64xf32>
    %squeeze3A_16 = vector.shape_cast %get3A_15 : vector<1x64xf32> to vector<64xf32>
    %broadcast_in_dim3A_17 = vector.shape_cast %squeeze3A_16 : vector<64xf32> to vector<1x64xf32>
    %add3A = vector.broadcast %broadcast_in_dim3A_17 : vector<1x64xf32> to vector<4096x64xf32>
    %add3A_18 = arith.addf %mul3A_12, %add3A : vector<4096x64xf32>
    %max3A = arith.constant 0.000000e+00 : f32
    %max3A_19 = vector.broadcast %max3A : f32 to vector<4096x64xf32>
    %max3A_20 = arith.maximumf %add3A_18, %max3A_19 : vector<4096x64xf32>
    %get3A_21 = arith.constant 0 : index
    %get3A_22 = arith.constant 0 : index
    %get3A_23 = vector.load %arg4[%get3A_21, %get3A_22] : memref<4096x1xf32, #tpu.memory_space<vmem>>, vector<4096x1xf32>
    %get3A_24 = arith.constant 0 : index
    %get3A_25 = arith.constant 0 : index
    %get3A_26 = vector.load %arg5[%get3A_24, %get3A_25] : memref<1x64xf32, #tpu.memory_space<vmem>>, vector<1x64xf32>
    %mul3A_27 = vector.broadcast %get3A_23 : vector<4096x1xf32> to vector<4096x64xf32>
    %mul3A_28 = vector.broadcast %get3A_26 : vector<1x64xf32> to vector<4096x64xf32>
    %mul3A_29 = arith.mulf %mul3A_27, %mul3A_28 : vector<4096x64xf32>
    %get3A_30 = arith.constant 0 : index
    %get3A_31 = arith.constant 0 : index
    %get3A_32 = vector.load %arg6[%get3A_30, %get3A_31] : memref<1x64xf32, #tpu.memory_space<vmem>>, vector<1x64xf32>
    %add3A_33 = vector.broadcast %get3A_32 : vector<1x64xf32> to vector<4096x64xf32>
    %add3A_34 = arith.addf %mul3A_29, %add3A_33 : vector<4096x64xf32>
    %add3A_35 = arith.addf %add3A_34, %max3A_20 : vector<4096x64xf32>
    %swap3A = arith.constant 0 : index
    %swap3A_36 = arith.constant 0 : index
    %swap3A_37 = vector.load %arg7[%swap3A, %swap3A_36] : memref<4096x64xf32, #tpu.memory_space<vmem>>, vector<4096x64xf32>
    tpu.vector_store %arg7[%swap3A, %swap3A_36], %add3A_35 {strides = array<i32>} : memref<4096x64xf32, #tpu.memory_space<vmem>>, vector<4096x64xf32>,
    return
  }
  func.func @transform_0(%arg0: i32) -> (i32, i32, i32) {
    %c0_i32 = arith.constant 0 : i32
    %c0_i32_0 = arith.constant 0 : i32
    %c0_i32_1 = arith.constant 0 : i32
    return %c0_i32, %arg0, %c0_i32_0 : i32, i32, i32
  }
  func.func @transform_1(%arg0: i32) -> (i32, i32) {
    %c0_i32 = arith.constant 0 : i32
    %c0_i32_0 = arith.constant 0 : i32
    %c0_i32_1 = arith.constant 0 : i32
    return %c0_i32, %c0_i32_0 : i32, i32
  }
  func.func @transform_2(%arg0: i32) -> (i32, i32) {
    %c0_i32 = arith.constant 0 : i32
    %c0_i32_0 = arith.constant 0 : i32
    %c0_i32_1 = arith.constant 0 : i32
    return %c0_i32, %c0_i32_0 : i32, i32
  }
  func.func @transform_3(%arg0: i32) -> (i32, i32) {
    %c0_i32 = arith.constant 0 : i32
    %c0_i32_0 = arith.constant 0 : i32
    return %arg0, %c0_i32 : i32, i32
  }
  func.func @transform_4(%arg0: i32) -> (i32, i32) {
    %c0_i32 = arith.constant 0 : i32
    %c0_i32_0 = arith.constant 0 : i32
    %c0_i32_1 = arith.constant 0 : i32
    return %c0_i32, %c0_i32_0 : i32, i32
  }
  func.func @transform_5(%arg0: i32) -> (i32, i32) {
    %c0_i32 = arith.constant 0 : i32
    %c0_i32_0 = arith.constant 0 : i32
    %c0_i32_1 = arith.constant 0 : i32
    return %c0_i32, %c0_i32_0 : i32, i32
  }
  func.func @transform_6(%arg0: i32) -> (i32, i32) {
    %c0_i32 = arith.constant 0 : i32
    %c0_i32_0 = arith.constant 0 : i32
    return %arg0, %c0_i32 : i32, i32
  }
}

module attributes {stable_mosaic.version = 14 : i64} {
  func.func @_passA_body(%arg0: i32, %arg1: memref<4096x64xf32, #tpu.memory_space<vmem>>, %arg2: memref<4096x64xf32, #tpu.memory_space<vmem>>, %arg3: memref<4096x64xf32, #tpu.memory_space<vmem>>, %arg4: memref<64x64xf32, #tpu.memory_space<vmem>>, %arg5: memref<4096x64xf32, #tpu.memory_space<vmem>>, %arg6: memref<8x64xf32, #tpu.memory_space<vmem>>) attributes {dimension_semantics = [#tpu.dimension_semantics<arbitrary>], iteration_bounds = array<i64: 200>, scalar_prefetch = 0 : i64, scratch_operands = 0 : i64, tpu.core_type = #tpu.core_type<tc>, window_params = [{transform_indices = @transform_0, window_bounds = array<i64: 4096, 64>}, {transform_indices = @transform_1, window_bounds = array<i64: 4096, 64>}, {transform_indices = @transform_2, window_bounds = array<i64: 4096, 64>}, {pipeline_mode = #tpu.pipeline_mode<synchronous>, transform_indices = @transform_3, window_bounds = array<i64: 64, 64>}, {transform_indices = @transform_4, window_bounds = array<i64: 4096, 64>}, {pipeline_mode = #tpu.pipeline_mode<synchronous>, transform_indices = @transform_5, window_bounds = array<i64: 8, 64>}]} {
    %get3A = arith.constant 0 : index
    %get3A_0 = arith.constant 0 : index
    %get3A_1 = vector.load %arg1[%get3A, %get3A_0] : memref<4096x64xf32, #tpu.memory_space<vmem>>, vector<4096x64xf32>
    %get3A_2 = arith.constant 0 : index
    %get3A_3 = arith.constant 0 : index
    %get3A_4 = vector.load %arg2[%get3A_2, %get3A_3] : memref<4096x64xf32, #tpu.memory_space<vmem>>, vector<4096x64xf32>
    %add3A = arith.addf %get3A_1, %get3A_4 : vector<4096x64xf32>
    %get3A_5 = arith.constant 0 : index
    %get3A_6 = arith.constant 0 : index
    %get3A_7 = vector.load %arg3[%get3A_5, %get3A_6] : memref<4096x64xf32, #tpu.memory_space<vmem>>, vector<4096x64xf32>
    %get3A_8 = arith.constant 0 : index
    %get3A_9 = arith.constant 0 : index
    %get3A_10 = vector.load %arg4[%get3A_8, %get3A_9] : memref<64x64xf32, #tpu.memory_space<vmem>>, vector<64x64xf32>
    %dot_general3A = arith.constant dense<0.000000e+00> : vector<4096x64xf32>
    %dot_general3A_11 = tpu.matmul %get3A_7, %get3A_10, %dot_general3A {dimension_numbers = #tpu.dot_dimension_numbers<[1], [0], [0], [1], [0, 0, 1, 1], [], []>, transpose_lhs_hint = false} : vector<4096x64xf32>, vector<64x64xf32>, vector<4096x64xf32> -> vector<4096x64xf32>
    %add3A_12 = arith.addf %add3A, %dot_general3A_11 : vector<4096x64xf32>
    %swap3A = arith.constant 0 : index
    %swap3A_13 = arith.constant 0 : index
    %swap3A_14 = vector.load %arg5[%swap3A, %swap3A_13] : memref<4096x64xf32, #tpu.memory_space<vmem>>, vector<4096x64xf32>
    tpu.vector_store %arg5[%swap3A, %swap3A_13], %add3A_12 {strides = array<i32>} : memref<4096x64xf32, #tpu.memory_space<vmem>>, vector<4096x64xf32>,
    %eq3A = arith.constant 0 : i32
    %eq3A_15 = arith.cmpi eq, %arg0, %eq3A : i32
    %convert_element_type3A = arith.extui %eq3A_15 : i1 to i32
    %cond3A = arith.constant 0 : i32
    %cond3A_16 = arith.cmpi ne, %convert_element_type3A, %cond3A : i32
    scf.if %cond3A_16 {
      %reduce_sum3A_44 = arith.constant dense<0.000000e+00> : vector<64xf32>
      %reduce_sum3A_45 = vector.multi_reduction <add>, %add3A_12, %reduce_sum3A_44 [0] : vector<4096x64xf32> to vector<64xf32>
      %div3A = arith.constant 4.096000e+03 : f32
      %div3A_46 = vector.broadcast %div3A : f32 to vector<64xf32>
      %div3A_47 = arith.divf %reduce_sum3A_45, %div3A_46 : vector<64xf32>
      %broadcast_in_dim3A_48 = arith.constant 0.000000e+00 : f32
      %broadcast_in_dim3A_49 = vector.broadcast %broadcast_in_dim3A_48 : f32 to vector<2x64xf32>
      %broadcast_in_dim3A_50 = vector.shape_cast %div3A_47 : vector<64xf32> to vector<1x64xf32>
      %broadcast_in_dim3A_51 = arith.constant 0.000000e+00 : f32
      %broadcast_in_dim3A_52 = vector.broadcast %broadcast_in_dim3A_51 : f32 to vector<5x64xf32>
      %concatenate3A_53 = tpu.concatenate %broadcast_in_dim3A_49, %broadcast_in_dim3A_50, %broadcast_in_dim3A_52 in 0 : vector<2x64xf32>, vector<1x64xf32>, vector<5x64xf32> -> vector<8x64xf32>
      %swap3A_54 = arith.constant 0 : index
      %swap3A_55 = arith.constant 0 : index
      %swap3A_56 = vector.load %arg6[%swap3A_54, %swap3A_55] : memref<8x64xf32, #tpu.memory_space<vmem>>, vector<8x64xf32>
      tpu.vector_store %arg6[%swap3A_54, %swap3A_55], %concatenate3A_53 {strides = array<i32>} : memref<8x64xf32, #tpu.memory_space<vmem>>, vector<8x64xf32>,
    } else {
    }
    %get3A_17 = arith.constant 0 : index
    %get3A_18 = arith.constant 0 : index
    %get3A_19 = vector.load %arg6[%get3A_17, %get3A_18] : memref<8x64xf32, #tpu.memory_space<vmem>>, vector<8x64xf32>
    %slice3A = vector.extract_strided_slice %get3A_19 {offsets = [2, 0], sizes = [1, 64], strides = [1, 1]} : vector<8x64xf32> to vector<1x64xf32>
    %squeeze3A = vector.shape_cast %slice3A : vector<1x64xf32> to vector<64xf32>
    %broadcast_in_dim3A = vector.shape_cast %squeeze3A : vector<64xf32> to vector<1x64xf32>
    %sub3A = vector.broadcast %broadcast_in_dim3A : vector<1x64xf32> to vector<4096x64xf32>
    %sub3A_20 = arith.subf %add3A_12, %sub3A : vector<4096x64xf32>
    %mul3A = arith.constant 4096 : i32
    %mul3A_21 = arith.muli %arg0, %mul3A : i32
    %iota3A = tpu.iota {dimensions = array<i32: 0>} : vector<4096x1xi32>
    %add3A_22 = vector.broadcast %mul3A_21 : i32 to vector<4096x1xi32>
    %add3A_23 = arith.addi %add3A_22, %iota3A : vector<4096x1xi32>
    %lt3A = arith.constant 800000 : i32
    %lt3A_24 = vector.broadcast %lt3A : i32 to vector<4096x1xi32>
    %lt3A_25 = arith.cmpi slt, %add3A_23, %lt3A_24 : vector<4096x1xi32>
    %jit3A = arith.constant 0.000000e+00 : f32
    %broadcast_in_dim3A_26 = vector.shape_cast %lt3A_25 : vector<4096x1xi1> to vector<4096x1xi1>
    %broadcast_in_dim3A_27 = vector.broadcast %broadcast_in_dim3A_26 : vector<4096x1xi1> to vector<4096x64xi1>
    %broadcast_in_dim3A_28 = vector.broadcast %jit3A : f32 to vector<4096x64xf32>
    %select_n3A = arith.select %broadcast_in_dim3A_27, %sub3A_20, %broadcast_in_dim3A_28 : vector<4096x64xi1>, vector<4096x64xf32>
    %reduce_sum3A = arith.constant dense<0.000000e+00> : vector<64xf32>
    %reduce_sum3A_29 = vector.multi_reduction <add>, %select_n3A, %reduce_sum3A [0] : vector<4096x64xf32> to vector<64xf32>
    %broadcast_in_dim3A_30 = vector.shape_cast %reduce_sum3A_29 : vector<64xf32> to vector<1x64xf32>
    %mul3A_31 = arith.mulf %select_n3A, %select_n3A : vector<4096x64xf32>
    %reduce_sum3A_32 = arith.constant dense<0.000000e+00> : vector<64xf32>
    %reduce_sum3A_33 = vector.multi_reduction <add>, %mul3A_31, %reduce_sum3A_32 [0] : vector<4096x64xf32> to vector<64xf32>
    %broadcast_in_dim3A_34 = vector.shape_cast %reduce_sum3A_33 : vector<64xf32> to vector<1x64xf32>
    %broadcast_in_dim3A_35 = arith.constant 0.000000e+00 : f32
    %broadcast_in_dim3A_36 = vector.broadcast %broadcast_in_dim3A_35 : f32 to vector<6x64xf32>
    %concatenate3A = tpu.concatenate %broadcast_in_dim3A_30, %broadcast_in_dim3A_34, %broadcast_in_dim3A_36 in 0 : vector<1x64xf32>, vector<1x64xf32>, vector<6x64xf32> -> vector<8x64xf32>
    %get3A_37 = arith.constant 0 : index
    %get3A_38 = arith.constant 0 : index
    %get3A_39 = vector.load %arg6[%get3A_37, %get3A_38] : memref<8x64xf32, #tpu.memory_space<vmem>>, vector<8x64xf32>
    %add3A_40 = arith.addf %get3A_39, %concatenate3A : vector<8x64xf32>
    %swap3A_41 = arith.constant 0 : index
    %swap3A_42 = arith.constant 0 : index
    %swap3A_43 = vector.load %arg6[%swap3A_41, %swap3A_42] : memref<8x64xf32, #tpu.memory_space<vmem>>, vector<8x64xf32>
    tpu.vector_store %arg6[%swap3A_41, %swap3A_42], %add3A_40 {strides = array<i32>} : memref<8x64xf32, #tpu.memory_space<vmem>>, vector<8x64xf32>,
    return
  }
  func.func @transform_0(%arg0: i32) -> (i32, i32) {
    %c0_i32 = arith.constant 0 : i32
    %c0_i32_0 = arith.constant 0 : i32
    return %arg0, %c0_i32 : i32, i32
  }
  func.func @transform_1(%arg0: i32) -> (i32, i32) {
    %c0_i32 = arith.constant 0 : i32
    %c0_i32_0 = arith.constant 0 : i32
    return %arg0, %c0_i32 : i32, i32
  }
  func.func @transform_2(%arg0: i32) -> (i32, i32) {
    %c0_i32 = arith.constant 0 : i32
    %c0_i32_0 = arith.constant 0 : i32
    return %arg0, %c0_i32 : i32, i32
  }
  func.func @transform_3(%arg0: i32) -> (i32, i32) {
    %c0_i32 = arith.constant 0 : i32
    %c0_i32_0 = arith.constant 0 : i32
    %c0_i32_1 = arith.constant 0 : i32
    return %c0_i32, %c0_i32_0 : i32, i32
  }
  func.func @transform_4(%arg0: i32) -> (i32, i32) {
    %c0_i32 = arith.constant 0 : i32
    %c0_i32_0 = arith.constant 0 : i32
    return %arg0, %c0_i32 : i32, i32
  }
  func.func @transform_5(%arg0: i32) -> (i32, i32) {
    %c0_i32 = arith.constant 0 : i32
    %c0_i32_0 = arith.constant 0 : i32
    %c0_i32_1 = arith.constant 0 : i32
    return %c0_i32, %c0_i32_0 : i32, i32
  }
}

module attributes {stable_mosaic.version = 14 : i64} {
  func.func @_passCh_body(%arg0: i32, %arg1: memref<2x4096x32xf32, #tpu.memory_space<vmem>>, %arg2: memref<1x64xf32, #tpu.memory_space<vmem>>, %arg3: memref<1x64xf32, #tpu.memory_space<vmem>>, %arg4: memref<4096x64xf32, #tpu.memory_space<vmem>>, %arg5: memref<4096x64xf32, #tpu.memory_space<vmem>>) attributes {dimension_semantics = [#tpu.dimension_semantics<arbitrary>], iteration_bounds = array<i64: 200>, scalar_prefetch = 0 : i64, scratch_operands = 0 : i64, tpu.core_type = #tpu.core_type<tc>, window_params = [{transform_indices = @transform_0, window_bounds = array<i64: 2, 4096, 32>}, {pipeline_mode = #tpu.pipeline_mode<synchronous>, transform_indices = @transform_1, window_bounds = array<i64: 1, 64>}, {pipeline_mode = #tpu.pipeline_mode<synchronous>, transform_indices = @transform_2, window_bounds = array<i64: 1, 64>}, {transform_indices = @transform_3, window_bounds = array<i64: 4096, 64>}, {transform_indices = @transform_4, window_bounds = array<i64: 4096, 64>}]} {
    %get3A = arith.constant 0 : index
    %get3A_0 = arith.constant 0 : index
    %get3A_1 = arith.constant 0 : index
    %get3A_2 = vector.load %arg1[%get3A, %get3A_0, %get3A_1] : memref<2x4096x32xf32, #tpu.memory_space<vmem>>, vector<1x4096x32xf32>
    %get3A_3 = vector.shape_cast %get3A_2 : vector<1x4096x32xf32> to vector<4096x32xf32>
    %get3A_4 = arith.constant 1 : index
    %get3A_5 = arith.constant 0 : index
    %get3A_6 = arith.constant 0 : index
    %get3A_7 = vector.load %arg1[%get3A_4, %get3A_5, %get3A_6] : memref<2x4096x32xf32, #tpu.memory_space<vmem>>, vector<1x4096x32xf32>
    %get3A_8 = vector.shape_cast %get3A_7 : vector<1x4096x32xf32> to vector<4096x32xf32>
    %concatenate3A = tpu.concatenate %get3A_3, %get3A_8 in 1 : vector<4096x32xf32>, vector<4096x32xf32> -> vector<4096x64xf32>
    %get3A_9 = arith.constant 0 : index
    %get3A_10 = arith.constant 0 : index
    %get3A_11 = vector.load %arg2[%get3A_9, %get3A_10] : memref<1x64xf32, #tpu.memory_space<vmem>>, vector<1x64xf32>
    %squeeze3A = vector.shape_cast %get3A_11 : vector<1x64xf32> to vector<64xf32>
    %broadcast_in_dim3A = vector.shape_cast %squeeze3A : vector<64xf32> to vector<1x64xf32>
    %mul3A = vector.broadcast %broadcast_in_dim3A : vector<1x64xf32> to vector<4096x64xf32>
    %mul3A_12 = arith.mulf %concatenate3A, %mul3A : vector<4096x64xf32>
    %get3A_13 = arith.constant 0 : index
    %get3A_14 = arith.constant 0 : index
    %get3A_15 = vector.load %arg3[%get3A_13, %get3A_14] : memref<1x64xf32, #tpu.memory_space<vmem>>, vector<1x64xf32>
    %squeeze3A_16 = vector.shape_cast %get3A_15 : vector<1x64xf32> to vector<64xf32>
    %broadcast_in_dim3A_17 = vector.shape_cast %squeeze3A_16 : vector<64xf32> to vector<1x64xf32>
    %add3A = vector.broadcast %broadcast_in_dim3A_17 : vector<1x64xf32> to vector<4096x64xf32>
    %add3A_18 = arith.addf %mul3A_12, %add3A : vector<4096x64xf32>
    %max3A = arith.constant 0.000000e+00 : f32
    %max3A_19 = vector.broadcast %max3A : f32 to vector<4096x64xf32>
    %max3A_20 = arith.maximumf %add3A_18, %max3A_19 : vector<4096x64xf32>
    %get3A_21 = arith.constant 0 : index
    %get3A_22 = arith.constant 0 : index
    %get3A_23 = vector.load %arg4[%get3A_21, %get3A_22] : memref<4096x64xf32, #tpu.memory_space<vmem>>, vector<4096x64xf32>
    %add3A_24 = arith.addf %get3A_23, %max3A_20 : vector<4096x64xf32>
    %swap3A = arith.constant 0 : index
    %swap3A_25 = arith.constant 0 : index
    %swap3A_26 = vector.load %arg5[%swap3A, %swap3A_25] : memref<4096x64xf32, #tpu.memory_space<vmem>>, vector<4096x64xf32>
    tpu.vector_store %arg5[%swap3A, %swap3A_25], %add3A_24 {strides = array<i32>} : memref<4096x64xf32, #tpu.memory_space<vmem>>, vector<4096x64xf32>,
    return
  }
  func.func @transform_0(%arg0: i32) -> (i32, i32, i32) {
    %c0_i32 = arith.constant 0 : i32
    %c0_i32_0 = arith.constant 0 : i32
    %c0_i32_1 = arith.constant 0 : i32
    return %c0_i32, %arg0, %c0_i32_0 : i32, i32, i32
  }
  func.func @transform_1(%arg0: i32) -> (i32, i32) {
    %c0_i32 = arith.constant 0 : i32
    %c0_i32_0 = arith.constant 0 : i32
    %c0_i32_1 = arith.constant 0 : i32
    return %c0_i32, %c0_i32_0 : i32, i32
  }
  func.func @transform_2(%arg0: i32) -> (i32, i32) {
    %c0_i32 = arith.constant 0 : i32
    %c0_i32_0 = arith.constant 0 : i32
    %c0_i32_1 = arith.constant 0 : i32
    return %c0_i32, %c0_i32_0 : i32, i32
  }
  func.func @transform_3(%arg0: i32) -> (i32, i32) {
    %c0_i32 = arith.constant 0 : i32
    %c0_i32_0 = arith.constant 0 : i32
    return %arg0, %c0_i32 : i32, i32
  }
  func.func @transform_4(%arg0: i32) -> (i32, i32) {
    %c0_i32 = arith.constant 0 : i32
    %c0_i32_0 = arith.constant 0 : i32
    return %arg0, %c0_i32 : i32, i32
  }
}

module attributes {stable_mosaic.version = 14 : i64} {
  func.func @_armm_body(%arg0: i32, %arg1: memref<4096x64xf32, #tpu.memory_space<vmem>>, %arg2: memref<1x64xf32, #tpu.memory_space<vmem>>, %arg3: memref<1x64xf32, #tpu.memory_space<vmem>>, %arg4: memref<64x64xf32, #tpu.memory_space<vmem>>, %arg5: memref<4096x64xf32, #tpu.memory_space<vmem>>, %arg6: memref<8x64xf32, #tpu.memory_space<vmem>>) attributes {dimension_semantics = [#tpu.dimension_semantics<arbitrary>], iteration_bounds = array<i64: 200>, scalar_prefetch = 0 : i64, scratch_operands = 0 : i64, tpu.core_type = #tpu.core_type<tc>, window_params = [{transform_indices = @transform_0, window_bounds = array<i64: 4096, 64>}, {pipeline_mode = #tpu.pipeline_mode<synchronous>, transform_indices = @transform_1, window_bounds = array<i64: 1, 64>}, {pipeline_mode = #tpu.pipeline_mode<synchronous>, transform_indices = @transform_2, window_bounds = array<i64: 1, 64>}, {pipeline_mode = #tpu.pipeline_mode<synchronous>, transform_indices = @transform_3, window_bounds = array<i64: 64, 64>}, {transform_indices = @transform_4, window_bounds = array<i64: 4096, 64>}, {pipeline_mode = #tpu.pipeline_mode<synchronous>, transform_indices = @transform_5, window_bounds = array<i64: 8, 64>}]} {
    %get3A = arith.constant 0 : index
    %get3A_0 = arith.constant 0 : index
    %get3A_1 = vector.load %arg1[%get3A, %get3A_0] : memref<4096x64xf32, #tpu.memory_space<vmem>>, vector<4096x64xf32>
    %get3A_2 = arith.constant 0 : index
    %get3A_3 = arith.constant 0 : index
    %get3A_4 = vector.load %arg2[%get3A_2, %get3A_3] : memref<1x64xf32, #tpu.memory_space<vmem>>, vector<1x64xf32>
    %squeeze3A = vector.shape_cast %get3A_4 : vector<1x64xf32> to vector<64xf32>
    %broadcast_in_dim3A = vector.shape_cast %squeeze3A : vector<64xf32> to vector<1x64xf32>
    %mul3A = vector.broadcast %broadcast_in_dim3A : vector<1x64xf32> to vector<4096x64xf32>
    %mul3A_5 = arith.mulf %get3A_1, %mul3A : vector<4096x64xf32>
    %get3A_6 = arith.constant 0 : index
    %get3A_7 = arith.constant 0 : index
    %get3A_8 = vector.load %arg3[%get3A_6, %get3A_7] : memref<1x64xf32, #tpu.memory_space<vmem>>, vector<1x64xf32>
    %squeeze3A_9 = vector.shape_cast %get3A_8 : vector<1x64xf32> to vector<64xf32>
    %broadcast_in_dim3A_10 = vector.shape_cast %squeeze3A_9 : vector<64xf32> to vector<1x64xf32>
    %add3A = vector.broadcast %broadcast_in_dim3A_10 : vector<1x64xf32> to vector<4096x64xf32>
    %add3A_11 = arith.addf %mul3A_5, %add3A : vector<4096x64xf32>
    %max3A = arith.constant 0.000000e+00 : f32
    %max3A_12 = vector.broadcast %max3A : f32 to vector<4096x64xf32>
    %max3A_13 = arith.maximumf %add3A_11, %max3A_12 : vector<4096x64xf32>
    %get3A_14 = arith.constant 0 : index
    %get3A_15 = arith.constant 0 : index
    %get3A_16 = vector.load %arg4[%get3A_14, %get3A_15] : memref<64x64xf32, #tpu.memory_space<vmem>>, vector<64x64xf32>
    %dot_general3A = arith.constant dense<0.000000e+00> : vector<4096x64xf32>
    %dot_general3A_17 = tpu.matmul %max3A_13, %get3A_16, %dot_general3A {dimension_numbers = #tpu.dot_dimension_numbers<[1], [0], [0], [1], [0, 0, 1, 1], [], []>, transpose_lhs_hint = false} : vector<4096x64xf32>, vector<64x64xf32>, vector<4096x64xf32> -> vector<4096x64xf32>
    %swap3A = arith.constant 0 : index
    %swap3A_18 = arith.constant 0 : index
    %swap3A_19 = vector.load %arg5[%swap3A, %swap3A_18] : memref<4096x64xf32, #tpu.memory_space<vmem>>, vector<4096x64xf32>
    tpu.vector_store %arg5[%swap3A, %swap3A_18], %dot_general3A_17 {strides = array<i32>} : memref<4096x64xf32, #tpu.memory_space<vmem>>, vector<4096x64xf32>,
    %eq3A = arith.constant 0 : i32
    %eq3A_20 = arith.cmpi eq, %arg0, %eq3A : i32
    %convert_element_type3A = arith.extui %eq3A_20 : i1 to i32
    %cond3A = arith.constant 0 : i32
    %cond3A_21 = arith.cmpi ne, %convert_element_type3A, %cond3A : i32
    scf.if %cond3A_21 {
      %reduce_sum3A_52 = arith.constant dense<0.000000e+00> : vector<64xf32>
      %reduce_sum3A_53 = vector.multi_reduction <add>, %dot_general3A_17, %reduce_sum3A_52 [0] : vector<4096x64xf32> to vector<64xf32>
      %div3A = arith.constant 4.096000e+03 : f32
      %div3A_54 = vector.broadcast %div3A : f32 to vector<64xf32>
      %div3A_55 = arith.divf %reduce_sum3A_53, %div3A_54 : vector<64xf32>
      %broadcast_in_dim3A_56 = arith.constant 0.000000e+00 : f32
      %broadcast_in_dim3A_57 = vector.broadcast %broadcast_in_dim3A_56 : f32 to vector<2x64xf32>
      %broadcast_in_dim3A_58 = vector.shape_cast %div3A_55 : vector<64xf32> to vector<1x64xf32>
      %broadcast_in_dim3A_59 = arith.constant 0.000000e+00 : f32
      %broadcast_in_dim3A_60 = vector.broadcast %broadcast_in_dim3A_59 : f32 to vector<5x64xf32>
      %concatenate3A_61 = tpu.concatenate %broadcast_in_dim3A_57, %broadcast_in_dim3A_58, %broadcast_in_dim3A_60 in 0 : vector<2x64xf32>, vector<1x64xf32>, vector<5x64xf32> -> vector<8x64xf32>
      %swap3A_62 = arith.constant 0 : index
      %swap3A_63 = arith.constant 0 : index
      %swap3A_64 = vector.load %arg6[%swap3A_62, %swap3A_63] : memref<8x64xf32, #tpu.memory_space<vmem>>, vector<8x64xf32>
      tpu.vector_store %arg6[%swap3A_62, %swap3A_63], %concatenate3A_61 {strides = array<i32>} : memref<8x64xf32, #tpu.memory_space<vmem>>, vector<8x64xf32>,
    } else {
    }
    %get3A_22 = arith.constant 0 : index
    %get3A_23 = arith.constant 0 : index
    %get3A_24 = vector.load %arg6[%get3A_22, %get3A_23] : memref<8x64xf32, #tpu.memory_space<vmem>>, vector<8x64xf32>
    %slice3A = vector.extract_strided_slice %get3A_24 {offsets = [2, 0], sizes = [1, 64], strides = [1, 1]} : vector<8x64xf32> to vector<1x64xf32>
    %squeeze3A_25 = vector.shape_cast %slice3A : vector<1x64xf32> to vector<64xf32>
    %broadcast_in_dim3A_26 = vector.shape_cast %squeeze3A_25 : vector<64xf32> to vector<1x64xf32>
    %sub3A = vector.broadcast %broadcast_in_dim3A_26 : vector<1x64xf32> to vector<4096x64xf32>
    %sub3A_27 = arith.subf %dot_general3A_17, %sub3A : vector<4096x64xf32>
    %mul3A_28 = arith.constant 4096 : i32
    %mul3A_29 = arith.muli %arg0, %mul3A_28 : i32
    %iota3A = tpu.iota {dimensions = array<i32: 0>} : vector<4096x1xi32>
    %add3A_30 = vector.broadcast %mul3A_29 : i32 to vector<4096x1xi32>
    %add3A_31 = arith.addi %add3A_30, %iota3A : vector<4096x1xi32>
    %lt3A = arith.constant 800000 : i32
    %lt3A_32 = vector.broadcast %lt3A : i32 to vector<4096x1xi32>
    %lt3A_33 = arith.cmpi slt, %add3A_31, %lt3A_32 : vector<4096x1xi32>
    %jit3A = arith.constant 0.000000e+00 : f32
    %broadcast_in_dim3A_34 = vector.shape_cast %lt3A_33 : vector<4096x1xi1> to vector<4096x1xi1>
    %broadcast_in_dim3A_35 = vector.broadcast %broadcast_in_dim3A_34 : vector<4096x1xi1> to vector<4096x64xi1>
    %broadcast_in_dim3A_36 = vector.broadcast %jit3A : f32 to vector<4096x64xf32>
    %select_n3A = arith.select %broadcast_in_dim3A_35, %sub3A_27, %broadcast_in_dim3A_36 : vector<4096x64xi1>, vector<4096x64xf32>
    %reduce_sum3A = arith.constant dense<0.000000e+00> : vector<64xf32>
    %reduce_sum3A_37 = vector.multi_reduction <add>, %select_n3A, %reduce_sum3A [0] : vector<4096x64xf32> to vector<64xf32>
    %broadcast_in_dim3A_38 = vector.shape_cast %reduce_sum3A_37 : vector<64xf32> to vector<1x64xf32>
    %mul3A_39 = arith.mulf %select_n3A, %select_n3A : vector<4096x64xf32>
    %reduce_sum3A_40 = arith.constant dense<0.000000e+00> : vector<64xf32>
    %reduce_sum3A_41 = vector.multi_reduction <add>, %mul3A_39, %reduce_sum3A_40 [0] : vector<4096x64xf32> to vector<64xf32>
    %broadcast_in_dim3A_42 = vector.shape_cast %reduce_sum3A_41 : vector<64xf32> to vector<1x64xf32>
    %broadcast_in_dim3A_43 = arith.constant 0.000000e+00 : f32
    %broadcast_in_dim3A_44 = vector.broadcast %broadcast_in_dim3A_43 : f32 to vector<6x64xf32>
    %concatenate3A = tpu.concatenate %broadcast_in_dim3A_38, %broadcast_in_dim3A_42, %broadcast_in_dim3A_44 in 0 : vector<1x64xf32>, vector<1x64xf32>, vector<6x64xf32> -> vector<8x64xf32>
    %get3A_45 = arith.constant 0 : index
    %get3A_46 = arith.constant 0 : index
    %get3A_47 = vector.load %arg6[%get3A_45, %get3A_46] : memref<8x64xf32, #tpu.memory_space<vmem>>, vector<8x64xf32>
    %add3A_48 = arith.addf %get3A_47, %concatenate3A : vector<8x64xf32>
    %swap3A_49 = arith.constant 0 : index
    %swap3A_50 = arith.constant 0 : index
    %swap3A_51 = vector.load %arg6[%swap3A_49, %swap3A_50] : memref<8x64xf32, #tpu.memory_space<vmem>>, vector<8x64xf32>
    tpu.vector_store %arg6[%swap3A_49, %swap3A_50], %add3A_48 {strides = array<i32>} : memref<8x64xf32, #tpu.memory_space<vmem>>, vector<8x64xf32>,
    return
  }
  func.func @transform_0(%arg0: i32) -> (i32, i32) {
    %c0_i32 = arith.constant 0 : i32
    %c0_i32_0 = arith.constant 0 : i32
    return %arg0, %c0_i32 : i32, i32
  }
  func.func @transform_1(%arg0: i32) -> (i32, i32) {
    %c0_i32 = arith.constant 0 : i32
    %c0_i32_0 = arith.constant 0 : i32
    %c0_i32_1 = arith.constant 0 : i32
    return %c0_i32, %c0_i32_0 : i32, i32
  }
  func.func @transform_2(%arg0: i32) -> (i32, i32) {
    %c0_i32 = arith.constant 0 : i32
    %c0_i32_0 = arith.constant 0 : i32
    %c0_i32_1 = arith.constant 0 : i32
    return %c0_i32, %c0_i32_0 : i32, i32
  }
  func.func @transform_3(%arg0: i32) -> (i32, i32) {
    %c0_i32 = arith.constant 0 : i32
    %c0_i32_0 = arith.constant 0 : i32
    %c0_i32_1 = arith.constant 0 : i32
    return %c0_i32, %c0_i32_0 : i32, i32
  }
  func.func @transform_4(%arg0: i32) -> (i32, i32) {
    %c0_i32 = arith.constant 0 : i32
    %c0_i32_0 = arith.constant 0 : i32
    return %arg0, %c0_i32 : i32, i32
  }
  func.func @transform_5(%arg0: i32) -> (i32, i32) {
    %c0_i32 = arith.constant 0 : i32
    %c0_i32_0 = arith.constant 0 : i32
    %c0_i32_1 = arith.constant 0 : i32
    return %c0_i32, %c0_i32_0 : i32, i32
  }
}

module attributes {stable_mosaic.version = 14 : i64} {
  func.func @_passCP_body(%arg0: i32, %arg1: memref<4096x64xf32, #tpu.memory_space<vmem>>, %arg2: memref<1x64xf32, #tpu.memory_space<vmem>>, %arg3: memref<1x64xf32, #tpu.memory_space<vmem>>, %arg4: memref<4096x64xf32, #tpu.memory_space<vmem>>, %arg5: memref<1x64xf32, #tpu.memory_space<vmem>>, %arg6: memref<1x1xf32, #tpu.memory_space<vmem>>, %arg7: memref<32x128xf32, #tpu.memory_space<vmem>>) attributes {dimension_semantics = [#tpu.dimension_semantics<arbitrary>], iteration_bounds = array<i64: 200>, scalar_prefetch = 0 : i64, scratch_operands = 0 : i64, tpu.core_type = #tpu.core_type<tc>, window_params = [{transform_indices = @transform_0, window_bounds = array<i64: 4096, 64>}, {pipeline_mode = #tpu.pipeline_mode<synchronous>, transform_indices = @transform_1, window_bounds = array<i64: 1, 64>}, {pipeline_mode = #tpu.pipeline_mode<synchronous>, transform_indices = @transform_2, window_bounds = array<i64: 1, 64>}, {transform_indices = @transform_3, window_bounds = array<i64: 4096, 64>}, {pipeline_mode = #tpu.pipeline_mode<synchronous>, transform_indices = @transform_4, window_bounds = array<i64: 1, 64>}, {pipeline_mode = #tpu.pipeline_mode<synchronous>, transform_indices = @transform_5, window_bounds = array<i64: 1, 1>}, {transform_indices = @transform_6, window_bounds = array<i64: 32, 128>}]} {
    %get3A = arith.constant 0 : index
    %get3A_0 = arith.constant 0 : index
    %get3A_1 = vector.load %arg1[%get3A, %get3A_0] : memref<4096x64xf32, #tpu.memory_space<vmem>>, vector<4096x64xf32>
    %get3A_2 = arith.constant 0 : index
    %get3A_3 = arith.constant 0 : index
    %get3A_4 = vector.load %arg2[%get3A_2, %get3A_3] : memref<1x64xf32, #tpu.memory_space<vmem>>, vector<1x64xf32>
    %squeeze3A = vector.shape_cast %get3A_4 : vector<1x64xf32> to vector<64xf32>
    %broadcast_in_dim3A = vector.shape_cast %squeeze3A : vector<64xf32> to vector<1x64xf32>
    %mul3A = vector.broadcast %broadcast_in_dim3A : vector<1x64xf32> to vector<4096x64xf32>
    %mul3A_5 = arith.mulf %get3A_1, %mul3A : vector<4096x64xf32>
    %get3A_6 = arith.constant 0 : index
    %get3A_7 = arith.constant 0 : index
    %get3A_8 = vector.load %arg3[%get3A_6, %get3A_7] : memref<1x64xf32, #tpu.memory_space<vmem>>, vector<1x64xf32>
    %squeeze3A_9 = vector.shape_cast %get3A_8 : vector<1x64xf32> to vector<64xf32>
    %broadcast_in_dim3A_10 = vector.shape_cast %squeeze3A_9 : vector<64xf32> to vector<1x64xf32>
    %add3A = vector.broadcast %broadcast_in_dim3A_10 : vector<1x64xf32> to vector<4096x64xf32>
    %add3A_11 = arith.addf %mul3A_5, %add3A : vector<4096x64xf32>
    %max3A = arith.constant 0.000000e+00 : f32
    %max3A_12 = vector.broadcast %max3A : f32 to vector<4096x64xf32>
    %max3A_13 = arith.maximumf %add3A_11, %max3A_12 : vector<4096x64xf32>
    %get3A_14 = arith.constant 0 : index
    %get3A_15 = arith.constant 0 : index
    %get3A_16 = vector.load %arg4[%get3A_14, %get3A_15] : memref<4096x64xf32, #tpu.memory_space<vmem>>, vector<4096x64xf32>
    %add3A_17 = arith.addf %get3A_16, %max3A_13 : vector<4096x64xf32>
    %get3A_18 = arith.constant 0 : index
    %get3A_19 = arith.constant 0 : index
    %get3A_20 = vector.load %arg5[%get3A_18, %get3A_19] : memref<1x64xf32, #tpu.memory_space<vmem>>, vector<1x64xf32>
    %squeeze3A_21 = vector.shape_cast %get3A_20 : vector<1x64xf32> to vector<64xf32>
    %broadcast_in_dim3A_22 = vector.shape_cast %squeeze3A_21 : vector<64xf32> to vector<1x64xf32>
    %mul3A_23 = vector.broadcast %broadcast_in_dim3A_22 : vector<1x64xf32> to vector<4096x64xf32>
    %mul3A_24 = arith.mulf %add3A_17, %mul3A_23 : vector<4096x64xf32>
    %reduce_sum3A = arith.constant dense<0.000000e+00> : vector<4096xf32>
    %reduce_sum3A_25 = vector.multi_reduction <add>, %mul3A_24, %reduce_sum3A [1] : vector<4096x64xf32> to vector<4096xf32>
    %get3A_26 = arith.constant 0 : index
    %get3A_27 = arith.constant 0 : index
    %get3A_28 = vector.load %arg6[%get3A_26, %get3A_27] : memref<1x1xf32, #tpu.memory_space<vmem>>, vector<1x1xf32>
    %squeeze3A_29 = vector.extract %get3A_28[0, 0] : f32 from vector<1x1xf32>
    %add3A_30 = vector.broadcast %squeeze3A_29 : f32 to vector<4096xf32>
    %add3A_31 = arith.addf %reduce_sum3A_25, %add3A_30 : vector<4096xf32>
    %reshape3A = vector.shape_cast %add3A_31 : vector<4096xf32> to vector<32x128xf32>
    %swap3A = arith.constant 0 : index
    %swap3A_32 = arith.constant 0 : index
    %swap3A_33 = vector.load %arg7[%swap3A, %swap3A_32] : memref<32x128xf32, #tpu.memory_space<vmem>>, vector<32x128xf32>
    tpu.vector_store %arg7[%swap3A, %swap3A_32], %reshape3A {strides = array<i32>} : memref<32x128xf32, #tpu.memory_space<vmem>>, vector<32x128xf32>,
    return
  }
  func.func @transform_0(%arg0: i32) -> (i32, i32) {
    %c0_i32 = arith.constant 0 : i32
    %c0_i32_0 = arith.constant 0 : i32
    return %arg0, %c0_i32 : i32, i32
  }
  func.func @transform_1(%arg0: i32) -> (i32, i32) {
    %c0_i32 = arith.constant 0 : i32
    %c0_i32_0 = arith.constant 0 : i32
    %c0_i32_1 = arith.constant 0 : i32
    return %c0_i32, %c0_i32_0 : i32, i32
  }
  func.func @transform_2(%arg0: i32) -> (i32, i32) {
    %c0_i32 = arith.constant 0 : i32
    %c0_i32_0 = arith.constant 0 : i32
    %c0_i32_1 = arith.constant 0 : i32
    return %c0_i32, %c0_i32_0 : i32, i32
  }
  func.func @transform_3(%arg0: i32) -> (i32, i32) {
    %c0_i32 = arith.constant 0 : i32
    %c0_i32_0 = arith.constant 0 : i32
    return %arg0, %c0_i32 : i32, i32
  }
  func.func @transform_4(%arg0: i32) -> (i32, i32) {
    %c0_i32 = arith.constant 0 : i32
    %c0_i32_0 = arith.constant 0 : i32
    %c0_i32_1 = arith.constant 0 : i32
    return %c0_i32, %c0_i32_0 : i32, i32
  }
  func.func @transform_5(%arg0: i32) -> (i32, i32) {
    %c0_i32 = arith.constant 0 : i32
    %c0_i32_0 = arith.constant 0 : i32
    %c0_i32_1 = arith.constant 0 : i32
    return %c0_i32, %c0_i32_0 : i32, i32
  }
  func.func @transform_6(%arg0: i32) -> (i32, i32) {
    %c0_i32 = arith.constant 0 : i32
    %c0_i32_0 = arith.constant 0 : i32
    return %arg0, %c0_i32 : i32, i32
  }
}

</mosaic_0001>

<sc_bundles>
// kernel: kernel.23.cloned.1.call-start
scs
__scs_entry_jumppad:
0x0: {  	(pc) =	sbr.rel $0x88, $3  }
0x1: {  	(tag) =	ssettag $0x0;
	lr =	simm.s32 $0x1  }
0x2: {  	[smem:$0x3F8C] =	sst lr;
	_ =	strace $0xD0000000  }
0x3: {  	_ = 	snop  }
0x4: {  	_ = 	snop  }
0x5: {  	_ = 	snop  }
0x6: {  	_ = 	snop  }
0x7: {  	_ = 	snop  }
__scs_overlays_trampoline_lowered:
0x8: {  	[smem:$0x3F9B] =	sst s0  }
0x9: {  	[smem:$0x3F9C] =	sst s1  }
0xa: {  	[smem:$0x3F9D] =	sst s2  }
0xb: {  	[smem:$0x3F9E] =	sst s3  }
0xc: {  	[smem:$0x3F9F] =	sst s4  }
0xd: {  	[smem:$0x3FA0] =	sst s5  }
0xe: {  	[smem:$0x3FA1] =	sst s6  }
0xf: {  	[smem:$0x3FA2] =	sst s7  }
0x10: {  	[smem:$0x3FA3] =	sst s8  }
0x11: {  	[smem:$0x3FA4] =	sst s9;
	s0 =	simm.s32 @!p0 $0x0  }
0x12: {  	s1 =	sld [smem:$0x3F8A];
	s0 =	simm.s32 @p0 $0x1  }
0x13: {  	[smem:$0x3FA5] =	sst s0;
	s0 =	simm.s32 @!p1 $0x0  }
0x14: {  	s2 =	sld [smem:$0x3F89];
	s0 =	simm.s32 @p1 $0x1  }
0x15: {  	[smem:$0x3FA6] =	sst s0;
	s0 =	simm.s32 @!p2 $0x0  }
0x16: {  	s3 =	sld [smem:$0x3FDB];
	s0 =	simm.s32 @p2 $0x1  }
0x17: {  	s4 =	simm.s32 $0x1BF5;
	[smem:$0x3FA8] =	sst s0  }
0x18: {  	s0 =	sld [smem:$0x3F8B];
	_ =	swait.ge [sflag:s4], $0x0  }
0x19: {  	s7 =	sld [smem:$0x3F8C]  }
0x1a: {  	s8 =	sadd.s32 $0xFFFFE003, lr  }
0x1b: {  	s9 =	sadd.s32 $0xFFFFFEF7, lr;
	s5 =	simm.s32 $0xFFFFFFFF;
	p2 =	slt.u32 s8, $0xFFFFF086  }
0x1c: {  	p1 =	slt.u32 s9, $0xF7A;
	s5 =	simm.s32 @!p2 $0x0  }
0x1d: {  	s5 =	simm.s32 @p1 $0x1;
	p0 =	seq.s32 s7, s2  }
0x1e: {  	s7 =	smul.u32 @!p0 $0xF7A, s2;
	p2 =	seq.s32 @!p0 s5, $0x0  }
0x1f: {  	s9 =	smul.u32 $0xF7A, s1;
	s8 =	simm.s32 @!p0 $0x1BF5;
	p2 =	por !p2, p0  }
0x20: {  	[sflag:s8] =	ssyncset.s32 @!p0 $0xFFFFF086;
	s6 =	sadd.s32 @!p0 s3, s7;
	s7 =	simm.s32 @!p0 $0x108  }
0x21: {  	s3 =	sadd.s32 s3, s9;
	s6 =	sadd.s32 @!p0 $0x88, s6;
	s7 =	simm.s32 @p2 $0x1082  }
0x22: {  	[simem:s7], [sflag:s8] =	dma.local @!p0 [hbm:s6], $0xF7A  }
0x23: {  	s9 =	sor.u32 $0xD0000000, s2;
	s6 =	simm.s32 $0x108;
	_ =	swait.ge @!p0 [sflag:s8], $0x0  }
0x24: {  	s3 =	sadd.s32 $0x88, s3;
	s6 =	simm.s32 @!p1 $0x1082;
	[sflag:s4] =	ssyncset.s32 $0xFFFFF086  }
0x25: {  	[simem:s6], [sflag:s4] =	dma.local [hbm:s3], $0xF7A  }
0x26: {  	[smem:$0x3F8C] =	sst s1;
	(tag) =	ssettag s2;
	_ =	strace s9  }
0x27: {  	s1 =	sld [smem:$0x3F9C]  }
0x28: {  	s2 =	sld [smem:$0x3F9D]  }
0x29: {  	s4 =	sld [smem:$0x3F9F]  }
0x2a: {  	p0 =	seq.s32 s5, $0x0;
	s5 =	sld [smem:$0x3FA0]  }
0x2b: {  	s6 =	sld [smem:$0x3FA1]  }
0x2c: {  	s7 =	sld [smem:$0x3FA2]  }
0x2d: {  	s3 =	simm.s32 $0x108;
	s8 =	sld [smem:$0x3FA3]  }
0x2e: {  	s3 =	simm.s32 @!p0 $0x1082;
	s9 =	sld [smem:$0x3FA4]  }
0x2f: {  	lr =	sadd.s32 s0, s3;
	s0 =	sld [smem:$0x3F9B]  }
0x30: {  	s3 =	sld [smem:$0x3F9E]  }
0x31: {  	[smem:$0x3FA7] =	sst s10  }
0x32: {  	s10 =	sld [smem:$0x3FA5];
	_ =	sdelay $0x3  }
0x33: {  	p0 =	seq.s32 s10, $0x1;
	s10 =	sld [smem:$0x3FA7];
	_ =	sdelay $0x3  }
0x34: {  	[smem:$0x3FA7] =	sst s10  }
0x35: {  	s10 =	sld [smem:$0x3FA6];
	_ =	sdelay $0x3  }
0x36: {  	p1 =	seq.s32 s10, $0x1;
	s10 =	sld [smem:$0x3FA7];
	_ =	sdelay $0x3  }
0x37: {  	[smem:$0x3FA7] =	sst s10  }
0x38: {  	s10 =	sld [smem:$0x3FA8]  }
0x39: {  	_ = 	snop;
	(pc) =	sbr.ind lr, $3  }
0x3a: {  	_ = 	snop  }
0x3b: {  	_ = 	snop  }
0x3c: {  	p2 =	seq.s32 s10, $0x1;
	s10 =	sld [smem:$0x3FA7]  }
0x3d: {  	_ =	shalt  }
0x3e: {  	_ =	shalt  }
0x3f: {  	_ =	shalt  }
0x40: {  	_ =	shalt  }
0x41: {  	_ =	shalt  }
0x42: {  	_ =	shalt  }
0x43: {  	_ =	shalt  }
0x44: {  	_ =	shalt  }
0x45: {  	_ =	shalt  }
0x46: {  	_ =	shalt  }
0x47: {  	_ =	shalt  }
0x48: {  	_ =	shalt  }
0x49: {  	_ =	shalt  }
0x4a: {  	_ =	shalt  }
0x4b: {  	_ =	shalt  }
0x4c: {  	_ =	shalt  }
0x4d: {  	_ =	shalt  }
0x4e: {  	_ =	shalt  }
0x4f: {  	_ =	shalt  }
0x50: {  	_ =	shalt  }
0x51: {  	_ =	shalt  }
0x52: {  	_ =	shalt  }
0x53: {  	_ =	shalt  }
0x54: {  	_ =	shalt  }
0x55: {  	_ =	shalt  }
0x56: {  	_ =	shalt  }
0x57: {  	_ =	shalt  }
0x58: {  	_ =	shalt  }
0x59: {  	_ =	shalt  }
0x5a: {  	_ =	shalt  }
0x5b: {  	_ =	shalt  }
0x5c: {  	_ =	shalt  }
0x5d: {  	_ =	shalt  }
0x5e: {  	_ =	shalt  }
0x5f: {  	_ =	shalt  }
0x60: {  	_ =	shalt  }
0x61: {  	_ =	shalt  }
0x62: {  	_ =	shalt  }
0x63: {  	_ =	shalt  }
0x64: {  	_ =	shalt  }
0x65: {  	_ =	shalt  }
0x66: {  	_ =	shalt  }
0x67: {  	_ =	shalt  }
0x68: {  	_ =	shalt  }
0x69: {  	_ =	shalt  }
0x6a: {  	_ =	shalt  }
0x6b: {  	_ =	shalt  }
0x6c: {  	_ =	shalt  }
0x6d: {  	_ =	shalt  }
0x6e: {  	_ =	shalt  }
0x6f: {  	_ =	shalt  }
0x70: {  	_ =	shalt  }
0x71: {  	_ =	shalt  }
0x72: {  	_ =	shalt  }
0x73: {  	_ =	shalt  }
0x74: {  	_ =	shalt  }
0x75: {  	_ =	shalt  }
0x76: {  	_ =	shalt  }
0x77: {  	_ =	shalt  }
0x78: {  	_ =	shalt  }
0x79: {  	_ =	shalt  }
0x7a: {  	_ =	shalt  }
0x7b: {  	_ =	shalt  }
0x7c: {  	_ =	shalt  }
0x7d: {  	_ =	shalt  }
0x7e: {  	_ =	shalt  }
0x7f: {  	_ =	shalt  }
0x80: {  	_ =	shalt  }
0x81: {  	_ =	shalt  }
0x82: {  	_ =	shalt  }
0x83: {  	_ =	shalt  }
0x84: {  	_ =	shalt  }
0x85: {  	_ =	shalt  }
0x86: {  	_ =	shalt  }
0x87: {  	_ =	shalt  }
.Lfunc_end0:
.L_simem_size_0:
called_computation_lowered:
.L_overlay_start_0:
0x88: {  	s2 =	sld [smem:$0x3FD9]  }
0x89: {  	s3 =	sld [smem:$0x3FFE];
	_ =	sdelay $0x1  }
0x8a: {  	s1 =	srdreg.scid  }
0x8b: {  	s0 =	sand.u32 $0x1, s1  }
0x8c: {  	s16 =	sshll.u32 s0, $0xA;
	s2 =	sadd.s32 s3, s2  }
0x8d: {  	s2 =	sadd.s32 s2, s16  }
0x8e: {  	[smem:$0x3FB3] =	sst s2  }
0x8f: {  	_ = 	snop  }
0x90: {  	(tm) =	ssettm $0x1  }
0x91: {  	s17 =	sld [smem:$0x3FFB];
	_ =	sdelay $0x3  }
0x92: {  	_ =	strace s17  }
0x93: {  	s2 =	sld [smem:$0x3FFC];
	_ =	sdelay $0x3  }
0x94: {  	_ =	strace s2  }
0x95: {  	s2 =	sld [smem:$0x3FFD];
	_ =	sdelay $0x3  }
0x96: {  	_ =	strace s2  }
0x97: {  	_ =	strace $0x8FFFFFFF  }
0x98: {  	s18 =	sld [smem:$0x3FDB];
	_ =	sdelay $0x1  }
0x99: {  	s19 =	simm.s32 $_scs_section_size  }
0x9a: {  	s4 =	simm.s32 $_size__tile_overlayer_lowered;
	s5 =	simm.s32 $_tile_overlayer_lowered  }
0x9b: {  	s22 =	simm.s32 $0x1BFF;
	s21 =	sshll.u32 s5, $0x1;
	s2 =	sadd.s32 s19, s18  }
0x9c: {  	s6 =	simm.s32 $0x0;
	s20 =	sshll.u32 s4, $0x1;
	s4 =	sadd.s32 s21, s2  }
0x9d: {  	[timem:s6], [sflag:s22] =	dma.local [hbm:s4], s20  }
0x9e: {  	_ =	swait.ge [sflag:s22], s20  }
0x9f: {  	s3 =	ssub.s32 $0x0, s20;
	[sflag:s22] =	ssyncset.done $0x0  }
0xa0: {  	[sflag:s22] =	ssyncadd.s32 s3;
	_ =	sdelay $0x1  }
0xa1: {  	s23 =	simm.s32 $0x1B8B  }
0xa2: {  	_ =	swait.ge [sflag:s23], $0x1  }
0xa3: {  	[sflag:s23] =	ssyncset.done $0x0  }
0xa4: {  	s25 =	simm.s32 $0x1B8E;
	s24 =	sld [smem:$0x3FFE];
	[sflag:s23] =	ssyncadd.s32 $0xFFFFFFFF  }
0xa5: {  	s26 =	simm.s32 $execute0_lowered;
	[smem:$0x3FD2] =	sst s25  }
0xa6: {  	s4 =	sshll.u32 s26, $0x1;
	_ =	strace $0x80000046;
	[dreg:$0x1] =	wrdreg $0xFFFFFFFF  }
0xa7: {  	s28 =	simm.s32 $_size_execute0_lowered;
	s2 =	sadd.s32 s2, s4;
	[dreg:$0x0] =	wrdreg $0x0  }
0xa8: {  	s4 =	sshll.u32 s28, $0x1;
	[dreg:$0x2] =	wrdreg s2  }
0xa9: {  	[dreg:$0x3] =	wrdreg s4  }
0xaa: {  	[dreg:$0x4] =	wrdreg $0xC0  }
0xab: {  	_ =	task [dreg:s6], $0x5FFFF  }
0xac: {  	[dreg:$0x1] =	wrdreg $0xFFFFFFFF  }
0xad: {  	[dreg:$0x0] =	wrdreg $0x60  }
0xae: {  	[dreg:$0x2] =	wrdreg s24  }
0xaf: {  	[dreg:$0x3] =	wrdreg $0x9  }
0xb0: {  	_ =	task.clear_ibuf [dreg:s6], $0x4FFFF;
	_ =	strace $0x90000046  }
0xb1: {  	s29 =	simm.s32 $0x9;
	_ =	strace $0x80000048  }
0xb2: {  	_ =	swait.ge [sflag:s29], $0x1  }
0xb3: {  	[sflag:s29] =	ssyncadd.s32 $0xFFFFFFFF  }
0xb4: {  	_ =	strace $0x90000048  }
0xb5: {  	_ =	sfence  }
0xb6: {  	s30 =	sld [smem:$0x0];
	_ =	sdelay $0x2  }
0xb7: {  	s31 =	sshll.u32 s1, $0xD;
	s1 =	sshrl.u32 s1, $0x2  }
0xb8: {  	s3 =	sand.u32 $0x4000, s31;
	s1 =	sadd.s32 s1, s30  }
0xb9: {  	s0 =	sor.u32 s3, s0;
	s1 =	sshll.u32 s1, $0x11  }
0xba: {  	s0 =	sor.u32 s1, s0  }
0xbb: {  	s0 =	sadd.s32 $0x8F2B, s0  }
0xbc: {  	[sflag:s0] =	ssyncadd.remote.s32 $0x1  }
0xbd: {  	_ =	sfence.sel $0xFFFF  }
0xbe: {  	[dreg:$0x0] =	wrdreg $0xFFFFFFFF;
	(pc) =	sbr.abs _section_cstart, $3  }
0xbf: {  	[dreg:$0x1] =	wrdreg $0xFFFFFFFF  }
0xc0: {  	_ =	task.clear_ibuf [dreg:s6], $0x2FFFF;
	_ =	strace $0x9FFFFFFF  }
0xc1: {  	(tm) =	ssettm $0x7FFFFFFF  }
tec
execute0_lowered:
.L_overlay_start_1:
0x0: {  	(tag) =	ssettag $0x1  }
0x1: {  	s5 =	rddreg [dreg:$0x0]  }
0x2: {  	s0 =	rddreg [dreg:$0x1]  }
0x3: {  	s2 =	simm.s32 $0x0;
	s3 =	srdreg.scid;
	s1 =	stileid.u32  }
0x4: {  	s11 =	simm.s32 $0x6400;
	s12 =	simm.s32 $0x80;
	s13 =	simm.s32 $0xC800  }
0x5: {  	s14 =	simm.s32 $0xE800;
	s15 =	simm.s32 $0x10800;
	s16 =	simm.s32 $0x12800  }
0x6: {  	s17 =	simm.s32 $0x14800;
	s18 =	simm.s32 $0x16800;
	s19 =	simm.s32 $0x18800  }
0x7: {  	s20 =	simm.s32 $0x1A800;
	s21 =	simm.s32 $0x1;
	s22 =	simm.s32 $0x2  }
0x8: {  	s23 =	simm.s32 $0x0;
	s6 =	sand.u32 $0x1, s3;
	s7 =	smul.u32 $0x320000, s1  }
0x9: {  	s28 =	sshll.u32 s1, $0x1;
	[smem:$0x7FF] =	sst s2;
	s8 =	smul.u32 $0x190000, s6  }
0xa: {  	s3 =	sadd.s32 $0x9400, s5;
	s4 =	sor.u32 s6, s28;
	_ =	strace $0x80000047  }
0xb: {  	s6 =	ssub.s32 $0x2, s6;
	s9 =	smul.u32 $0xC80, s4;
	s7 =	sadd.s32 s8, s7  }
0xc: {  	s4 =	sadd.s32 $0x253600, s5;
	s30 =	sshrl.u32 s6, $0x1;
	s7 =	sshrl.u32 s7, $0x3  }
0xd: {  	s31 =	ssub.s32 s6, s30;
	s29 =	sadd.s32 s9, s5;
	s10 =	sadd.s32 s7, s5  }
0xe: {  	s5 =	sadd.s32 $0x84000, s29;
	s6 =	sadd.s32 $0x9D000, s29;
	s7 =	smax.u32 s31, $0x1  }
0xf: {  	s8 =	sadd.s32 $0x2B5200, s10;
	s9 =	sadd.s32 $0x8F5200, s10;
	s10 =	simm.s32 $0x3  }
.LBB2_1:
0x10: {  	[tilespmem:s2], [sflag:$0x3] =	stream.linear.gather [hbm4b:s5+s2], $0x6400, $0x38;
	[tilespmem:$0x1C800] =	vst v63  }
0x11: {  	_ =	swait.ge [sflag:s10], $0x6400  }
0x12: {  	[sflag:s10] =	ssyncset.done $0x0  }
0x13: {  	[sflag:s10] =	ssyncadd.s32 $0xFFFF9C00  }
0x14: {  	[tilespmem:s11], [sflag:$0x3] =	stream.linear.gather [hbm4b:s6+s2], $0x6400, $0x38;
	[tilespmem:$0x1C800] =	vst v63  }
0x15: {  	_ =	swait.ge [sflag:s10], $0x6400  }
0x16: {  	[sflag:s10] =	ssyncset.done $0x0  }
0x17: {  	s24 =	simm.s32 $0x0;
	[sflag:s10] =	ssyncadd.s32 $0xFFFF9C00  }
0x18: {  	[tilespmem:s13], [sflag:$0x1] =	stream.indirect.gather [hbm4b:s3+s12], $0x40, s24, s12, $0xb8;
	[tilespmem:$0x1C800] =	vst v63  }
0x19: {  	s30 =	simm.s32 $0x80  }
0x1a: {  	[tilespmem:s14], [sflag:$0x1] =	stream.indirect.gather [hbm4b:s3+s12], $0x40, s30, s12, $0xb8;
	[tilespmem:$0x1C800] =	vst v63  }
0x1b: {  	s31 =	simm.s32 $0x100  }
0x1c: {  	[tilespmem:s15], [sflag:$0x1] =	stream.indirect.gather [hbm4b:s3+s12], $0x40, s31, s12, $0xb8;
	[tilespmem:$0x1C800] =	vst v63  }
0x1d: {  	s25 =	simm.s32 $0x180  }
0x1e: {  	[tilespmem:s16], [sflag:$0x1] =	stream.indirect.gather [hbm4b:s3+s12], $0x40, s25, s12, $0xb8;
	[tilespmem:$0x1C800] =	vst v63  }
0x1f: {  	s26 =	simm.s32 $0x6400  }
0x20: {  	[tilespmem:s17], [sflag:$0x2] =	stream.indirect.gather [hbm4b:s4+s12], $0x40, s26, s12, $0xb8;
	[tilespmem:$0x1C800] =	vst v63  }
0x21: {  	s28 =	simm.s32 $0x6480  }
0x22: {  	[tilespmem:s18], [sflag:$0x2] =	stream.indirect.gather [hbm4b:s4+s12], $0x40, s28, s12, $0xb8;
	[tilespmem:$0x1C800] =	vst v63  }
0x23: {  	s30 =	simm.s32 $0x6500  }
0x24: {  	[tilespmem:s19], [sflag:$0x2] =	stream.indirect.gather [hbm4b:s4+s12], $0x40, s30, s12, $0xb8;
	[tilespmem:$0x1C800] =	vst v63  }
0x25: {  	s31 =	simm.s32 $0x6580  }
0x26: {  	[tilespmem:s20], [sflag:$0x2] =	stream.indirect.gather [hbm4b:s4+s12], $0x40, s31, s12, $0xb8;
	[tilespmem:$0x1C800] =	vst v63  }
0x27: {  	_ =	swait.ge [sflag:s21], $0x2000  }
0x28: {  	[sflag:s21] =	ssyncset.done $0x0  }
0x29: {  	[sflag:s21] =	ssyncadd.s32 $0xFFFFE000  }
0x2a: {  	_ =	swait.ge [sflag:s21], $0x2000  }
0x2b: {  	[sflag:s21] =	ssyncset.done $0x0  }
0x2c: {  	[sflag:s21] =	ssyncadd.s32 $0xFFFFE000  }
0x2d: {  	_ =	swait.ge [sflag:s21], $0x2000  }
0x2e: {  	[sflag:s21] =	ssyncset.done $0x0  }
0x2f: {  	[sflag:s21] =	ssyncadd.s32 $0xFFFFE000  }
0x30: {  	_ =	swait.ge [sflag:s21], $0x2000  }
0x31: {  	[sflag:s21] =	ssyncset.done $0x0  }
0x32: {  	[sflag:s21] =	ssyncadd.s32 $0xFFFFE000  }
0x33: {  	[hbm4b:s9+s2] =	stream.linear.scatter [tilespmem:s13], [sflag:$0x3], $0x8000, $0x38;
	[tilespmem:$0x1C800] =	vst v63  }
0x34: {  	_ =	swait.ge [sflag:s10], $0x8000  }
0x35: {  	[sflag:s10] =	ssyncset.done $0x0  }
0x36: {  	[sflag:s10] =	ssyncadd.s32 $0xFFFF8000  }
0x37: {  	_ =	swait.ge [sflag:s22], $0x2000  }
0x38: {  	[sflag:s22] =	ssyncset.done $0x0  }
0x39: {  	[sflag:s22] =	ssyncadd.s32 $0xFFFFE000  }
0x3a: {  	_ =	swait.ge [sflag:s22], $0x2000  }
0x3b: {  	[sflag:s22] =	ssyncset.done $0x0  }
0x3c: {  	[sflag:s22] =	ssyncadd.s32 $0xFFFFE000  }
0x3d: {  	_ =	swait.ge [sflag:s22], $0x2000  }
0x3e: {  	[sflag:s22] =	ssyncset.done $0x0  }
0x3f: {  	[sflag:s22] =	ssyncadd.s32 $0xFFFFE000  }
0x40: {  	_ =	swait.ge [sflag:s22], $0x2000  }
0x41: {  	[sflag:s22] =	ssyncset.done $0x0  }
0x42: {  	[sflag:s22] =	ssyncadd.s32 $0xFFFFE000  }
0x43: {  	[hbm4b:s8+s2] =	stream.linear.scatter [tilespmem:s17], [sflag:$0x3], $0x8000, $0x38;
	[tilespmem:$0x1C800] =	vst v63  }
0x44: {  	s29 =	simm.s32 $0x1000;
	s24 =	sadd.s32 $0x1000, s8;
	_ =	swait.ge [sflag:s10], $0x8000  }
0x45: {  	s25 =	sadd.s32 $0x1000, s9;
	s26 =	simm.s32 $0x800;
	[sflag:s10] =	ssyncset.done $0x0  }
.LBB2_2:
0x46: {  	s30 =	sshra.s32 s26, $0x2  }
0x47: {  	[sflag:s10] =	ssyncadd.s32 $0xFFFF8000;
	s26 =	smov.u32 s29;
	s28 =	sadd.s32 $0x800, s29  }
0x48: {  	[tilespmem:s13], [sflag:$0x1] =	stream.indirect.gather [hbm4b:s3+s12], $0x40, s30, s12, $0xb8;
	[tilespmem:$0x1C800] =	vst v63  }
0x49: {  	p0 =	sne.s32 s29, $0x18800;
	s29 =	sadd.s32 $0x80, s30  }
0x4a: {  	[tilespmem:s14], [sflag:$0x1] =	stream.indirect.gather [hbm4b:s3+s12], $0x40, s29, s12, $0xb8;
	[tilespmem:$0x1C800] =	vst v63  }
0x4b: {  	s29 =	sadd.s32 $0x100, s30  }
0x4c: {  	[tilespmem:s15], [sflag:$0x1] =	stream.indirect.gather [hbm4b:s3+s12], $0x40, s29, s12, $0xb8;
	[tilespmem:$0x1C800] =	vst v63  }
0x4d: {  	s29 =	sadd.s32 $0x180, s30  }
0x4e: {  	[tilespmem:s16], [sflag:$0x1] =	stream.indirect.gather [hbm4b:s3+s12], $0x40, s29, s12, $0xb8;
	[tilespmem:$0x1C800] =	vst v63  }
0x4f: {  	s29 =	sadd.s32 $0x6400, s30  }
0x50: {  	[tilespmem:s17], [sflag:$0x2] =	stream.indirect.gather [hbm4b:s4+s12], $0x40, s29, s12, $0xb8;
	[tilespmem:$0x1C800] =	vst v63  }
0x51: {  	s29 =	sadd.s32 $0x6480, s30  }
0x52: {  	[tilespmem:s18], [sflag:$0x2] =	stream.indirect.gather [hbm4b:s4+s12], $0x40, s29, s12, $0xb8;
	[tilespmem:$0x1C800] =	vst v63  }
0x53: {  	s29 =	sadd.s32 $0x6500, s30  }
0x54: {  	[tilespmem:s19], [sflag:$0x2] =	stream.indirect.gather [hbm4b:s4+s12], $0x40, s29, s12, $0xb8;
	[tilespmem:$0x1C800] =	vst v63  }
0x55: {  	s29 =	sadd.s32 $0x6580, s30  }
0x56: {  	[tilespmem:s20], [sflag:$0x2] =	stream.indirect.gather [hbm4b:s4+s12], $0x40, s29, s12, $0xb8;
	[tilespmem:$0x1C800] =	vst v63  }
0x57: {  	_ =	swait.ge [sflag:s21], $0x2000  }
0x58: {  	[sflag:s21] =	ssyncset.done $0x0  }
0x59: {  	[sflag:s21] =	ssyncadd.s32 $0xFFFFE000  }
0x5a: {  	_ =	swait.ge [sflag:s21], $0x2000  }
0x5b: {  	[sflag:s21] =	ssyncset.done $0x0  }
0x5c: {  	[sflag:s21] =	ssyncadd.s32 $0xFFFFE000  }
0x5d: {  	_ =	swait.ge [sflag:s21], $0x2000  }
0x5e: {  	[sflag:s21] =	ssyncset.done $0x0  }
0x5f: {  	[sflag:s21] =	ssyncadd.s32 $0xFFFFE000  }
0x60: {  	_ =	swait.ge [sflag:s21], $0x2000  }
0x61: {  	[sflag:s21] =	ssyncset.done $0x0  }
0x62: {  	[sflag:s21] =	ssyncadd.s32 $0xFFFFE000  }
0x63: {  	[hbm4b:s25+s2] =	stream.linear.scatter [tilespmem:s13], [sflag:$0x3], $0x8000, $0x38;
	[tilespmem:$0x1C800] =	vst v63  }
0x64: {  	_ =	swait.ge [sflag:s10], $0x8000  }
0x65: {  	[sflag:s10] =	ssyncset.done $0x0  }
0x66: {  	[sflag:s10] =	ssyncadd.s32 $0xFFFF8000  }
0x67: {  	_ =	swait.ge [sflag:s22], $0x2000  }
0x68: {  	[sflag:s22] =	ssyncset.done $0x0  }
0x69: {  	[sflag:s22] =	ssyncadd.s32 $0xFFFFE000  }
0x6a: {  	_ =	swait.ge [sflag:s22], $0x2000  }
0x6b: {  	[sflag:s22] =	ssyncset.done $0x0  }
0x6c: {  	[sflag:s22] =	ssyncadd.s32 $0xFFFFE000  }
0x6d: {  	_ =	swait.ge [sflag:s22], $0x2000  }
0x6e: {  	[sflag:s22] =	ssyncset.done $0x0  }
0x6f: {  	[sflag:s22] =	ssyncadd.s32 $0xFFFFE000  }
0x70: {  	_ =	swait.ge [sflag:s22], $0x2000  }
.Ltmp0:
0x71: {  	[sflag:s22] =	ssyncset.done $0x0;
	(pc) =	sbr.rel @p0 .LBB2_2-.Ltmp0, $4  }
0x72: {  	[sflag:s22] =	ssyncadd.s32 $0xFFFFE000  }
0x73: {  	[hbm4b:s24+s2] =	stream.linear.scatter [tilespmem:s17], [sflag:$0x3], $0x8000, $0x38;
	[tilespmem:$0x1C800] =	vst v63  }
0x74: {  	s29 =	smov.u32 s28;
	_ =	swait.ge [sflag:s10], $0x8000  }
0x75: {  	s25 =	sadd.s32 $0x1000, s25;
	s24 =	sadd.s32 $0x1000, s24;
	[sflag:s10] =	ssyncset.done $0x0  }
0x76: {  	s26 =	sshra.s32 s26, $0x2;
	[sflag:s10] =	ssyncadd.s32 $0xFFFF8000  }
0x77: {  	[tilespmem:s13], [sflag:$0x1] =	stream.indirect.gather [hbm4b:s3+s12], $0x40, s26, s12, $0xb8;
	[tilespmem:$0x1C800] =	vst v63  }
0x78: {  	s28 =	sadd.s32 $0x80, s26  }
0x79: {  	[tilespmem:s14], [sflag:$0x1] =	stream.indirect.gather [hbm4b:s3+s12], $0x40, s28, s12, $0xb8;
	[tilespmem:$0x1C800] =	vst v63  }
0x7a: {  	s30 =	sadd.s32 $0x100, s26  }
0x7b: {  	[tilespmem:s15], [sflag:$0x1] =	stream.indirect.gather [hbm4b:s3+s12], $0x40, s30, s12, $0xb8;
	[tilespmem:$0x1C800] =	vst v63  }
0x7c: {  	s31 =	sadd.s32 $0x180, s26  }
0x7d: {  	[tilespmem:s16], [sflag:$0x1] =	stream.indirect.gather [hbm4b:s3+s12], $0x40, s31, s12, $0xb8;
	[tilespmem:$0x1C800] =	vst v63  }
0x7e: {  	s29 =	sadd.s32 $0x6400, s26  }
0x7f: {  	[tilespmem:s17], [sflag:$0x2] =	stream.indirect.gather [hbm4b:s4+s12], $0x40, s29, s12, $0xb8;
	[tilespmem:$0x1C800] =	vst v63  }
0x80: {  	s30 =	sadd.s32 $0x6480, s26  }
0x81: {  	[tilespmem:s18], [sflag:$0x2] =	stream.indirect.gather [hbm4b:s4+s12], $0x40, s30, s12, $0xb8;
	[tilespmem:$0x1C800] =	vst v63  }
0x82: {  	s31 =	sadd.s32 $0x6500, s26  }
0x83: {  	[tilespmem:s19], [sflag:$0x2] =	stream.indirect.gather [hbm4b:s4+s12], $0x40, s31, s12, $0xb8;
	[tilespmem:$0x1C800] =	vst v63  }
0x84: {  	s26 =	sadd.s32 $0x6580, s26  }
0x85: {  	[tilespmem:s20], [sflag:$0x2] =	stream.indirect.gather [hbm4b:s4+s12], $0x40, s26, s12, $0xb8;
	[tilespmem:$0x1C800] =	vst v63  }
0x86: {  	_ =	swait.ge [sflag:s21], $0x2000  }
0x87: {  	[sflag:s21] =	ssyncset.done $0x0  }
0x88: {  	[sflag:s21] =	ssyncadd.s32 $0xFFFFE000  }
0x89: {  	_ =	swait.ge [sflag:s21], $0x2000  }
0x8a: {  	[sflag:s21] =	ssyncset.done $0x0  }
0x8b: {  	[sflag:s21] =	ssyncadd.s32 $0xFFFFE000  }
0x8c: {  	_ =	swait.ge [sflag:s21], $0x2000  }
0x8d: {  	[sflag:s21] =	ssyncset.done $0x0  }
0x8e: {  	[sflag:s21] =	ssyncadd.s32 $0xFFFFE000  }
0x8f: {  	_ =	swait.ge [sflag:s21], $0x2000  }
0x90: {  	[sflag:s21] =	ssyncset.done $0x0  }
0x91: {  	[sflag:s21] =	ssyncadd.s32 $0xFFFFE000  }
0x92: {  	[hbm4b:s25+s2] =	stream.linear.scatter [tilespmem:s13], [sflag:$0x3], $0x8000, $0x38;
	[tilespmem:$0x1C800] =	vst v63  }
0x93: {  	_ =	swait.ge [sflag:s10], $0x8000  }
0x94: {  	[sflag:s10] =	ssyncset.done $0x0  }
0x95: {  	[sflag:s10] =	ssyncadd.s32 $0xFFFF8000  }
0x96: {  	_ =	swait.ge [sflag:s22], $0x2000  }
0x97: {  	[sflag:s22] =	ssyncset.done $0x0  }
0x98: {  	[sflag:s22] =	ssyncadd.s32 $0xFFFFE000  }
0x99: {  	_ =	swait.ge [sflag:s22], $0x2000  }
0x9a: {  	[sflag:s22] =	ssyncset.done $0x0  }
0x9b: {  	[sflag:s22] =	ssyncadd.s32 $0xFFFFE000  }
0x9c: {  	_ =	swait.ge [sflag:s22], $0x2000  }
0x9d: {  	[sflag:s22] =	ssyncset.done $0x0  }
0x9e: {  	[sflag:s22] =	ssyncadd.s32 $0xFFFFE000  }
0x9f: {  	s23 =	sadd.s32 $0x1, s23;
	_ =	swait.ge [sflag:s22], $0x2000  }
0xa0: {  	p0 =	sne.s32 s23, s7;
	[sflag:s22] =	ssyncset.done $0x0  }
.Ltmp1:
0xa1: {  	[sflag:s22] =	ssyncadd.s32 $0xFFFFE000;
	(pc) =	sbr.rel @p0 .LBB2_1-.Ltmp1, $4  }
0xa2: {  	[hbm4b:s24+s2] =	stream.linear.scatter [tilespmem:s17], [sflag:$0x3], $0x8000, $0x38;
	[tilespmem:$0x1C800] =	vst v63  }
0xa3: {  	_ =	swait.ge [sflag:s10], $0x8000  }
0xa4: {  	[sflag:s10] =	ssyncset.done $0x0  }
0xa5: {  	[sflag:s10] =	ssyncadd.s32 $0xFFFF8000  }
0xa6: {  	_ =	sfence.sel $0x180000  }
0xa7: {  	[bflag:$0x0] =	sbarrier.arrive $0xFFFF  }
0xa8: {  	p0 =	sne.s32 s1, $0x0;
	_ =	strace $0x90000047  }
0xa9: {  	s0 =	sadd.s32 @!p0 $0x100000, s0;
	[bflag:$0x2] =	sbarrier.arrive $0xFFFF  }
0xaa: {  	[sflag:s0] =	ssyncadd.tile.s32 @!p0 $0x1;
	_ =	shalt  }
.Lfunc_end2:
_tile_overlayer_lowered:
.L_overlay_start_2:
0xab: {  	(tag) =	ssettag $0x2  }
0xac: {  	s0 =	rddreg [dreg:$0x0];
	s2 =	stileid.u32  }
0xad: {  	s1 =	rddreg [dreg:$0x1];
	p0 =	sne.s32 s2, $0x0  }
0xae: {  	s3 =	rddreg [dreg:$0x2];
	[bflag:$0x3] =	sbarrier.arrive $0xFFFF;
	s2 =	simm.s32 @!p0 $0x1C03  }
0xaf: {  	[timem:s3], [sflag:s2] =	dma.local @!p0 [hbm:s0], s1  }
0xb0: {  	s0 =	simm.s32 @!p0 $0x3  }
0xb1: {  	_ =	swait.ge @!p0 [sflag:s0], s1  }
0xb2: {  	s1 =	ssub.s32 @!p0 $0x0, s1;
	[sflag:s0] =	ssyncset.done @!p0 $0x0  }
0xb3: {  	[sflag:s0] =	ssyncadd.s32 @!p0 s1  }
0xb4: {  	[bflag:$0x3] =	sbarrier.arrive $0xFFFF  }
0xb5: {  	_ =	shalt  }

// kernel: kernel.26.cloned.1.call-start
scs
__scs_entry_jumppad:
0x0: {  	(pc) =	sbr.rel $0x88, $3  }
0x1: {  	(tag) =	ssettag $0x0;
	lr =	simm.s32 $0x1  }
0x2: {  	[smem:$0x3F8C] =	sst lr;
	_ =	strace $0xD0000000  }
0x3: {  	_ = 	snop  }
0x4: {  	_ = 	snop  }
0x5: {  	_ = 	snop  }
0x6: {  	_ = 	snop  }
0x7: {  	_ = 	snop  }
__scs_overlays_trampoline_lowered:
0x8: {  	[smem:$0x3F9B] =	sst s0  }
0x9: {  	[smem:$0x3F9C] =	sst s1  }
0xa: {  	[smem:$0x3F9D] =	sst s2  }
0xb: {  	[smem:$0x3F9E] =	sst s3  }
0xc: {  	[smem:$0x3F9F] =	sst s4  }
0xd: {  	[smem:$0x3FA0] =	sst s5  }
0xe: {  	[smem:$0x3FA1] =	sst s6  }
0xf: {  	[smem:$0x3FA2] =	sst s7  }
0x10: {  	[smem:$0x3FA3] =	sst s8  }
0x11: {  	[smem:$0x3FA4] =	sst s9;
	s0 =	simm.s32 @!p0 $0x0  }
0x12: {  	s1 =	sld [smem:$0x3F8A];
	s0 =	simm.s32 @p0 $0x1  }
0x13: {  	[smem:$0x3FA5] =	sst s0;
	s0 =	simm.s32 @!p1 $0x0  }
0x14: {  	s2 =	sld [smem:$0x3F89];
	s0 =	simm.s32 @p1 $0x1  }
0x15: {  	[smem:$0x3FA6] =	sst s0;
	s0 =	simm.s32 @!p2 $0x0  }
0x16: {  	s3 =	sld [smem:$0x3FDB];
	s0 =	simm.s32 @p2 $0x1  }
0x17: {  	s4 =	simm.s32 $0x1BF5;
	[smem:$0x3FA8] =	sst s0  }
0x18: {  	s0 =	sld [smem:$0x3F8B];
	_ =	swait.ge [sflag:s4], $0x0  }
0x19: {  	s7 =	sld [smem:$0x3F8C]  }
0x1a: {  	s8 =	sadd.s32 $0xFFFFE003, lr  }
0x1b: {  	s9 =	sadd.s32 $0xFFFFFEF7, lr;
	s5 =	simm.s32 $0xFFFFFFFF;
	p2 =	slt.u32 s8, $0xFFFFF086  }
0x1c: {  	p1 =	slt.u32 s9, $0xF7A;
	s5 =	simm.s32 @!p2 $0x0  }
0x1d: {  	s5 =	simm.s32 @p1 $0x1;
	p0 =	seq.s32 s7, s2  }
0x1e: {  	s7 =	smul.u32 @!p0 $0xF7A, s2;
	p2 =	seq.s32 @!p0 s5, $0x0  }
0x1f: {  	s9 =	smul.u32 $0xF7A, s1;
	s8 =	simm.s32 @!p0 $0x1BF5;
	p2 =	por !p2, p0  }
0x20: {  	[sflag:s8] =	ssyncset.s32 @!p0 $0xFFFFF086;
	s6 =	sadd.s32 @!p0 s3, s7;
	s7 =	simm.s32 @!p0 $0x108  }
0x21: {  	s3 =	sadd.s32 s3, s9;
	s6 =	sadd.s32 @!p0 $0x88, s6;
	s7 =	simm.s32 @p2 $0x1082  }
0x22: {  	[simem:s7], [sflag:s8] =	dma.local @!p0 [hbm:s6], $0xF7A  }
0x23: {  	s9 =	sor.u32 $0xD0000000, s2;
	s6 =	simm.s32 $0x108;
	_ =	swait.ge @!p0 [sflag:s8], $0x0  }
0x24: {  	s3 =	sadd.s32 $0x88, s3;
	s6 =	simm.s32 @!p1 $0x1082;
	[sflag:s4] =	ssyncset.s32 $0xFFFFF086  }
0x25: {  	[simem:s6], [sflag:s4] =	dma.local [hbm:s3], $0xF7A  }
0x26: {  	[smem:$0x3F8C] =	sst s1;
	(tag) =	ssettag s2;
	_ =	strace s9  }
0x27: {  	s1 =	sld [smem:$0x3F9C]  }
0x28: {  	s2 =	sld [smem:$0x3F9D]  }
0x29: {  	s4 =	sld [smem:$0x3F9F]  }
0x2a: {  	p0 =	seq.s32 s5, $0x0;
	s5 =	sld [smem:$0x3FA0]  }
0x2b: {  	s6 =	sld [smem:$0x3FA1]  }
0x2c: {  	s7 =	sld [smem:$0x3FA2]  }
0x2d: {  	s3 =	simm.s32 $0x108;
	s8 =	sld [smem:$0x3FA3]  }
0x2e: {  	s3 =	simm.s32 @!p0 $0x1082;
	s9 =	sld [smem:$0x3FA4]  }
0x2f: {  	lr =	sadd.s32 s0, s3;
	s0 =	sld [smem:$0x3F9B]  }
0x30: {  	s3 =	sld [smem:$0x3F9E]  }
0x31: {  	[smem:$0x3FA7] =	sst s10  }
0x32: {  	s10 =	sld [smem:$0x3FA5];
	_ =	sdelay $0x3  }
0x33: {  	p0 =	seq.s32 s10, $0x1;
	s10 =	sld [smem:$0x3FA7];
	_ =	sdelay $0x3  }
0x34: {  	[smem:$0x3FA7] =	sst s10  }
0x35: {  	s10 =	sld [smem:$0x3FA6];
	_ =	sdelay $0x3  }
0x36: {  	p1 =	seq.s32 s10, $0x1;
	s10 =	sld [smem:$0x3FA7];
	_ =	sdelay $0x3  }
0x37: {  	[smem:$0x3FA7] =	sst s10  }
0x38: {  	s10 =	sld [smem:$0x3FA8]  }
0x39: {  	_ = 	snop;
	(pc) =	sbr.ind lr, $3  }
0x3a: {  	_ = 	snop  }
0x3b: {  	_ = 	snop  }
0x3c: {  	p2 =	seq.s32 s10, $0x1;
	s10 =	sld [smem:$0x3FA7]  }
0x3d: {  	_ =	shalt  }
0x3e: {  	_ =	shalt  }
0x3f: {  	_ =	shalt  }
0x40: {  	_ =	shalt  }
0x41: {  	_ =	shalt  }
0x42: {  	_ =	shalt  }
0x43: {  	_ =	shalt  }
0x44: {  	_ =	shalt  }
0x45: {  	_ =	shalt  }
0x46: {  	_ =	shalt  }
0x47: {  	_ =	shalt  }
0x48: {  	_ =	shalt  }
0x49: {  	_ =	shalt  }
0x4a: {  	_ =	shalt  }
0x4b: {  	_ =	shalt  }
0x4c: {  	_ =	shalt  }
0x4d: {  	_ =	shalt  }
0x4e: {  	_ =	shalt  }
0x4f: {  	_ =	shalt  }
0x50: {  	_ =	shalt  }
0x51: {  	_ =	shalt  }
0x52: {  	_ =	shalt  }
0x53: {  	_ =	shalt  }
0x54: {  	_ =	shalt  }
0x55: {  	_ =	shalt  }
0x56: {  	_ =	shalt  }
0x57: {  	_ =	shalt  }
0x58: {  	_ =	shalt  }
0x59: {  	_ =	shalt  }
0x5a: {  	_ =	shalt  }
0x5b: {  	_ =	shalt  }
0x5c: {  	_ =	shalt  }
0x5d: {  	_ =	shalt  }
0x5e: {  	_ =	shalt  }
0x5f: {  	_ =	shalt  }
0x60: {  	_ =	shalt  }
0x61: {  	_ =	shalt  }
0x62: {  	_ =	shalt  }
0x63: {  	_ =	shalt  }
0x64: {  	_ =	shalt  }
0x65: {  	_ =	shalt  }
0x66: {  	_ =	shalt  }
0x67: {  	_ =	shalt  }
0x68: {  	_ =	shalt  }
0x69: {  	_ =	shalt  }
0x6a: {  	_ =	shalt  }
0x6b: {  	_ =	shalt  }
0x6c: {  	_ =	shalt  }
0x6d: {  	_ =	shalt  }
0x6e: {  	_ =	shalt  }
0x6f: {  	_ =	shalt  }
0x70: {  	_ =	shalt  }
0x71: {  	_ =	shalt  }
0x72: {  	_ =	shalt  }
0x73: {  	_ =	shalt  }
0x74: {  	_ =	shalt  }
0x75: {  	_ =	shalt  }
0x76: {  	_ =	shalt  }
0x77: {  	_ =	shalt  }
0x78: {  	_ =	shalt  }
0x79: {  	_ =	shalt  }
0x7a: {  	_ =	shalt  }
0x7b: {  	_ =	shalt  }
0x7c: {  	_ =	shalt  }
0x7d: {  	_ =	shalt  }
0x7e: {  	_ =	shalt  }
0x7f: {  	_ =	shalt  }
0x80: {  	_ =	shalt  }
0x81: {  	_ =	shalt  }
0x82: {  	_ =	shalt  }
0x83: {  	_ =	shalt  }
0x84: {  	_ =	shalt  }
0x85: {  	_ =	shalt  }
0x86: {  	_ =	shalt  }
0x87: {  	_ =	shalt  }
.Lfunc_end0:
.L_simem_size_0:
called_computation.1_lowered:
.L_overlay_start_0:
0x88: {  	s2 =	sld [smem:$0x3FD9]  }
0x89: {  	s3 =	sld [smem:$0x3FFE];
	_ =	sdelay $0x1  }
0x8a: {  	s1 =	srdreg.scid  }
0x8b: {  	s0 =	sand.u32 $0x1, s1  }
0x8c: {  	s16 =	sshll.u32 s0, $0xA;
	s2 =	sadd.s32 s3, s2  }
0x8d: {  	s2 =	sadd.s32 s2, s16  }
0x8e: {  	[smem:$0x3FB3] =	sst s2  }
0x8f: {  	_ = 	snop  }
0x90: {  	(tm) =	ssettm $0x1  }
0x91: {  	s17 =	sld [smem:$0x3FFB];
	_ =	sdelay $0x3  }
0x92: {  	_ =	strace s17  }
0x93: {  	s2 =	sld [smem:$0x3FFC];
	_ =	sdelay $0x3  }
0x94: {  	_ =	strace s2  }
0x95: {  	s2 =	sld [smem:$0x3FFD];
	_ =	sdelay $0x3  }
0x96: {  	_ =	strace s2  }
0x97: {  	_ =	strace $0x8FFFFFFF  }
0x98: {  	s18 =	sld [smem:$0x3FDB];
	_ =	sdelay $0x1  }
0x99: {  	s19 =	simm.s32 $_scs_section_size  }
0x9a: {  	s4 =	simm.s32 $_size__tile_overlayer_lowered;
	s5 =	simm.s32 $_tile_overlayer_lowered  }
0x9b: {  	s22 =	simm.s32 $0x1BFF;
	s21 =	sshll.u32 s5, $0x1;
	s2 =	sadd.s32 s19, s18  }
0x9c: {  	s6 =	simm.s32 $0x0;
	s20 =	sshll.u32 s4, $0x1;
	s4 =	sadd.s32 s21, s2  }
0x9d: {  	[timem:s6], [sflag:s22] =	dma.local [hbm:s4], s20  }
0x9e: {  	_ =	swait.ge [sflag:s22], s20  }
0x9f: {  	s3 =	ssub.s32 $0x0, s20;
	[sflag:s22] =	ssyncset.done $0x0  }
0xa0: {  	[sflag:s22] =	ssyncadd.s32 s3;
	_ =	sdelay $0x1  }
0xa1: {  	s23 =	simm.s32 $0x1B8B  }
0xa2: {  	_ =	swait.ge [sflag:s23], $0x1  }
0xa3: {  	[sflag:s23] =	ssyncset.done $0x0  }
0xa4: {  	s25 =	simm.s32 $0x1B8E;
	s24 =	sld [smem:$0x3FFE];
	[sflag:s23] =	ssyncadd.s32 $0xFFFFFFFF  }
0xa5: {  	s26 =	simm.s32 $execute0_lowered;
	[smem:$0x3FD2] =	sst s25  }
0xa6: {  	s4 =	sshll.u32 s26, $0x1;
	_ =	strace $0x80000049;
	[dreg:$0x1] =	wrdreg $0xFFFFFFFF  }
0xa7: {  	s28 =	simm.s32 $_size_execute0_lowered;
	s2 =	sadd.s32 s2, s4;
	[dreg:$0x0] =	wrdreg $0x0  }
0xa8: {  	s4 =	sshll.u32 s28, $0x1;
	[dreg:$0x2] =	wrdreg s2  }
0xa9: {  	[dreg:$0x3] =	wrdreg s4  }
0xaa: {  	[dreg:$0x4] =	wrdreg $0xC0  }
0xab: {  	_ =	task [dreg:s6], $0x5FFFF  }
0xac: {  	[dreg:$0x1] =	wrdreg $0xFFFFFFFF  }
0xad: {  	[dreg:$0x0] =	wrdreg $0x60  }
0xae: {  	[dreg:$0x2] =	wrdreg s24  }
0xaf: {  	[dreg:$0x3] =	wrdreg $0x42400  }
0xb0: {  	[dreg:$0x4] =	wrdreg $0x9  }
0xb1: {  	_ =	task.clear_ibuf [dreg:s6], $0x5FFFF;
	_ =	strace $0x90000049  }
0xb2: {  	s29 =	simm.s32 $0x9;
	_ =	strace $0x8000004B  }
0xb3: {  	_ =	swait.ge [sflag:s29], $0x1  }
0xb4: {  	[sflag:s29] =	ssyncadd.s32 $0xFFFFFFFF  }
0xb5: {  	_ =	strace $0x9000004B  }
0xb6: {  	_ =	sfence  }
0xb7: {  	s30 =	sld [smem:$0x0];
	_ =	sdelay $0x2  }
0xb8: {  	s31 =	sshll.u32 s1, $0xD;
	s1 =	sshrl.u32 s1, $0x2  }
0xb9: {  	s3 =	sand.u32 $0x4000, s31;
	s1 =	sadd.s32 s1, s30  }
0xba: {  	s0 =	sor.u32 s3, s0;
	s1 =	sshll.u32 s1, $0x11  }
0xbb: {  	s0 =	sor.u32 s1, s0  }
0xbc: {  	s0 =	sadd.s32 $0x8F2B, s0  }
0xbd: {  	[sflag:s0] =	ssyncadd.remote.s32 $0x1  }
0xbe: {  	_ =	sfence.sel $0xFFFF  }
0xbf: {  	[dreg:$0x0] =	wrdreg $0xFFFFFFFF;
	(pc) =	sbr.abs _section_cstart, $3  }
0xc0: {  	[dreg:$0x1] =	wrdreg $0xFFFFFFFF  }
0xc1: {  	_ =	task.clear_ibuf [dreg:s6], $0x2FFFF;
	_ =	strace $0x9FFFFFFF  }
0xc2: {  	(tm) =	ssettm $0x7FFFFFFF  }
0xc3: {  	_ =	shalt  }
tec
execute0_lowered:
.L_overlay_start_1:
0x0: {  	(tag) =	ssettag $0x1  }
0x1: {  	s6 =	rddreg [dreg:$0x0]  }
0x2: {  	s2 =	rddreg [dreg:$0x1];
	s1 =	stileid.u32  }
0x3: {  	s4 =	srdreg.scid;
	s3 =	simm.s32 $0x0;
	s17 =	simm.s32 $0x4220  }
0x4: {  	s18 =	simm.s32 $0x200;
	s19 =	simm.s32 $0x80;
	s20 =	simm.s32 $0x1200  }
0x5: {  	s21 =	simm.s32 $0x100;
	s22 =	simm.s32 $0x2200;
	s23 =	simm.s32 $0x180  }
0x6: {  	s24 =	simm.s32 $0x3200;
	s26 =	simm.s32 $0x1;
	s28 =	simm.s32 $0x0  }
0x7: {  	s7 =	smul.u32 $0x186C0, s1;
	s11 =	sand.u32 $0x1, s4;
	[smem:$0x7FF] =	sst s3  }
0x8: {  	s13 =	smul.u32 $0x186A0, s1;
	s4 =	sadd.s32 $0x253600, s6;
	s5 =	sadd.s32 $0x6B000, s6  }
0x9: {  	s31 =	sshll.u32 s1, $0x6;
	s8 =	smul.u32 $0x186A00, s11;
	_ =	strace $0x8000004A  }
0xa: {  	s10 =	sshll.u32 s11, $0x2;
	s12 =	ssub.s32 $0x2, s11;
	s11 =	smul.u32 $0x1900000, s11  }
0xb: {  	s9 =	sshrl.u32 s7, $0x3;
	s10 =	sadd.s32 s10, s6;
	s14 =	sshrl.u32 s12, $0x1  }
0xc: {  	s16 =	sadd.s32 s7, s2;
	s7 =	sor.u32 $0x1C02, s31;
	s25 =	sadd.s32 s13, s2  }
0xd: {  	s9 =	sadd.s32 s9, s6;
	s8 =	sadd.s32 s13, s8;
	s14 =	ssub.s32 s12, s14  }
0xe: {  	s25 =	sshrl.u32 s25, $0x3;
	s8 =	sshrl.u32 s8, $0x3;
	s13 =	smax.u32 s14, $0x1  }
0xf: {  	s14 =	sshrl.u32 s16, $0x3;
	s16 =	simm.s32 $0x4200;
	s15 =	sadd.s32 s8, s6  }
0x10: {  	s6 =	sadd.s32 $0x9800, s9;
	s8 =	sadd.s32 $0x9600, s10;
	s9 =	sadd.s32 $0x9608, s10  }
0x11: {  	s10 =	smul.u32 $0xC800, s1;
	s12 =	sadd.s32 $0xB6E00, s15;
	s15 =	simm.s32 $0x2  }
.LBB2_1:
0x12: {  	[spmem:s14], [sflag:s7] =	dma.local [hbm:s6], $0x30D8  }
0x13: {  	_ =	swait.ge [sflag:s15], $0x30D8  }
0x14: {  	[sflag:s15] =	ssyncset.done $0x0  }
0x15: {  	[sflag:s15] =	ssyncadd.s32 $0xFFFFCF28  }
0x16: {  	[tilespmem:s16], [sflag:$0x2] =	stream.linear.gather [hbm4b:s8+s3], $0x20, $0x38;
	[tilespmem:$0x1C900] =	vst v63  }
0x17: {  	_ =	swait.ge [sflag:s15], $0x20  }
0x18: {  	[sflag:s15] =	ssyncset.done $0x0  }
0x19: {  	[sflag:s15] =	ssyncadd.s32 $0xFFFFFFE0  }
0x1a: {  	[tilespmem:s17], [sflag:$0x2] =	stream.linear.gather [hbm4b:s9+s3], $0x20, $0x38;
	[tilespmem:$0x1C900] =	vst v63  }
0x1b: {  	_ =	swait.ge [sflag:s15], $0x20  }
0x1c: {  	[sflag:s15] =	ssyncset.done $0x0  }
0x1d: {  	[sflag:s15] =	ssyncadd.s32 $0xFFFFFFE0  }
0x1e: {  	v0 =	vld [tilespmem:$0x4200]  }
0x1f: {  	v1 =	vld [tilespmem:$0x4210]  }
0x20: {  	v2 =	vld [tilespmem:$0x4220]  }
0x21: {  	s29 =	simm.s32 $0x0;
	v3 =	vld [tilespmem:$0x4230];
	[bflag:$0x0] =	sbarrier.arrive $0xFFFF  }
.LBB2_2:
0x22: {  	s30 =	sshll.u32 s29, $0x9  }
0x23: {  	s30 =	sadd.s32 s10, s30  }
0x24: {  	s31 =	sshrl.u32 s30, $0x3  }
0x25: {  	s0 =	simm.s32 $0x0;
	s30 =	sshll.u32 s30, $0x5;
	s31 =	sadd.s32 s5, s31  }
0x26: {  	[tilespmem:s0], [sflag:$0x2] =	stream.linear.gather [hbm4b:s31+s0], $0x200, $0x38;
	[tilespmem:$0x1C900] =	vst v63  }
0x27: {  	s30 =	sadd.s32 s11, s30;
	_ =	swait.ge [sflag:s15], $0x200  }
0x28: {  	s30 =	sshrl.u32 s30, $0x3;
	[sflag:s15] =	ssyncset.done $0x0  }
0x29: {  	s30 =	sadd.s32 s4, s30;
	[sflag:s15] =	ssyncadd.s32 $0xFFFFFE00  }
0x2a: {  	[tilespmem:s18], [sflag:$0x2] =	stream.linear.gather [hbm4b:s30+s0], $0x4000, $0x38;
	[tilespmem:$0x1C900] =	vst v63  }
0x2b: {  	_ =	swait.ge [sflag:s15], $0x4000  }
0x2c: {  	[sflag:s15] =	ssyncset.done $0x0  }
0x2d: {  	s30 =	simm.s32 $0x0;
	[sflag:s15] =	ssyncadd.s32 $0xFFFFC000  }
0x2e: {  	s31 =	simm.s32 $0x80;
	v4 =	vld [tilespmem:s30+$0x200]  }
.LBB2_3:
0x2f: {  	p0 =	sne.s32 s31, $0xFF80;
	v5 =	vld [tilespmem:s30+$0x210];
	_ =	sdelay $0x3  }
0x30: {  	v4 =	vmul.f32 v4, v0  }
0x31: {  	v5 =	vmul.f32 v5, v1  }
.Ltmp0:
0x32: {  	v4 =	vadd.f32 v4, v2;
	(pc) =	sbr.rel @p0 .LBB2_3-.Ltmp0, $4  }
0x33: {  	v5 =	vadd.f32 v5, v3  }
0x34: {  	v4 =	vmax.f32 v4, $0.0e+00  }
0x35: {  	s0 =	sshra.s32 s31, $0x2;
	[tilespmem:s30+$0x200] =	vst v4;
	v5 =	vmax.f32 v5, $0.0e+00  }
0x36: {  	s31 =	sadd.s32 $0x80, s31;
	v4 =	vld [tilespmem:s0+$0x200];
	[tilespmem:s30+$0x210] =	vst v5;
	s30 =	smov.u32 s0  }
0x37: {  	v5 =	vld [tilespmem:s30+$0x210];
	_ =	sdelay $0x3  }
0x38: {  	v4 =	vmul.f32 v4, v0  }
0x39: {  	v5 =	vmul.f32 v5, v1  }
0x3a: {  	v4 =	vadd.f32 v4, v2  }
0x3b: {  	v5 =	vadd.f32 v5, v3  }
0x3c: {  	v4 =	vmax.f32 v4, $0.0e+00  }
0x3d: {  	[tilespmem:s30+$0x200] =	vst v4;
	v4 =	vmax.f32 v5, $0.0e+00  }
0x3e: {  	[tilespmem:s30+$0x210] =	vst v4  }
0x3f: {  	[spmem:s2] =	stream.indirect.scatter.add.f32 [tilespmem:s18], [sflag:$0x1], $0x20, s3, s19, $0xb8;
	[tilespmem:$0x1C900] =	vst v63  }
0x40: {  	_ = 	snop  }
0x41: {  	[spmem:s2] =	stream.indirect.scatter.add.f32 [tilespmem:s20], [sflag:$0x1], $0x20, s19, s19, $0xb8;
	[tilespmem:$0x1C900] =	vst v63  }
0x42: {  	_ = 	snop  }
0x43: {  	[spmem:s2] =	stream.indirect.scatter.add.f32 [tilespmem:s22], [sflag:$0x1], $0x20, s21, s19, $0xb8;
	[tilespmem:$0x1C900] =	vst v63  }
0x44: {  	_ = 	snop  }
0x45: {  	[spmem:s2] =	stream.indirect.scatter.add.f32 [tilespmem:s24], [sflag:$0x1], $0x20, s23, s19, $0xb8;
	[tilespmem:$0x1C900] =	vst v63  }
0x46: {  	_ =	swait.ge [sflag:s26], $0x1000  }
0x47: {  	[sflag:s26] =	ssyncset.done $0x0  }
0x48: {  	[sflag:s26] =	ssyncadd.s32 $0xFFFFF000  }
0x49: {  	_ =	swait.ge [sflag:s26], $0x1000  }
0x4a: {  	[sflag:s26] =	ssyncset.done $0x0  }
0x4b: {  	s29 =	sadd.s32 $0x1, s29;
	[sflag:s26] =	ssyncadd.s32 $0xFFFFF000  }
0x4c: {  	p0 =	sne.s32 s29, $0x64;
	_ =	swait.ge [sflag:s26], $0x1000  }
.Ltmp1:
0x4d: {  	[sflag:s26] =	ssyncset.done $0x0;
	(pc) =	sbr.rel @p0 .LBB2_2-.Ltmp1, $4  }
0x4e: {  	[sflag:s26] =	ssyncadd.s32 $0xFFFFF000  }
0x4f: {  	_ =	swait.ge [sflag:s26], $0x1000  }
0x50: {  	[sflag:s26] =	ssyncset.done $0x0  }
0x51: {  	[sflag:s26] =	ssyncadd.s32 $0xFFFFF000  }
0x52: {  	s28 =	sadd.s32 $0x1, s28  }
0x53: {  	p0 =	sne.s32 s28, s13  }
.Ltmp2:
0x54: {  	[bflag:$0x0] =	sbarrier.arrive $0xFFFF;
	(pc) =	sbr.rel @p0 .LBB2_1-.Ltmp2, $4  }
0x55: {  	[hbm:s12], [sflag:s7] =	dma.local [spmem:s25], $0x30D4  }
0x56: {  	_ =	swait.ge [sflag:s15], $0x30D4  }
0x57: {  	[sflag:s15] =	ssyncset.done $0x0  }
0x58: {  	[sflag:s15] =	ssyncadd.s32 $0xFFFFCF2C  }
0x59: {  	_ =	sfence.sel $0x180000  }
0x5a: {  	[bflag:$0x0] =	sbarrier.arrive $0xFFFF  }
0x5b: {  	_ =	strace $0x9000004A  }
0x5c: {  	[bflag:$0x2] =	sbarrier.arrive $0xFFFF  }
0x5d: {  	p0 =	sne.s32 s1, $0x0;
	s0 =	rddreg [dreg:$0x2]  }
0x5e: {  	s0 =	sadd.s32 @!p0 $0x100000, s0  }
0x5f: {  	[sflag:s0] =	ssyncadd.tile.s32 @!p0 $0x1;
	_ =	shalt  }
.Lfunc_end2:
_tile_overlayer_lowered:
.L_overlay_start_2:
0x60: {  	(tag) =	ssettag $0x2  }
0x61: {  	s0 =	rddreg [dreg:$0x0];
	s2 =	stileid.u32  }
0x62: {  	s1 =	rddreg [dreg:$0x1];
	p0 =	sne.s32 s2, $0x0  }
0x63: {  	s3 =	rddreg [dreg:$0x2];
	[bflag:$0x3] =	sbarrier.arrive $0xFFFF;
	s2 =	simm.s32 @!p0 $0x1C02  }
0x64: {  	[timem:s3], [sflag:s2] =	dma.local @!p0 [hbm:s0], s1  }
0x65: {  	s0 =	simm.s32 @!p0 $0x2  }
0x66: {  	_ =	swait.ge @!p0 [sflag:s0], s1  }
0x67: {  	s1 =	ssub.s32 @!p0 $0x0, s1;
	[sflag:s0] =	ssyncset.done @!p0 $0x0  }
0x68: {  	[sflag:s0] =	ssyncadd.s32 @!p0 s1  }
0x69: {  	[bflag:$0x3] =	sbarrier.arrive $0xFFFF  }
0x6a: {  	_ =	shalt  }

// kernel: kernel.29.cloned.1.call-start
scs
__scs_entry_jumppad:
0x0: {  	(pc) =	sbr.rel $0x88, $3  }
0x1: {  	(tag) =	ssettag $0x0;
	lr =	simm.s32 $0x1  }
0x2: {  	[smem:$0x3F8C] =	sst lr;
	_ =	strace $0xD0000000  }
0x3: {  	_ = 	snop  }
0x4: {  	_ = 	snop  }
0x5: {  	_ = 	snop  }
0x6: {  	_ = 	snop  }
0x7: {  	_ = 	snop  }
__scs_overlays_trampoline_lowered:
0x8: {  	[smem:$0x3F9B] =	sst s0  }
0x9: {  	[smem:$0x3F9C] =	sst s1  }
0xa: {  	[smem:$0x3F9D] =	sst s2  }
0xb: {  	[smem:$0x3F9E] =	sst s3  }
0xc: {  	[smem:$0x3F9F] =	sst s4  }
0xd: {  	[smem:$0x3FA0] =	sst s5  }
0xe: {  	[smem:$0x3FA1] =	sst s6  }
0xf: {  	[smem:$0x3FA2] =	sst s7  }
0x10: {  	[smem:$0x3FA3] =	sst s8  }
0x11: {  	[smem:$0x3FA4] =	sst s9;
	s0 =	simm.s32 @!p0 $0x0  }
0x12: {  	s1 =	sld [smem:$0x3F8A];
	s0 =	simm.s32 @p0 $0x1  }
0x13: {  	[smem:$0x3FA5] =	sst s0;
	s0 =	simm.s32 @!p1 $0x0  }
0x14: {  	s2 =	sld [smem:$0x3F89];
	s0 =	simm.s32 @p1 $0x1  }
0x15: {  	[smem:$0x3FA6] =	sst s0;
	s0 =	simm.s32 @!p2 $0x0  }
0x16: {  	s3 =	sld [smem:$0x3FDB];
	s0 =	simm.s32 @p2 $0x1  }
0x17: {  	s4 =	simm.s32 $0x1BF5;
	[smem:$0x3FA8] =	sst s0  }
0x18: {  	s0 =	sld [smem:$0x3F8B];
	_ =	swait.ge [sflag:s4], $0x0  }
0x19: {  	s7 =	sld [smem:$0x3F8C]  }
0x1a: {  	s8 =	sadd.s32 $0xFFFFE003, lr  }
0x1b: {  	s9 =	sadd.s32 $0xFFFFFEF7, lr;
	s5 =	simm.s32 $0xFFFFFFFF;
	p2 =	slt.u32 s8, $0xFFFFF086  }
0x1c: {  	p1 =	slt.u32 s9, $0xF7A;
	s5 =	simm.s32 @!p2 $0x0  }
0x1d: {  	s5 =	simm.s32 @p1 $0x1;
	p0 =	seq.s32 s7, s2  }
0x1e: {  	s7 =	smul.u32 @!p0 $0xF7A, s2;
	p2 =	seq.s32 @!p0 s5, $0x0  }
0x1f: {  	s9 =	smul.u32 $0xF7A, s1;
	s8 =	simm.s32 @!p0 $0x1BF5;
	p2 =	por !p2, p0  }
0x20: {  	[sflag:s8] =	ssyncset.s32 @!p0 $0xFFFFF086;
	s6 =	sadd.s32 @!p0 s3, s7;
	s7 =	simm.s32 @!p0 $0x108  }
0x21: {  	s3 =	sadd.s32 s3, s9;
	s6 =	sadd.s32 @!p0 $0x88, s6;
	s7 =	simm.s32 @p2 $0x1082  }
0x22: {  	[simem:s7], [sflag:s8] =	dma.local @!p0 [hbm:s6], $0xF7A  }
0x23: {  	s9 =	sor.u32 $0xD0000000, s2;
	s6 =	simm.s32 $0x108;
	_ =	swait.ge @!p0 [sflag:s8], $0x0  }
0x24: {  	s3 =	sadd.s32 $0x88, s3;
	s6 =	simm.s32 @!p1 $0x1082;
	[sflag:s4] =	ssyncset.s32 $0xFFFFF086  }
0x25: {  	[simem:s6], [sflag:s4] =	dma.local [hbm:s3], $0xF7A  }
0x26: {  	[smem:$0x3F8C] =	sst s1;
	(tag) =	ssettag s2;
	_ =	strace s9  }
0x27: {  	s1 =	sld [smem:$0x3F9C]  }
0x28: {  	s2 =	sld [smem:$0x3F9D]  }
0x29: {  	s4 =	sld [smem:$0x3F9F]  }
0x2a: {  	p0 =	seq.s32 s5, $0x0;
	s5 =	sld [smem:$0x3FA0]  }
0x2b: {  	s6 =	sld [smem:$0x3FA1]  }
0x2c: {  	s7 =	sld [smem:$0x3FA2]  }
0x2d: {  	s3 =	simm.s32 $0x108;
	s8 =	sld [smem:$0x3FA3]  }
0x2e: {  	s3 =	simm.s32 @!p0 $0x1082;
	s9 =	sld [smem:$0x3FA4]  }
0x2f: {  	lr =	sadd.s32 s0, s3;
	s0 =	sld [smem:$0x3F9B]  }
0x30: {  	s3 =	sld [smem:$0x3F9E]  }
0x31: {  	[smem:$0x3FA7] =	sst s10  }
0x32: {  	s10 =	sld [smem:$0x3FA5];
	_ =	sdelay $0x3  }
0x33: {  	p0 =	seq.s32 s10, $0x1;
	s10 =	sld [smem:$0x3FA7];
	_ =	sdelay $0x3  }
0x34: {  	[smem:$0x3FA7] =	sst s10  }
0x35: {  	s10 =	sld [smem:$0x3FA6];
	_ =	sdelay $0x3  }
0x36: {  	p1 =	seq.s32 s10, $0x1;
	s10 =	sld [smem:$0x3FA7];
	_ =	sdelay $0x3  }
0x37: {  	[smem:$0x3FA7] =	sst s10  }
0x38: {  	s10 =	sld [smem:$0x3FA8]  }
0x39: {  	_ = 	snop;
	(pc) =	sbr.ind lr, $3  }
0x3a: {  	_ = 	snop  }
0x3b: {  	_ = 	snop  }
0x3c: {  	p2 =	seq.s32 s10, $0x1;
	s10 =	sld [smem:$0x3FA7]  }
0x3d: {  	_ =	shalt  }
0x3e: {  	_ =	shalt  }
0x3f: {  	_ =	shalt  }
0x40: {  	_ =	shalt  }
0x41: {  	_ =	shalt  }
0x42: {  	_ =	shalt  }
0x43: {  	_ =	shalt  }
0x44: {  	_ =	shalt  }
0x45: {  	_ =	shalt  }
0x46: {  	_ =	shalt  }
0x47: {  	_ =	shalt  }
0x48: {  	_ =	shalt  }
0x49: {  	_ =	shalt  }
0x4a: {  	_ =	shalt  }
0x4b: {  	_ =	shalt  }
0x4c: {  	_ =	shalt  }
0x4d: {  	_ =	shalt  }
0x4e: {  	_ =	shalt  }
0x4f: {  	_ =	shalt  }
0x50: {  	_ =	shalt  }
0x51: {  	_ =	shalt  }
0x52: {  	_ =	shalt  }
0x53: {  	_ =	shalt  }
0x54: {  	_ =	shalt  }
0x55: {  	_ =	shalt  }
0x56: {  	_ =	shalt  }
0x57: {  	_ =	shalt  }
0x58: {  	_ =	shalt  }
0x59: {  	_ =	shalt  }
0x5a: {  	_ =	shalt  }
0x5b: {  	_ =	shalt  }
0x5c: {  	_ =	shalt  }
0x5d: {  	_ =	shalt  }
0x5e: {  	_ =	shalt  }
0x5f: {  	_ =	shalt  }
0x60: {  	_ =	shalt  }
0x61: {  	_ =	shalt  }
0x62: {  	_ =	shalt  }
0x63: {  	_ =	shalt  }
0x64: {  	_ =	shalt  }
0x65: {  	_ =	shalt  }
0x66: {  	_ =	shalt  }
0x67: {  	_ =	shalt  }
0x68: {  	_ =	shalt  }
0x69: {  	_ =	shalt  }
0x6a: {  	_ =	shalt  }
0x6b: {  	_ =	shalt  }
0x6c: {  	_ =	shalt  }
0x6d: {  	_ =	shalt  }
0x6e: {  	_ =	shalt  }
0x6f: {  	_ =	shalt  }
0x70: {  	_ =	shalt  }
0x71: {  	_ =	shalt  }
0x72: {  	_ =	shalt  }
0x73: {  	_ =	shalt  }
0x74: {  	_ =	shalt  }
0x75: {  	_ =	shalt  }
0x76: {  	_ =	shalt  }
0x77: {  	_ =	shalt  }
0x78: {  	_ =	shalt  }
0x79: {  	_ =	shalt  }
0x7a: {  	_ =	shalt  }
0x7b: {  	_ =	shalt  }
0x7c: {  	_ =	shalt  }
0x7d: {  	_ =	shalt  }
0x7e: {  	_ =	shalt  }
0x7f: {  	_ =	shalt  }
0x80: {  	_ =	shalt  }
0x81: {  	_ =	shalt  }
0x82: {  	_ =	shalt  }
0x83: {  	_ =	shalt  }
0x84: {  	_ =	shalt  }
0x85: {  	_ =	shalt  }
0x86: {  	_ =	shalt  }
0x87: {  	_ =	shalt  }
.Lfunc_end0:
.L_simem_size_0:
called_computation.2_lowered:
.L_overlay_start_0:
0x88: {  	s2 =	sld [smem:$0x3FD9]  }
0x89: {  	s3 =	sld [smem:$0x3FFE];
	_ =	sdelay $0x1  }
0x8a: {  	s1 =	srdreg.scid  }
0x8b: {  	s0 =	sand.u32 $0x1, s1  }
0x8c: {  	s16 =	sshll.u32 s0, $0xA;
	s2 =	sadd.s32 s3, s2  }
0x8d: {  	s2 =	sadd.s32 s2, s16  }
0x8e: {  	[smem:$0x3FB3] =	sst s2  }
0x8f: {  	_ = 	snop  }
0x90: {  	(tm) =	ssettm $0x1  }
0x91: {  	s17 =	sld [smem:$0x3FFB];
	_ =	sdelay $0x3  }
0x92: {  	_ =	strace s17  }
0x93: {  	s2 =	sld [smem:$0x3FFC];
	_ =	sdelay $0x3  }
0x94: {  	_ =	strace s2  }
0x95: {  	s2 =	sld [smem:$0x3FFD];
	_ =	sdelay $0x3  }
0x96: {  	_ =	strace s2  }
0x97: {  	_ =	strace $0x8FFFFFFF  }
0x98: {  	s18 =	sld [smem:$0x3FDB];
	_ =	sdelay $0x1  }
0x99: {  	s19 =	simm.s32 $_scs_section_size  }
0x9a: {  	s4 =	simm.s32 $_size__tile_overlayer_lowered;
	s5 =	simm.s32 $_tile_overlayer_lowered  }
0x9b: {  	s22 =	simm.s32 $0x1BFF;
	s21 =	sshll.u32 s5, $0x1;
	s2 =	sadd.s32 s19, s18  }
0x9c: {  	s6 =	simm.s32 $0x0;
	s20 =	sshll.u32 s4, $0x1;
	s4 =	sadd.s32 s21, s2  }
0x9d: {  	[timem:s6], [sflag:s22] =	dma.local [hbm:s4], s20  }
0x9e: {  	_ =	swait.ge [sflag:s22], s20  }
0x9f: {  	s3 =	ssub.s32 $0x0, s20;
	[sflag:s22] =	ssyncset.done $0x0  }
0xa0: {  	[sflag:s22] =	ssyncadd.s32 s3;
	_ =	sdelay $0x1  }
0xa1: {  	s23 =	simm.s32 $0x1B8B  }
0xa2: {  	_ =	swait.ge [sflag:s23], $0x1  }
0xa3: {  	[sflag:s23] =	ssyncset.done $0x0  }
0xa4: {  	s25 =	simm.s32 $0x1B8E;
	s24 =	sld [smem:$0x3FFE];
	[sflag:s23] =	ssyncadd.s32 $0xFFFFFFFF  }
0xa5: {  	s26 =	simm.s32 $execute0_lowered;
	[smem:$0x3FD2] =	sst s25  }
0xa6: {  	s4 =	sshll.u32 s26, $0x1;
	_ =	strace $0x8000004C;
	[dreg:$0x1] =	wrdreg $0xFFFFFFFF  }
0xa7: {  	s28 =	simm.s32 $_size_execute0_lowered;
	s2 =	sadd.s32 s2, s4;
	[dreg:$0x0] =	wrdreg $0x0  }
0xa8: {  	s4 =	sshll.u32 s28, $0x1;
	[dreg:$0x2] =	wrdreg s2  }
0xa9: {  	[dreg:$0x3] =	wrdreg s4  }
0xaa: {  	[dreg:$0x4] =	wrdreg $0xC0  }
0xab: {  	_ =	task [dreg:s6], $0x5FFFF  }
0xac: {  	[dreg:$0x1] =	wrdreg $0xFFFFFFFF  }
0xad: {  	[dreg:$0x0] =	wrdreg $0x60  }
0xae: {  	[dreg:$0x2] =	wrdreg s24  }
0xaf: {  	[dreg:$0x3] =	wrdreg $0x9  }
0xb0: {  	_ =	task.clear_ibuf [dreg:s6], $0x4FFFF;
	_ =	strace $0x9000004C  }
0xb1: {  	s29 =	simm.s32 $0x9;
	_ =	strace $0x8000004E  }
0xb2: {  	_ =	swait.ge [sflag:s29], $0x1  }
0xb3: {  	[sflag:s29] =	ssyncadd.s32 $0xFFFFFFFF  }
0xb4: {  	_ =	strace $0x9000004E  }
0xb5: {  	_ =	sfence  }
0xb6: {  	s30 =	sld [smem:$0x0];
	_ =	sdelay $0x2  }
0xb7: {  	s31 =	sshll.u32 s1, $0xD;
	s1 =	sshrl.u32 s1, $0x2  }
0xb8: {  	s3 =	sand.u32 $0x4000, s31;
	s1 =	sadd.s32 s1, s30  }
0xb9: {  	s0 =	sor.u32 s3, s0;
	s1 =	sshll.u32 s1, $0x11  }
0xba: {  	s0 =	sor.u32 s1, s0  }
0xbb: {  	s0 =	sadd.s32 $0x8F2B, s0  }
0xbc: {  	[sflag:s0] =	ssyncadd.remote.s32 $0x1  }
0xbd: {  	_ =	sfence.sel $0xFFFF  }
0xbe: {  	[dreg:$0x0] =	wrdreg $0xFFFFFFFF;
	(pc) =	sbr.abs _section_cstart, $3  }
0xbf: {  	[dreg:$0x1] =	wrdreg $0xFFFFFFFF  }
0xc0: {  	_ =	task.clear_ibuf [dreg:s6], $0x2FFFF;
	_ =	strace $0x9FFFFFFF  }
0xc1: {  	(tm) =	ssettm $0x7FFFFFFF  }
tec
execute0_lowered:
.L_overlay_start_1:
0x0: {  	(tag) =	ssettag $0x1  }
0x1: {  	s5 =	rddreg [dreg:$0x0]  }
0x2: {  	s0 =	rddreg [dreg:$0x1]  }
0x3: {  	s2 =	simm.s32 $0x0;
	s3 =	srdreg.scid;
	s1 =	stileid.u32  }
0x4: {  	s11 =	simm.s32 $0x6400;
	s12 =	simm.s32 $0x80;
	s13 =	simm.s32 $0xC800  }
0x5: {  	s14 =	simm.s32 $0xE800;
	s15 =	simm.s32 $0x10800;
	s16 =	simm.s32 $0x12800  }
0x6: {  	s17 =	simm.s32 $0x14800;
	s18 =	simm.s32 $0x16800;
	s19 =	simm.s32 $0x18800  }
0x7: {  	s20 =	simm.s32 $0x1A800;
	s21 =	simm.s32 $0x1;
	s22 =	simm.s32 $0x2  }
0x8: {  	s23 =	simm.s32 $0x0;
	s6 =	sand.u32 $0x1, s3;
	s7 =	smul.u32 $0x320000, s1  }
0x9: {  	s28 =	sshll.u32 s1, $0x1;
	[smem:$0x7FF] =	sst s2;
	s8 =	smul.u32 $0x190000, s6  }
0xa: {  	s3 =	sadd.s32 $0xB6E00, s5;
	s4 =	sor.u32 s6, s28;
	_ =	strace $0x8000004D  }
0xb: {  	s6 =	ssub.s32 $0x2, s6;
	s9 =	smul.u32 $0xC80, s4;
	s7 =	sadd.s32 s8, s7  }
0xc: {  	s4 =	sadd.s32 $0x17A400, s5;
	s30 =	sshrl.u32 s6, $0x1;
	s7 =	sshrl.u32 s7, $0x3  }
0xd: {  	s31 =	ssub.s32 s6, s30;
	s29 =	sadd.s32 s9, s5;
	s10 =	sadd.s32 s7, s5  }
0xe: {  	s5 =	sadd.s32 $0x84000, s29;
	s6 =	sadd.s32 $0x9D000, s29;
	s7 =	smax.u32 s31, $0x1  }
0xf: {  	s8 =	sadd.s32 $0x49D800, s10;
	s9 =	sadd.s32 $0x34B5200, s10;
	s10 =	simm.s32 $0x3  }
.LBB2_1:
0x10: {  	[tilespmem:s2], [sflag:$0x3] =	stream.linear.gather [hbm4b:s5+s2], $0x6400, $0x38;
	[tilespmem:$0x1C800] =	vst v63  }
0x11: {  	_ =	swait.ge [sflag:s10], $0x6400  }
0x12: {  	[sflag:s10] =	ssyncset.done $0x0  }
0x13: {  	[sflag:s10] =	ssyncadd.s32 $0xFFFF9C00  }
0x14: {  	[tilespmem:s11], [sflag:$0x3] =	stream.linear.gather [hbm4b:s6+s2], $0x6400, $0x38;
	[tilespmem:$0x1C800] =	vst v63  }
0x15: {  	_ =	swait.ge [sflag:s10], $0x6400  }
0x16: {  	[sflag:s10] =	ssyncset.done $0x0  }
0x17: {  	s24 =	simm.s32 $0x0;
	[sflag:s10] =	ssyncadd.s32 $0xFFFF9C00  }
0x18: {  	[tilespmem:s13], [sflag:$0x1] =	stream.indirect.gather [hbm4b:s3+s12], $0x40, s24, s12, $0xb8;
	[tilespmem:$0x1C800] =	vst v63  }
0x19: {  	s30 =	simm.s32 $0x80  }
0x1a: {  	[tilespmem:s14], [sflag:$0x1] =	stream.indirect.gather [hbm4b:s3+s12], $0x40, s30, s12, $0xb8;
	[tilespmem:$0x1C800] =	vst v63  }
0x1b: {  	s31 =	simm.s32 $0x100  }
0x1c: {  	[tilespmem:s15], [sflag:$0x1] =	stream.indirect.gather [hbm4b:s3+s12], $0x40, s31, s12, $0xb8;
	[tilespmem:$0x1C800] =	vst v63  }
0x1d: {  	s25 =	simm.s32 $0x180  }
0x1e: {  	[tilespmem:s16], [sflag:$0x1] =	stream.indirect.gather [hbm4b:s3+s12], $0x40, s25, s12, $0xb8;
	[tilespmem:$0x1C800] =	vst v63  }
0x1f: {  	s26 =	simm.s32 $0x6400  }
0x20: {  	[tilespmem:s17], [sflag:$0x2] =	stream.indirect.gather [hbm4b:s4+s12], $0x40, s26, s12, $0xb8;
	[tilespmem:$0x1C800] =	vst v63  }
0x21: {  	s28 =	simm.s32 $0x6480  }
0x22: {  	[tilespmem:s18], [sflag:$0x2] =	stream.indirect.gather [hbm4b:s4+s12], $0x40, s28, s12, $0xb8;
	[tilespmem:$0x1C800] =	vst v63  }
0x23: {  	s30 =	simm.s32 $0x6500  }
0x24: {  	[tilespmem:s19], [sflag:$0x2] =	stream.indirect.gather [hbm4b:s4+s12], $0x40, s30, s12, $0xb8;
	[tilespmem:$0x1C800] =	vst v63  }
0x25: {  	s31 =	simm.s32 $0x6580  }
0x26: {  	[tilespmem:s20], [sflag:$0x2] =	stream.indirect.gather [hbm4b:s4+s12], $0x40, s31, s12, $0xb8;
	[tilespmem:$0x1C800] =	vst v63  }
0x27: {  	_ =	swait.ge [sflag:s21], $0x2000  }
0x28: {  	[sflag:s21] =	ssyncset.done $0x0  }
0x29: {  	[sflag:s21] =	ssyncadd.s32 $0xFFFFE000  }
0x2a: {  	_ =	swait.ge [sflag:s21], $0x2000  }
0x2b: {  	[sflag:s21] =	ssyncset.done $0x0  }
0x2c: {  	[sflag:s21] =	ssyncadd.s32 $0xFFFFE000  }
0x2d: {  	_ =	swait.ge [sflag:s21], $0x2000  }
0x2e: {  	[sflag:s21] =	ssyncset.done $0x0  }
0x2f: {  	[sflag:s21] =	ssyncadd.s32 $0xFFFFE000  }
0x30: {  	_ =	swait.ge [sflag:s21], $0x2000  }
0x31: {  	[sflag:s21] =	ssyncset.done $0x0  }
0x32: {  	[sflag:s21] =	ssyncadd.s32 $0xFFFFE000  }
0x33: {  	[hbm4b:s9+s2] =	stream.linear.scatter [tilespmem:s13], [sflag:$0x3], $0x8000, $0x38;
	[tilespmem:$0x1C800] =	vst v63  }
0x34: {  	_ =	swait.ge [sflag:s10], $0x8000  }
0x35: {  	[sflag:s10] =	ssyncset.done $0x0  }
0x36: {  	[sflag:s10] =	ssyncadd.s32 $0xFFFF8000  }
0x37: {  	_ =	swait.ge [sflag:s22], $0x2000  }
0x38: {  	[sflag:s22] =	ssyncset.done $0x0  }
0x39: {  	[sflag:s22] =	ssyncadd.s32 $0xFFFFE000  }
0x3a: {  	_ =	swait.ge [sflag:s22], $0x2000  }
0x3b: {  	[sflag:s22] =	ssyncset.done $0x0  }
0x3c: {  	[sflag:s22] =	ssyncadd.s32 $0xFFFFE000  }
0x3d: {  	_ =	swait.ge [sflag:s22], $0x2000  }
0x3e: {  	[sflag:s22] =	ssyncset.done $0x0  }
0x3f: {  	[sflag:s22] =	ssyncadd.s32 $0xFFFFE000  }
0x40: {  	_ =	swait.ge [sflag:s22], $0x2000  }
0x41: {  	[sflag:s22] =	ssyncset.done $0x0  }
0x42: {  	[sflag:s22] =	ssyncadd.s32 $0xFFFFE000  }
0x43: {  	[hbm4b:s8+s2] =	stream.linear.scatter [tilespmem:s17], [sflag:$0x3], $0x8000, $0x38;
	[tilespmem:$0x1C800] =	vst v63  }
0x44: {  	s29 =	simm.s32 $0x1000;
	s24 =	sadd.s32 $0x1000, s8;
	_ =	swait.ge [sflag:s10], $0x8000  }
0x45: {  	s25 =	sadd.s32 $0x1000, s9;
	s26 =	simm.s32 $0x800;
	[sflag:s10] =	ssyncset.done $0x0  }
.LBB2_2:
0x46: {  	s30 =	sshra.s32 s26, $0x2  }
0x47: {  	[sflag:s10] =	ssyncadd.s32 $0xFFFF8000;
	s26 =	smov.u32 s29;
	s28 =	sadd.s32 $0x800, s29  }
0x48: {  	[tilespmem:s13], [sflag:$0x1] =	stream.indirect.gather [hbm4b:s3+s12], $0x40, s30, s12, $0xb8;
	[tilespmem:$0x1C800] =	vst v63  }
0x49: {  	p0 =	sne.s32 s29, $0x18800;
	s29 =	sadd.s32 $0x80, s30  }
0x4a: {  	[tilespmem:s14], [sflag:$0x1] =	stream.indirect.gather [hbm4b:s3+s12], $0x40, s29, s12, $0xb8;
	[tilespmem:$0x1C800] =	vst v63  }
0x4b: {  	s29 =	sadd.s32 $0x100, s30  }
0x4c: {  	[tilespmem:s15], [sflag:$0x1] =	stream.indirect.gather [hbm4b:s3+s12], $0x40, s29, s12, $0xb8;
	[tilespmem:$0x1C800] =	vst v63  }
0x4d: {  	s29 =	sadd.s32 $0x180, s30  }
0x4e: {  	[tilespmem:s16], [sflag:$0x1] =	stream.indirect.gather [hbm4b:s3+s12], $0x40, s29, s12, $0xb8;
	[tilespmem:$0x1C800] =	vst v63  }
0x4f: {  	s29 =	sadd.s32 $0x6400, s30  }
0x50: {  	[tilespmem:s17], [sflag:$0x2] =	stream.indirect.gather [hbm4b:s4+s12], $0x40, s29, s12, $0xb8;
	[tilespmem:$0x1C800] =	vst v63  }
0x51: {  	s29 =	sadd.s32 $0x6480, s30  }
0x52: {  	[tilespmem:s18], [sflag:$0x2] =	stream.indirect.gather [hbm4b:s4+s12], $0x40, s29, s12, $0xb8;
	[tilespmem:$0x1C800] =	vst v63  }
0x53: {  	s29 =	sadd.s32 $0x6500, s30  }
0x54: {  	[tilespmem:s19], [sflag:$0x2] =	stream.indirect.gather [hbm4b:s4+s12], $0x40, s29, s12, $0xb8;
	[tilespmem:$0x1C800] =	vst v63  }
0x55: {  	s29 =	sadd.s32 $0x6580, s30  }
0x56: {  	[tilespmem:s20], [sflag:$0x2] =	stream.indirect.gather [hbm4b:s4+s12], $0x40, s29, s12, $0xb8;
	[tilespmem:$0x1C800] =	vst v63  }
0x57: {  	_ =	swait.ge [sflag:s21], $0x2000  }
0x58: {  	[sflag:s21] =	ssyncset.done $0x0  }
0x59: {  	[sflag:s21] =	ssyncadd.s32 $0xFFFFE000  }
0x5a: {  	_ =	swait.ge [sflag:s21], $0x2000  }
0x5b: {  	[sflag:s21] =	ssyncset.done $0x0  }
0x5c: {  	[sflag:s21] =	ssyncadd.s32 $0xFFFFE000  }
0x5d: {  	_ =	swait.ge [sflag:s21], $0x2000  }
0x5e: {  	[sflag:s21] =	ssyncset.done $0x0  }
0x5f: {  	[sflag:s21] =	ssyncadd.s32 $0xFFFFE000  }
0x60: {  	_ =	swait.ge [sflag:s21], $0x2000  }
0x61: {  	[sflag:s21] =	ssyncset.done $0x0  }
0x62: {  	[sflag:s21] =	ssyncadd.s32 $0xFFFFE000  }
0x63: {  	[hbm4b:s25+s2] =	stream.linear.scatter [tilespmem:s13], [sflag:$0x3], $0x8000, $0x38;
	[tilespmem:$0x1C800] =	vst v63  }
0x64: {  	_ =	swait.ge [sflag:s10], $0x8000  }
0x65: {  	[sflag:s10] =	ssyncset.done $0x0  }
0x66: {  	[sflag:s10] =	ssyncadd.s32 $0xFFFF8000  }
0x67: {  	_ =	swait.ge [sflag:s22], $0x2000  }
0x68: {  	[sflag:s22] =	ssyncset.done $0x0  }
0x69: {  	[sflag:s22] =	ssyncadd.s32 $0xFFFFE000  }
0x6a: {  	_ =	swait.ge [sflag:s22], $0x2000  }
0x6b: {  	[sflag:s22] =	ssyncset.done $0x0  }
0x6c: {  	[sflag:s22] =	ssyncadd.s32 $0xFFFFE000  }
0x6d: {  	_ =	swait.ge [sflag:s22], $0x2000  }
0x6e: {  	[sflag:s22] =	ssyncset.done $0x0  }
0x6f: {  	[sflag:s22] =	ssyncadd.s32 $0xFFFFE000  }
0x70: {  	_ =	swait.ge [sflag:s22], $0x2000  }
.Ltmp0:
0x71: {  	[sflag:s22] =	ssyncset.done $0x0;
	(pc) =	sbr.rel @p0 .LBB2_2-.Ltmp0, $4  }
0x72: {  	[sflag:s22] =	ssyncadd.s32 $0xFFFFE000  }
0x73: {  	[hbm4b:s24+s2] =	stream.linear.scatter [tilespmem:s17], [sflag:$0x3], $0x8000, $0x38;
	[tilespmem:$0x1C800] =	vst v63  }
0x74: {  	s29 =	smov.u32 s28;
	_ =	swait.ge [sflag:s10], $0x8000  }
0x75: {  	s25 =	sadd.s32 $0x1000, s25;
	s24 =	sadd.s32 $0x1000, s24;
	[sflag:s10] =	ssyncset.done $0x0  }
0x76: {  	s26 =	sshra.s32 s26, $0x2;
	[sflag:s10] =	ssyncadd.s32 $0xFFFF8000  }
0x77: {  	[tilespmem:s13], [sflag:$0x1] =	stream.indirect.gather [hbm4b:s3+s12], $0x40, s26, s12, $0xb8;
	[tilespmem:$0x1C800] =	vst v63  }
0x78: {  	s28 =	sadd.s32 $0x80, s26  }
0x79: {  	[tilespmem:s14], [sflag:$0x1] =	stream.indirect.gather [hbm4b:s3+s12], $0x40, s28, s12, $0xb8;
	[tilespmem:$0x1C800] =	vst v63  }
0x7a: {  	s30 =	sadd.s32 $0x100, s26  }
0x7b: {  	[tilespmem:s15], [sflag:$0x1] =	stream.indirect.gather [hbm4b:s3+s12], $0x40, s30, s12, $0xb8;
	[tilespmem:$0x1C800] =	vst v63  }
0x7c: {  	s31 =	sadd.s32 $0x180, s26  }
0x7d: {  	[tilespmem:s16], [sflag:$0x1] =	stream.indirect.gather [hbm4b:s3+s12], $0x40, s31, s12, $0xb8;
	[tilespmem:$0x1C800] =	vst v63  }
0x7e: {  	s29 =	sadd.s32 $0x6400, s26  }
0x7f: {  	[tilespmem:s17], [sflag:$0x2] =	stream.indirect.gather [hbm4b:s4+s12], $0x40, s29, s12, $0xb8;
	[tilespmem:$0x1C800] =	vst v63  }
0x80: {  	s30 =	sadd.s32 $0x6480, s26  }
0x81: {  	[tilespmem:s18], [sflag:$0x2] =	stream.indirect.gather [hbm4b:s4+s12], $0x40, s30, s12, $0xb8;
	[tilespmem:$0x1C800] =	vst v63  }
0x82: {  	s31 =	sadd.s32 $0x6500, s26  }
0x83: {  	[tilespmem:s19], [sflag:$0x2] =	stream.indirect.gather [hbm4b:s4+s12], $0x40, s31, s12, $0xb8;
	[tilespmem:$0x1C800] =	vst v63  }
0x84: {  	s26 =	sadd.s32 $0x6580, s26  }
0x85: {  	[tilespmem:s20], [sflag:$0x2] =	stream.indirect.gather [hbm4b:s4+s12], $0x40, s26, s12, $0xb8;
	[tilespmem:$0x1C800] =	vst v63  }
0x86: {  	_ =	swait.ge [sflag:s21], $0x2000  }
0x87: {  	[sflag:s21] =	ssyncset.done $0x0  }
0x88: {  	[sflag:s21] =	ssyncadd.s32 $0xFFFFE000  }
0x89: {  	_ =	swait.ge [sflag:s21], $0x2000  }
0x8a: {  	[sflag:s21] =	ssyncset.done $0x0  }
0x8b: {  	[sflag:s21] =	ssyncadd.s32 $0xFFFFE000  }
0x8c: {  	_ =	swait.ge [sflag:s21], $0x2000  }
0x8d: {  	[sflag:s21] =	ssyncset.done $0x0  }
0x8e: {  	[sflag:s21] =	ssyncadd.s32 $0xFFFFE000  }
0x8f: {  	_ =	swait.ge [sflag:s21], $0x2000  }
0x90: {  	[sflag:s21] =	ssyncset.done $0x0  }
0x91: {  	[sflag:s21] =	ssyncadd.s32 $0xFFFFE000  }
0x92: {  	[hbm4b:s25+s2] =	stream.linear.scatter [tilespmem:s13], [sflag:$0x3], $0x8000, $0x38;
	[tilespmem:$0x1C800] =	vst v63  }
0x93: {  	_ =	swait.ge [sflag:s10], $0x8000  }
0x94: {  	[sflag:s10] =	ssyncset.done $0x0  }
0x95: {  	[sflag:s10] =	ssyncadd.s32 $0xFFFF8000  }
0x96: {  	_ =	swait.ge [sflag:s22], $0x2000  }
0x97: {  	[sflag:s22] =	ssyncset.done $0x0  }
0x98: {  	[sflag:s22] =	ssyncadd.s32 $0xFFFFE000  }
0x99: {  	_ =	swait.ge [sflag:s22], $0x2000  }
0x9a: {  	[sflag:s22] =	ssyncset.done $0x0  }
0x9b: {  	[sflag:s22] =	ssyncadd.s32 $0xFFFFE000  }
0x9c: {  	_ =	swait.ge [sflag:s22], $0x2000  }
0x9d: {  	[sflag:s22] =	ssyncset.done $0x0  }
0x9e: {  	[sflag:s22] =	ssyncadd.s32 $0xFFFFE000  }
0x9f: {  	s23 =	sadd.s32 $0x1, s23;
	_ =	swait.ge [sflag:s22], $0x2000  }
0xa0: {  	p0 =	sne.s32 s23, s7;
	[sflag:s22] =	ssyncset.done $0x0  }
.Ltmp1:
0xa1: {  	[sflag:s22] =	ssyncadd.s32 $0xFFFFE000;
	(pc) =	sbr.rel @p0 .LBB2_1-.Ltmp1, $4  }
0xa2: {  	[hbm4b:s24+s2] =	stream.linear.scatter [tilespmem:s17], [sflag:$0x3], $0x8000, $0x38;
	[tilespmem:$0x1C800] =	vst v63  }
0xa3: {  	_ =	swait.ge [sflag:s10], $0x8000  }
0xa4: {  	[sflag:s10] =	ssyncset.done $0x0  }
0xa5: {  	[sflag:s10] =	ssyncadd.s32 $0xFFFF8000  }
0xa6: {  	_ =	sfence.sel $0x180000  }
0xa7: {  	[bflag:$0x0] =	sbarrier.arrive $0xFFFF  }
0xa8: {  	p0 =	sne.s32 s1, $0x0;
	_ =	strace $0x9000004D  }
0xa9: {  	s0 =	sadd.s32 @!p0 $0x100000, s0;
	[bflag:$0x2] =	sbarrier.arrive $0xFFFF  }
0xaa: {  	[sflag:s0] =	ssyncadd.tile.s32 @!p0 $0x1;
	_ =	shalt  }
.Lfunc_end2:
_tile_overlayer_lowered:
.L_overlay_start_2:
0xab: {  	(tag) =	ssettag $0x2  }
0xac: {  	s0 =	rddreg [dreg:$0x0];
	s2 =	stileid.u32  }
0xad: {  	s1 =	rddreg [dreg:$0x1];
	p0 =	sne.s32 s2, $0x0  }
0xae: {  	s3 =	rddreg [dreg:$0x2];
	[bflag:$0x3] =	sbarrier.arrive $0xFFFF;
	s2 =	simm.s32 @!p0 $0x1C03  }
0xaf: {  	[timem:s3], [sflag:s2] =	dma.local @!p0 [hbm:s0], s1  }
0xb0: {  	s0 =	simm.s32 @!p0 $0x3  }
0xb1: {  	_ =	swait.ge @!p0 [sflag:s0], s1  }
0xb2: {  	s1 =	ssub.s32 @!p0 $0x0, s1;
	[sflag:s0] =	ssyncset.done @!p0 $0x0  }
0xb3: {  	[sflag:s0] =	ssyncadd.s32 @!p0 s1  }
0xb4: {  	[bflag:$0x3] =	sbarrier.arrive $0xFFFF  }
0xb5: {  	_ =	shalt  }

// kernel: kernel.32.cloned.1.call-start
scs
__scs_entry_jumppad:
0x0: {  	(pc) =	sbr.rel $0x88, $3  }
0x1: {  	(tag) =	ssettag $0x0;
	lr =	simm.s32 $0x1  }
0x2: {  	[smem:$0x3F8C] =	sst lr;
	_ =	strace $0xD0000000  }
0x3: {  	_ = 	snop  }
0x4: {  	_ = 	snop  }
0x5: {  	_ = 	snop  }
0x6: {  	_ = 	snop  }
0x7: {  	_ = 	snop  }
__scs_overlays_trampoline_lowered:
0x8: {  	[smem:$0x3F9B] =	sst s0  }
0x9: {  	[smem:$0x3F9C] =	sst s1  }
0xa: {  	[smem:$0x3F9D] =	sst s2  }
0xb: {  	[smem:$0x3F9E] =	sst s3  }
0xc: {  	[smem:$0x3F9F] =	sst s4  }
0xd: {  	[smem:$0x3FA0] =	sst s5  }
0xe: {  	[smem:$0x3FA1] =	sst s6  }
0xf: {  	[smem:$0x3FA2] =	sst s7  }
0x10: {  	[smem:$0x3FA3] =	sst s8  }
0x11: {  	[smem:$0x3FA4] =	sst s9;
	s0 =	simm.s32 @!p0 $0x0  }
0x12: {  	s1 =	sld [smem:$0x3F8A];
	s0 =	simm.s32 @p0 $0x1  }
0x13: {  	[smem:$0x3FA5] =	sst s0;
	s0 =	simm.s32 @!p1 $0x0  }
0x14: {  	s2 =	sld [smem:$0x3F89];
	s0 =	simm.s32 @p1 $0x1  }
0x15: {  	[smem:$0x3FA6] =	sst s0;
	s0 =	simm.s32 @!p2 $0x0  }
0x16: {  	s3 =	sld [smem:$0x3FDB];
	s0 =	simm.s32 @p2 $0x1  }
0x17: {  	s4 =	simm.s32 $0x1BF5;
	[smem:$0x3FA8] =	sst s0  }
0x18: {  	s0 =	sld [smem:$0x3F8B];
	_ =	swait.ge [sflag:s4], $0x0  }
0x19: {  	s7 =	sld [smem:$0x3F8C]  }
0x1a: {  	s8 =	sadd.s32 $0xFFFFE003, lr  }
0x1b: {  	s9 =	sadd.s32 $0xFFFFFEF7, lr;
	s5 =	simm.s32 $0xFFFFFFFF;
	p2 =	slt.u32 s8, $0xFFFFF086  }
0x1c: {  	p1 =	slt.u32 s9, $0xF7A;
	s5 =	simm.s32 @!p2 $0x0  }
0x1d: {  	s5 =	simm.s32 @p1 $0x1;
	p0 =	seq.s32 s7, s2  }
0x1e: {  	s7 =	smul.u32 @!p0 $0xF7A, s2;
	p2 =	seq.s32 @!p0 s5, $0x0  }
0x1f: {  	s9 =	smul.u32 $0xF7A, s1;
	s8 =	simm.s32 @!p0 $0x1BF5;
	p2 =	por !p2, p0  }
0x20: {  	[sflag:s8] =	ssyncset.s32 @!p0 $0xFFFFF086;
	s6 =	sadd.s32 @!p0 s3, s7;
	s7 =	simm.s32 @!p0 $0x108  }
0x21: {  	s3 =	sadd.s32 s3, s9;
	s6 =	sadd.s32 @!p0 $0x88, s6;
	s7 =	simm.s32 @p2 $0x1082  }
0x22: {  	[simem:s7], [sflag:s8] =	dma.local @!p0 [hbm:s6], $0xF7A  }
0x23: {  	s9 =	sor.u32 $0xD0000000, s2;
	s6 =	simm.s32 $0x108;
	_ =	swait.ge @!p0 [sflag:s8], $0x0  }
0x24: {  	s3 =	sadd.s32 $0x88, s3;
	s6 =	simm.s32 @!p1 $0x1082;
	[sflag:s4] =	ssyncset.s32 $0xFFFFF086  }
0x25: {  	[simem:s6], [sflag:s4] =	dma.local [hbm:s3], $0xF7A  }
0x26: {  	[smem:$0x3F8C] =	sst s1;
	(tag) =	ssettag s2;
	_ =	strace s9  }
0x27: {  	s1 =	sld [smem:$0x3F9C]  }
0x28: {  	s2 =	sld [smem:$0x3F9D]  }
0x29: {  	s4 =	sld [smem:$0x3F9F]  }
0x2a: {  	p0 =	seq.s32 s5, $0x0;
	s5 =	sld [smem:$0x3FA0]  }
0x2b: {  	s6 =	sld [smem:$0x3FA1]  }
0x2c: {  	s7 =	sld [smem:$0x3FA2]  }
0x2d: {  	s3 =	simm.s32 $0x108;
	s8 =	sld [smem:$0x3FA3]  }
0x2e: {  	s3 =	simm.s32 @!p0 $0x1082;
	s9 =	sld [smem:$0x3FA4]  }
0x2f: {  	lr =	sadd.s32 s0, s3;
	s0 =	sld [smem:$0x3F9B]  }
0x30: {  	s3 =	sld [smem:$0x3F9E]  }
0x31: {  	[smem:$0x3FA7] =	sst s10  }
0x32: {  	s10 =	sld [smem:$0x3FA5];
	_ =	sdelay $0x3  }
0x33: {  	p0 =	seq.s32 s10, $0x1;
	s10 =	sld [smem:$0x3FA7];
	_ =	sdelay $0x3  }
0x34: {  	[smem:$0x3FA7] =	sst s10  }
0x35: {  	s10 =	sld [smem:$0x3FA6];
	_ =	sdelay $0x3  }
0x36: {  	p1 =	seq.s32 s10, $0x1;
	s10 =	sld [smem:$0x3FA7];
	_ =	sdelay $0x3  }
0x37: {  	[smem:$0x3FA7] =	sst s10  }
0x38: {  	s10 =	sld [smem:$0x3FA8]  }
0x39: {  	_ = 	snop;
	(pc) =	sbr.ind lr, $3  }
0x3a: {  	_ = 	snop  }
0x3b: {  	_ = 	snop  }
0x3c: {  	p2 =	seq.s32 s10, $0x1;
	s10 =	sld [smem:$0x3FA7]  }
0x3d: {  	_ =	shalt  }
0x3e: {  	_ =	shalt  }
0x3f: {  	_ =	shalt  }
0x40: {  	_ =	shalt  }
0x41: {  	_ =	shalt  }
0x42: {  	_ =	shalt  }
0x43: {  	_ =	shalt  }
0x44: {  	_ =	shalt  }
0x45: {  	_ =	shalt  }
0x46: {  	_ =	shalt  }
0x47: {  	_ =	shalt  }
0x48: {  	_ =	shalt  }
0x49: {  	_ =	shalt  }
0x4a: {  	_ =	shalt  }
0x4b: {  	_ =	shalt  }
0x4c: {  	_ =	shalt  }
0x4d: {  	_ =	shalt  }
0x4e: {  	_ =	shalt  }
0x4f: {  	_ =	shalt  }
0x50: {  	_ =	shalt  }
0x51: {  	_ =	shalt  }
0x52: {  	_ =	shalt  }
0x53: {  	_ =	shalt  }
0x54: {  	_ =	shalt  }
0x55: {  	_ =	shalt  }
0x56: {  	_ =	shalt  }
0x57: {  	_ =	shalt  }
0x58: {  	_ =	shalt  }
0x59: {  	_ =	shalt  }
0x5a: {  	_ =	shalt  }
0x5b: {  	_ =	shalt  }
0x5c: {  	_ =	shalt  }
0x5d: {  	_ =	shalt  }
0x5e: {  	_ =	shalt  }
0x5f: {  	_ =	shalt  }
0x60: {  	_ =	shalt  }
0x61: {  	_ =	shalt  }
0x62: {  	_ =	shalt  }
0x63: {  	_ =	shalt  }
0x64: {  	_ =	shalt  }
0x65: {  	_ =	shalt  }
0x66: {  	_ =	shalt  }
0x67: {  	_ =	shalt  }
0x68: {  	_ =	shalt  }
0x69: {  	_ =	shalt  }
0x6a: {  	_ =	shalt  }
0x6b: {  	_ =	shalt  }
0x6c: {  	_ =	shalt  }
0x6d: {  	_ =	shalt  }
0x6e: {  	_ =	shalt  }
0x6f: {  	_ =	shalt  }
0x70: {  	_ =	shalt  }
0x71: {  	_ =	shalt  }
0x72: {  	_ =	shalt  }
0x73: {  	_ =	shalt  }
0x74: {  	_ =	shalt  }
0x75: {  	_ =	shalt  }
0x76: {  	_ =	shalt  }
0x77: {  	_ =	shalt  }
0x78: {  	_ =	shalt  }
0x79: {  	_ =	shalt  }
0x7a: {  	_ =	shalt  }
0x7b: {  	_ =	shalt  }
0x7c: {  	_ =	shalt  }
0x7d: {  	_ =	shalt  }
0x7e: {  	_ =	shalt  }
0x7f: {  	_ =	shalt  }
0x80: {  	_ =	shalt  }
0x81: {  	_ =	shalt  }
0x82: {  	_ =	shalt  }
0x83: {  	_ =	shalt  }
0x84: {  	_ =	shalt  }
0x85: {  	_ =	shalt  }
0x86: {  	_ =	shalt  }
0x87: {  	_ =	shalt  }
.Lfunc_end0:
.L_simem_size_0:
called_computation.3_lowered:
.L_overlay_start_0:
0x88: {  	s2 =	sld [smem:$0x3FD9]  }
0x89: {  	s3 =	sld [smem:$0x3FFE];
	_ =	sdelay $0x1  }
0x8a: {  	s1 =	srdreg.scid  }
0x8b: {  	s0 =	sand.u32 $0x1, s1  }
0x8c: {  	s16 =	sshll.u32 s0, $0xA;
	s2 =	sadd.s32 s3, s2  }
0x8d: {  	s2 =	sadd.s32 s2, s16  }
0x8e: {  	[smem:$0x3FB3] =	sst s2  }
0x8f: {  	_ = 	snop  }
0x90: {  	(tm) =	ssettm $0x1  }
0x91: {  	s17 =	sld [smem:$0x3FFB];
	_ =	sdelay $0x3  }
0x92: {  	_ =	strace s17  }
0x93: {  	s2 =	sld [smem:$0x3FFC];
	_ =	sdelay $0x3  }
0x94: {  	_ =	strace s2  }
0x95: {  	s2 =	sld [smem:$0x3FFD];
	_ =	sdelay $0x3  }
0x96: {  	_ =	strace s2  }
0x97: {  	_ =	strace $0x8FFFFFFF  }
0x98: {  	s18 =	sld [smem:$0x3FDB];
	_ =	sdelay $0x1  }
0x99: {  	s19 =	simm.s32 $_scs_section_size  }
0x9a: {  	s4 =	simm.s32 $_size__tile_overlayer_lowered;
	s5 =	simm.s32 $_tile_overlayer_lowered  }
0x9b: {  	s22 =	simm.s32 $0x1BFF;
	s21 =	sshll.u32 s5, $0x1;
	s2 =	sadd.s32 s19, s18  }
0x9c: {  	s6 =	simm.s32 $0x0;
	s20 =	sshll.u32 s4, $0x1;
	s4 =	sadd.s32 s21, s2  }
0x9d: {  	[timem:s6], [sflag:s22] =	dma.local [hbm:s4], s20  }
0x9e: {  	_ =	swait.ge [sflag:s22], s20  }
0x9f: {  	s3 =	ssub.s32 $0x0, s20;
	[sflag:s22] =	ssyncset.done $0x0  }
0xa0: {  	[sflag:s22] =	ssyncadd.s32 s3;
	_ =	sdelay $0x1  }
0xa1: {  	s23 =	simm.s32 $0x1B8B  }
0xa2: {  	_ =	swait.ge [sflag:s23], $0x1  }
0xa3: {  	[sflag:s23] =	ssyncset.done $0x0  }
0xa4: {  	s25 =	simm.s32 $0x1B8E;
	s24 =	sld [smem:$0x3FFE];
	[sflag:s23] =	ssyncadd.s32 $0xFFFFFFFF  }
0xa5: {  	s26 =	simm.s32 $execute0_lowered;
	[smem:$0x3FD2] =	sst s25  }
0xa6: {  	s4 =	sshll.u32 s26, $0x1;
	_ =	strace $0x8000004F;
	[dreg:$0x1] =	wrdreg $0xFFFFFFFF  }
0xa7: {  	s28 =	simm.s32 $_size_execute0_lowered;
	s2 =	sadd.s32 s2, s4;
	[dreg:$0x0] =	wrdreg $0x0  }
0xa8: {  	s4 =	sshll.u32 s28, $0x1;
	[dreg:$0x2] =	wrdreg s2  }
0xa9: {  	[dreg:$0x3] =	wrdreg s4  }
0xaa: {  	[dreg:$0x4] =	wrdreg $0xC0  }
0xab: {  	_ =	task [dreg:s6], $0x5FFFF  }
0xac: {  	[dreg:$0x1] =	wrdreg $0xFFFFFFFF  }
0xad: {  	[dreg:$0x0] =	wrdreg $0x60  }
0xae: {  	[dreg:$0x2] =	wrdreg s24  }
0xaf: {  	[dreg:$0x3] =	wrdreg $0x42400  }
0xb0: {  	[dreg:$0x4] =	wrdreg $0x9  }
0xb1: {  	_ =	task.clear_ibuf [dreg:s6], $0x5FFFF;
	_ =	strace $0x9000004F  }
0xb2: {  	s29 =	simm.s32 $0x9;
	_ =	strace $0x80000051  }
0xb3: {  	_ =	swait.ge [sflag:s29], $0x1  }
0xb4: {  	[sflag:s29] =	ssyncadd.s32 $0xFFFFFFFF  }
0xb5: {  	_ =	strace $0x90000051  }
0xb6: {  	_ =	sfence  }
0xb7: {  	s30 =	sld [smem:$0x0];
	_ =	sdelay $0x2  }
0xb8: {  	s31 =	sshll.u32 s1, $0xD;
	s1 =	sshrl.u32 s1, $0x2  }
0xb9: {  	s3 =	sand.u32 $0x4000, s31;
	s1 =	sadd.s32 s1, s30  }
0xba: {  	s0 =	sor.u32 s3, s0;
	s1 =	sshll.u32 s1, $0x11  }
0xbb: {  	s0 =	sor.u32 s1, s0  }
0xbc: {  	s0 =	sadd.s32 $0x8F2B, s0  }
0xbd: {  	[sflag:s0] =	ssyncadd.remote.s32 $0x1  }
0xbe: {  	_ =	sfence.sel $0xFFFF  }
0xbf: {  	[dreg:$0x0] =	wrdreg $0xFFFFFFFF;
	(pc) =	sbr.abs _section_cstart, $3  }
0xc0: {  	[dreg:$0x1] =	wrdreg $0xFFFFFFFF  }
0xc1: {  	_ =	task.clear_ibuf [dreg:s6], $0x2FFFF;
	_ =	strace $0x9FFFFFFF  }
0xc2: {  	(tm) =	ssettm $0x7FFFFFFF  }
0xc3: {  	_ =	shalt  }
tec
execute0_lowered:
.L_overlay_start_1:
0x0: {  	(tag) =	ssettag $0x1  }
0x1: {  	s6 =	rddreg [dreg:$0x0]  }
0x2: {  	s2 =	rddreg [dreg:$0x1];
	s1 =	stileid.u32  }
0x3: {  	s4 =	srdreg.scid;
	s3 =	simm.s32 $0x0;
	s17 =	simm.s32 $0x4220  }
0x4: {  	s18 =	simm.s32 $0x200;
	s19 =	simm.s32 $0x80;
	s20 =	simm.s32 $0x1200  }
0x5: {  	s21 =	simm.s32 $0x100;
	s22 =	simm.s32 $0x2200;
	s23 =	simm.s32 $0x180  }
0x6: {  	s24 =	simm.s32 $0x3200;
	s26 =	simm.s32 $0x1;
	s28 =	simm.s32 $0x0  }
0x7: {  	s7 =	smul.u32 $0x186C0, s1;
	s11 =	sand.u32 $0x1, s4;
	[smem:$0x7FF] =	sst s3  }
0x8: {  	s13 =	smul.u32 $0x186A0, s1;
	s4 =	sadd.s32 $0x1D9D800, s6;
	s5 =	sadd.s32 $0x6B000, s6  }
0x9: {  	s31 =	sshll.u32 s1, $0x6;
	s8 =	smul.u32 $0x186A00, s11;
	_ =	strace $0x80000050  }
0xa: {  	s10 =	sshll.u32 s11, $0x2;
	s12 =	ssub.s32 $0x2, s11;
	s11 =	smul.u32 $0x1900000, s11  }
0xb: {  	s9 =	sshrl.u32 s7, $0x3;
	s10 =	sadd.s32 s10, s6;
	s14 =	sshrl.u32 s12, $0x1  }
0xc: {  	s16 =	sadd.s32 s7, s2;
	s7 =	sor.u32 $0x1C02, s31;
	s25 =	sadd.s32 s13, s2  }
0xd: {  	s9 =	sadd.s32 s9, s6;
	s8 =	sadd.s32 s13, s8;
	s14 =	ssub.s32 s12, s14  }
0xe: {  	s25 =	sshrl.u32 s25, $0x3;
	s8 =	sshrl.u32 s8, $0x3;
	s13 =	smax.u32 s14, $0x1  }
0xf: {  	s14 =	sshrl.u32 s16, $0x3;
	s16 =	simm.s32 $0x4200;
	s15 =	sadd.s32 s8, s6  }
0x10: {  	s6 =	sadd.s32 $0x9800, s9;
	s8 =	sadd.s32 $0x9400, s10;
	s9 =	sadd.s32 $0x9408, s10  }
0x11: {  	s10 =	smul.u32 $0xC800, s1;
	s12 =	sadd.s32 $0xB6E00, s15;
	s15 =	simm.s32 $0x2  }
.LBB2_1:
0x12: {  	[spmem:s14], [sflag:s7] =	dma.local [hbm:s6], $0x30D8  }
0x13: {  	_ =	swait.ge [sflag:s15], $0x30D8  }
0x14: {  	[sflag:s15] =	ssyncset.done $0x0  }
0x15: {  	[sflag:s15] =	ssyncadd.s32 $0xFFFFCF28  }
0x16: {  	[tilespmem:s16], [sflag:$0x2] =	stream.linear.gather [hbm4b:s8+s3], $0x20, $0x38;
	[tilespmem:$0x1C900] =	vst v63  }
0x17: {  	_ =	swait.ge [sflag:s15], $0x20  }
0x18: {  	[sflag:s15] =	ssyncset.done $0x0  }
0x19: {  	[sflag:s15] =	ssyncadd.s32 $0xFFFFFFE0  }
0x1a: {  	[tilespmem:s17], [sflag:$0x2] =	stream.linear.gather [hbm4b:s9+s3], $0x20, $0x38;
	[tilespmem:$0x1C900] =	vst v63  }
0x1b: {  	_ =	swait.ge [sflag:s15], $0x20  }
0x1c: {  	[sflag:s15] =	ssyncset.done $0x0  }
0x1d: {  	[sflag:s15] =	ssyncadd.s32 $0xFFFFFFE0  }
0x1e: {  	v0 =	vld [tilespmem:$0x4200]  }
0x1f: {  	v1 =	vld [tilespmem:$0x4210]  }
0x20: {  	v2 =	vld [tilespmem:$0x4220]  }
0x21: {  	s29 =	simm.s32 $0x0;
	v3 =	vld [tilespmem:$0x4230];
	[bflag:$0x0] =	sbarrier.arrive $0xFFFF  }
.LBB2_2:
0x22: {  	s30 =	sshll.u32 s29, $0x9  }
0x23: {  	s30 =	sadd.s32 s10, s30  }
0x24: {  	s31 =	sshrl.u32 s30, $0x3  }
0x25: {  	s0 =	simm.s32 $0x0;
	s30 =	sshll.u32 s30, $0x5;
	s31 =	sadd.s32 s5, s31  }
0x26: {  	[tilespmem:s0], [sflag:$0x2] =	stream.linear.gather [hbm4b:s31+s0], $0x200, $0x38;
	[tilespmem:$0x1C900] =	vst v63  }
0x27: {  	s30 =	sadd.s32 s11, s30;
	_ =	swait.ge [sflag:s15], $0x200  }
0x28: {  	s30 =	sshrl.u32 s30, $0x3;
	[sflag:s15] =	ssyncset.done $0x0  }
0x29: {  	s30 =	sadd.s32 s4, s30;
	[sflag:s15] =	ssyncadd.s32 $0xFFFFFE00  }
0x2a: {  	[tilespmem:s18], [sflag:$0x2] =	stream.linear.gather [hbm4b:s30+s0], $0x4000, $0x38;
	[tilespmem:$0x1C900] =	vst v63  }
0x2b: {  	_ =	swait.ge [sflag:s15], $0x4000  }
0x2c: {  	[sflag:s15] =	ssyncset.done $0x0  }
0x2d: {  	s30 =	simm.s32 $0x0;
	[sflag:s15] =	ssyncadd.s32 $0xFFFFC000  }
0x2e: {  	s31 =	simm.s32 $0x80;
	v4 =	vld [tilespmem:s30+$0x200]  }
.LBB2_3:
0x2f: {  	p0 =	sne.s32 s31, $0xFF80;
	v5 =	vld [tilespmem:s30+$0x210];
	_ =	sdelay $0x3  }
0x30: {  	v4 =	vmul.f32 v4, v0  }
0x31: {  	v5 =	vmul.f32 v5, v1  }
.Ltmp0:
0x32: {  	v4 =	vadd.f32 v4, v2;
	(pc) =	sbr.rel @p0 .LBB2_3-.Ltmp0, $4  }
0x33: {  	v5 =	vadd.f32 v5, v3  }
0x34: {  	v4 =	vmax.f32 v4, $0.0e+00  }
0x35: {  	s0 =	sshra.s32 s31, $0x2;
	[tilespmem:s30+$0x200] =	vst v4;
	v5 =	vmax.f32 v5, $0.0e+00  }
0x36: {  	s31 =	sadd.s32 $0x80, s31;
	v4 =	vld [tilespmem:s0+$0x200];
	[tilespmem:s30+$0x210] =	vst v5;
	s30 =	smov.u32 s0  }
0x37: {  	v5 =	vld [tilespmem:s30+$0x210];
	_ =	sdelay $0x3  }
0x38: {  	v4 =	vmul.f32 v4, v0  }
0x39: {  	v5 =	vmul.f32 v5, v1  }
0x3a: {  	v4 =	vadd.f32 v4, v2  }
0x3b: {  	v5 =	vadd.f32 v5, v3  }
0x3c: {  	v4 =	vmax.f32 v4, $0.0e+00  }
0x3d: {  	[tilespmem:s30+$0x200] =	vst v4;
	v4 =	vmax.f32 v5, $0.0e+00  }
0x3e: {  	[tilespmem:s30+$0x210] =	vst v4  }
0x3f: {  	[spmem:s2] =	stream.indirect.scatter.add.f32 [tilespmem:s18], [sflag:$0x1], $0x20, s3, s19, $0xb8;
	[tilespmem:$0x1C900] =	vst v63  }
0x40: {  	_ = 	snop  }
0x41: {  	[spmem:s2] =	stream.indirect.scatter.add.f32 [tilespmem:s20], [sflag:$0x1], $0x20, s19, s19, $0xb8;
	[tilespmem:$0x1C900] =	vst v63  }
0x42: {  	_ = 	snop  }
0x43: {  	[spmem:s2] =	stream.indirect.scatter.add.f32 [tilespmem:s22], [sflag:$0x1], $0x20, s21, s19, $0xb8;
	[tilespmem:$0x1C900] =	vst v63  }
0x44: {  	_ = 	snop  }
0x45: {  	[spmem:s2] =	stream.indirect.scatter.add.f32 [tilespmem:s24], [sflag:$0x1], $0x20, s23, s19, $0xb8;
	[tilespmem:$0x1C900] =	vst v63  }
0x46: {  	_ =	swait.ge [sflag:s26], $0x1000  }
0x47: {  	[sflag:s26] =	ssyncset.done $0x0  }
0x48: {  	[sflag:s26] =	ssyncadd.s32 $0xFFFFF000  }
0x49: {  	_ =	swait.ge [sflag:s26], $0x1000  }
0x4a: {  	[sflag:s26] =	ssyncset.done $0x0  }
0x4b: {  	s29 =	sadd.s32 $0x1, s29;
	[sflag:s26] =	ssyncadd.s32 $0xFFFFF000  }
0x4c: {  	p0 =	sne.s32 s29, $0x64;
	_ =	swait.ge [sflag:s26], $0x1000  }
.Ltmp1:
0x4d: {  	[sflag:s26] =	ssyncset.done $0x0;
	(pc) =	sbr.rel @p0 .LBB2_2-.Ltmp1, $4  }
0x4e: {  	[sflag:s26] =	ssyncadd.s32 $0xFFFFF000  }
0x4f: {  	_ =	swait.ge [sflag:s26], $0x1000  }
0x50: {  	[sflag:s26] =	ssyncset.done $0x0  }
0x51: {  	[sflag:s26] =	ssyncadd.s32 $0xFFFFF000  }
0x52: {  	s28 =	sadd.s32 $0x1, s28  }
0x53: {  	p0 =	sne.s32 s28, s13  }
.Ltmp2:
0x54: {  	[bflag:$0x0] =	sbarrier.arrive $0xFFFF;
	(pc) =	sbr.rel @p0 .LBB2_1-.Ltmp2, $4  }
0x55: {  	[hbm:s12], [sflag:s7] =	dma.local [spmem:s25], $0x30D4  }
0x56: {  	_ =	swait.ge [sflag:s15], $0x30D4  }
0x57: {  	[sflag:s15] =	ssyncset.done $0x0  }
0x58: {  	[sflag:s15] =	ssyncadd.s32 $0xFFFFCF2C  }
0x59: {  	_ =	sfence.sel $0x180000  }
0x5a: {  	[bflag:$0x0] =	sbarrier.arrive $0xFFFF  }
0x5b: {  	_ =	strace $0x90000050  }
0x5c: {  	[bflag:$0x2] =	sbarrier.arrive $0xFFFF  }
0x5d: {  	p0 =	sne.s32 s1, $0x0;
	s0 =	rddreg [dreg:$0x2]  }
0x5e: {  	s0 =	sadd.s32 @!p0 $0x100000, s0  }
0x5f: {  	[sflag:s0] =	ssyncadd.tile.s32 @!p0 $0x1;
	_ =	shalt  }
.Lfunc_end2:
_tile_overlayer_lowered:
.L_overlay_start_2:
0x60: {  	(tag) =	ssettag $0x2  }
0x61: {  	s0 =	rddreg [dreg:$0x0];
	s2 =	stileid.u32  }
0x62: {  	s1 =	rddreg [dreg:$0x1];
	p0 =	sne.s32 s2, $0x0  }
0x63: {  	s3 =	rddreg [dreg:$0x2];
	[bflag:$0x3] =	sbarrier.arrive $0xFFFF;
	s2 =	simm.s32 @!p0 $0x1C02  }
0x64: {  	[timem:s3], [sflag:s2] =	dma.local @!p0 [hbm:s0], s1  }
0x65: {  	s0 =	simm.s32 @!p0 $0x2  }
0x66: {  	_ =	swait.ge @!p0 [sflag:s0], s1  }
0x67: {  	s1 =	ssub.s32 @!p0 $0x0, s1;
	[sflag:s0] =	ssyncset.done @!p0 $0x0  }
0x68: {  	[sflag:s0] =	ssyncadd.s32 @!p0 s1  }
0x69: {  	[bflag:$0x3] =	sbarrier.arrive $0xFFFF  }
0x6a: {  	_ =	shalt  }

// kernel: kernel.35.cloned.1.call-start
scs
__scs_entry_jumppad:
0x0: {  	(pc) =	sbr.rel $0x88, $3  }
0x1: {  	(tag) =	ssettag $0x0;
	lr =	simm.s32 $0x1  }
0x2: {  	[smem:$0x3F8C] =	sst lr;
	_ =	strace $0xD0000000  }
0x3: {  	_ = 	snop  }
0x4: {  	_ = 	snop  }
0x5: {  	_ = 	snop  }
0x6: {  	_ = 	snop  }
0x7: {  	_ = 	snop  }
__scs_overlays_trampoline_lowered:
0x8: {  	[smem:$0x3F9B] =	sst s0  }
0x9: {  	[smem:$0x3F9C] =	sst s1  }
0xa: {  	[smem:$0x3F9D] =	sst s2  }
0xb: {  	[smem:$0x3F9E] =	sst s3  }
0xc: {  	[smem:$0x3F9F] =	sst s4  }
0xd: {  	[smem:$0x3FA0] =	sst s5  }
0xe: {  	[smem:$0x3FA1] =	sst s6  }
0xf: {  	[smem:$0x3FA2] =	sst s7  }
0x10: {  	[smem:$0x3FA3] =	sst s8  }
0x11: {  	[smem:$0x3FA4] =	sst s9;
	s0 =	simm.s32 @!p0 $0x0  }
0x12: {  	s1 =	sld [smem:$0x3F8A];
	s0 =	simm.s32 @p0 $0x1  }
0x13: {  	[smem:$0x3FA5] =	sst s0;
	s0 =	simm.s32 @!p1 $0x0  }
0x14: {  	s2 =	sld [smem:$0x3F89];
	s0 =	simm.s32 @p1 $0x1  }
0x15: {  	[smem:$0x3FA6] =	sst s0;
	s0 =	simm.s32 @!p2 $0x0  }
0x16: {  	s3 =	sld [smem:$0x3FDB];
	s0 =	simm.s32 @p2 $0x1  }
0x17: {  	s4 =	simm.s32 $0x1BF5;
	[smem:$0x3FA8] =	sst s0  }
0x18: {  	s0 =	sld [smem:$0x3F8B];
	_ =	swait.ge [sflag:s4], $0x0  }
0x19: {  	s7 =	sld [smem:$0x3F8C]  }
0x1a: {  	s8 =	sadd.s32 $0xFFFFE003, lr  }
0x1b: {  	s9 =	sadd.s32 $0xFFFFFEF7, lr;
	s5 =	simm.s32 $0xFFFFFFFF;
	p2 =	slt.u32 s8, $0xFFFFF086  }
0x1c: {  	p1 =	slt.u32 s9, $0xF7A;
	s5 =	simm.s32 @!p2 $0x0  }
0x1d: {  	s5 =	simm.s32 @p1 $0x1;
	p0 =	seq.s32 s7, s2  }
0x1e: {  	s7 =	smul.u32 @!p0 $0xF7A, s2;
	p2 =	seq.s32 @!p0 s5, $0x0  }
0x1f: {  	s9 =	smul.u32 $0xF7A, s1;
	s8 =	simm.s32 @!p0 $0x1BF5;
	p2 =	por !p2, p0  }
0x20: {  	[sflag:s8] =	ssyncset.s32 @!p0 $0xFFFFF086;
	s6 =	sadd.s32 @!p0 s3, s7;
	s7 =	simm.s32 @!p0 $0x108  }
0x21: {  	s3 =	sadd.s32 s3, s9;
	s6 =	sadd.s32 @!p0 $0x88, s6;
	s7 =	simm.s32 @p2 $0x1082  }
0x22: {  	[simem:s7], [sflag:s8] =	dma.local @!p0 [hbm:s6], $0xF7A  }
0x23: {  	s9 =	sor.u32 $0xD0000000, s2;
	s6 =	simm.s32 $0x108;
	_ =	swait.ge @!p0 [sflag:s8], $0x0  }
0x24: {  	s3 =	sadd.s32 $0x88, s3;
	s6 =	simm.s32 @!p1 $0x1082;
	[sflag:s4] =	ssyncset.s32 $0xFFFFF086  }
0x25: {  	[simem:s6], [sflag:s4] =	dma.local [hbm:s3], $0xF7A  }
0x26: {  	[smem:$0x3F8C] =	sst s1;
	(tag) =	ssettag s2;
	_ =	strace s9  }
0x27: {  	s1 =	sld [smem:$0x3F9C]  }
0x28: {  	s2 =	sld [smem:$0x3F9D]  }
0x29: {  	s4 =	sld [smem:$0x3F9F]  }
0x2a: {  	p0 =	seq.s32 s5, $0x0;
	s5 =	sld [smem:$0x3FA0]  }
0x2b: {  	s6 =	sld [smem:$0x3FA1]  }
0x2c: {  	s7 =	sld [smem:$0x3FA2]  }
0x2d: {  	s3 =	simm.s32 $0x108;
	s8 =	sld [smem:$0x3FA3]  }
0x2e: {  	s3 =	simm.s32 @!p0 $0x1082;
	s9 =	sld [smem:$0x3FA4]  }
0x2f: {  	lr =	sadd.s32 s0, s3;
	s0 =	sld [smem:$0x3F9B]  }
0x30: {  	s3 =	sld [smem:$0x3F9E]  }
0x31: {  	[smem:$0x3FA7] =	sst s10  }
0x32: {  	s10 =	sld [smem:$0x3FA5];
	_ =	sdelay $0x3  }
0x33: {  	p0 =	seq.s32 s10, $0x1;
	s10 =	sld [smem:$0x3FA7];
	_ =	sdelay $0x3  }
0x34: {  	[smem:$0x3FA7] =	sst s10  }
0x35: {  	s10 =	sld [smem:$0x3FA6];
	_ =	sdelay $0x3  }
0x36: {  	p1 =	seq.s32 s10, $0x1;
	s10 =	sld [smem:$0x3FA7];
	_ =	sdelay $0x3  }
0x37: {  	[smem:$0x3FA7] =	sst s10  }
0x38: {  	s10 =	sld [smem:$0x3FA8]  }
0x39: {  	_ = 	snop;
	(pc) =	sbr.ind lr, $3  }
0x3a: {  	_ = 	snop  }
0x3b: {  	_ = 	snop  }
0x3c: {  	p2 =	seq.s32 s10, $0x1;
	s10 =	sld [smem:$0x3FA7]  }
0x3d: {  	_ =	shalt  }
0x3e: {  	_ =	shalt  }
0x3f: {  	_ =	shalt  }
0x40: {  	_ =	shalt  }
0x41: {  	_ =	shalt  }
0x42: {  	_ =	shalt  }
0x43: {  	_ =	shalt  }
0x44: {  	_ =	shalt  }
0x45: {  	_ =	shalt  }
0x46: {  	_ =	shalt  }
0x47: {  	_ =	shalt  }
0x48: {  	_ =	shalt  }
0x49: {  	_ =	shalt  }
0x4a: {  	_ =	shalt  }
0x4b: {  	_ =	shalt  }
0x4c: {  	_ =	shalt  }
0x4d: {  	_ =	shalt  }
0x4e: {  	_ =	shalt  }
0x4f: {  	_ =	shalt  }
0x50: {  	_ =	shalt  }
0x51: {  	_ =	shalt  }
0x52: {  	_ =	shalt  }
0x53: {  	_ =	shalt  }
0x54: {  	_ =	shalt  }
0x55: {  	_ =	shalt  }
0x56: {  	_ =	shalt  }
0x57: {  	_ =	shalt  }
0x58: {  	_ =	shalt  }
0x59: {  	_ =	shalt  }
0x5a: {  	_ =	shalt  }
0x5b: {  	_ =	shalt  }
0x5c: {  	_ =	shalt  }
0x5d: {  	_ =	shalt  }
0x5e: {  	_ =	shalt  }
0x5f: {  	_ =	shalt  }
0x60: {  	_ =	shalt  }
0x61: {  	_ =	shalt  }
0x62: {  	_ =	shalt  }
0x63: {  	_ =	shalt  }
0x64: {  	_ =	shalt  }
0x65: {  	_ =	shalt  }
0x66: {  	_ =	shalt  }
0x67: {  	_ =	shalt  }
0x68: {  	_ =	shalt  }
0x69: {  	_ =	shalt  }
0x6a: {  	_ =	shalt  }
0x6b: {  	_ =	shalt  }
0x6c: {  	_ =	shalt  }
0x6d: {  	_ =	shalt  }
0x6e: {  	_ =	shalt  }
0x6f: {  	_ =	shalt  }
0x70: {  	_ =	shalt  }
0x71: {  	_ =	shalt  }
0x72: {  	_ =	shalt  }
0x73: {  	_ =	shalt  }
0x74: {  	_ =	shalt  }
0x75: {  	_ =	shalt  }
0x76: {  	_ =	shalt  }
0x77: {  	_ =	shalt  }
0x78: {  	_ =	shalt  }
0x79: {  	_ =	shalt  }
0x7a: {  	_ =	shalt  }
0x7b: {  	_ =	shalt  }
0x7c: {  	_ =	shalt  }
0x7d: {  	_ =	shalt  }
0x7e: {  	_ =	shalt  }
0x7f: {  	_ =	shalt  }
0x80: {  	_ =	shalt  }
0x81: {  	_ =	shalt  }
0x82: {  	_ =	shalt  }
0x83: {  	_ =	shalt  }
0x84: {  	_ =	shalt  }
0x85: {  	_ =	shalt  }
0x86: {  	_ =	shalt  }
0x87: {  	_ =	shalt  }
.Lfunc_end0:
.L_simem_size_0:
called_computation.4_lowered:
.L_overlay_start_0:
0x88: {  	s2 =	sld [smem:$0x3FD9]  }
0x89: {  	s3 =	sld [smem:$0x3FFE];
	_ =	sdelay $0x1  }
0x8a: {  	s1 =	srdreg.scid  }
0x8b: {  	s0 =	sand.u32 $0x1, s1  }
0x8c: {  	s16 =	sshll.u32 s0, $0xA;
	s2 =	sadd.s32 s3, s2  }
0x8d: {  	s2 =	sadd.s32 s2, s16  }
0x8e: {  	[smem:$0x3FB3] =	sst s2  }
0x8f: {  	_ = 	snop  }
0x90: {  	(tm) =	ssettm $0x1  }
0x91: {  	s17 =	sld [smem:$0x3FFB];
	_ =	sdelay $0x3  }
0x92: {  	_ =	strace s17  }
0x93: {  	s2 =	sld [smem:$0x3FFC];
	_ =	sdelay $0x3  }
0x94: {  	_ =	strace s2  }
0x95: {  	s2 =	sld [smem:$0x3FFD];
	_ =	sdelay $0x3  }
0x96: {  	_ =	strace s2  }
0x97: {  	_ =	strace $0x8FFFFFFF  }
0x98: {  	s18 =	sld [smem:$0x3FDB];
	_ =	sdelay $0x1  }
0x99: {  	s19 =	simm.s32 $_scs_section_size  }
0x9a: {  	s4 =	simm.s32 $_size__tile_overlayer_lowered;
	s5 =	simm.s32 $_tile_overlayer_lowered  }
0x9b: {  	s22 =	simm.s32 $0x1BFF;
	s21 =	sshll.u32 s5, $0x1;
	s2 =	sadd.s32 s19, s18  }
0x9c: {  	s6 =	simm.s32 $0x0;
	s20 =	sshll.u32 s4, $0x1;
	s4 =	sadd.s32 s21, s2  }
0x9d: {  	[timem:s6], [sflag:s22] =	dma.local [hbm:s4], s20  }
0x9e: {  	_ =	swait.ge [sflag:s22], s20  }
0x9f: {  	s3 =	ssub.s32 $0x0, s20;
	[sflag:s22] =	ssyncset.done $0x0  }
0xa0: {  	[sflag:s22] =	ssyncadd.s32 s3;
	_ =	sdelay $0x1  }
0xa1: {  	s23 =	simm.s32 $0x1B8B  }
0xa2: {  	_ =	swait.ge [sflag:s23], $0x1  }
0xa3: {  	[sflag:s23] =	ssyncset.done $0x0  }
0xa4: {  	s25 =	simm.s32 $0x1B8E;
	s24 =	sld [smem:$0x3FFE];
	[sflag:s23] =	ssyncadd.s32 $0xFFFFFFFF  }
0xa5: {  	s26 =	simm.s32 $execute0_lowered;
	[smem:$0x3FD2] =	sst s25  }
0xa6: {  	s4 =	sshll.u32 s26, $0x1;
	_ =	strace $0x80000052;
	[dreg:$0x1] =	wrdreg $0xFFFFFFFF  }
0xa7: {  	s28 =	simm.s32 $_size_execute0_lowered;
	s2 =	sadd.s32 s2, s4;
	[dreg:$0x0] =	wrdreg $0x0  }
0xa8: {  	s4 =	sshll.u32 s28, $0x1;
	[dreg:$0x2] =	wrdreg s2  }
0xa9: {  	[dreg:$0x3] =	wrdreg s4  }
0xaa: {  	[dreg:$0x4] =	wrdreg $0xC0  }
0xab: {  	_ =	task [dreg:s6], $0x5FFFF  }
0xac: {  	[dreg:$0x1] =	wrdreg $0xFFFFFFFF  }
0xad: {  	[dreg:$0x0] =	wrdreg $0x60  }
0xae: {  	[dreg:$0x2] =	wrdreg s24  }
0xaf: {  	[dreg:$0x3] =	wrdreg $0x9  }
0xb0: {  	_ =	task.clear_ibuf [dreg:s6], $0x4FFFF;
	_ =	strace $0x90000052  }
0xb1: {  	s29 =	simm.s32 $0x9;
	_ =	strace $0x80000054  }
0xb2: {  	_ =	swait.ge [sflag:s29], $0x1  }
0xb3: {  	[sflag:s29] =	ssyncadd.s32 $0xFFFFFFFF  }
0xb4: {  	_ =	strace $0x90000054  }
0xb5: {  	_ =	sfence  }
0xb6: {  	s30 =	sld [smem:$0x0];
	_ =	sdelay $0x2  }
0xb7: {  	s31 =	sshll.u32 s1, $0xD;
	s1 =	sshrl.u32 s1, $0x2  }
0xb8: {  	s3 =	sand.u32 $0x4000, s31;
	s1 =	sadd.s32 s1, s30  }
0xb9: {  	s0 =	sor.u32 s3, s0;
	s1 =	sshll.u32 s1, $0x11  }
0xba: {  	s0 =	sor.u32 s1, s0  }
0xbb: {  	s0 =	sadd.s32 $0x8F2B, s0  }
0xbc: {  	[sflag:s0] =	ssyncadd.remote.s32 $0x1  }
0xbd: {  	_ =	sfence.sel $0xFFFF  }
0xbe: {  	[dreg:$0x0] =	wrdreg $0xFFFFFFFF;
	(pc) =	sbr.abs _section_cstart, $3  }
0xbf: {  	[dreg:$0x1] =	wrdreg $0xFFFFFFFF  }
0xc0: {  	_ =	task.clear_ibuf [dreg:s6], $0x2FFFF;
	_ =	strace $0x9FFFFFFF  }
0xc1: {  	(tm) =	ssettm $0x7FFFFFFF  }
tec
execute0_lowered:
.L_overlay_start_1:
0x0: {  	(tag) =	ssettag $0x1  }
0x1: {  	s5 =	rddreg [dreg:$0x0]  }
0x2: {  	s0 =	rddreg [dreg:$0x1]  }
0x3: {  	s2 =	simm.s32 $0x0;
	s3 =	srdreg.scid;
	s1 =	stileid.u32  }
0x4: {  	s11 =	simm.s32 $0x6400;
	s12 =	simm.s32 $0x80;
	s13 =	simm.s32 $0xC800  }
0x5: {  	s14 =	simm.s32 $0xE800;
	s15 =	simm.s32 $0x10800;
	s16 =	simm.s32 $0x12800  }
0x6: {  	s17 =	simm.s32 $0x14800;
	s18 =	simm.s32 $0x16800;
	s19 =	simm.s32 $0x18800  }
0x7: {  	s20 =	simm.s32 $0x1A800;
	s21 =	simm.s32 $0x1;
	s22 =	simm.s32 $0x2  }
0x8: {  	s23 =	simm.s32 $0x0;
	s6 =	sand.u32 $0x1, s3;
	s7 =	smul.u32 $0x320000, s1  }
0x9: {  	s28 =	sshll.u32 s1, $0x1;
	[smem:$0x7FF] =	sst s2;
	s8 =	smul.u32 $0x190000, s6  }
0xa: {  	s3 =	sadd.s32 $0xB6E00, s5;
	s4 =	sor.u32 s6, s28;
	_ =	strace $0x80000053  }
0xb: {  	s6 =	ssub.s32 $0x2, s6;
	s9 =	smul.u32 $0xC80, s4;
	s7 =	sadd.s32 s8, s7  }
0xc: {  	s4 =	sadd.s32 $0x9800, s5;
	s30 =	sshrl.u32 s6, $0x1;
	s7 =	sshrl.u32 s7, $0x3  }
0xd: {  	s31 =	ssub.s32 s6, s30;
	s29 =	sadd.s32 s9, s5;
	s10 =	sadd.s32 s7, s5  }
0xe: {  	s5 =	sadd.s32 $0x84000, s29;
	s6 =	sadd.s32 $0x9D000, s29;
	s7 =	smax.u32 s31, $0x1  }
0xf: {  	s8 =	sadd.s32 $0x1D9D800, s10;
	s9 =	sadd.s32 $0x23DD800, s10;
	s10 =	simm.s32 $0x3  }
.LBB2_1:
0x10: {  	[tilespmem:s2], [sflag:$0x3] =	stream.linear.gather [hbm4b:s5+s2], $0x6400, $0x38;
	[tilespmem:$0x1C800] =	vst v63  }
0x11: {  	_ =	swait.ge [sflag:s10], $0x6400  }
0x12: {  	[sflag:s10] =	ssyncset.done $0x0  }
0x13: {  	[sflag:s10] =	ssyncadd.s32 $0xFFFF9C00  }
0x14: {  	[tilespmem:s11], [sflag:$0x3] =	stream.linear.gather [hbm4b:s6+s2], $0x6400, $0x38;
	[tilespmem:$0x1C800] =	vst v63  }
0x15: {  	_ =	swait.ge [sflag:s10], $0x6400  }
0x16: {  	[sflag:s10] =	ssyncset.done $0x0  }
0x17: {  	s24 =	simm.s32 $0x0;
	[sflag:s10] =	ssyncadd.s32 $0xFFFF9C00  }
0x18: {  	[tilespmem:s13], [sflag:$0x1] =	stream.indirect.gather [hbm4b:s3+s12], $0x40, s24, s12, $0xb8;
	[tilespmem:$0x1C800] =	vst v63  }
0x19: {  	s30 =	simm.s32 $0x80  }
0x1a: {  	[tilespmem:s14], [sflag:$0x1] =	stream.indirect.gather [hbm4b:s3+s12], $0x40, s30, s12, $0xb8;
	[tilespmem:$0x1C800] =	vst v63  }
0x1b: {  	s31 =	simm.s32 $0x100  }
0x1c: {  	[tilespmem:s15], [sflag:$0x1] =	stream.indirect.gather [hbm4b:s3+s12], $0x40, s31, s12, $0xb8;
	[tilespmem:$0x1C800] =	vst v63  }
0x1d: {  	s25 =	simm.s32 $0x180  }
0x1e: {  	[tilespmem:s16], [sflag:$0x1] =	stream.indirect.gather [hbm4b:s3+s12], $0x40, s25, s12, $0xb8;
	[tilespmem:$0x1C800] =	vst v63  }
0x1f: {  	s26 =	simm.s32 $0x6400  }
0x20: {  	[tilespmem:s17], [sflag:$0x2] =	stream.indirect.gather [hbm4b:s4+s12], $0x40, s26, s12, $0xb8;
	[tilespmem:$0x1C800] =	vst v63  }
0x21: {  	s28 =	simm.s32 $0x6480  }
0x22: {  	[tilespmem:s18], [sflag:$0x2] =	stream.indirect.gather [hbm4b:s4+s12], $0x40, s28, s12, $0xb8;
	[tilespmem:$0x1C800] =	vst v63  }
0x23: {  	s30 =	simm.s32 $0x6500  }
0x24: {  	[tilespmem:s19], [sflag:$0x2] =	stream.indirect.gather [hbm4b:s4+s12], $0x40, s30, s12, $0xb8;
	[tilespmem:$0x1C800] =	vst v63  }
0x25: {  	s31 =	simm.s32 $0x6580  }
0x26: {  	[tilespmem:s20], [sflag:$0x2] =	stream.indirect.gather [hbm4b:s4+s12], $0x40, s31, s12, $0xb8;
	[tilespmem:$0x1C800] =	vst v63  }
0x27: {  	_ =	swait.ge [sflag:s21], $0x2000  }
0x28: {  	[sflag:s21] =	ssyncset.done $0x0  }
0x29: {  	[sflag:s21] =	ssyncadd.s32 $0xFFFFE000  }
0x2a: {  	_ =	swait.ge [sflag:s21], $0x2000  }
0x2b: {  	[sflag:s21] =	ssyncset.done $0x0  }
0x2c: {  	[sflag:s21] =	ssyncadd.s32 $0xFFFFE000  }
0x2d: {  	_ =	swait.ge [sflag:s21], $0x2000  }
0x2e: {  	[sflag:s21] =	ssyncset.done $0x0  }
0x2f: {  	[sflag:s21] =	ssyncadd.s32 $0xFFFFE000  }
0x30: {  	_ =	swait.ge [sflag:s21], $0x2000  }
0x31: {  	[sflag:s21] =	ssyncset.done $0x0  }
0x32: {  	[sflag:s21] =	ssyncadd.s32 $0xFFFFE000  }
0x33: {  	[hbm4b:s9+s2] =	stream.linear.scatter [tilespmem:s13], [sflag:$0x3], $0x8000, $0x38;
	[tilespmem:$0x1C800] =	vst v63  }
0x34: {  	_ =	swait.ge [sflag:s10], $0x8000  }
0x35: {  	[sflag:s10] =	ssyncset.done $0x0  }
0x36: {  	[sflag:s10] =	ssyncadd.s32 $0xFFFF8000  }
0x37: {  	_ =	swait.ge [sflag:s22], $0x2000  }
0x38: {  	[sflag:s22] =	ssyncset.done $0x0  }
0x39: {  	[sflag:s22] =	ssyncadd.s32 $0xFFFFE000  }
0x3a: {  	_ =	swait.ge [sflag:s22], $0x2000  }
0x3b: {  	[sflag:s22] =	ssyncset.done $0x0  }
0x3c: {  	[sflag:s22] =	ssyncadd.s32 $0xFFFFE000  }
0x3d: {  	_ =	swait.ge [sflag:s22], $0x2000  }
0x3e: {  	[sflag:s22] =	ssyncset.done $0x0  }
0x3f: {  	[sflag:s22] =	ssyncadd.s32 $0xFFFFE000  }
0x40: {  	_ =	swait.ge [sflag:s22], $0x2000  }
0x41: {  	[sflag:s22] =	ssyncset.done $0x0  }
0x42: {  	[sflag:s22] =	ssyncadd.s32 $0xFFFFE000  }
0x43: {  	[hbm4b:s8+s2] =	stream.linear.scatter [tilespmem:s17], [sflag:$0x3], $0x8000, $0x38;
	[tilespmem:$0x1C800] =	vst v63  }
0x44: {  	s29 =	simm.s32 $0x1000;
	s24 =	sadd.s32 $0x1000, s8;
	_ =	swait.ge [sflag:s10], $0x8000  }
0x45: {  	s25 =	sadd.s32 $0x1000, s9;
	s26 =	simm.s32 $0x800;
	[sflag:s10] =	ssyncset.done $0x0  }
.LBB2_2:
0x46: {  	s30 =	sshra.s32 s26, $0x2  }
0x47: {  	[sflag:s10] =	ssyncadd.s32 $0xFFFF8000;
	s26 =	smov.u32 s29;
	s28 =	sadd.s32 $0x800, s29  }
0x48: {  	[tilespmem:s13], [sflag:$0x1] =	stream.indirect.gather [hbm4b:s3+s12], $0x40, s30, s12, $0xb8;
	[tilespmem:$0x1C800] =	vst v63  }
0x49: {  	p0 =	sne.s32 s29, $0x18800;
	s29 =	sadd.s32 $0x80, s30  }
0x4a: {  	[tilespmem:s14], [sflag:$0x1] =	stream.indirect.gather [hbm4b:s3+s12], $0x40, s29, s12, $0xb8;
	[tilespmem:$0x1C800] =	vst v63  }
0x4b: {  	s29 =	sadd.s32 $0x100, s30  }
0x4c: {  	[tilespmem:s15], [sflag:$0x1] =	stream.indirect.gather [hbm4b:s3+s12], $0x40, s29, s12, $0xb8;
	[tilespmem:$0x1C800] =	vst v63  }
0x4d: {  	s29 =	sadd.s32 $0x180, s30  }
0x4e: {  	[tilespmem:s16], [sflag:$0x1] =	stream.indirect.gather [hbm4b:s3+s12], $0x40, s29, s12, $0xb8;
	[tilespmem:$0x1C800] =	vst v63  }
0x4f: {  	s29 =	sadd.s32 $0x6400, s30  }
0x50: {  	[tilespmem:s17], [sflag:$0x2] =	stream.indirect.gather [hbm4b:s4+s12], $0x40, s29, s12, $0xb8;
	[tilespmem:$0x1C800] =	vst v63  }
0x51: {  	s29 =	sadd.s32 $0x6480, s30  }
0x52: {  	[tilespmem:s18], [sflag:$0x2] =	stream.indirect.gather [hbm4b:s4+s12], $0x40, s29, s12, $0xb8;
	[tilespmem:$0x1C800] =	vst v63  }
0x53: {  	s29 =	sadd.s32 $0x6500, s30  }
0x54: {  	[tilespmem:s19], [sflag:$0x2] =	stream.indirect.gather [hbm4b:s4+s12], $0x40, s29, s12, $0xb8;
	[tilespmem:$0x1C800] =	vst v63  }
0x55: {  	s29 =	sadd.s32 $0x6580, s30  }
0x56: {  	[tilespmem:s20], [sflag:$0x2] =	stream.indirect.gather [hbm4b:s4+s12], $0x40, s29, s12, $0xb8;
	[tilespmem:$0x1C800] =	vst v63  }
0x57: {  	_ =	swait.ge [sflag:s21], $0x2000  }
0x58: {  	[sflag:s21] =	ssyncset.done $0x0  }
0x59: {  	[sflag:s21] =	ssyncadd.s32 $0xFFFFE000  }
0x5a: {  	_ =	swait.ge [sflag:s21], $0x2000  }
0x5b: {  	[sflag:s21] =	ssyncset.done $0x0  }
0x5c: {  	[sflag:s21] =	ssyncadd.s32 $0xFFFFE000  }
0x5d: {  	_ =	swait.ge [sflag:s21], $0x2000  }
0x5e: {  	[sflag:s21] =	ssyncset.done $0x0  }
0x5f: {  	[sflag:s21] =	ssyncadd.s32 $0xFFFFE000  }
0x60: {  	_ =	swait.ge [sflag:s21], $0x2000  }
0x61: {  	[sflag:s21] =	ssyncset.done $0x0  }
0x62: {  	[sflag:s21] =	ssyncadd.s32 $0xFFFFE000  }
0x63: {  	[hbm4b:s25+s2] =	stream.linear.scatter [tilespmem:s13], [sflag:$0x3], $0x8000, $0x38;
	[tilespmem:$0x1C800] =	vst v63  }
0x64: {  	_ =	swait.ge [sflag:s10], $0x8000  }
0x65: {  	[sflag:s10] =	ssyncset.done $0x0  }
0x66: {  	[sflag:s10] =	ssyncadd.s32 $0xFFFF8000  }
0x67: {  	_ =	swait.ge [sflag:s22], $0x2000  }
0x68: {  	[sflag:s22] =	ssyncset.done $0x0  }
0x69: {  	[sflag:s22] =	ssyncadd.s32 $0xFFFFE000  }
0x6a: {  	_ =	swait.ge [sflag:s22], $0x2000  }
0x6b: {  	[sflag:s22] =	ssyncset.done $0x0  }
0x6c: {  	[sflag:s22] =	ssyncadd.s32 $0xFFFFE000  }
0x6d: {  	_ =	swait.ge [sflag:s22], $0x2000  }
0x6e: {  	[sflag:s22] =	ssyncset.done $0x0  }
0x6f: {  	[sflag:s22] =	ssyncadd.s32 $0xFFFFE000  }
0x70: {  	_ =	swait.ge [sflag:s22], $0x2000  }
.Ltmp0:
0x71: {  	[sflag:s22] =	ssyncset.done $0x0;
	(pc) =	sbr.rel @p0 .LBB2_2-.Ltmp0, $4  }
0x72: {  	[sflag:s22] =	ssyncadd.s32 $0xFFFFE000  }
0x73: {  	[hbm4b:s24+s2] =	stream.linear.scatter [tilespmem:s17], [sflag:$0x3], $0x8000, $0x38;
	[tilespmem:$0x1C800] =	vst v63  }
0x74: {  	s29 =	smov.u32 s28;
	_ =	swait.ge [sflag:s10], $0x8000  }
0x75: {  	s25 =	sadd.s32 $0x1000, s25;
	s24 =	sadd.s32 $0x1000, s24;
	[sflag:s10] =	ssyncset.done $0x0  }
0x76: {  	s26 =	sshra.s32 s26, $0x2;
	[sflag:s10] =	ssyncadd.s32 $0xFFFF8000  }
0x77: {  	[tilespmem:s13], [sflag:$0x1] =	stream.indirect.gather [hbm4b:s3+s12], $0x40, s26, s12, $0xb8;
	[tilespmem:$0x1C800] =	vst v63  }
0x78: {  	s28 =	sadd.s32 $0x80, s26  }
0x79: {  	[tilespmem:s14], [sflag:$0x1] =	stream.indirect.gather [hbm4b:s3+s12], $0x40, s28, s12, $0xb8;
	[tilespmem:$0x1C800] =	vst v63  }
0x7a: {  	s30 =	sadd.s32 $0x100, s26  }
0x7b: {  	[tilespmem:s15], [sflag:$0x1] =	stream.indirect.gather [hbm4b:s3+s12], $0x40, s30, s12, $0xb8;
	[tilespmem:$0x1C800] =	vst v63  }
0x7c: {  	s31 =	sadd.s32 $0x180, s26  }
0x7d: {  	[tilespmem:s16], [sflag:$0x1] =	stream.indirect.gather [hbm4b:s3+s12], $0x40, s31, s12, $0xb8;
	[tilespmem:$0x1C800] =	vst v63  }
0x7e: {  	s29 =	sadd.s32 $0x6400, s26  }
0x7f: {  	[tilespmem:s17], [sflag:$0x2] =	stream.indirect.gather [hbm4b:s4+s12], $0x40, s29, s12, $0xb8;
	[tilespmem:$0x1C800] =	vst v63  }
0x80: {  	s30 =	sadd.s32 $0x6480, s26  }
0x81: {  	[tilespmem:s18], [sflag:$0x2] =	stream.indirect.gather [hbm4b:s4+s12], $0x40, s30, s12, $0xb8;
	[tilespmem:$0x1C800] =	vst v63  }
0x82: {  	s31 =	sadd.s32 $0x6500, s26  }
0x83: {  	[tilespmem:s19], [sflag:$0x2] =	stream.indirect.gather [hbm4b:s4+s12], $0x40, s31, s12, $0xb8;
	[tilespmem:$0x1C800] =	vst v63  }
0x84: {  	s26 =	sadd.s32 $0x6580, s26  }
0x85: {  	[tilespmem:s20], [sflag:$0x2] =	stream.indirect.gather [hbm4b:s4+s12], $0x40, s26, s12, $0xb8;
	[tilespmem:$0x1C800] =	vst v63  }
0x86: {  	_ =	swait.ge [sflag:s21], $0x2000  }
0x87: {  	[sflag:s21] =	ssyncset.done $0x0  }
0x88: {  	[sflag:s21] =	ssyncadd.s32 $0xFFFFE000  }
0x89: {  	_ =	swait.ge [sflag:s21], $0x2000  }
0x8a: {  	[sflag:s21] =	ssyncset.done $0x0  }
0x8b: {  	[sflag:s21] =	ssyncadd.s32 $0xFFFFE000  }
0x8c: {  	_ =	swait.ge [sflag:s21], $0x2000  }
0x8d: {  	[sflag:s21] =	ssyncset.done $0x0  }
0x8e: {  	[sflag:s21] =	ssyncadd.s32 $0xFFFFE000  }
0x8f: {  	_ =	swait.ge [sflag:s21], $0x2000  }
0x90: {  	[sflag:s21] =	ssyncset.done $0x0  }
0x91: {  	[sflag:s21] =	ssyncadd.s32 $0xFFFFE000  }
0x92: {  	[hbm4b:s25+s2] =	stream.linear.scatter [tilespmem:s13], [sflag:$0x3], $0x8000, $0x38;
	[tilespmem:$0x1C800] =	vst v63  }
0x93: {  	_ =	swait.ge [sflag:s10], $0x8000  }
0x94: {  	[sflag:s10] =	ssyncset.done $0x0  }
0x95: {  	[sflag:s10] =	ssyncadd.s32 $0xFFFF8000  }
0x96: {  	_ =	swait.ge [sflag:s22], $0x2000  }
0x97: {  	[sflag:s22] =	ssyncset.done $0x0  }
0x98: {  	[sflag:s22] =	ssyncadd.s32 $0xFFFFE000  }
0x99: {  	_ =	swait.ge [sflag:s22], $0x2000  }
0x9a: {  	[sflag:s22] =	ssyncset.done $0x0  }
0x9b: {  	[sflag:s22] =	ssyncadd.s32 $0xFFFFE000  }
0x9c: {  	_ =	swait.ge [sflag:s22], $0x2000  }
0x9d: {  	[sflag:s22] =	ssyncset.done $0x0  }
0x9e: {  	[sflag:s22] =	ssyncadd.s32 $0xFFFFE000  }
0x9f: {  	s23 =	sadd.s32 $0x1, s23;
	_ =	swait.ge [sflag:s22], $0x2000  }
0xa0: {  	p0 =	sne.s32 s23, s7;
	[sflag:s22] =	ssyncset.done $0x0  }
.Ltmp1:
0xa1: {  	[sflag:s22] =	ssyncadd.s32 $0xFFFFE000;
	(pc) =	sbr.rel @p0 .LBB2_1-.Ltmp1, $4  }
0xa2: {  	[hbm4b:s24+s2] =	stream.linear.scatter [tilespmem:s17], [sflag:$0x3], $0x8000, $0x38;
	[tilespmem:$0x1C800] =	vst v63  }
0xa3: {  	_ =	swait.ge [sflag:s10], $0x8000  }
0xa4: {  	[sflag:s10] =	ssyncset.done $0x0  }
0xa5: {  	[sflag:s10] =	ssyncadd.s32 $0xFFFF8000  }
0xa6: {  	_ =	sfence.sel $0x180000  }
0xa7: {  	[bflag:$0x0] =	sbarrier.arrive $0xFFFF  }
0xa8: {  	p0 =	sne.s32 s1, $0x0;
	_ =	strace $0x90000053  }
0xa9: {  	s0 =	sadd.s32 @!p0 $0x100000, s0;
	[bflag:$0x2] =	sbarrier.arrive $0xFFFF  }
0xaa: {  	[sflag:s0] =	ssyncadd.tile.s32 @!p0 $0x1;
	_ =	shalt  }
.Lfunc_end2:
_tile_overlayer_lowered:
.L_overlay_start_2:
0xab: {  	(tag) =	ssettag $0x2  }
0xac: {  	s0 =	rddreg [dreg:$0x0];
	s2 =	stileid.u32  }
0xad: {  	s1 =	rddreg [dreg:$0x1];
	p0 =	sne.s32 s2, $0x0  }
0xae: {  	s3 =	rddreg [dreg:$0x2];
	[bflag:$0x3] =	sbarrier.arrive $0xFFFF;
	s2 =	simm.s32 @!p0 $0x1C03  }
0xaf: {  	[timem:s3], [sflag:s2] =	dma.local @!p0 [hbm:s0], s1  }
0xb0: {  	s0 =	simm.s32 @!p0 $0x3  }
0xb1: {  	_ =	swait.ge @!p0 [sflag:s0], s1  }
0xb2: {  	s1 =	ssub.s32 @!p0 $0x0, s1;
	[sflag:s0] =	ssyncset.done @!p0 $0x0  }
0xb3: {  	[sflag:s0] =	ssyncadd.s32 @!p0 s1  }
0xb4: {  	[bflag:$0x3] =	sbarrier.arrive $0xFFFF  }
0xb5: {  	_ =	shalt  }

</sc_bundles>
